<compile_context>
chip_gen: v7x
topology: tpu7x:2x2x1
jax: 0.10.2.dev20260603
libtpu: 0.0.44.dev20260713+nightly
codegen_flags: <defaults>
</compile_context>

<pallas_src>
import functools

import jax
import jax.numpy as jnp
from jax import lax
from jax.experimental import pallas as pl
from jax.experimental.pallas import tpu as pltpu
from jax.experimental.pallas import tpu_sc as plsc

_N = 1024
_B = 8
_KNN_K = 5
_ALPHA = 1.05
_W1 = 5.0
_W2 = 3.0
_BIG = 3.0e38
_NW = 32
_RPW = (_B * _N) // _NW
_QPB = _N // _RPW
_NC = 64


_GDN = jax.lax.GatherDimensionNumbers(
    offset_dims=(), collapsed_slice_dims=(0,), start_index_map=(0,))


def _shuffle(x, perm):
    return lax.gather(x, perm[:, None], _GDN, (1,),
                      mode=lax.GatherScatterMode.PROMISE_IN_BOUNDS)


def _hmin(x, iot):
    for sh in (1, 2, 4, 8):
        x = jnp.minimum(x, _shuffle(x, iot ^ sh))
    return x


def _sc_body(ax_h, ay_h, az_h, ox_h, oy_h, oz_h, val_h, cham_h,
             axv, ayv, azv, oxv, oyv, ozv, valv, chamv):
    wid = lax.axis_index("s") * 2 + lax.axis_index("c")
    b = wid // _QPB
    base = (wid % _QPB) * _RPW

    pltpu.sync_copy(ax_h.at[b], axv.at[pl.ds(0, _N)])
    pltpu.sync_copy(ay_h.at[b], ayv.at[pl.ds(0, _N)])
    pltpu.sync_copy(az_h.at[b], azv.at[pl.ds(0, _N)])
    pltpu.sync_copy(ox_h.at[b], oxv)
    pltpu.sync_copy(oy_h.at[b], oyv)
    pltpu.sync_copy(oz_h.at[b], ozv)

    iot = lax.iota(jnp.int32, 16)

    def row(t, carry):
        i = _RPW - 1 - t
        n = base + i
        bx = jnp.full((16,), axv[pl.ds(n, 16)][0], jnp.float32)
        by = jnp.full((16,), ayv[pl.ds(n, 16)][0], jnp.float32)
        bz = jnp.full((16,), azv[pl.ds(n, 16)][0], jnp.float32)
        cmin = jnp.full((16,), _BIG, jnp.float32)
        R = [jnp.full((16,), _BIG, jnp.float32) for _ in range(6)]
        for c in range(_NC):
            sl = pl.ds(c * 16, 16)
            dx = oxv[sl] - bx
            dy = oyv[sl] - by
            dz = ozv[sl] - bz
            cmin = jnp.minimum(cmin, dx * dx + dy * dy + dz * dz)
            ex = axv[sl] - bx
            ey = ayv[sl] - by
            ez = azv[sl] - bz
            x = ex * ex + ey * ey + ez * ez
            for j in range(5):
                mj = jnp.minimum(R[j], x)
                x = jnp.maximum(R[j], x)
                R[j] = mj
            R[5] = jnp.minimum(R[5], x)

        chamv[pl.ds(i + 113, 16)] = _hmin(cmin, iot)

        acc = jnp.zeros((16,), jnp.float32)
        bigv = jnp.full((16,), _BIG, jnp.float32)
        i16 = jnp.full((16,), 16, jnp.int32)
        for j in range(_KNN_K + 1):
            sv = _hmin(R[0], iot)
            if j > 0:
                acc = acc + sv
            if j < _KNN_K:
                eq = R[0] == sv
                slot = _hmin(jnp.where(eq, iot, i16), iot)
                onehot = iot == slot
                for t in range(5):
                    R[t] = jnp.where(onehot, R[t + 1], R[t])
                R[5] = jnp.where(onehot, bigv, R[5])
        valv[pl.ds(i + 113, 16)] = acc / jnp.float32(_KNN_K)
        return carry

    lax.fori_loop(0, _RPW, row, 0)

    pltpu.sync_copy(valv.at[pl.ds(128, _RPW)], val_h.at[b, pl.ds(base, _RPW)])
    pltpu.sync_copy(chamv.at[pl.ds(128, _RPW)], cham_h.at[b, pl.ds(base, _RPW)])


def _stats_body(val_ref, cham_ref, out_ref):
    v = val_ref[...]
    mean = jnp.mean(v, axis=1, keepdims=True)
    std = jnp.sqrt(jnp.sum((v - mean) ** 2, axis=1, keepdims=True)
                   / jnp.float32(_N - 1))
    thr = mean + _ALPHA * std
    w = (v > thr).astype(jnp.float32)
    knn = jnp.mean(jnp.mean(v * w, axis=1))
    l1 = jnp.mean(jnp.mean(cham_ref[...], axis=1))
    out_ref[...] = jnp.full((1, 128), l1 * _W1 + knn * _W2, jnp.float32)


@functools.partial(jax.jit, static_argnames=())
def kernel(adv_pc, ori_pc):
    ax = adv_pc[:, :, 0]
    ay = adv_pc[:, :, 1]
    az = adv_pc[:, :, 2]
    ox = ori_pc[:, :, 0]
    oy = ori_pc[:, :, 1]
    oz = ori_pc[:, :, 2]

    mesh = plsc.VectorSubcoreMesh(core_axis_name="c", subcore_axis_name="s")
    sc = functools.partial(
        pl.kernel,
        mesh=mesh,
        out_type=[
            jax.ShapeDtypeStruct((_B, _N), jnp.float32),
            jax.ShapeDtypeStruct((_B, _N), jnp.float32),
        ],
        scratch_types=[
            pltpu.VMEM((_N + 16,), jnp.float32),
            pltpu.VMEM((_N + 16,), jnp.float32),
            pltpu.VMEM((_N + 16,), jnp.float32),
            pltpu.VMEM((_N,), jnp.float32),
            pltpu.VMEM((_N,), jnp.float32),
            pltpu.VMEM((_N,), jnp.float32),
            pltpu.VMEM((_RPW + 128,), jnp.float32),
            pltpu.VMEM((_RPW + 128,), jnp.float32),
        ],
    )(_sc_body)
    value, cham = sc(ax, ay, az, ox, oy, oz)

    out = pl.pallas_call(
        _stats_body,
        out_shape=jax.ShapeDtypeStruct((1, 128), jnp.float32),
    )(value, cham)
    return out[0, 0]

# --- scband reference (transcript-rebuilt; emitter-appended) ---
"""Pipeline reference for scband-chamferk-nndist-24790551233437 (READ-ONLY COPY).

The authoritative reference and input builder live on the scoring server;
editing this copy changes nothing except your own understanding.
"""

import jax, jax.numpy as jnp
import numpy as np

CHAMFER_METHOD = 'adv2ori'
KNN_K = 5
KNN_ALPHA = 1.05
W1 = 5.0
W2 = 3.0


def setup_inputs(seed: int = 0) -> dict:
    key = jax.random.key(seed)
    k1, k2 = jax.random.split(key)
    adv_pc = jax.random.normal(k1, (8, 1024, 3), dtype=jnp.float32)
    ori_pc = jax.random.normal(k2, (8, 1024, 3), dtype=jnp.float32)
    return {"adv_pc": adv_pc, "ori_pc": ori_pc}


def _pairwise_sqdist(a, b):
    # a: [B, N, 3], b: [B, M, 3] -> [B, N, M]
    inner = -2.0 * jnp.einsum('bnd,bmd->bnm', a, b)
    aa = jnp.sum(a ** 2, axis=-1)[:, :, None]
    bb = jnp.sum(b ** 2, axis=-1)[:, None, :]
    return aa + inner + bb


def _chamfer(adv, ori):
    d = _pairwise_sqdist(adv, ori)  # [B, K, K]
    loss1 = jnp.mean(jnp.min(d, axis=2), axis=1)  # adv -> ori
    loss2 = jnp.mean(jnp.min(d, axis=1), axis=1)  # ori -> adv
    return loss1, loss2


def _chamfer_loss(adv_pc, ori_pc):
    B = adv_pc.shape[0]
    weights = jnp.ones((B,), dtype=jnp.float32)
    loss1, loss2 = _chamfer(adv_pc, ori_pc)
    if CHAMFER_METHOD == 'adv2ori':
        loss = loss1
    elif CHAMFER_METHOD == 'ori2adv':
        loss = loss2
    else:
        loss = (loss1 + loss2) / 2.0
    loss = loss * weights
    return jnp.mean(loss)


def _knn_loss(pc):
    # pc: [B, K, 3]
    B, K = pc.shape[0], pc.shape[1]
    d = _pairwise_sqdist(pc, pc)  # [B, K, K]
    neg_value, _ = jax.lax.top_k(-d, KNN_K + 1)
    value = -neg_value[..., 1:]
    value = jnp.mean(value, axis=-1)  # [B, K]
    mean = jax.lax.stop_gradient(jnp.mean(value, axis=-1))
    std = jax.lax.stop_gradient(jnp.std(value, axis=-1, ddof=1))
    threshold = mean + KNN_ALPHA * std
    weight_mask = jax.lax.stop_gradient((value > threshold[:, None]).astype(jnp.float32))
    loss = jnp.mean(value * weight_mask, axis=1)  # [B]
    weights = jnp.ones((B,), dtype=jnp.float32)
    loss = loss * weights
    return jnp.mean(loss)


def reference(adv_pc, ori_pc):
    chamfer_loss = _chamfer_loss(adv_pc, ori_pc)
    knn_loss = _knn_loss(adv_pc)
    return chamfer_loss * W1 + knn_loss * W2

if __name__ == "__main__":
    import jax
    _d = setup_inputs()
    print(jax.jit(kernel)(*tuple(_d.values())))

</pallas_src>

<mosaic_0001>
#map = affine_map<(d0, d1) -> (0, 0)>
module attributes {stable_mosaic.version = 14 : i64} {
  func.func @_sc_body(%arg0: i32, %arg1: i32, %arg2: memref<8x1024xf32, #tpu.memory_space<hbm>>, %arg3: memref<8x1024xf32, #tpu.memory_space<hbm>>, %arg4: memref<8x1024xf32, #tpu.memory_space<hbm>>, %arg5: memref<8x1024xf32, #tpu.memory_space<hbm>>, %arg6: memref<8x1024xf32, #tpu.memory_space<hbm>>, %arg7: memref<8x1024xf32, #tpu.memory_space<hbm>>, %arg8: memref<8x1024xf32, #tpu.memory_space<hbm>>, %arg9: memref<8x1024xf32, #tpu.memory_space<hbm>>, %arg10: memref<1040xf32, #tpu.memory_space<vmem>>, %arg11: memref<1040xf32, #tpu.memory_space<vmem>>, %arg12: memref<1040xf32, #tpu.memory_space<vmem>>, %arg13: memref<1024xf32, #tpu.memory_space<vmem>>, %arg14: memref<1024xf32, #tpu.memory_space<vmem>>, %arg15: memref<1024xf32, #tpu.memory_space<vmem>>, %arg16: memref<384xf32, #tpu.memory_space<vmem>>, %arg17: memref<384xf32, #tpu.memory_space<vmem>>) attributes {dimension_semantics = [#tpu.dimension_semantics<core_parallel>, #tpu.dimension_semantics<subcore_parallel>], iteration_bounds = array<i64: 2, 16>, scalar_prefetch = 0 : i64, scratch_operands = 8 : i64, tpu.core_type = #tpu.core_type<sc_vector_subcore>, window_params = [{transform_indices = #map}, {transform_indices = #map}, {transform_indices = #map}, {transform_indices = #map}, {transform_indices = #map}, {transform_indices = #map}, {transform_indices = #map}, {transform_indices = #map}]} {
    %mul3A = arith.constant 2 : i32
    %mul3A_0 = arith.muli %arg1, %mul3A : i32
    %add3A = arith.addi %mul3A_0, %arg0 : i32
    %jit3A = arith.constant 4 : i32
    %div3A = arith.divsi %add3A, %jit3A : i32
    %sign3A = arith.constant 0 : i32
    %sign3A_1 = arith.cmpi sgt, %add3A, %sign3A : i32
    %sign3A_2 = arith.extui %sign3A_1 : i1 to i32
    %sign3A_3 = arith.constant 0 : i32
    %sign3A_4 = arith.cmpi slt, %add3A, %sign3A_3 : i32
    %sign3A_5 = arith.extui %sign3A_4 : i1 to i32
    %sign3A_6 = arith.subi %sign3A_2, %sign3A_5 : i32
    %sign3A_7 = arith.constant 0 : i32
    %sign3A_8 = arith.cmpi sgt, %jit3A, %sign3A_7 : i32
    %sign3A_9 = arith.extui %sign3A_8 : i1 to i32
    %sign3A_10 = arith.constant 0 : i32
    %sign3A_11 = arith.cmpi slt, %jit3A, %sign3A_10 : i32
    %sign3A_12 = arith.extui %sign3A_11 : i1 to i32
    %sign3A_13 = arith.subi %sign3A_9, %sign3A_12 : i32
    %ne3A = arith.cmpi ne, %sign3A_6, %sign3A_13 : i32
    %rem3A = arith.remsi %add3A, %jit3A : i32
    %ne3A_14 = arith.constant 0 : i32
    %ne3A_15 = arith.cmpi ne, %rem3A, %ne3A_14 : i32
    %and3A = arith.andi %ne3A, %ne3A_15 : i1
    %sub3A = arith.constant 1 : i32
    %sub3A_16 = arith.subi %div3A, %sub3A : i32
    %select_n3A = arith.select %and3A, %sub3A_16, %div3A : i32
    %jit3A_17 = arith.constant 4 : i32
    %eq3A = arith.constant 0 : i32
    %eq3A_18 = arith.cmpi eq, %jit3A_17, %eq3A : i32
    %jit3A_19 = arith.constant 1 : i32
    %select_n3A_20 = arith.select %eq3A_18, %jit3A_19, %jit3A_17 : i32
    %rem3A_21 = arith.remsi %add3A, %select_n3A_20 : i32
    %ne3A_22 = arith.constant 0 : i32
    %ne3A_23 = arith.cmpi ne, %rem3A_21, %ne3A_22 : i32
    %lt3A = arith.constant 0 : i32
    %lt3A_24 = arith.cmpi slt, %rem3A_21, %lt3A : i32
    %lt3A_25 = arith.constant 0 : i32
    %lt3A_26 = arith.cmpi slt, %select_n3A_20, %lt3A_25 : i32
    %ne3A_27 = arith.xori %lt3A_24, %lt3A_26 : i1
    %and3A_28 = arith.andi %ne3A_27, %ne3A_23 : i1
    %add3A_29 = arith.addi %rem3A_21, %select_n3A_20 : i32
    %select_n3A_30 = arith.select %and3A_28, %add3A_29, %rem3A_21 : i32
    %mul3A_31 = arith.constant 256 : i32
    %mul3A_32 = arith.muli %select_n3A_30, %mul3A_31 : i32
    "tpu.region"() ({
      %run_scoped3A = tpu.sem_alloc : memref<!tpu.dma_semaphore, #tpu.memory_space<semaphore_mem>>
      %dma_start3A = arith.constant 0 : i32
      %dma_start3A_38 = tpu.memref_slice %arg10[%dma_start3A] : memref<1040xf32, #tpu.memory_space<vmem>> -> memref<1024xf32, #tpu.memory_space<vmem>>
      %dma_start3A_39 = arith.constant 0 : i32
      %dma_start3A_40 = tpu.memref_slice %arg2[%select_n3A, %dma_start3A_39] : memref<8x1024xf32, #tpu.memory_space<hbm>> -> memref<1x1024xf32, #tpu.memory_space<hbm>>
      %dma_start3A_41 = tpu.memref_squeeze %dma_start3A_40 : memref<1x1024xf32, #tpu.memory_space<hbm>> -> memref<1024xf32, #tpu.memory_space<hbm>>
      %dma_start3A_42 = arith.constant 0 : i32
      %dma_start3A_43 = tpu.memref_slice %arg10[%dma_start3A_42] : memref<1040xf32, #tpu.memory_space<vmem>> -> memref<1024xf32, #tpu.memory_space<vmem>>
      %dma_start3A_44 = arith.constant 0 : i32
      %dma_start3A_45 = tpu.memref_slice %arg2[%select_n3A, %dma_start3A_44] : memref<8x1024xf32, #tpu.memory_space<hbm>> -> memref<1x1024xf32, #tpu.memory_space<hbm>>
      %dma_start3A_46 = tpu.memref_squeeze %dma_start3A_45 : memref<1x1024xf32, #tpu.memory_space<hbm>> -> memref<1024xf32, #tpu.memory_space<hbm>>
      tpu.enqueue_dma source(%dma_start3A_46 : memref<1024xf32, #tpu.memory_space<hbm>>) target(%dma_start3A_43 : memref<1024xf32, #tpu.memory_space<vmem>>) target_semaphore(%run_scoped3A : memref<!tpu.dma_semaphore, #tpu.memory_space<semaphore_mem>>)
      %dma_wait3A = arith.constant 0 : i32
      %dma_wait3A_47 = tpu.memref_slice %arg10[%dma_wait3A] : memref<1040xf32, #tpu.memory_space<vmem>> -> memref<1024xf32, #tpu.memory_space<vmem>>
      %dma_wait3A_48 = arith.constant 0 : i32
      %dma_wait3A_49 = tpu.memref_slice %arg2[%select_n3A, %dma_wait3A_48] : memref<8x1024xf32, #tpu.memory_space<hbm>> -> memref<1x1024xf32, #tpu.memory_space<hbm>>
      %dma_wait3A_50 = tpu.memref_squeeze %dma_wait3A_49 : memref<1x1024xf32, #tpu.memory_space<hbm>> -> memref<1024xf32, #tpu.memory_space<hbm>>
      %dma_wait3A_51 = arith.constant 0 : i32
      %dma_wait3A_52 = tpu.memref_slice %arg10[%dma_wait3A_51] : memref<1040xf32, #tpu.memory_space<vmem>> -> memref<1024xf32, #tpu.memory_space<vmem>>
      %dma_wait3A_53 = arith.constant 0 : i32
      %dma_wait3A_54 = tpu.memref_slice %arg2[%select_n3A, %dma_wait3A_53] : memref<8x1024xf32, #tpu.memory_space<hbm>> -> memref<1x1024xf32, #tpu.memory_space<hbm>>
      %dma_wait3A_55 = tpu.memref_squeeze %dma_wait3A_54 : memref<1x1024xf32, #tpu.memory_space<hbm>> -> memref<1024xf32, #tpu.memory_space<hbm>>
      tpu.wait_dma2 semaphore(%run_scoped3A : memref<!tpu.dma_semaphore, #tpu.memory_space<semaphore_mem>>) src(%dma_wait3A_55 : memref<1024xf32, #tpu.memory_space<hbm>>) dst(%dma_wait3A_52 : memref<1024xf32, #tpu.memory_space<vmem>>)
      tpu.yield
    }) : () -> ()
    "tpu.region"() ({
      %run_scoped3A = tpu.sem_alloc : memref<!tpu.dma_semaphore, #tpu.memory_space<semaphore_mem>>
      %dma_start3A = arith.constant 0 : i32
      %dma_start3A_38 = tpu.memref_slice %arg11[%dma_start3A] : memref<1040xf32, #tpu.memory_space<vmem>> -> memref<1024xf32, #tpu.memory_space<vmem>>
      %dma_start3A_39 = arith.constant 0 : i32
      %dma_start3A_40 = tpu.memref_slice %arg3[%select_n3A, %dma_start3A_39] : memref<8x1024xf32, #tpu.memory_space<hbm>> -> memref<1x1024xf32, #tpu.memory_space<hbm>>
      %dma_start3A_41 = tpu.memref_squeeze %dma_start3A_40 : memref<1x1024xf32, #tpu.memory_space<hbm>> -> memref<1024xf32, #tpu.memory_space<hbm>>
      %dma_start3A_42 = arith.constant 0 : i32
      %dma_start3A_43 = tpu.memref_slice %arg11[%dma_start3A_42] : memref<1040xf32, #tpu.memory_space<vmem>> -> memref<1024xf32, #tpu.memory_space<vmem>>
      %dma_start3A_44 = arith.constant 0 : i32
      %dma_start3A_45 = tpu.memref_slice %arg3[%select_n3A, %dma_start3A_44] : memref<8x1024xf32, #tpu.memory_space<hbm>> -> memref<1x1024xf32, #tpu.memory_space<hbm>>
      %dma_start3A_46 = tpu.memref_squeeze %dma_start3A_45 : memref<1x1024xf32, #tpu.memory_space<hbm>> -> memref<1024xf32, #tpu.memory_space<hbm>>
      tpu.enqueue_dma source(%dma_start3A_46 : memref<1024xf32, #tpu.memory_space<hbm>>) target(%dma_start3A_43 : memref<1024xf32, #tpu.memory_space<vmem>>) target_semaphore(%run_scoped3A : memref<!tpu.dma_semaphore, #tpu.memory_space<semaphore_mem>>)
      %dma_wait3A = arith.constant 0 : i32
      %dma_wait3A_47 = tpu.memref_slice %arg11[%dma_wait3A] : memref<1040xf32, #tpu.memory_space<vmem>> -> memref<1024xf32, #tpu.memory_space<vmem>>
      %dma_wait3A_48 = arith.constant 0 : i32
      %dma_wait3A_49 = tpu.memref_slice %arg3[%select_n3A, %dma_wait3A_48] : memref<8x1024xf32, #tpu.memory_space<hbm>> -> memref<1x1024xf32, #tpu.memory_space<hbm>>
      %dma_wait3A_50 = tpu.memref_squeeze %dma_wait3A_49 : memref<1x1024xf32, #tpu.memory_space<hbm>> -> memref<1024xf32, #tpu.memory_space<hbm>>
      %dma_wait3A_51 = arith.constant 0 : i32
      %dma_wait3A_52 = tpu.memref_slice %arg11[%dma_wait3A_51] : memref<1040xf32, #tpu.memory_space<vmem>> -> memref<1024xf32, #tpu.memory_space<vmem>>
      %dma_wait3A_53 = arith.constant 0 : i32
      %dma_wait3A_54 = tpu.memref_slice %arg3[%select_n3A, %dma_wait3A_53] : memref<8x1024xf32, #tpu.memory_space<hbm>> -> memref<1x1024xf32, #tpu.memory_space<hbm>>
      %dma_wait3A_55 = tpu.memref_squeeze %dma_wait3A_54 : memref<1x1024xf32, #tpu.memory_space<hbm>> -> memref<1024xf32, #tpu.memory_space<hbm>>
      tpu.wait_dma2 semaphore(%run_scoped3A : memref<!tpu.dma_semaphore, #tpu.memory_space<semaphore_mem>>) src(%dma_wait3A_55 : memref<1024xf32, #tpu.memory_space<hbm>>) dst(%dma_wait3A_52 : memref<1024xf32, #tpu.memory_space<vmem>>)
      tpu.yield
    }) : () -> ()
    "tpu.region"() ({
      %run_scoped3A = tpu.sem_alloc : memref<!tpu.dma_semaphore, #tpu.memory_space<semaphore_mem>>
      %dma_start3A = arith.constant 0 : i32
      %dma_start3A_38 = tpu.memref_slice %arg12[%dma_start3A] : memref<1040xf32, #tpu.memory_space<vmem>> -> memref<1024xf32, #tpu.memory_space<vmem>>
      %dma_start3A_39 = arith.constant 0 : i32
      %dma_start3A_40 = tpu.memref_slice %arg4[%select_n3A, %dma_start3A_39] : memref<8x1024xf32, #tpu.memory_space<hbm>> -> memref<1x1024xf32, #tpu.memory_space<hbm>>
      %dma_start3A_41 = tpu.memref_squeeze %dma_start3A_40 : memref<1x1024xf32, #tpu.memory_space<hbm>> -> memref<1024xf32, #tpu.memory_space<hbm>>
      %dma_start3A_42 = arith.constant 0 : i32
      %dma_start3A_43 = tpu.memref_slice %arg12[%dma_start3A_42] : memref<1040xf32, #tpu.memory_space<vmem>> -> memref<1024xf32, #tpu.memory_space<vmem>>
      %dma_start3A_44 = arith.constant 0 : i32
      %dma_start3A_45 = tpu.memref_slice %arg4[%select_n3A, %dma_start3A_44] : memref<8x1024xf32, #tpu.memory_space<hbm>> -> memref<1x1024xf32, #tpu.memory_space<hbm>>
      %dma_start3A_46 = tpu.memref_squeeze %dma_start3A_45 : memref<1x1024xf32, #tpu.memory_space<hbm>> -> memref<1024xf32, #tpu.memory_space<hbm>>
      tpu.enqueue_dma source(%dma_start3A_46 : memref<1024xf32, #tpu.memory_space<hbm>>) target(%dma_start3A_43 : memref<1024xf32, #tpu.memory_space<vmem>>) target_semaphore(%run_scoped3A : memref<!tpu.dma_semaphore, #tpu.memory_space<semaphore_mem>>)
      %dma_wait3A = arith.constant 0 : i32
      %dma_wait3A_47 = tpu.memref_slice %arg12[%dma_wait3A] : memref<1040xf32, #tpu.memory_space<vmem>> -> memref<1024xf32, #tpu.memory_space<vmem>>
      %dma_wait3A_48 = arith.constant 0 : i32
      %dma_wait3A_49 = tpu.memref_slice %arg4[%select_n3A, %dma_wait3A_48] : memref<8x1024xf32, #tpu.memory_space<hbm>> -> memref<1x1024xf32, #tpu.memory_space<hbm>>
      %dma_wait3A_50 = tpu.memref_squeeze %dma_wait3A_49 : memref<1x1024xf32, #tpu.memory_space<hbm>> -> memref<1024xf32, #tpu.memory_space<hbm>>
      %dma_wait3A_51 = arith.constant 0 : i32
      %dma_wait3A_52 = tpu.memref_slice %arg12[%dma_wait3A_51] : memref<1040xf32, #tpu.memory_space<vmem>> -> memref<1024xf32, #tpu.memory_space<vmem>>
      %dma_wait3A_53 = arith.constant 0 : i32
      %dma_wait3A_54 = tpu.memref_slice %arg4[%select_n3A, %dma_wait3A_53] : memref<8x1024xf32, #tpu.memory_space<hbm>> -> memref<1x1024xf32, #tpu.memory_space<hbm>>
      %dma_wait3A_55 = tpu.memref_squeeze %dma_wait3A_54 : memref<1x1024xf32, #tpu.memory_space<hbm>> -> memref<1024xf32, #tpu.memory_space<hbm>>
      tpu.wait_dma2 semaphore(%run_scoped3A : memref<!tpu.dma_semaphore, #tpu.memory_space<semaphore_mem>>) src(%dma_wait3A_55 : memref<1024xf32, #tpu.memory_space<hbm>>) dst(%dma_wait3A_52 : memref<1024xf32, #tpu.memory_space<vmem>>)
      tpu.yield
    }) : () -> ()
    "tpu.region"() ({
      %run_scoped3A = tpu.sem_alloc : memref<!tpu.dma_semaphore, #tpu.memory_space<semaphore_mem>>
      %dma_start3A = arith.constant 0 : i32
      %dma_start3A_38 = tpu.memref_slice %arg5[%select_n3A, %dma_start3A] : memref<8x1024xf32, #tpu.memory_space<hbm>> -> memref<1x1024xf32, #tpu.memory_space<hbm>>
      %dma_start3A_39 = tpu.memref_squeeze %dma_start3A_38 : memref<1x1024xf32, #tpu.memory_space<hbm>> -> memref<1024xf32, #tpu.memory_space<hbm>>
      %dma_start3A_40 = arith.constant 0 : i32
      %dma_start3A_41 = tpu.memref_slice %arg5[%select_n3A, %dma_start3A_40] : memref<8x1024xf32, #tpu.memory_space<hbm>> -> memref<1x1024xf32, #tpu.memory_space<hbm>>
      %dma_start3A_42 = tpu.memref_squeeze %dma_start3A_41 : memref<1x1024xf32, #tpu.memory_space<hbm>> -> memref<1024xf32, #tpu.memory_space<hbm>>
      tpu.enqueue_dma source(%dma_start3A_42 : memref<1024xf32, #tpu.memory_space<hbm>>) target(%arg13 : memref<1024xf32, #tpu.memory_space<vmem>>) target_semaphore(%run_scoped3A : memref<!tpu.dma_semaphore, #tpu.memory_space<semaphore_mem>>)
      %dma_wait3A = arith.constant 0 : i32
      %dma_wait3A_43 = tpu.memref_slice %arg5[%select_n3A, %dma_wait3A] : memref<8x1024xf32, #tpu.memory_space<hbm>> -> memref<1x1024xf32, #tpu.memory_space<hbm>>
      %dma_wait3A_44 = tpu.memref_squeeze %dma_wait3A_43 : memref<1x1024xf32, #tpu.memory_space<hbm>> -> memref<1024xf32, #tpu.memory_space<hbm>>
      %dma_wait3A_45 = arith.constant 0 : i32
      %dma_wait3A_46 = tpu.memref_slice %arg5[%select_n3A, %dma_wait3A_45] : memref<8x1024xf32, #tpu.memory_space<hbm>> -> memref<1x1024xf32, #tpu.memory_space<hbm>>
      %dma_wait3A_47 = tpu.memref_squeeze %dma_wait3A_46 : memref<1x1024xf32, #tpu.memory_space<hbm>> -> memref<1024xf32, #tpu.memory_space<hbm>>
      tpu.wait_dma2 semaphore(%run_scoped3A : memref<!tpu.dma_semaphore, #tpu.memory_space<semaphore_mem>>) src(%dma_wait3A_47 : memref<1024xf32, #tpu.memory_space<hbm>>) dst(%arg13 : memref<1024xf32, #tpu.memory_space<vmem>>)
      tpu.yield
    }) : () -> ()
    "tpu.region"() ({
      %run_scoped3A = tpu.sem_alloc : memref<!tpu.dma_semaphore, #tpu.memory_space<semaphore_mem>>
      %dma_start3A = arith.constant 0 : i32
      %dma_start3A_38 = tpu.memref_slice %arg6[%select_n3A, %dma_start3A] : memref<8x1024xf32, #tpu.memory_space<hbm>> -> memref<1x1024xf32, #tpu.memory_space<hbm>>
      %dma_start3A_39 = tpu.memref_squeeze %dma_start3A_38 : memref<1x1024xf32, #tpu.memory_space<hbm>> -> memref<1024xf32, #tpu.memory_space<hbm>>
      %dma_start3A_40 = arith.constant 0 : i32
      %dma_start3A_41 = tpu.memref_slice %arg6[%select_n3A, %dma_start3A_40] : memref<8x1024xf32, #tpu.memory_space<hbm>> -> memref<1x1024xf32, #tpu.memory_space<hbm>>
      %dma_start3A_42 = tpu.memref_squeeze %dma_start3A_41 : memref<1x1024xf32, #tpu.memory_space<hbm>> -> memref<1024xf32, #tpu.memory_space<hbm>>
      tpu.enqueue_dma source(%dma_start3A_42 : memref<1024xf32, #tpu.memory_space<hbm>>) target(%arg14 : memref<1024xf32, #tpu.memory_space<vmem>>) target_semaphore(%run_scoped3A : memref<!tpu.dma_semaphore, #tpu.memory_space<semaphore_mem>>)
      %dma_wait3A = arith.constant 0 : i32
      %dma_wait3A_43 = tpu.memref_slice %arg6[%select_n3A, %dma_wait3A] : memref<8x1024xf32, #tpu.memory_space<hbm>> -> memref<1x1024xf32, #tpu.memory_space<hbm>>
      %dma_wait3A_44 = tpu.memref_squeeze %dma_wait3A_43 : memref<1x1024xf32, #tpu.memory_space<hbm>> -> memref<1024xf32, #tpu.memory_space<hbm>>
      %dma_wait3A_45 = arith.constant 0 : i32
      %dma_wait3A_46 = tpu.memref_slice %arg6[%select_n3A, %dma_wait3A_45] : memref<8x1024xf32, #tpu.memory_space<hbm>> -> memref<1x1024xf32, #tpu.memory_space<hbm>>
      %dma_wait3A_47 = tpu.memref_squeeze %dma_wait3A_46 : memref<1x1024xf32, #tpu.memory_space<hbm>> -> memref<1024xf32, #tpu.memory_space<hbm>>
      tpu.wait_dma2 semaphore(%run_scoped3A : memref<!tpu.dma_semaphore, #tpu.memory_space<semaphore_mem>>) src(%dma_wait3A_47 : memref<1024xf32, #tpu.memory_space<hbm>>) dst(%arg14 : memref<1024xf32, #tpu.memory_space<vmem>>)
      tpu.yield
    }) : () -> ()
    "tpu.region"() ({
      %run_scoped3A = tpu.sem_alloc : memref<!tpu.dma_semaphore, #tpu.memory_space<semaphore_mem>>
      %dma_start3A = arith.constant 0 : i32
      %dma_start3A_38 = tpu.memref_slice %arg7[%select_n3A, %dma_start3A] : memref<8x1024xf32, #tpu.memory_space<hbm>> -> memref<1x1024xf32, #tpu.memory_space<hbm>>
      %dma_start3A_39 = tpu.memref_squeeze %dma_start3A_38 : memref<1x1024xf32, #tpu.memory_space<hbm>> -> memref<1024xf32, #tpu.memory_space<hbm>>
      %dma_start3A_40 = arith.constant 0 : i32
      %dma_start3A_41 = tpu.memref_slice %arg7[%select_n3A, %dma_start3A_40] : memref<8x1024xf32, #tpu.memory_space<hbm>> -> memref<1x1024xf32, #tpu.memory_space<hbm>>
      %dma_start3A_42 = tpu.memref_squeeze %dma_start3A_41 : memref<1x1024xf32, #tpu.memory_space<hbm>> -> memref<1024xf32, #tpu.memory_space<hbm>>
      tpu.enqueue_dma source(%dma_start3A_42 : memref<1024xf32, #tpu.memory_space<hbm>>) target(%arg15 : memref<1024xf32, #tpu.memory_space<vmem>>) target_semaphore(%run_scoped3A : memref<!tpu.dma_semaphore, #tpu.memory_space<semaphore_mem>>)
      %dma_wait3A = arith.constant 0 : i32
      %dma_wait3A_43 = tpu.memref_slice %arg7[%select_n3A, %dma_wait3A] : memref<8x1024xf32, #tpu.memory_space<hbm>> -> memref<1x1024xf32, #tpu.memory_space<hbm>>
      %dma_wait3A_44 = tpu.memref_squeeze %dma_wait3A_43 : memref<1x1024xf32, #tpu.memory_space<hbm>> -> memref<1024xf32, #tpu.memory_space<hbm>>
      %dma_wait3A_45 = arith.constant 0 : i32
      %dma_wait3A_46 = tpu.memref_slice %arg7[%select_n3A, %dma_wait3A_45] : memref<8x1024xf32, #tpu.memory_space<hbm>> -> memref<1x1024xf32, #tpu.memory_space<hbm>>
      %dma_wait3A_47 = tpu.memref_squeeze %dma_wait3A_46 : memref<1x1024xf32, #tpu.memory_space<hbm>> -> memref<1024xf32, #tpu.memory_space<hbm>>
      tpu.wait_dma2 semaphore(%run_scoped3A : memref<!tpu.dma_semaphore, #tpu.memory_space<semaphore_mem>>) src(%dma_wait3A_47 : memref<1024xf32, #tpu.memory_space<hbm>>) dst(%arg15 : memref<1024xf32, #tpu.memory_space<vmem>>)
      tpu.yield
    }) : () -> ()
    %iota3A = tpu.iota {dimensions = array<i32: 0>} : vector<16xi32>
    %scan3A = arith.constant 0 : i32
    %scan3A_33 = arith.constant 0 : i32
    %scan3A_34 = arith.constant 256 : i32
    %scan3A_35 = arith.addi %scan3A_33, %scan3A_34 : i32
    %scan3A_36 = arith.constant 1 : i32
    scf.for %scan3A_38 = %scan3A_33 to %scan3A_35 step %scan3A_36  : i32 {
      %sub3A_39 = arith.constant 255 : i32
      %sub3A_40 = arith.subi %sub3A_39, %scan3A_38 : i32
      %add3A_41 = arith.addi %mul3A_32, %sub3A_40 : i32
      %get3A = arith.index_cast %add3A_41 : i32 to index
      %get3A_42 = tpu.vector_load %arg10[%get3A] {strides = array<i32>} : memref<1040xf32, #tpu.memory_space<vmem>>, vector<16xf32>,
      %get3A_43 = vector.shape_cast %get3A_42 : vector<16xf32> to vector<16xf32>
      %slice3A = vector.extract_strided_slice %get3A_43 {offsets = [0], sizes = [1], strides = [1]} : vector<16xf32> to vector<1xf32>
      %squeeze3A = vector.extract %slice3A[0] : f32 from vector<1xf32>
      %broadcast_in_dim3A = vector.broadcast %squeeze3A : f32 to vector<16xf32>
      %get3A_44 = arith.index_cast %add3A_41 : i32 to index
      %get3A_45 = tpu.vector_load %arg11[%get3A_44] {strides = array<i32>} : memref<1040xf32, #tpu.memory_space<vmem>>, vector<16xf32>,
      %get3A_46 = vector.shape_cast %get3A_45 : vector<16xf32> to vector<16xf32>
      %slice3A_47 = vector.extract_strided_slice %get3A_46 {offsets = [0], sizes = [1], strides = [1]} : vector<16xf32> to vector<1xf32>
      %squeeze3A_48 = vector.extract %slice3A_47[0] : f32 from vector<1xf32>
      %broadcast_in_dim3A_49 = vector.broadcast %squeeze3A_48 : f32 to vector<16xf32>
      %get3A_50 = arith.index_cast %add3A_41 : i32 to index
      %get3A_51 = tpu.vector_load %arg12[%get3A_50] {strides = array<i32>} : memref<1040xf32, #tpu.memory_space<vmem>>, vector<16xf32>,
      %get3A_52 = vector.shape_cast %get3A_51 : vector<16xf32> to vector<16xf32>
      %slice3A_53 = vector.extract_strided_slice %get3A_52 {offsets = [0], sizes = [1], strides = [1]} : vector<16xf32> to vector<1xf32>
      %squeeze3A_54 = vector.extract %slice3A_53[0] : f32 from vector<1xf32>
      %broadcast_in_dim3A_55 = vector.broadcast %squeeze3A_54 : f32 to vector<16xf32>
      %broadcast_in_dim3A_56 = arith.constant 3.000000e+38 : f32
      %broadcast_in_dim3A_57 = vector.broadcast %broadcast_in_dim3A_56 : f32 to vector<16xf32>
      %broadcast_in_dim3A_58 = arith.constant 3.000000e+38 : f32
      %broadcast_in_dim3A_59 = vector.broadcast %broadcast_in_dim3A_58 : f32 to vector<16xf32>
      %broadcast_in_dim3A_60 = arith.constant 3.000000e+38 : f32
      %broadcast_in_dim3A_61 = vector.broadcast %broadcast_in_dim3A_60 : f32 to vector<16xf32>
      %broadcast_in_dim3A_62 = arith.constant 3.000000e+38 : f32
      %broadcast_in_dim3A_63 = vector.broadcast %broadcast_in_dim3A_62 : f32 to vector<16xf32>
      %broadcast_in_dim3A_64 = arith.constant 3.000000e+38 : f32
      %broadcast_in_dim3A_65 = vector.broadcast %broadcast_in_dim3A_64 : f32 to vector<16xf32>
      %broadcast_in_dim3A_66 = arith.constant 3.000000e+38 : f32
      %broadcast_in_dim3A_67 = vector.broadcast %broadcast_in_dim3A_66 : f32 to vector<16xf32>
      %broadcast_in_dim3A_68 = arith.constant 3.000000e+38 : f32
      %broadcast_in_dim3A_69 = vector.broadcast %broadcast_in_dim3A_68 : f32 to vector<16xf32>
      %get3A_70 = arith.constant 0 : index
      %get3A_71 = tpu.vector_load %arg13[%get3A_70] {strides = array<i32>} : memref<1024xf32, #tpu.memory_space<vmem>>, vector<16xf32>,
      %get3A_72 = vector.shape_cast %get3A_71 : vector<16xf32> to vector<16xf32>
      %sub3A_73 = arith.subf %get3A_72, %broadcast_in_dim3A : vector<16xf32>
      %get3A_74 = arith.constant 0 : index
      %get3A_75 = tpu.vector_load %arg14[%get3A_74] {strides = array<i32>} : memref<1024xf32, #tpu.memory_space<vmem>>, vector<16xf32>,
      %get3A_76 = vector.shape_cast %get3A_75 : vector<16xf32> to vector<16xf32>
      %sub3A_77 = arith.subf %get3A_76, %broadcast_in_dim3A_49 : vector<16xf32>
      %get3A_78 = arith.constant 0 : index
      %get3A_79 = tpu.vector_load %arg15[%get3A_78] {strides = array<i32>} : memref<1024xf32, #tpu.memory_space<vmem>>, vector<16xf32>,
      %get3A_80 = vector.shape_cast %get3A_79 : vector<16xf32> to vector<16xf32>
      %sub3A_81 = arith.subf %get3A_80, %broadcast_in_dim3A_55 : vector<16xf32>
      %mul3A_82 = arith.mulf %sub3A_73, %sub3A_73 : vector<16xf32>
      %mul3A_83 = arith.mulf %sub3A_77, %sub3A_77 : vector<16xf32>
      %add3A_84 = arith.addf %mul3A_82, %mul3A_83 : vector<16xf32>
      %mul3A_85 = arith.mulf %sub3A_81, %sub3A_81 : vector<16xf32>
      %add3A_86 = arith.addf %add3A_84, %mul3A_85 : vector<16xf32>
      %min3A = arith.minimumf %broadcast_in_dim3A_57, %add3A_86 : vector<16xf32>
      %get3A_87 = arith.constant 0 : index
      %get3A_88 = tpu.vector_load %arg10[%get3A_87] {strides = array<i32>} : memref<1040xf32, #tpu.memory_space<vmem>>, vector<16xf32>,
      %get3A_89 = vector.shape_cast %get3A_88 : vector<16xf32> to vector<16xf32>
      %sub3A_90 = arith.subf %get3A_89, %broadcast_in_dim3A : vector<16xf32>
      %get3A_91 = arith.constant 0 : index
      %get3A_92 = tpu.vector_load %arg11[%get3A_91] {strides = array<i32>} : memref<1040xf32, #tpu.memory_space<vmem>>, vector<16xf32>,
      %get3A_93 = vector.shape_cast %get3A_92 : vector<16xf32> to vector<16xf32>
      %sub3A_94 = arith.subf %get3A_93, %broadcast_in_dim3A_49 : vector<16xf32>
      %get3A_95 = arith.constant 0 : index
      %get3A_96 = tpu.vector_load %arg12[%get3A_95] {strides = array<i32>} : memref<1040xf32, #tpu.memory_space<vmem>>, vector<16xf32>,
      %get3A_97 = vector.shape_cast %get3A_96 : vector<16xf32> to vector<16xf32>
      %sub3A_98 = arith.subf %get3A_97, %broadcast_in_dim3A_55 : vector<16xf32>
      %mul3A_99 = arith.mulf %sub3A_90, %sub3A_90 : vector<16xf32>
      %mul3A_100 = arith.mulf %sub3A_94, %sub3A_94 : vector<16xf32>
      %add3A_101 = arith.addf %mul3A_99, %mul3A_100 : vector<16xf32>
      %mul3A_102 = arith.mulf %sub3A_98, %sub3A_98 : vector<16xf32>
      %add3A_103 = arith.addf %add3A_101, %mul3A_102 : vector<16xf32>
      %min3A_104 = arith.minimumf %broadcast_in_dim3A_59, %add3A_103 : vector<16xf32>
      %max3A = arith.maximumf %broadcast_in_dim3A_59, %add3A_103 : vector<16xf32>
      %min3A_105 = arith.minimumf %broadcast_in_dim3A_61, %max3A : vector<16xf32>
      %max3A_106 = arith.maximumf %broadcast_in_dim3A_61, %max3A : vector<16xf32>
      %min3A_107 = arith.minimumf %broadcast_in_dim3A_63, %max3A_106 : vector<16xf32>
      %max3A_108 = arith.maximumf %broadcast_in_dim3A_63, %max3A_106 : vector<16xf32>
      %min3A_109 = arith.minimumf %broadcast_in_dim3A_65, %max3A_108 : vector<16xf32>
      %max3A_110 = arith.maximumf %broadcast_in_dim3A_65, %max3A_108 : vector<16xf32>
      %min3A_111 = arith.minimumf %broadcast_in_dim3A_67, %max3A_110 : vector<16xf32>
      %max3A_112 = arith.maximumf %broadcast_in_dim3A_67, %max3A_110 : vector<16xf32>
      %min3A_113 = arith.minimumf %broadcast_in_dim3A_69, %max3A_112 : vector<16xf32>
      %get3A_114 = arith.constant 16 : index
      %get3A_115 = tpu.vector_load %arg13[%get3A_114] {strides = array<i32>} : memref<1024xf32, #tpu.memory_space<vmem>>, vector<16xf32>,
      %get3A_116 = vector.shape_cast %get3A_115 : vector<16xf32> to vector<16xf32>
      %sub3A_117 = arith.subf %get3A_116, %broadcast_in_dim3A : vector<16xf32>
      %get3A_118 = arith.constant 16 : index
      %get3A_119 = tpu.vector_load %arg14[%get3A_118] {strides = array<i32>} : memref<1024xf32, #tpu.memory_space<vmem>>, vector<16xf32>,
      %get3A_120 = vector.shape_cast %get3A_119 : vector<16xf32> to vector<16xf32>
      %sub3A_121 = arith.subf %get3A_120, %broadcast_in_dim3A_49 : vector<16xf32>
      %get3A_122 = arith.constant 16 : index
      %get3A_123 = tpu.vector_load %arg15[%get3A_122] {strides = array<i32>} : memref<1024xf32, #tpu.memory_space<vmem>>, vector<16xf32>,
      %get3A_124 = vector.shape_cast %get3A_123 : vector<16xf32> to vector<16xf32>
      %sub3A_125 = arith.subf %get3A_124, %broadcast_in_dim3A_55 : vector<16xf32>
      %mul3A_126 = arith.mulf %sub3A_117, %sub3A_117 : vector<16xf32>
      %mul3A_127 = arith.mulf %sub3A_121, %sub3A_121 : vector<16xf32>
      %add3A_128 = arith.addf %mul3A_126, %mul3A_127 : vector<16xf32>
      %mul3A_129 = arith.mulf %sub3A_125, %sub3A_125 : vector<16xf32>
      %add3A_130 = arith.addf %add3A_128, %mul3A_129 : vector<16xf32>
      %min3A_131 = arith.minimumf %min3A, %add3A_130 : vector<16xf32>
      %get3A_132 = arith.constant 16 : index
      %get3A_133 = tpu.vector_load %arg10[%get3A_132] {strides = array<i32>} : memref<1040xf32, #tpu.memory_space<vmem>>, vector<16xf32>,
      %get3A_134 = vector.shape_cast %get3A_133 : vector<16xf32> to vector<16xf32>
      %sub3A_135 = arith.subf %get3A_134, %broadcast_in_dim3A : vector<16xf32>
      %get3A_136 = arith.constant 16 : index
      %get3A_137 = tpu.vector_load %arg11[%get3A_136] {strides = array<i32>} : memref<1040xf32, #tpu.memory_space<vmem>>, vector<16xf32>,
      %get3A_138 = vector.shape_cast %get3A_137 : vector<16xf32> to vector<16xf32>
      %sub3A_139 = arith.subf %get3A_138, %broadcast_in_dim3A_49 : vector<16xf32>
      %get3A_140 = arith.constant 16 : index
      %get3A_141 = tpu.vector_load %arg12[%get3A_140] {strides = array<i32>} : memref<1040xf32, #tpu.memory_space<vmem>>, vector<16xf32>,
      %get3A_142 = vector.shape_cast %get3A_141 : vector<16xf32> to vector<16xf32>
      %sub3A_143 = arith.subf %get3A_142, %broadcast_in_dim3A_55 : vector<16xf32>
      %mul3A_144 = arith.mulf %sub3A_135, %sub3A_135 : vector<16xf32>
      %mul3A_145 = arith.mulf %sub3A_139, %sub3A_139 : vector<16xf32>
      %add3A_146 = arith.addf %mul3A_144, %mul3A_145 : vector<16xf32>
      %mul3A_147 = arith.mulf %sub3A_143, %sub3A_143 : vector<16xf32>
      %add3A_148 = arith.addf %add3A_146, %mul3A_147 : vector<16xf32>
      %min3A_149 = arith.minimumf %min3A_104, %add3A_148 : vector<16xf32>
      %max3A_150 = arith.maximumf %min3A_104, %add3A_148 : vector<16xf32>
      %min3A_151 = arith.minimumf %min3A_105, %max3A_150 : vector<16xf32>
      %max3A_152 = arith.maximumf %min3A_105, %max3A_150 : vector<16xf32>
      %min3A_153 = arith.minimumf %min3A_107, %max3A_152 : vector<16xf32>
      %max3A_154 = arith.maximumf %min3A_107, %max3A_152 : vector<16xf32>
      %min3A_155 = arith.minimumf %min3A_109, %max3A_154 : vector<16xf32>
      %max3A_156 = arith.maximumf %min3A_109, %max3A_154 : vector<16xf32>
      %min3A_157 = arith.minimumf %min3A_111, %max3A_156 : vector<16xf32>
      %max3A_158 = arith.maximumf %min3A_111, %max3A_156 : vector<16xf32>
      %min3A_159 = arith.minimumf %min3A_113, %max3A_158 : vector<16xf32>
      %get3A_160 = arith.constant 32 : index
      %get3A_161 = tpu.vector_load %arg13[%get3A_160] {strides = array<i32>} : memref<1024xf32, #tpu.memory_space<vmem>>, vector<16xf32>,
      %get3A_162 = vector.shape_cast %get3A_161 : vector<16xf32> to vector<16xf32>
      %sub3A_163 = arith.subf %get3A_162, %broadcast_in_dim3A : vector<16xf32>
      %get3A_164 = arith.constant 32 : index
      %get3A_165 = tpu.vector_load %arg14[%get3A_164] {strides = array<i32>} : memref<1024xf32, #tpu.memory_space<vmem>>, vector<16xf32>,
      %get3A_166 = vector.shape_cast %get3A_165 : vector<16xf32> to vector<16xf32>
      %sub3A_167 = arith.subf %get3A_166, %broadcast_in_dim3A_49 : vector<16xf32>
      %get3A_168 = arith.constant 32 : index
      %get3A_169 = tpu.vector_load %arg15[%get3A_168] {strides = array<i32>} : memref<1024xf32, #tpu.memory_space<vmem>>, vector<16xf32>,
      %get3A_170 = vector.shape_cast %get3A_169 : vector<16xf32> to vector<16xf32>
      %sub3A_171 = arith.subf %get3A_170, %broadcast_in_dim3A_55 : vector<16xf32>
      %mul3A_172 = arith.mulf %sub3A_163, %sub3A_163 : vector<16xf32>
      %mul3A_173 = arith.mulf %sub3A_167, %sub3A_167 : vector<16xf32>
      %add3A_174 = arith.addf %mul3A_172, %mul3A_173 : vector<16xf32>
      %mul3A_175 = arith.mulf %sub3A_171, %sub3A_171 : vector<16xf32>
      %add3A_176 = arith.addf %add3A_174, %mul3A_175 : vector<16xf32>
      %min3A_177 = arith.minimumf %min3A_131, %add3A_176 : vector<16xf32>
      %get3A_178 = arith.constant 32 : index
      %get3A_179 = tpu.vector_load %arg10[%get3A_178] {strides = array<i32>} : memref<1040xf32, #tpu.memory_space<vmem>>, vector<16xf32>,
      %get3A_180 = vector.shape_cast %get3A_179 : vector<16xf32> to vector<16xf32>
      %sub3A_181 = arith.subf %get3A_180, %broadcast_in_dim3A : vector<16xf32>
      %get3A_182 = arith.constant 32 : index
      %get3A_183 = tpu.vector_load %arg11[%get3A_182] {strides = array<i32>} : memref<1040xf32, #tpu.memory_space<vmem>>, vector<16xf32>,
      %get3A_184 = vector.shape_cast %get3A_183 : vector<16xf32> to vector<16xf32>
      %sub3A_185 = arith.subf %get3A_184, %broadcast_in_dim3A_49 : vector<16xf32>
      %get3A_186 = arith.constant 32 : index
      %get3A_187 = tpu.vector_load %arg12[%get3A_186] {strides = array<i32>} : memref<1040xf32, #tpu.memory_space<vmem>>, vector<16xf32>,
      %get3A_188 = vector.shape_cast %get3A_187 : vector<16xf32> to vector<16xf32>
      %sub3A_189 = arith.subf %get3A_188, %broadcast_in_dim3A_55 : vector<16xf32>
      %mul3A_190 = arith.mulf %sub3A_181, %sub3A_181 : vector<16xf32>
      %mul3A_191 = arith.mulf %sub3A_185, %sub3A_185 : vector<16xf32>
      %add3A_192 = arith.addf %mul3A_190, %mul3A_191 : vector<16xf32>
      %mul3A_193 = arith.mulf %sub3A_189, %sub3A_189 : vector<16xf32>
      %add3A_194 = arith.addf %add3A_192, %mul3A_193 : vector<16xf32>
      %min3A_195 = arith.minimumf %min3A_149, %add3A_194 : vector<16xf32>
      %max3A_196 = arith.maximumf %min3A_149, %add3A_194 : vector<16xf32>
      %min3A_197 = arith.minimumf %min3A_151, %max3A_196 : vector<16xf32>
      %max3A_198 = arith.maximumf %min3A_151, %max3A_196 : vector<16xf32>
      %min3A_199 = arith.minimumf %min3A_153, %max3A_198 : vector<16xf32>
      %max3A_200 = arith.maximumf %min3A_153, %max3A_198 : vector<16xf32>
      %min3A_201 = arith.minimumf %min3A_155, %max3A_200 : vector<16xf32>
      %max3A_202 = arith.maximumf %min3A_155, %max3A_200 : vector<16xf32>
      %min3A_203 = arith.minimumf %min3A_157, %max3A_202 : vector<16xf32>
      %max3A_204 = arith.maximumf %min3A_157, %max3A_202 : vector<16xf32>
      %min3A_205 = arith.minimumf %min3A_159, %max3A_204 : vector<16xf32>
      %get3A_206 = arith.constant 48 : index
      %get3A_207 = tpu.vector_load %arg13[%get3A_206] {strides = array<i32>} : memref<1024xf32, #tpu.memory_space<vmem>>, vector<16xf32>,
      %get3A_208 = vector.shape_cast %get3A_207 : vector<16xf32> to vector<16xf32>
      %sub3A_209 = arith.subf %get3A_208, %broadcast_in_dim3A : vector<16xf32>
      %get3A_210 = arith.constant 48 : index
      %get3A_211 = tpu.vector_load %arg14[%get3A_210] {strides = array<i32>} : memref<1024xf32, #tpu.memory_space<vmem>>, vector<16xf32>,
      %get3A_212 = vector.shape_cast %get3A_211 : vector<16xf32> to vector<16xf32>
      %sub3A_213 = arith.subf %get3A_212, %broadcast_in_dim3A_49 : vector<16xf32>
      %get3A_214 = arith.constant 48 : index
      %get3A_215 = tpu.vector_load %arg15[%get3A_214] {strides = array<i32>} : memref<1024xf32, #tpu.memory_space<vmem>>, vector<16xf32>,
      %get3A_216 = vector.shape_cast %get3A_215 : vector<16xf32> to vector<16xf32>
      %sub3A_217 = arith.subf %get3A_216, %broadcast_in_dim3A_55 : vector<16xf32>
      %mul3A_218 = arith.mulf %sub3A_209, %sub3A_209 : vector<16xf32>
      %mul3A_219 = arith.mulf %sub3A_213, %sub3A_213 : vector<16xf32>
      %add3A_220 = arith.addf %mul3A_218, %mul3A_219 : vector<16xf32>
      %mul3A_221 = arith.mulf %sub3A_217, %sub3A_217 : vector<16xf32>
      %add3A_222 = arith.addf %add3A_220, %mul3A_221 : vector<16xf32>
      %min3A_223 = arith.minimumf %min3A_177, %add3A_222 : vector<16xf32>
      %get3A_224 = arith.constant 48 : index
      %get3A_225 = tpu.vector_load %arg10[%get3A_224] {strides = array<i32>} : memref<1040xf32, #tpu.memory_space<vmem>>, vector<16xf32>,
      %get3A_226 = vector.shape_cast %get3A_225 : vector<16xf32> to vector<16xf32>
      %sub3A_227 = arith.subf %get3A_226, %broadcast_in_dim3A : vector<16xf32>
      %get3A_228 = arith.constant 48 : index
      %get3A_229 = tpu.vector_load %arg11[%get3A_228] {strides = array<i32>} : memref<1040xf32, #tpu.memory_space<vmem>>, vector<16xf32>,
      %get3A_230 = vector.shape_cast %get3A_229 : vector<16xf32> to vector<16xf32>
      %sub3A_231 = arith.subf %get3A_230, %broadcast_in_dim3A_49 : vector<16xf32>
      %get3A_232 = arith.constant 48 : index
      %get3A_233 = tpu.vector_load %arg12[%get3A_232] {strides = array<i32>} : memref<1040xf32, #tpu.memory_space<vmem>>, vector<16xf32>,
      %get3A_234 = vector.shape_cast %get3A_233 : vector<16xf32> to vector<16xf32>
      %sub3A_235 = arith.subf %get3A_234, %broadcast_in_dim3A_55 : vector<16xf32>
      %mul3A_236 = arith.mulf %sub3A_227, %sub3A_227 : vector<16xf32>
      %mul3A_237 = arith.mulf %sub3A_231, %sub3A_231 : vector<16xf32>
      %add3A_238 = arith.addf %mul3A_236, %mul3A_237 : vector<16xf32>
      %mul3A_239 = arith.mulf %sub3A_235, %sub3A_235 : vector<16xf32>
      %add3A_240 = arith.addf %add3A_238, %mul3A_239 : vector<16xf32>
      %min3A_241 = arith.minimumf %min3A_195, %add3A_240 : vector<16xf32>
      %max3A_242 = arith.maximumf %min3A_195, %add3A_240 : vector<16xf32>
      %min3A_243 = arith.minimumf %min3A_197, %max3A_242 : vector<16xf32>
      %max3A_244 = arith.maximumf %min3A_197, %max3A_242 : vector<16xf32>
      %min3A_245 = arith.minimumf %min3A_199, %max3A_244 : vector<16xf32>
      %max3A_246 = arith.maximumf %min3A_199, %max3A_244 : vector<16xf32>
      %min3A_247 = arith.minimumf %min3A_201, %max3A_246 : vector<16xf32>
      %max3A_248 = arith.maximumf %min3A_201, %max3A_246 : vector<16xf32>
      %min3A_249 = arith.minimumf %min3A_203, %max3A_248 : vector<16xf32>
      %max3A_250 = arith.maximumf %min3A_203, %max3A_248 : vector<16xf32>
      %min3A_251 = arith.minimumf %min3A_205, %max3A_250 : vector<16xf32>
      %get3A_252 = arith.constant 64 : index
      %get3A_253 = tpu.vector_load %arg13[%get3A_252] {strides = array<i32>} : memref<1024xf32, #tpu.memory_space<vmem>>, vector<16xf32>,
      %get3A_254 = vector.shape_cast %get3A_253 : vector<16xf32> to vector<16xf32>
      %sub3A_255 = arith.subf %get3A_254, %broadcast_in_dim3A : vector<16xf32>
      %get3A_256 = arith.constant 64 : index
      %get3A_257 = tpu.vector_load %arg14[%get3A_256] {strides = array<i32>} : memref<1024xf32, #tpu.memory_space<vmem>>, vector<16xf32>,
      %get3A_258 = vector.shape_cast %get3A_257 : vector<16xf32> to vector<16xf32>
      %sub3A_259 = arith.subf %get3A_258, %broadcast_in_dim3A_49 : vector<16xf32>
      %get3A_260 = arith.constant 64 : index
      %get3A_261 = tpu.vector_load %arg15[%get3A_260] {strides = array<i32>} : memref<1024xf32, #tpu.memory_space<vmem>>, vector<16xf32>,
      %get3A_262 = vector.shape_cast %get3A_261 : vector<16xf32> to vector<16xf32>
      %sub3A_263 = arith.subf %get3A_262, %broadcast_in_dim3A_55 : vector<16xf32>
      %mul3A_264 = arith.mulf %sub3A_255, %sub3A_255 : vector<16xf32>
      %mul3A_265 = arith.mulf %sub3A_259, %sub3A_259 : vector<16xf32>
      %add3A_266 = arith.addf %mul3A_264, %mul3A_265 : vector<16xf32>
      %mul3A_267 = arith.mulf %sub3A_263, %sub3A_263 : vector<16xf32>
      %add3A_268 = arith.addf %add3A_266, %mul3A_267 : vector<16xf32>
      %min3A_269 = arith.minimumf %min3A_223, %add3A_268 : vector<16xf32>
      %get3A_270 = arith.constant 64 : index
      %get3A_271 = tpu.vector_load %arg10[%get3A_270] {strides = array<i32>} : memref<1040xf32, #tpu.memory_space<vmem>>, vector<16xf32>,
      %get3A_272 = vector.shape_cast %get3A_271 : vector<16xf32> to vector<16xf32>
      %sub3A_273 = arith.subf %get3A_272, %broadcast_in_dim3A : vector<16xf32>
      %get3A_274 = arith.constant 64 : index
      %get3A_275 = tpu.vector_load %arg11[%get3A_274] {strides = array<i32>} : memref<1040xf32, #tpu.memory_space<vmem>>, vector<16xf32>,
      %get3A_276 = vector.shape_cast %get3A_275 : vector<16xf32> to vector<16xf32>
      %sub3A_277 = arith.subf %get3A_276, %broadcast_in_dim3A_49 : vector<16xf32>
      %get3A_278 = arith.constant 64 : index
      %get3A_279 = tpu.vector_load %arg12[%get3A_278] {strides = array<i32>} : memref<1040xf32, #tpu.memory_space<vmem>>, vector<16xf32>,
      %get3A_280 = vector.shape_cast %get3A_279 : vector<16xf32> to vector<16xf32>
      %sub3A_281 = arith.subf %get3A_280, %broadcast_in_dim3A_55 : vector<16xf32>
      %mul3A_282 = arith.mulf %sub3A_273, %sub3A_273 : vector<16xf32>
      %mul3A_283 = arith.mulf %sub3A_277, %sub3A_277 : vector<16xf32>
      %add3A_284 = arith.addf %mul3A_282, %mul3A_283 : vector<16xf32>
      %mul3A_285 = arith.mulf %sub3A_281, %sub3A_281 : vector<16xf32>
      %add3A_286 = arith.addf %add3A_284, %mul3A_285 : vector<16xf32>
      %min3A_287 = arith.minimumf %min3A_241, %add3A_286 : vector<16xf32>
      %max3A_288 = arith.maximumf %min3A_241, %add3A_286 : vector<16xf32>
      %min3A_289 = arith.minimumf %min3A_243, %max3A_288 : vector<16xf32>
      %max3A_290 = arith.maximumf %min3A_243, %max3A_288 : vector<16xf32>
      %min3A_291 = arith.minimumf %min3A_245, %max3A_290 : vector<16xf32>
      %max3A_292 = arith.maximumf %min3A_245, %max3A_290 : vector<16xf32>
      %min3A_293 = arith.minimumf %min3A_247, %max3A_292 : vector<16xf32>
      %max3A_294 = arith.maximumf %min3A_247, %max3A_292 : vector<16xf32>
      %min3A_295 = arith.minimumf %min3A_249, %max3A_294 : vector<16xf32>
      %max3A_296 = arith.maximumf %min3A_249, %max3A_294 : vector<16xf32>
      %min3A_297 = arith.minimumf %min3A_251, %max3A_296 : vector<16xf32>
      %get3A_298 = arith.constant 80 : index
      %get3A_299 = tpu.vector_load %arg13[%get3A_298] {strides = array<i32>} : memref<1024xf32, #tpu.memory_space<vmem>>, vector<16xf32>,
      %get3A_300 = vector.shape_cast %get3A_299 : vector<16xf32> to vector<16xf32>
      %sub3A_301 = arith.subf %get3A_300, %broadcast_in_dim3A : vector<16xf32>
      %get3A_302 = arith.constant 80 : index
      %get3A_303 = tpu.vector_load %arg14[%get3A_302] {strides = array<i32>} : memref<1024xf32, #tpu.memory_space<vmem>>, vector<16xf32>,
      %get3A_304 = vector.shape_cast %get3A_303 : vector<16xf32> to vector<16xf32>
      %sub3A_305 = arith.subf %get3A_304, %broadcast_in_dim3A_49 : vector<16xf32>
      %get3A_306 = arith.constant 80 : index
      %get3A_307 = tpu.vector_load %arg15[%get3A_306] {strides = array<i32>} : memref<1024xf32, #tpu.memory_space<vmem>>, vector<16xf32>,
      %get3A_308 = vector.shape_cast %get3A_307 : vector<16xf32> to vector<16xf32>
      %sub3A_309 = arith.subf %get3A_308, %broadcast_in_dim3A_55 : vector<16xf32>
      %mul3A_310 = arith.mulf %sub3A_301, %sub3A_301 : vector<16xf32>
      %mul3A_311 = arith.mulf %sub3A_305, %sub3A_305 : vector<16xf32>
      %add3A_312 = arith.addf %mul3A_310, %mul3A_311 : vector<16xf32>
      %mul3A_313 = arith.mulf %sub3A_309, %sub3A_309 : vector<16xf32>
      %add3A_314 = arith.addf %add3A_312, %mul3A_313 : vector<16xf32>
      %min3A_315 = arith.minimumf %min3A_269, %add3A_314 : vector<16xf32>
      %get3A_316 = arith.constant 80 : index
      %get3A_317 = tpu.vector_load %arg10[%get3A_316] {strides = array<i32>} : memref<1040xf32, #tpu.memory_space<vmem>>, vector<16xf32>,
      %get3A_318 = vector.shape_cast %get3A_317 : vector<16xf32> to vector<16xf32>
      %sub3A_319 = arith.subf %get3A_318, %broadcast_in_dim3A : vector<16xf32>
      %get3A_320 = arith.constant 80 : index
      %get3A_321 = tpu.vector_load %arg11[%get3A_320] {strides = array<i32>} : memref<1040xf32, #tpu.memory_space<vmem>>, vector<16xf32>,
      %get3A_322 = vector.shape_cast %get3A_321 : vector<16xf32> to vector<16xf32>
      %sub3A_323 = arith.subf %get3A_322, %broadcast_in_dim3A_49 : vector<16xf32>
      %get3A_324 = arith.constant 80 : index
      %get3A_325 = tpu.vector_load %arg12[%get3A_324] {strides = array<i32>} : memref<1040xf32, #tpu.memory_space<vmem>>, vector<16xf32>,
      %get3A_326 = vector.shape_cast %get3A_325 : vector<16xf32> to vector<16xf32>
      %sub3A_327 = arith.subf %get3A_326, %broadcast_in_dim3A_55 : vector<16xf32>
      %mul3A_328 = arith.mulf %sub3A_319, %sub3A_319 : vector<16xf32>
      %mul3A_329 = arith.mulf %sub3A_323, %sub3A_323 : vector<16xf32>
      %add3A_330 = arith.addf %mul3A_328, %mul3A_329 : vector<16xf32>
      %mul3A_331 = arith.mulf %sub3A_327, %sub3A_327 : vector<16xf32>
      %add3A_332 = arith.addf %add3A_330, %mul3A_331 : vector<16xf32>
      %min3A_333 = arith.minimumf %min3A_287, %add3A_332 : vector<16xf32>
      %max3A_334 = arith.maximumf %min3A_287, %add3A_332 : vector<16xf32>
      %min3A_335 = arith.minimumf %min3A_289, %max3A_334 : vector<16xf32>
      %max3A_336 = arith.maximumf %min3A_289, %max3A_334 : vector<16xf32>
      %min3A_337 = arith.minimumf %min3A_291, %max3A_336 : vector<16xf32>
      %max3A_338 = arith.maximumf %min3A_291, %max3A_336 : vector<16xf32>
      %min3A_339 = arith.minimumf %min3A_293, %max3A_338 : vector<16xf32>
      %max3A_340 = arith.maximumf %min3A_293, %max3A_338 : vector<16xf32>
      %min3A_341 = arith.minimumf %min3A_295, %max3A_340 : vector<16xf32>
      %max3A_342 = arith.maximumf %min3A_295, %max3A_340 : vector<16xf32>
      %min3A_343 = arith.minimumf %min3A_297, %max3A_342 : vector<16xf32>
      %get3A_344 = arith.constant 96 : index
      %get3A_345 = tpu.vector_load %arg13[%get3A_344] {strides = array<i32>} : memref<1024xf32, #tpu.memory_space<vmem>>, vector<16xf32>,
      %get3A_346 = vector.shape_cast %get3A_345 : vector<16xf32> to vector<16xf32>
      %sub3A_347 = arith.subf %get3A_346, %broadcast_in_dim3A : vector<16xf32>
      %get3A_348 = arith.constant 96 : index
      %get3A_349 = tpu.vector_load %arg14[%get3A_348] {strides = array<i32>} : memref<1024xf32, #tpu.memory_space<vmem>>, vector<16xf32>,
      %get3A_350 = vector.shape_cast %get3A_349 : vector<16xf32> to vector<16xf32>
      %sub3A_351 = arith.subf %get3A_350, %broadcast_in_dim3A_49 : vector<16xf32>
      %get3A_352 = arith.constant 96 : index
      %get3A_353 = tpu.vector_load %arg15[%get3A_352] {strides = array<i32>} : memref<1024xf32, #tpu.memory_space<vmem>>, vector<16xf32>,
      %get3A_354 = vector.shape_cast %get3A_353 : vector<16xf32> to vector<16xf32>
      %sub3A_355 = arith.subf %get3A_354, %broadcast_in_dim3A_55 : vector<16xf32>
      %mul3A_356 = arith.mulf %sub3A_347, %sub3A_347 : vector<16xf32>
      %mul3A_357 = arith.mulf %sub3A_351, %sub3A_351 : vector<16xf32>
      %add3A_358 = arith.addf %mul3A_356, %mul3A_357 : vector<16xf32>
      %mul3A_359 = arith.mulf %sub3A_355, %sub3A_355 : vector<16xf32>
      %add3A_360 = arith.addf %add3A_358, %mul3A_359 : vector<16xf32>
      %min3A_361 = arith.minimumf %min3A_315, %add3A_360 : vector<16xf32>
      %get3A_362 = arith.constant 96 : index
      %get3A_363 = tpu.vector_load %arg10[%get3A_362] {strides = array<i32>} : memref<1040xf32, #tpu.memory_space<vmem>>, vector<16xf32>,
      %get3A_364 = vector.shape_cast %get3A_363 : vector<16xf32> to vector<16xf32>
      %sub3A_365 = arith.subf %get3A_364, %broadcast_in_dim3A : vector<16xf32>
      %get3A_366 = arith.constant 96 : index
      %get3A_367 = tpu.vector_load %arg11[%get3A_366] {strides = array<i32>} : memref<1040xf32, #tpu.memory_space<vmem>>, vector<16xf32>,
      %get3A_368 = vector.shape_cast %get3A_367 : vector<16xf32> to vector<16xf32>
      %sub3A_369 = arith.subf %get3A_368, %broadcast_in_dim3A_49 : vector<16xf32>
      %get3A_370 = arith.constant 96 : index
      %get3A_371 = tpu.vector_load %arg12[%get3A_370] {strides = array<i32>} : memref<1040xf32, #tpu.memory_space<vmem>>, vector<16xf32>,
      %get3A_372 = vector.shape_cast %get3A_371 : vector<16xf32> to vector<16xf32>
      %sub3A_373 = arith.subf %get3A_372, %broadcast_in_dim3A_55 : vector<16xf32>
      %mul3A_374 = arith.mulf %sub3A_365, %sub3A_365 : vector<16xf32>
      %mul3A_375 = arith.mulf %sub3A_369, %sub3A_369 : vector<16xf32>
      %add3A_376 = arith.addf %mul3A_374, %mul3A_375 : vector<16xf32>
      %mul3A_377 = arith.mulf %sub3A_373, %sub3A_373 : vector<16xf32>
      %add3A_378 = arith.addf %add3A_376, %mul3A_377 : vector<16xf32>
      %min3A_379 = arith.minimumf %min3A_333, %add3A_378 : vector<16xf32>
      %max3A_380 = arith.maximumf %min3A_333, %add3A_378 : vector<16xf32>
      %min3A_381 = arith.minimumf %min3A_335, %max3A_380 : vector<16xf32>
      %max3A_382 = arith.maximumf %min3A_335, %max3A_380 : vector<16xf32>
      %min3A_383 = arith.minimumf %min3A_337, %max3A_382 : vector<16xf32>
      %max3A_384 = arith.maximumf %min3A_337, %max3A_382 : vector<16xf32>
      %min3A_385 = arith.minimumf %min3A_339, %max3A_384 : vector<16xf32>
      %max3A_386 = arith.maximumf %min3A_339, %max3A_384 : vector<16xf32>
      %min3A_387 = arith.minimumf %min3A_341, %max3A_386 : vector<16xf32>
      %max3A_388 = arith.maximumf %min3A_341, %max3A_386 : vector<16xf32>
      %min3A_389 = arith.minimumf %min3A_343, %max3A_388 : vector<16xf32>
      %get3A_390 = arith.constant 112 : index
      %get3A_391 = tpu.vector_load %arg13[%get3A_390] {strides = array<i32>} : memref<1024xf32, #tpu.memory_space<vmem>>, vector<16xf32>,
      %get3A_392 = vector.shape_cast %get3A_391 : vector<16xf32> to vector<16xf32>
      %sub3A_393 = arith.subf %get3A_392, %broadcast_in_dim3A : vector<16xf32>
      %get3A_394 = arith.constant 112 : index
      %get3A_395 = tpu.vector_load %arg14[%get3A_394] {strides = array<i32>} : memref<1024xf32, #tpu.memory_space<vmem>>, vector<16xf32>,
      %get3A_396 = vector.shape_cast %get3A_395 : vector<16xf32> to vector<16xf32>
      %sub3A_397 = arith.subf %get3A_396, %broadcast_in_dim3A_49 : vector<16xf32>
      %get3A_398 = arith.constant 112 : index
      %get3A_399 = tpu.vector_load %arg15[%get3A_398] {strides = array<i32>} : memref<1024xf32, #tpu.memory_space<vmem>>, vector<16xf32>,
      %get3A_400 = vector.shape_cast %get3A_399 : vector<16xf32> to vector<16xf32>
      %sub3A_401 = arith.subf %get3A_400, %broadcast_in_dim3A_55 : vector<16xf32>
      %mul3A_402 = arith.mulf %sub3A_393, %sub3A_393 : vector<16xf32>
      %mul3A_403 = arith.mulf %sub3A_397, %sub3A_397 : vector<16xf32>
      %add3A_404 = arith.addf %mul3A_402, %mul3A_403 : vector<16xf32>
      %mul3A_405 = arith.mulf %sub3A_401, %sub3A_401 : vector<16xf32>
      %add3A_406 = arith.addf %add3A_404, %mul3A_405 : vector<16xf32>
      %min3A_407 = arith.minimumf %min3A_361, %add3A_406 : vector<16xf32>
      %get3A_408 = arith.constant 112 : index
      %get3A_409 = tpu.vector_load %arg10[%get3A_408] {strides = array<i32>} : memref<1040xf32, #tpu.memory_space<vmem>>, vector<16xf32>,
      %get3A_410 = vector.shape_cast %get3A_409 : vector<16xf32> to vector<16xf32>
      %sub3A_411 = arith.subf %get3A_410, %broadcast_in_dim3A : vector<16xf32>
      %get3A_412 = arith.constant 112 : index
      %get3A_413 = tpu.vector_load %arg11[%get3A_412] {strides = array<i32>} : memref<1040xf32, #tpu.memory_space<vmem>>, vector<16xf32>,
      %get3A_414 = vector.shape_cast %get3A_413 : vector<16xf32> to vector<16xf32>
      %sub3A_415 = arith.subf %get3A_414, %broadcast_in_dim3A_49 : vector<16xf32>
      %get3A_416 = arith.constant 112 : index
      %get3A_417 = tpu.vector_load %arg12[%get3A_416] {strides = array<i32>} : memref<1040xf32, #tpu.memory_space<vmem>>, vector<16xf32>,
      %get3A_418 = vector.shape_cast %get3A_417 : vector<16xf32> to vector<16xf32>
      %sub3A_419 = arith.subf %get3A_418, %broadcast_in_dim3A_55 : vector<16xf32>
      %mul3A_420 = arith.mulf %sub3A_411, %sub3A_411 : vector<16xf32>
      %mul3A_421 = arith.mulf %sub3A_415, %sub3A_415 : vector<16xf32>
      %add3A_422 = arith.addf %mul3A_420, %mul3A_421 : vector<16xf32>
      %mul3A_423 = arith.mulf %sub3A_419, %sub3A_419 : vector<16xf32>
      %add3A_424 = arith.addf %add3A_422, %mul3A_423 : vector<16xf32>
      %min3A_425 = arith.minimumf %min3A_379, %add3A_424 : vector<16xf32>
      %max3A_426 = arith.maximumf %min3A_379, %add3A_424 : vector<16xf32>
      %min3A_427 = arith.minimumf %min3A_381, %max3A_426 : vector<16xf32>
      %max3A_428 = arith.maximumf %min3A_381, %max3A_426 : vector<16xf32>
      %min3A_429 = arith.minimumf %min3A_383, %max3A_428 : vector<16xf32>
      %max3A_430 = arith.maximumf %min3A_383, %max3A_428 : vector<16xf32>
      %min3A_431 = arith.minimumf %min3A_385, %max3A_430 : vector<16xf32>
      %max3A_432 = arith.maximumf %min3A_385, %max3A_430 : vector<16xf32>
      %min3A_433 = arith.minimumf %min3A_387, %max3A_432 : vector<16xf32>
      %max3A_434 = arith.maximumf %min3A_387, %max3A_432 : vector<16xf32>
      %min3A_435 = arith.minimumf %min3A_389, %max3A_434 : vector<16xf32>
      %get3A_436 = arith.constant 128 : index
      %get3A_437 = tpu.vector_load %arg13[%get3A_436] {strides = array<i32>} : memref<1024xf32, #tpu.memory_space<vmem>>, vector<16xf32>,
      %get3A_438 = vector.shape_cast %get3A_437 : vector<16xf32> to vector<16xf32>
      %sub3A_439 = arith.subf %get3A_438, %broadcast_in_dim3A : vector<16xf32>
      %get3A_440 = arith.constant 128 : index
      %get3A_441 = tpu.vector_load %arg14[%get3A_440] {strides = array<i32>} : memref<1024xf32, #tpu.memory_space<vmem>>, vector<16xf32>,
      %get3A_442 = vector.shape_cast %get3A_441 : vector<16xf32> to vector<16xf32>
      %sub3A_443 = arith.subf %get3A_442, %broadcast_in_dim3A_49 : vector<16xf32>
      %get3A_444 = arith.constant 128 : index
      %get3A_445 = tpu.vector_load %arg15[%get3A_444] {strides = array<i32>} : memref<1024xf32, #tpu.memory_space<vmem>>, vector<16xf32>,
      %get3A_446 = vector.shape_cast %get3A_445 : vector<16xf32> to vector<16xf32>
      %sub3A_447 = arith.subf %get3A_446, %broadcast_in_dim3A_55 : vector<16xf32>
      %mul3A_448 = arith.mulf %sub3A_439, %sub3A_439 : vector<16xf32>
      %mul3A_449 = arith.mulf %sub3A_443, %sub3A_443 : vector<16xf32>
      %add3A_450 = arith.addf %mul3A_448, %mul3A_449 : vector<16xf32>
      %mul3A_451 = arith.mulf %sub3A_447, %sub3A_447 : vector<16xf32>
      %add3A_452 = arith.addf %add3A_450, %mul3A_451 : vector<16xf32>
      %min3A_453 = arith.minimumf %min3A_407, %add3A_452 : vector<16xf32>
      %get3A_454 = arith.constant 128 : index
      %get3A_455 = tpu.vector_load %arg10[%get3A_454] {strides = array<i32>} : memref<1040xf32, #tpu.memory_space<vmem>>, vector<16xf32>,
      %get3A_456 = vector.shape_cast %get3A_455 : vector<16xf32> to vector<16xf32>
      %sub3A_457 = arith.subf %get3A_456, %broadcast_in_dim3A : vector<16xf32>
      %get3A_458 = arith.constant 128 : index
      %get3A_459 = tpu.vector_load %arg11[%get3A_458] {strides = array<i32>} : memref<1040xf32, #tpu.memory_space<vmem>>, vector<16xf32>,
      %get3A_460 = vector.shape_cast %get3A_459 : vector<16xf32> to vector<16xf32>
      %sub3A_461 = arith.subf %get3A_460, %broadcast_in_dim3A_49 : vector<16xf32>
      %get3A_462 = arith.constant 128 : index
      %get3A_463 = tpu.vector_load %arg12[%get3A_462] {strides = array<i32>} : memref<1040xf32, #tpu.memory_space<vmem>>, vector<16xf32>,
      %get3A_464 = vector.shape_cast %get3A_463 : vector<16xf32> to vector<16xf32>
      %sub3A_465 = arith.subf %get3A_464, %broadcast_in_dim3A_55 : vector<16xf32>
      %mul3A_466 = arith.mulf %sub3A_457, %sub3A_457 : vector<16xf32>
      %mul3A_467 = arith.mulf %sub3A_461, %sub3A_461 : vector<16xf32>
      %add3A_468 = arith.addf %mul3A_466, %mul3A_467 : vector<16xf32>
      %mul3A_469 = arith.mulf %sub3A_465, %sub3A_465 : vector<16xf32>
      %add3A_470 = arith.addf %add3A_468, %mul3A_469 : vector<16xf32>
      %min3A_471 = arith.minimumf %min3A_425, %add3A_470 : vector<16xf32>
      %max3A_472 = arith.maximumf %min3A_425, %add3A_470 : vector<16xf32>
      %min3A_473 = arith.minimumf %min3A_427, %max3A_472 : vector<16xf32>
      %max3A_474 = arith.maximumf %min3A_427, %max3A_472 : vector<16xf32>
      %min3A_475 = arith.minimumf %min3A_429, %max3A_474 : vector<16xf32>
      %max3A_476 = arith.maximumf %min3A_429, %max3A_474 : vector<16xf32>
      %min3A_477 = arith.minimumf %min3A_431, %max3A_476 : vector<16xf32>
      %max3A_478 = arith.maximumf %min3A_431, %max3A_476 : vector<16xf32>
      %min3A_479 = arith.minimumf %min3A_433, %max3A_478 : vector<16xf32>
      %max3A_480 = arith.maximumf %min3A_433, %max3A_478 : vector<16xf32>
      %min3A_481 = arith.minimumf %min3A_435, %max3A_480 : vector<16xf32>
      %get3A_482 = arith.constant 144 : index
      %get3A_483 = tpu.vector_load %arg13[%get3A_482] {strides = array<i32>} : memref<1024xf32, #tpu.memory_space<vmem>>, vector<16xf32>,
      %get3A_484 = vector.shape_cast %get3A_483 : vector<16xf32> to vector<16xf32>
      %sub3A_485 = arith.subf %get3A_484, %broadcast_in_dim3A : vector<16xf32>
      %get3A_486 = arith.constant 144 : index
      %get3A_487 = tpu.vector_load %arg14[%get3A_486] {strides = array<i32>} : memref<1024xf32, #tpu.memory_space<vmem>>, vector<16xf32>,
      %get3A_488 = vector.shape_cast %get3A_487 : vector<16xf32> to vector<16xf32>
      %sub3A_489 = arith.subf %get3A_488, %broadcast_in_dim3A_49 : vector<16xf32>
      %get3A_490 = arith.constant 144 : index
      %get3A_491 = tpu.vector_load %arg15[%get3A_490] {strides = array<i32>} : memref<1024xf32, #tpu.memory_space<vmem>>, vector<16xf32>,
      %get3A_492 = vector.shape_cast %get3A_491 : vector<16xf32> to vector<16xf32>
      %sub3A_493 = arith.subf %get3A_492, %broadcast_in_dim3A_55 : vector<16xf32>
      %mul3A_494 = arith.mulf %sub3A_485, %sub3A_485 : vector<16xf32>
      %mul3A_495 = arith.mulf %sub3A_489, %sub3A_489 : vector<16xf32>
      %add3A_496 = arith.addf %mul3A_494, %mul3A_495 : vector<16xf32>
      %mul3A_497 = arith.mulf %sub3A_493, %sub3A_493 : vector<16xf32>
      %add3A_498 = arith.addf %add3A_496, %mul3A_497 : vector<16xf32>
      %min3A_499 = arith.minimumf %min3A_453, %add3A_498 : vector<16xf32>
      %get3A_500 = arith.constant 144 : index
      %get3A_501 = tpu.vector_load %arg10[%get3A_500] {strides = array<i32>} : memref<1040xf32, #tpu.memory_space<vmem>>, vector<16xf32>,
      %get3A_502 = vector.shape_cast %get3A_501 : vector<16xf32> to vector<16xf32>
      %sub3A_503 = arith.subf %get3A_502, %broadcast_in_dim3A : vector<16xf32>
      %get3A_504 = arith.constant 144 : index
      %get3A_505 = tpu.vector_load %arg11[%get3A_504] {strides = array<i32>} : memref<1040xf32, #tpu.memory_space<vmem>>, vector<16xf32>,
      %get3A_506 = vector.shape_cast %get3A_505 : vector<16xf32> to vector<16xf32>
      %sub3A_507 = arith.subf %get3A_506, %broadcast_in_dim3A_49 : vector<16xf32>
      %get3A_508 = arith.constant 144 : index
      %get3A_509 = tpu.vector_load %arg12[%get3A_508] {strides = array<i32>} : memref<1040xf32, #tpu.memory_space<vmem>>, vector<16xf32>,
      %get3A_510 = vector.shape_cast %get3A_509 : vector<16xf32> to vector<16xf32>
      %sub3A_511 = arith.subf %get3A_510, %broadcast_in_dim3A_55 : vector<16xf32>
      %mul3A_512 = arith.mulf %sub3A_503, %sub3A_503 : vector<16xf32>
      %mul3A_513 = arith.mulf %sub3A_507, %sub3A_507 : vector<16xf32>
      %add3A_514 = arith.addf %mul3A_512, %mul3A_513 : vector<16xf32>
      %mul3A_515 = arith.mulf %sub3A_511, %sub3A_511 : vector<16xf32>
      %add3A_516 = arith.addf %add3A_514, %mul3A_515 : vector<16xf32>
      %min3A_517 = arith.minimumf %min3A_471, %add3A_516 : vector<16xf32>
      %max3A_518 = arith.maximumf %min3A_471, %add3A_516 : vector<16xf32>
      %min3A_519 = arith.minimumf %min3A_473, %max3A_518 : vector<16xf32>
      %max3A_520 = arith.maximumf %min3A_473, %max3A_518 : vector<16xf32>
      %min3A_521 = arith.minimumf %min3A_475, %max3A_520 : vector<16xf32>
      %max3A_522 = arith.maximumf %min3A_475, %max3A_520 : vector<16xf32>
      %min3A_523 = arith.minimumf %min3A_477, %max3A_522 : vector<16xf32>
      %max3A_524 = arith.maximumf %min3A_477, %max3A_522 : vector<16xf32>
      %min3A_525 = arith.minimumf %min3A_479, %max3A_524 : vector<16xf32>
      %max3A_526 = arith.maximumf %min3A_479, %max3A_524 : vector<16xf32>
      %min3A_527 = arith.minimumf %min3A_481, %max3A_526 : vector<16xf32>
      %get3A_528 = arith.constant 160 : index
      %get3A_529 = tpu.vector_load %arg13[%get3A_528] {strides = array<i32>} : memref<1024xf32, #tpu.memory_space<vmem>>, vector<16xf32>,
      %get3A_530 = vector.shape_cast %get3A_529 : vector<16xf32> to vector<16xf32>
      %sub3A_531 = arith.subf %get3A_530, %broadcast_in_dim3A : vector<16xf32>
      %get3A_532 = arith.constant 160 : index
      %get3A_533 = tpu.vector_load %arg14[%get3A_532] {strides = array<i32>} : memref<1024xf32, #tpu.memory_space<vmem>>, vector<16xf32>,
      %get3A_534 = vector.shape_cast %get3A_533 : vector<16xf32> to vector<16xf32>
      %sub3A_535 = arith.subf %get3A_534, %broadcast_in_dim3A_49 : vector<16xf32>
      %get3A_536 = arith.constant 160 : index
      %get3A_537 = tpu.vector_load %arg15[%get3A_536] {strides = array<i32>} : memref<1024xf32, #tpu.memory_space<vmem>>, vector<16xf32>,
      %get3A_538 = vector.shape_cast %get3A_537 : vector<16xf32> to vector<16xf32>
      %sub3A_539 = arith.subf %get3A_538, %broadcast_in_dim3A_55 : vector<16xf32>
      %mul3A_540 = arith.mulf %sub3A_531, %sub3A_531 : vector<16xf32>
      %mul3A_541 = arith.mulf %sub3A_535, %sub3A_535 : vector<16xf32>
      %add3A_542 = arith.addf %mul3A_540, %mul3A_541 : vector<16xf32>
      %mul3A_543 = arith.mulf %sub3A_539, %sub3A_539 : vector<16xf32>
      %add3A_544 = arith.addf %add3A_542, %mul3A_543 : vector<16xf32>
      %min3A_545 = arith.minimumf %min3A_499, %add3A_544 : vector<16xf32>
      %get3A_546 = arith.constant 160 : index
      %get3A_547 = tpu.vector_load %arg10[%get3A_546] {strides = array<i32>} : memref<1040xf32, #tpu.memory_space<vmem>>, vector<16xf32>,
      %get3A_548 = vector.shape_cast %get3A_547 : vector<16xf32> to vector<16xf32>
      %sub3A_549 = arith.subf %get3A_548, %broadcast_in_dim3A : vector<16xf32>
      %get3A_550 = arith.constant 160 : index
      %get3A_551 = tpu.vector_load %arg11[%get3A_550] {strides = array<i32>} : memref<1040xf32, #tpu.memory_space<vmem>>, vector<16xf32>,
      %get3A_552 = vector.shape_cast %get3A_551 : vector<16xf32> to vector<16xf32>
      %sub3A_553 = arith.subf %get3A_552, %broadcast_in_dim3A_49 : vector<16xf32>
      %get3A_554 = arith.constant 160 : index
      %get3A_555 = tpu.vector_load %arg12[%get3A_554] {strides = array<i32>} : memref<1040xf32, #tpu.memory_space<vmem>>, vector<16xf32>,
      %get3A_556 = vector.shape_cast %get3A_555 : vector<16xf32> to vector<16xf32>
      %sub3A_557 = arith.subf %get3A_556, %broadcast_in_dim3A_55 : vector<16xf32>
      %mul3A_558 = arith.mulf %sub3A_549, %sub3A_549 : vector<16xf32>
      %mul3A_559 = arith.mulf %sub3A_553, %sub3A_553 : vector<16xf32>
      %add3A_560 = arith.addf %mul3A_558, %mul3A_559 : vector<16xf32>
      %mul3A_561 = arith.mulf %sub3A_557, %sub3A_557 : vector<16xf32>
      %add3A_562 = arith.addf %add3A_560, %mul3A_561 : vector<16xf32>
      %min3A_563 = arith.minimumf %min3A_517, %add3A_562 : vector<16xf32>
      %max3A_564 = arith.maximumf %min3A_517, %add3A_562 : vector<16xf32>
      %min3A_565 = arith.minimumf %min3A_519, %max3A_564 : vector<16xf32>
      %max3A_566 = arith.maximumf %min3A_519, %max3A_564 : vector<16xf32>
      %min3A_567 = arith.minimumf %min3A_521, %max3A_566 : vector<16xf32>
      %max3A_568 = arith.maximumf %min3A_521, %max3A_566 : vector<16xf32>
      %min3A_569 = arith.minimumf %min3A_523, %max3A_568 : vector<16xf32>
      %max3A_570 = arith.maximumf %min3A_523, %max3A_568 : vector<16xf32>
      %min3A_571 = arith.minimumf %min3A_525, %max3A_570 : vector<16xf32>
      %max3A_572 = arith.maximumf %min3A_525, %max3A_570 : vector<16xf32>
      %min3A_573 = arith.minimumf %min3A_527, %max3A_572 : vector<16xf32>
      %get3A_574 = arith.constant 176 : index
      %get3A_575 = tpu.vector_load %arg13[%get3A_574] {strides = array<i32>} : memref<1024xf32, #tpu.memory_space<vmem>>, vector<16xf32>,
      %get3A_576 = vector.shape_cast %get3A_575 : vector<16xf32> to vector<16xf32>
      %sub3A_577 = arith.subf %get3A_576, %broadcast_in_dim3A : vector<16xf32>
      %get3A_578 = arith.constant 176 : index
      %get3A_579 = tpu.vector_load %arg14[%get3A_578] {strides = array<i32>} : memref<1024xf32, #tpu.memory_space<vmem>>, vector<16xf32>,
      %get3A_580 = vector.shape_cast %get3A_579 : vector<16xf32> to vector<16xf32>
      %sub3A_581 = arith.subf %get3A_580, %broadcast_in_dim3A_49 : vector<16xf32>
      %get3A_582 = arith.constant 176 : index
      %get3A_583 = tpu.vector_load %arg15[%get3A_582] {strides = array<i32>} : memref<1024xf32, #tpu.memory_space<vmem>>, vector<16xf32>,
      %get3A_584 = vector.shape_cast %get3A_583 : vector<16xf32> to vector<16xf32>
      %sub3A_585 = arith.subf %get3A_584, %broadcast_in_dim3A_55 : vector<16xf32>
      %mul3A_586 = arith.mulf %sub3A_577, %sub3A_577 : vector<16xf32>
      %mul3A_587 = arith.mulf %sub3A_581, %sub3A_581 : vector<16xf32>
      %add3A_588 = arith.addf %mul3A_586, %mul3A_587 : vector<16xf32>
      %mul3A_589 = arith.mulf %sub3A_585, %sub3A_585 : vector<16xf32>
      %add3A_590 = arith.addf %add3A_588, %mul3A_589 : vector<16xf32>
      %min3A_591 = arith.minimumf %min3A_545, %add3A_590 : vector<16xf32>
      %get3A_592 = arith.constant 176 : index
      %get3A_593 = tpu.vector_load %arg10[%get3A_592] {strides = array<i32>} : memref<1040xf32, #tpu.memory_space<vmem>>, vector<16xf32>,
      %get3A_594 = vector.shape_cast %get3A_593 : vector<16xf32> to vector<16xf32>
      %sub3A_595 = arith.subf %get3A_594, %broadcast_in_dim3A : vector<16xf32>
      %get3A_596 = arith.constant 176 : index
      %get3A_597 = tpu.vector_load %arg11[%get3A_596] {strides = array<i32>} : memref<1040xf32, #tpu.memory_space<vmem>>, vector<16xf32>,
      %get3A_598 = vector.shape_cast %get3A_597 : vector<16xf32> to vector<16xf32>
      %sub3A_599 = arith.subf %get3A_598, %broadcast_in_dim3A_49 : vector<16xf32>
      %get3A_600 = arith.constant 176 : index
      %get3A_601 = tpu.vector_load %arg12[%get3A_600] {strides = array<i32>} : memref<1040xf32, #tpu.memory_space<vmem>>, vector<16xf32>,
      %get3A_602 = vector.shape_cast %get3A_601 : vector<16xf32> to vector<16xf32>
      %sub3A_603 = arith.subf %get3A_602, %broadcast_in_dim3A_55 : vector<16xf32>
      %mul3A_604 = arith.mulf %sub3A_595, %sub3A_595 : vector<16xf32>
      %mul3A_605 = arith.mulf %sub3A_599, %sub3A_599 : vector<16xf32>
      %add3A_606 = arith.addf %mul3A_604, %mul3A_605 : vector<16xf32>
      %mul3A_607 = arith.mulf %sub3A_603, %sub3A_603 : vector<16xf32>
      %add3A_608 = arith.addf %add3A_606, %mul3A_607 : vector<16xf32>
      %min3A_609 = arith.minimumf %min3A_563, %add3A_608 : vector<16xf32>
      %max3A_610 = arith.maximumf %min3A_563, %add3A_608 : vector<16xf32>
      %min3A_611 = arith.minimumf %min3A_565, %max3A_610 : vector<16xf32>
      %max3A_612 = arith.maximumf %min3A_565, %max3A_610 : vector<16xf32>
      %min3A_613 = arith.minimumf %min3A_567, %max3A_612 : vector<16xf32>
      %max3A_614 = arith.maximumf %min3A_567, %max3A_612 : vector<16xf32>
      %min3A_615 = arith.minimumf %min3A_569, %max3A_614 : vector<16xf32>
      %max3A_616 = arith.maximumf %min3A_569, %max3A_614 : vector<16xf32>
      %min3A_617 = arith.minimumf %min3A_571, %max3A_616 : vector<16xf32>
      %max3A_618 = arith.maximumf %min3A_571, %max3A_616 : vector<16xf32>
      %min3A_619 = arith.minimumf %min3A_573, %max3A_618 : vector<16xf32>
      %get3A_620 = arith.constant 192 : index
      %get3A_621 = tpu.vector_load %arg13[%get3A_620] {strides = array<i32>} : memref<1024xf32, #tpu.memory_space<vmem>>, vector<16xf32>,
      %get3A_622 = vector.shape_cast %get3A_621 : vector<16xf32> to vector<16xf32>
      %sub3A_623 = arith.subf %get3A_622, %broadcast_in_dim3A : vector<16xf32>
      %get3A_624 = arith.constant 192 : index
      %get3A_625 = tpu.vector_load %arg14[%get3A_624] {strides = array<i32>} : memref<1024xf32, #tpu.memory_space<vmem>>, vector<16xf32>,
      %get3A_626 = vector.shape_cast %get3A_625 : vector<16xf32> to vector<16xf32>
      %sub3A_627 = arith.subf %get3A_626, %broadcast_in_dim3A_49 : vector<16xf32>
      %get3A_628 = arith.constant 192 : index
      %get3A_629 = tpu.vector_load %arg15[%get3A_628] {strides = array<i32>} : memref<1024xf32, #tpu.memory_space<vmem>>, vector<16xf32>,
      %get3A_630 = vector.shape_cast %get3A_629 : vector<16xf32> to vector<16xf32>
      %sub3A_631 = arith.subf %get3A_630, %broadcast_in_dim3A_55 : vector<16xf32>
      %mul3A_632 = arith.mulf %sub3A_623, %sub3A_623 : vector<16xf32>
      %mul3A_633 = arith.mulf %sub3A_627, %sub3A_627 : vector<16xf32>
      %add3A_634 = arith.addf %mul3A_632, %mul3A_633 : vector<16xf32>
      %mul3A_635 = arith.mulf %sub3A_631, %sub3A_631 : vector<16xf32>
      %add3A_636 = arith.addf %add3A_634, %mul3A_635 : vector<16xf32>
      %min3A_637 = arith.minimumf %min3A_591, %add3A_636 : vector<16xf32>
      %get3A_638 = arith.constant 192 : index
      %get3A_639 = tpu.vector_load %arg10[%get3A_638] {strides = array<i32>} : memref<1040xf32, #tpu.memory_space<vmem>>, vector<16xf32>,
      %get3A_640 = vector.shape_cast %get3A_639 : vector<16xf32> to vector<16xf32>
      %sub3A_641 = arith.subf %get3A_640, %broadcast_in_dim3A : vector<16xf32>
      %get3A_642 = arith.constant 192 : index
      %get3A_643 = tpu.vector_load %arg11[%get3A_642] {strides = array<i32>} : memref<1040xf32, #tpu.memory_space<vmem>>, vector<16xf32>,
      %get3A_644 = vector.shape_cast %get3A_643 : vector<16xf32> to vector<16xf32>
      %sub3A_645 = arith.subf %get3A_644, %broadcast_in_dim3A_49 : vector<16xf32>
      %get3A_646 = arith.constant 192 : index
      %get3A_647 = tpu.vector_load %arg12[%get3A_646] {strides = array<i32>} : memref<1040xf32, #tpu.memory_space<vmem>>, vector<16xf32>,
      %get3A_648 = vector.shape_cast %get3A_647 : vector<16xf32> to vector<16xf32>
      %sub3A_649 = arith.subf %get3A_648, %broadcast_in_dim3A_55 : vector<16xf32>
      %mul3A_650 = arith.mulf %sub3A_641, %sub3A_641 : vector<16xf32>
      %mul3A_651 = arith.mulf %sub3A_645, %sub3A_645 : vector<16xf32>
      %add3A_652 = arith.addf %mul3A_650, %mul3A_651 : vector<16xf32>
      %mul3A_653 = arith.mulf %sub3A_649, %sub3A_649 : vector<16xf32>
      %add3A_654 = arith.addf %add3A_652, %mul3A_653 : vector<16xf32>
      %min3A_655 = arith.minimumf %min3A_609, %add3A_654 : vector<16xf32>
      %max3A_656 = arith.maximumf %min3A_609, %add3A_654 : vector<16xf32>
      %min3A_657 = arith.minimumf %min3A_611, %max3A_656 : vector<16xf32>
      %max3A_658 = arith.maximumf %min3A_611, %max3A_656 : vector<16xf32>
      %min3A_659 = arith.minimumf %min3A_613, %max3A_658 : vector<16xf32>
      %max3A_660 = arith.maximumf %min3A_613, %max3A_658 : vector<16xf32>
      %min3A_661 = arith.minimumf %min3A_615, %max3A_660 : vector<16xf32>
      %max3A_662 = arith.maximumf %min3A_615, %max3A_660 : vector<16xf32>
      %min3A_663 = arith.minimumf %min3A_617, %max3A_662 : vector<16xf32>
      %max3A_664 = arith.maximumf %min3A_617, %max3A_662 : vector<16xf32>
      %min3A_665 = arith.minimumf %min3A_619, %max3A_664 : vector<16xf32>
      %get3A_666 = arith.constant 208 : index
      %get3A_667 = tpu.vector_load %arg13[%get3A_666] {strides = array<i32>} : memref<1024xf32, #tpu.memory_space<vmem>>, vector<16xf32>,
      %get3A_668 = vector.shape_cast %get3A_667 : vector<16xf32> to vector<16xf32>
      %sub3A_669 = arith.subf %get3A_668, %broadcast_in_dim3A : vector<16xf32>
      %get3A_670 = arith.constant 208 : index
      %get3A_671 = tpu.vector_load %arg14[%get3A_670] {strides = array<i32>} : memref<1024xf32, #tpu.memory_space<vmem>>, vector<16xf32>,
      %get3A_672 = vector.shape_cast %get3A_671 : vector<16xf32> to vector<16xf32>
      %sub3A_673 = arith.subf %get3A_672, %broadcast_in_dim3A_49 : vector<16xf32>
      %get3A_674 = arith.constant 208 : index
      %get3A_675 = tpu.vector_load %arg15[%get3A_674] {strides = array<i32>} : memref<1024xf32, #tpu.memory_space<vmem>>, vector<16xf32>,
      %get3A_676 = vector.shape_cast %get3A_675 : vector<16xf32> to vector<16xf32>
      %sub3A_677 = arith.subf %get3A_676, %broadcast_in_dim3A_55 : vector<16xf32>
      %mul3A_678 = arith.mulf %sub3A_669, %sub3A_669 : vector<16xf32>
      %mul3A_679 = arith.mulf %sub3A_673, %sub3A_673 : vector<16xf32>
      %add3A_680 = arith.addf %mul3A_678, %mul3A_679 : vector<16xf32>
      %mul3A_681 = arith.mulf %sub3A_677, %sub3A_677 : vector<16xf32>
      %add3A_682 = arith.addf %add3A_680, %mul3A_681 : vector<16xf32>
      %min3A_683 = arith.minimumf %min3A_637, %add3A_682 : vector<16xf32>
      %get3A_684 = arith.constant 208 : index
      %get3A_685 = tpu.vector_load %arg10[%get3A_684] {strides = array<i32>} : memref<1040xf32, #tpu.memory_space<vmem>>, vector<16xf32>,
      %get3A_686 = vector.shape_cast %get3A_685 : vector<16xf32> to vector<16xf32>
      %sub3A_687 = arith.subf %get3A_686, %broadcast_in_dim3A : vector<16xf32>
      %get3A_688 = arith.constant 208 : index
      %get3A_689 = tpu.vector_load %arg11[%get3A_688] {strides = array<i32>} : memref<1040xf32, #tpu.memory_space<vmem>>, vector<16xf32>,
      %get3A_690 = vector.shape_cast %get3A_689 : vector<16xf32> to vector<16xf32>
      %sub3A_691 = arith.subf %get3A_690, %broadcast_in_dim3A_49 : vector<16xf32>
      %get3A_692 = arith.constant 208 : index
      %get3A_693 = tpu.vector_load %arg12[%get3A_692] {strides = array<i32>} : memref<1040xf32, #tpu.memory_space<vmem>>, vector<16xf32>,
      %get3A_694 = vector.shape_cast %get3A_693 : vector<16xf32> to vector<16xf32>
      %sub3A_695 = arith.subf %get3A_694, %broadcast_in_dim3A_55 : vector<16xf32>
      %mul3A_696 = arith.mulf %sub3A_687, %sub3A_687 : vector<16xf32>
      %mul3A_697 = arith.mulf %sub3A_691, %sub3A_691 : vector<16xf32>
      %add3A_698 = arith.addf %mul3A_696, %mul3A_697 : vector<16xf32>
      %mul3A_699 = arith.mulf %sub3A_695, %sub3A_695 : vector<16xf32>
      %add3A_700 = arith.addf %add3A_698, %mul3A_699 : vector<16xf32>
      %min3A_701 = arith.minimumf %min3A_655, %add3A_700 : vector<16xf32>
      %max3A_702 = arith.maximumf %min3A_655, %add3A_700 : vector<16xf32>
      %min3A_703 = arith.minimumf %min3A_657, %max3A_702 : vector<16xf32>
      %max3A_704 = arith.maximumf %min3A_657, %max3A_702 : vector<16xf32>
      %min3A_705 = arith.minimumf %min3A_659, %max3A_704 : vector<16xf32>
      %max3A_706 = arith.maximumf %min3A_659, %max3A_704 : vector<16xf32>
      %min3A_707 = arith.minimumf %min3A_661, %max3A_706 : vector<16xf32>
      %max3A_708 = arith.maximumf %min3A_661, %max3A_706 : vector<16xf32>
      %min3A_709 = arith.minimumf %min3A_663, %max3A_708 : vector<16xf32>
      %max3A_710 = arith.maximumf %min3A_663, %max3A_708 : vector<16xf32>
      %min3A_711 = arith.minimumf %min3A_665, %max3A_710 : vector<16xf32>
      %get3A_712 = arith.constant 224 : index
      %get3A_713 = tpu.vector_load %arg13[%get3A_712] {strides = array<i32>} : memref<1024xf32, #tpu.memory_space<vmem>>, vector<16xf32>,
      %get3A_714 = vector.shape_cast %get3A_713 : vector<16xf32> to vector<16xf32>
      %sub3A_715 = arith.subf %get3A_714, %broadcast_in_dim3A : vector<16xf32>
      %get3A_716 = arith.constant 224 : index
      %get3A_717 = tpu.vector_load %arg14[%get3A_716] {strides = array<i32>} : memref<1024xf32, #tpu.memory_space<vmem>>, vector<16xf32>,
      %get3A_718 = vector.shape_cast %get3A_717 : vector<16xf32> to vector<16xf32>
      %sub3A_719 = arith.subf %get3A_718, %broadcast_in_dim3A_49 : vector<16xf32>
      %get3A_720 = arith.constant 224 : index
      %get3A_721 = tpu.vector_load %arg15[%get3A_720] {strides = array<i32>} : memref<1024xf32, #tpu.memory_space<vmem>>, vector<16xf32>,
      %get3A_722 = vector.shape_cast %get3A_721 : vector<16xf32> to vector<16xf32>
      %sub3A_723 = arith.subf %get3A_722, %broadcast_in_dim3A_55 : vector<16xf32>
      %mul3A_724 = arith.mulf %sub3A_715, %sub3A_715 : vector<16xf32>
      %mul3A_725 = arith.mulf %sub3A_719, %sub3A_719 : vector<16xf32>
      %add3A_726 = arith.addf %mul3A_724, %mul3A_725 : vector<16xf32>
      %mul3A_727 = arith.mulf %sub3A_723, %sub3A_723 : vector<16xf32>
      %add3A_728 = arith.addf %add3A_726, %mul3A_727 : vector<16xf32>
      %min3A_729 = arith.minimumf %min3A_683, %add3A_728 : vector<16xf32>
      %get3A_730 = arith.constant 224 : index
      %get3A_731 = tpu.vector_load %arg10[%get3A_730] {strides = array<i32>} : memref<1040xf32, #tpu.memory_space<vmem>>, vector<16xf32>,
      %get3A_732 = vector.shape_cast %get3A_731 : vector<16xf32> to vector<16xf32>
      %sub3A_733 = arith.subf %get3A_732, %broadcast_in_dim3A : vector<16xf32>
      %get3A_734 = arith.constant 224 : index
      %get3A_735 = tpu.vector_load %arg11[%get3A_734] {strides = array<i32>} : memref<1040xf32, #tpu.memory_space<vmem>>, vector<16xf32>,
      %get3A_736 = vector.shape_cast %get3A_735 : vector<16xf32> to vector<16xf32>
      %sub3A_737 = arith.subf %get3A_736, %broadcast_in_dim3A_49 : vector<16xf32>
      %get3A_738 = arith.constant 224 : index
      %get3A_739 = tpu.vector_load %arg12[%get3A_738] {strides = array<i32>} : memref<1040xf32, #tpu.memory_space<vmem>>, vector<16xf32>,
      %get3A_740 = vector.shape_cast %get3A_739 : vector<16xf32> to vector<16xf32>
      %sub3A_741 = arith.subf %get3A_740, %broadcast_in_dim3A_55 : vector<16xf32>
      %mul3A_742 = arith.mulf %sub3A_733, %sub3A_733 : vector<16xf32>
      %mul3A_743 = arith.mulf %sub3A_737, %sub3A_737 : vector<16xf32>
      %add3A_744 = arith.addf %mul3A_742, %mul3A_743 : vector<16xf32>
      %mul3A_745 = arith.mulf %sub3A_741, %sub3A_741 : vector<16xf32>
      %add3A_746 = arith.addf %add3A_744, %mul3A_745 : vector<16xf32>
      %min3A_747 = arith.minimumf %min3A_701, %add3A_746 : vector<16xf32>
      %max3A_748 = arith.maximumf %min3A_701, %add3A_746 : vector<16xf32>
      %min3A_749 = arith.minimumf %min3A_703, %max3A_748 : vector<16xf32>
      %max3A_750 = arith.maximumf %min3A_703, %max3A_748 : vector<16xf32>
      %min3A_751 = arith.minimumf %min3A_705, %max3A_750 : vector<16xf32>
      %max3A_752 = arith.maximumf %min3A_705, %max3A_750 : vector<16xf32>
      %min3A_753 = arith.minimumf %min3A_707, %max3A_752 : vector<16xf32>
      %max3A_754 = arith.maximumf %min3A_707, %max3A_752 : vector<16xf32>
      %min3A_755 = arith.minimumf %min3A_709, %max3A_754 : vector<16xf32>
      %max3A_756 = arith.maximumf %min3A_709, %max3A_754 : vector<16xf32>
      %min3A_757 = arith.minimumf %min3A_711, %max3A_756 : vector<16xf32>
      %get3A_758 = arith.constant 240 : index
      %get3A_759 = tpu.vector_load %arg13[%get3A_758] {strides = array<i32>} : memref<1024xf32, #tpu.memory_space<vmem>>, vector<16xf32>,
      %get3A_760 = vector.shape_cast %get3A_759 : vector<16xf32> to vector<16xf32>
      %sub3A_761 = arith.subf %get3A_760, %broadcast_in_dim3A : vector<16xf32>
      %get3A_762 = arith.constant 240 : index
      %get3A_763 = tpu.vector_load %arg14[%get3A_762] {strides = array<i32>} : memref<1024xf32, #tpu.memory_space<vmem>>, vector<16xf32>,
      %get3A_764 = vector.shape_cast %get3A_763 : vector<16xf32> to vector<16xf32>
      %sub3A_765 = arith.subf %get3A_764, %broadcast_in_dim3A_49 : vector<16xf32>
      %get3A_766 = arith.constant 240 : index
      %get3A_767 = tpu.vector_load %arg15[%get3A_766] {strides = array<i32>} : memref<1024xf32, #tpu.memory_space<vmem>>, vector<16xf32>,
      %get3A_768 = vector.shape_cast %get3A_767 : vector<16xf32> to vector<16xf32>
      %sub3A_769 = arith.subf %get3A_768, %broadcast_in_dim3A_55 : vector<16xf32>
      %mul3A_770 = arith.mulf %sub3A_761, %sub3A_761 : vector<16xf32>
      %mul3A_771 = arith.mulf %sub3A_765, %sub3A_765 : vector<16xf32>
      %add3A_772 = arith.addf %mul3A_770, %mul3A_771 : vector<16xf32>
      %mul3A_773 = arith.mulf %sub3A_769, %sub3A_769 : vector<16xf32>
      %add3A_774 = arith.addf %add3A_772, %mul3A_773 : vector<16xf32>
      %min3A_775 = arith.minimumf %min3A_729, %add3A_774 : vector<16xf32>
      %get3A_776 = arith.constant 240 : index
      %get3A_777 = tpu.vector_load %arg10[%get3A_776] {strides = array<i32>} : memref<1040xf32, #tpu.memory_space<vmem>>, vector<16xf32>,
      %get3A_778 = vector.shape_cast %get3A_777 : vector<16xf32> to vector<16xf32>
      %sub3A_779 = arith.subf %get3A_778, %broadcast_in_dim3A : vector<16xf32>
      %get3A_780 = arith.constant 240 : index
      %get3A_781 = tpu.vector_load %arg11[%get3A_780] {strides = array<i32>} : memref<1040xf32, #tpu.memory_space<vmem>>, vector<16xf32>,
      %get3A_782 = vector.shape_cast %get3A_781 : vector<16xf32> to vector<16xf32>
      %sub3A_783 = arith.subf %get3A_782, %broadcast_in_dim3A_49 : vector<16xf32>
      %get3A_784 = arith.constant 240 : index
      %get3A_785 = tpu.vector_load %arg12[%get3A_784] {strides = array<i32>} : memref<1040xf32, #tpu.memory_space<vmem>>, vector<16xf32>,
      %get3A_786 = vector.shape_cast %get3A_785 : vector<16xf32> to vector<16xf32>
      %sub3A_787 = arith.subf %get3A_786, %broadcast_in_dim3A_55 : vector<16xf32>
      %mul3A_788 = arith.mulf %sub3A_779, %sub3A_779 : vector<16xf32>
      %mul3A_789 = arith.mulf %sub3A_783, %sub3A_783 : vector<16xf32>
      %add3A_790 = arith.addf %mul3A_788, %mul3A_789 : vector<16xf32>
      %mul3A_791 = arith.mulf %sub3A_787, %sub3A_787 : vector<16xf32>
      %add3A_792 = arith.addf %add3A_790, %mul3A_791 : vector<16xf32>
      %min3A_793 = arith.minimumf %min3A_747, %add3A_792 : vector<16xf32>
      %max3A_794 = arith.maximumf %min3A_747, %add3A_792 : vector<16xf32>
      %min3A_795 = arith.minimumf %min3A_749, %max3A_794 : vector<16xf32>
      %max3A_796 = arith.maximumf %min3A_749, %max3A_794 : vector<16xf32>
      %min3A_797 = arith.minimumf %min3A_751, %max3A_796 : vector<16xf32>
      %max3A_798 = arith.maximumf %min3A_751, %max3A_796 : vector<16xf32>
      %min3A_799 = arith.minimumf %min3A_753, %max3A_798 : vector<16xf32>
      %max3A_800 = arith.maximumf %min3A_753, %max3A_798 : vector<16xf32>
      %min3A_801 = arith.minimumf %min3A_755, %max3A_800 : vector<16xf32>
      %max3A_802 = arith.maximumf %min3A_755, %max3A_800 : vector<16xf32>
      %min3A_803 = arith.minimumf %min3A_757, %max3A_802 : vector<16xf32>
      %get3A_804 = arith.constant 256 : index
      %get3A_805 = tpu.vector_load %arg13[%get3A_804] {strides = array<i32>} : memref<1024xf32, #tpu.memory_space<vmem>>, vector<16xf32>,
      %get3A_806 = vector.shape_cast %get3A_805 : vector<16xf32> to vector<16xf32>
      %sub3A_807 = arith.subf %get3A_806, %broadcast_in_dim3A : vector<16xf32>
      %get3A_808 = arith.constant 256 : index
      %get3A_809 = tpu.vector_load %arg14[%get3A_808] {strides = array<i32>} : memref<1024xf32, #tpu.memory_space<vmem>>, vector<16xf32>,
      %get3A_810 = vector.shape_cast %get3A_809 : vector<16xf32> to vector<16xf32>
      %sub3A_811 = arith.subf %get3A_810, %broadcast_in_dim3A_49 : vector<16xf32>
      %get3A_812 = arith.constant 256 : index
      %get3A_813 = tpu.vector_load %arg15[%get3A_812] {strides = array<i32>} : memref<1024xf32, #tpu.memory_space<vmem>>, vector<16xf32>,
      %get3A_814 = vector.shape_cast %get3A_813 : vector<16xf32> to vector<16xf32>
      %sub3A_815 = arith.subf %get3A_814, %broadcast_in_dim3A_55 : vector<16xf32>
      %mul3A_816 = arith.mulf %sub3A_807, %sub3A_807 : vector<16xf32>
      %mul3A_817 = arith.mulf %sub3A_811, %sub3A_811 : vector<16xf32>
      %add3A_818 = arith.addf %mul3A_816, %mul3A_817 : vector<16xf32>
      %mul3A_819 = arith.mulf %sub3A_815, %sub3A_815 : vector<16xf32>
      %add3A_820 = arith.addf %add3A_818, %mul3A_819 : vector<16xf32>
      %min3A_821 = arith.minimumf %min3A_775, %add3A_820 : vector<16xf32>
      %get3A_822 = arith.constant 256 : index
      %get3A_823 = tpu.vector_load %arg10[%get3A_822] {strides = array<i32>} : memref<1040xf32, #tpu.memory_space<vmem>>, vector<16xf32>,
      %get3A_824 = vector.shape_cast %get3A_823 : vector<16xf32> to vector<16xf32>
      %sub3A_825 = arith.subf %get3A_824, %broadcast_in_dim3A : vector<16xf32>
      %get3A_826 = arith.constant 256 : index
      %get3A_827 = tpu.vector_load %arg11[%get3A_826] {strides = array<i32>} : memref<1040xf32, #tpu.memory_space<vmem>>, vector<16xf32>,
      %get3A_828 = vector.shape_cast %get3A_827 : vector<16xf32> to vector<16xf32>
      %sub3A_829 = arith.subf %get3A_828, %broadcast_in_dim3A_49 : vector<16xf32>
      %get3A_830 = arith.constant 256 : index
      %get3A_831 = tpu.vector_load %arg12[%get3A_830] {strides = array<i32>} : memref<1040xf32, #tpu.memory_space<vmem>>, vector<16xf32>,
      %get3A_832 = vector.shape_cast %get3A_831 : vector<16xf32> to vector<16xf32>
      %sub3A_833 = arith.subf %get3A_832, %broadcast_in_dim3A_55 : vector<16xf32>
      %mul3A_834 = arith.mulf %sub3A_825, %sub3A_825 : vector<16xf32>
      %mul3A_835 = arith.mulf %sub3A_829, %sub3A_829 : vector<16xf32>
      %add3A_836 = arith.addf %mul3A_834, %mul3A_835 : vector<16xf32>
      %mul3A_837 = arith.mulf %sub3A_833, %sub3A_833 : vector<16xf32>
      %add3A_838 = arith.addf %add3A_836, %mul3A_837 : vector<16xf32>
      %min3A_839 = arith.minimumf %min3A_793, %add3A_838 : vector<16xf32>
      %max3A_840 = arith.maximumf %min3A_793, %add3A_838 : vector<16xf32>
      %min3A_841 = arith.minimumf %min3A_795, %max3A_840 : vector<16xf32>
      %max3A_842 = arith.maximumf %min3A_795, %max3A_840 : vector<16xf32>
      %min3A_843 = arith.minimumf %min3A_797, %max3A_842 : vector<16xf32>
      %max3A_844 = arith.maximumf %min3A_797, %max3A_842 : vector<16xf32>
      %min3A_845 = arith.minimumf %min3A_799, %max3A_844 : vector<16xf32>
      %max3A_846 = arith.maximumf %min3A_799, %max3A_844 : vector<16xf32>
      %min3A_847 = arith.minimumf %min3A_801, %max3A_846 : vector<16xf32>
      %max3A_848 = arith.maximumf %min3A_801, %max3A_846 : vector<16xf32>
      %min3A_849 = arith.minimumf %min3A_803, %max3A_848 : vector<16xf32>
      %get3A_850 = arith.constant 272 : index
      %get3A_851 = tpu.vector_load %arg13[%get3A_850] {strides = array<i32>} : memref<1024xf32, #tpu.memory_space<vmem>>, vector<16xf32>,
      %get3A_852 = vector.shape_cast %get3A_851 : vector<16xf32> to vector<16xf32>
      %sub3A_853 = arith.subf %get3A_852, %broadcast_in_dim3A : vector<16xf32>
      %get3A_854 = arith.constant 272 : index
      %get3A_855 = tpu.vector_load %arg14[%get3A_854] {strides = array<i32>} : memref<1024xf32, #tpu.memory_space<vmem>>, vector<16xf32>,
      %get3A_856 = vector.shape_cast %get3A_855 : vector<16xf32> to vector<16xf32>
      %sub3A_857 = arith.subf %get3A_856, %broadcast_in_dim3A_49 : vector<16xf32>
      %get3A_858 = arith.constant 272 : index
      %get3A_859 = tpu.vector_load %arg15[%get3A_858] {strides = array<i32>} : memref<1024xf32, #tpu.memory_space<vmem>>, vector<16xf32>,
      %get3A_860 = vector.shape_cast %get3A_859 : vector<16xf32> to vector<16xf32>
      %sub3A_861 = arith.subf %get3A_860, %broadcast_in_dim3A_55 : vector<16xf32>
      %mul3A_862 = arith.mulf %sub3A_853, %sub3A_853 : vector<16xf32>
      %mul3A_863 = arith.mulf %sub3A_857, %sub3A_857 : vector<16xf32>
      %add3A_864 = arith.addf %mul3A_862, %mul3A_863 : vector<16xf32>
      %mul3A_865 = arith.mulf %sub3A_861, %sub3A_861 : vector<16xf32>
      %add3A_866 = arith.addf %add3A_864, %mul3A_865 : vector<16xf32>
      %min3A_867 = arith.minimumf %min3A_821, %add3A_866 : vector<16xf32>
      %get3A_868 = arith.constant 272 : index
      %get3A_869 = tpu.vector_load %arg10[%get3A_868] {strides = array<i32>} : memref<1040xf32, #tpu.memory_space<vmem>>, vector<16xf32>,
      %get3A_870 = vector.shape_cast %get3A_869 : vector<16xf32> to vector<16xf32>
      %sub3A_871 = arith.subf %get3A_870, %broadcast_in_dim3A : vector<16xf32>
      %get3A_872 = arith.constant 272 : index
      %get3A_873 = tpu.vector_load %arg11[%get3A_872] {strides = array<i32>} : memref<1040xf32, #tpu.memory_space<vmem>>, vector<16xf32>,
      %get3A_874 = vector.shape_cast %get3A_873 : vector<16xf32> to vector<16xf32>
      %sub3A_875 = arith.subf %get3A_874, %broadcast_in_dim3A_49 : vector<16xf32>
      %get3A_876 = arith.constant 272 : index
      %get3A_877 = tpu.vector_load %arg12[%get3A_876] {strides = array<i32>} : memref<1040xf32, #tpu.memory_space<vmem>>, vector<16xf32>,
      %get3A_878 = vector.shape_cast %get3A_877 : vector<16xf32> to vector<16xf32>
      %sub3A_879 = arith.subf %get3A_878, %broadcast_in_dim3A_55 : vector<16xf32>
      %mul3A_880 = arith.mulf %sub3A_871, %sub3A_871 : vector<16xf32>
      %mul3A_881 = arith.mulf %sub3A_875, %sub3A_875 : vector<16xf32>
      %add3A_882 = arith.addf %mul3A_880, %mul3A_881 : vector<16xf32>
      %mul3A_883 = arith.mulf %sub3A_879, %sub3A_879 : vector<16xf32>
      %add3A_884 = arith.addf %add3A_882, %mul3A_883 : vector<16xf32>
      %min3A_885 = arith.minimumf %min3A_839, %add3A_884 : vector<16xf32>
      %max3A_886 = arith.maximumf %min3A_839, %add3A_884 : vector<16xf32>
      %min3A_887 = arith.minimumf %min3A_841, %max3A_886 : vector<16xf32>
      %max3A_888 = arith.maximumf %min3A_841, %max3A_886 : vector<16xf32>
      %min3A_889 = arith.minimumf %min3A_843, %max3A_888 : vector<16xf32>
      %max3A_890 = arith.maximumf %min3A_843, %max3A_888 : vector<16xf32>
      %min3A_891 = arith.minimumf %min3A_845, %max3A_890 : vector<16xf32>
      %max3A_892 = arith.maximumf %min3A_845, %max3A_890 : vector<16xf32>
      %min3A_893 = arith.minimumf %min3A_847, %max3A_892 : vector<16xf32>
      %max3A_894 = arith.maximumf %min3A_847, %max3A_892 : vector<16xf32>
      %min3A_895 = arith.minimumf %min3A_849, %max3A_894 : vector<16xf32>
      %get3A_896 = arith.constant 288 : index
      %get3A_897 = tpu.vector_load %arg13[%get3A_896] {strides = array<i32>} : memref<1024xf32, #tpu.memory_space<vmem>>, vector<16xf32>,
      %get3A_898 = vector.shape_cast %get3A_897 : vector<16xf32> to vector<16xf32>
      %sub3A_899 = arith.subf %get3A_898, %broadcast_in_dim3A : vector<16xf32>
      %get3A_900 = arith.constant 288 : index
      %get3A_901 = tpu.vector_load %arg14[%get3A_900] {strides = array<i32>} : memref<1024xf32, #tpu.memory_space<vmem>>, vector<16xf32>,
      %get3A_902 = vector.shape_cast %get3A_901 : vector<16xf32> to vector<16xf32>
      %sub3A_903 = arith.subf %get3A_902, %broadcast_in_dim3A_49 : vector<16xf32>
      %get3A_904 = arith.constant 288 : index
      %get3A_905 = tpu.vector_load %arg15[%get3A_904] {strides = array<i32>} : memref<1024xf32, #tpu.memory_space<vmem>>, vector<16xf32>,
      %get3A_906 = vector.shape_cast %get3A_905 : vector<16xf32> to vector<16xf32>
      %sub3A_907 = arith.subf %get3A_906, %broadcast_in_dim3A_55 : vector<16xf32>
      %mul3A_908 = arith.mulf %sub3A_899, %sub3A_899 : vector<16xf32>
      %mul3A_909 = arith.mulf %sub3A_903, %sub3A_903 : vector<16xf32>
      %add3A_910 = arith.addf %mul3A_908, %mul3A_909 : vector<16xf32>
      %mul3A_911 = arith.mulf %sub3A_907, %sub3A_907 : vector<16xf32>
      %add3A_912 = arith.addf %add3A_910, %mul3A_911 : vector<16xf32>
      %min3A_913 = arith.minimumf %min3A_867, %add3A_912 : vector<16xf32>
      %get3A_914 = arith.constant 288 : index
      %get3A_915 = tpu.vector_load %arg10[%get3A_914] {strides = array<i32>} : memref<1040xf32, #tpu.memory_space<vmem>>, vector<16xf32>,
      %get3A_916 = vector.shape_cast %get3A_915 : vector<16xf32> to vector<16xf32>
      %sub3A_917 = arith.subf %get3A_916, %broadcast_in_dim3A : vector<16xf32>
      %get3A_918 = arith.constant 288 : index
      %get3A_919 = tpu.vector_load %arg11[%get3A_918] {strides = array<i32>} : memref<1040xf32, #tpu.memory_space<vmem>>, vector<16xf32>,
      %get3A_920 = vector.shape_cast %get3A_919 : vector<16xf32> to vector<16xf32>
      %sub3A_921 = arith.subf %get3A_920, %broadcast_in_dim3A_49 : vector<16xf32>
      %get3A_922 = arith.constant 288 : index
      %get3A_923 = tpu.vector_load %arg12[%get3A_922] {strides = array<i32>} : memref<1040xf32, #tpu.memory_space<vmem>>, vector<16xf32>,
      %get3A_924 = vector.shape_cast %get3A_923 : vector<16xf32> to vector<16xf32>
      %sub3A_925 = arith.subf %get3A_924, %broadcast_in_dim3A_55 : vector<16xf32>
      %mul3A_926 = arith.mulf %sub3A_917, %sub3A_917 : vector<16xf32>
      %mul3A_927 = arith.mulf %sub3A_921, %sub3A_921 : vector<16xf32>
      %add3A_928 = arith.addf %mul3A_926, %mul3A_927 : vector<16xf32>
      %mul3A_929 = arith.mulf %sub3A_925, %sub3A_925 : vector<16xf32>
      %add3A_930 = arith.addf %add3A_928, %mul3A_929 : vector<16xf32>
      %min3A_931 = arith.minimumf %min3A_885, %add3A_930 : vector<16xf32>
      %max3A_932 = arith.maximumf %min3A_885, %add3A_930 : vector<16xf32>
      %min3A_933 = arith.minimumf %min3A_887, %max3A_932 : vector<16xf32>
      %max3A_934 = arith.maximumf %min3A_887, %max3A_932 : vector<16xf32>
      %min3A_935 = arith.minimumf %min3A_889, %max3A_934 : vector<16xf32>
      %max3A_936 = arith.maximumf %min3A_889, %max3A_934 : vector<16xf32>
      %min3A_937 = arith.minimumf %min3A_891, %max3A_936 : vector<16xf32>
      %max3A_938 = arith.maximumf %min3A_891, %max3A_936 : vector<16xf32>
      %min3A_939 = arith.minimumf %min3A_893, %max3A_938 : vector<16xf32>
      %max3A_940 = arith.maximumf %min3A_893, %max3A_938 : vector<16xf32>
      %min3A_941 = arith.minimumf %min3A_895, %max3A_940 : vector<16xf32>
      %get3A_942 = arith.constant 304 : index
      %get3A_943 = tpu.vector_load %arg13[%get3A_942] {strides = array<i32>} : memref<1024xf32, #tpu.memory_space<vmem>>, vector<16xf32>,
      %get3A_944 = vector.shape_cast %get3A_943 : vector<16xf32> to vector<16xf32>
      %sub3A_945 = arith.subf %get3A_944, %broadcast_in_dim3A : vector<16xf32>
      %get3A_946 = arith.constant 304 : index
      %get3A_947 = tpu.vector_load %arg14[%get3A_946] {strides = array<i32>} : memref<1024xf32, #tpu.memory_space<vmem>>, vector<16xf32>,
      %get3A_948 = vector.shape_cast %get3A_947 : vector<16xf32> to vector<16xf32>
      %sub3A_949 = arith.subf %get3A_948, %broadcast_in_dim3A_49 : vector<16xf32>
      %get3A_950 = arith.constant 304 : index
      %get3A_951 = tpu.vector_load %arg15[%get3A_950] {strides = array<i32>} : memref<1024xf32, #tpu.memory_space<vmem>>, vector<16xf32>,
      %get3A_952 = vector.shape_cast %get3A_951 : vector<16xf32> to vector<16xf32>
      %sub3A_953 = arith.subf %get3A_952, %broadcast_in_dim3A_55 : vector<16xf32>
      %mul3A_954 = arith.mulf %sub3A_945, %sub3A_945 : vector<16xf32>
      %mul3A_955 = arith.mulf %sub3A_949, %sub3A_949 : vector<16xf32>
      %add3A_956 = arith.addf %mul3A_954, %mul3A_955 : vector<16xf32>
      %mul3A_957 = arith.mulf %sub3A_953, %sub3A_953 : vector<16xf32>
      %add3A_958 = arith.addf %add3A_956, %mul3A_957 : vector<16xf32>
      %min3A_959 = arith.minimumf %min3A_913, %add3A_958 : vector<16xf32>
      %get3A_960 = arith.constant 304 : index
      %get3A_961 = tpu.vector_load %arg10[%get3A_960] {strides = array<i32>} : memref<1040xf32, #tpu.memory_space<vmem>>, vector<16xf32>,
      %get3A_962 = vector.shape_cast %get3A_961 : vector<16xf32> to vector<16xf32>
      %sub3A_963 = arith.subf %get3A_962, %broadcast_in_dim3A : vector<16xf32>
      %get3A_964 = arith.constant 304 : index
      %get3A_965 = tpu.vector_load %arg11[%get3A_964] {strides = array<i32>} : memref<1040xf32, #tpu.memory_space<vmem>>, vector<16xf32>,
      %get3A_966 = vector.shape_cast %get3A_965 : vector<16xf32> to vector<16xf32>
      %sub3A_967 = arith.subf %get3A_966, %broadcast_in_dim3A_49 : vector<16xf32>
      %get3A_968 = arith.constant 304 : index
      %get3A_969 = tpu.vector_load %arg12[%get3A_968] {strides = array<i32>} : memref<1040xf32, #tpu.memory_space<vmem>>, vector<16xf32>,
      %get3A_970 = vector.shape_cast %get3A_969 : vector<16xf32> to vector<16xf32>
      %sub3A_971 = arith.subf %get3A_970, %broadcast_in_dim3A_55 : vector<16xf32>
      %mul3A_972 = arith.mulf %sub3A_963, %sub3A_963 : vector<16xf32>
      %mul3A_973 = arith.mulf %sub3A_967, %sub3A_967 : vector<16xf32>
      %add3A_974 = arith.addf %mul3A_972, %mul3A_973 : vector<16xf32>
      %mul3A_975 = arith.mulf %sub3A_971, %sub3A_971 : vector<16xf32>
      %add3A_976 = arith.addf %add3A_974, %mul3A_975 : vector<16xf32>
      %min3A_977 = arith.minimumf %min3A_931, %add3A_976 : vector<16xf32>
      %max3A_978 = arith.maximumf %min3A_931, %add3A_976 : vector<16xf32>
      %min3A_979 = arith.minimumf %min3A_933, %max3A_978 : vector<16xf32>
      %max3A_980 = arith.maximumf %min3A_933, %max3A_978 : vector<16xf32>
      %min3A_981 = arith.minimumf %min3A_935, %max3A_980 : vector<16xf32>
      %max3A_982 = arith.maximumf %min3A_935, %max3A_980 : vector<16xf32>
      %min3A_983 = arith.minimumf %min3A_937, %max3A_982 : vector<16xf32>
      %max3A_984 = arith.maximumf %min3A_937, %max3A_982 : vector<16xf32>
      %min3A_985 = arith.minimumf %min3A_939, %max3A_984 : vector<16xf32>
      %max3A_986 = arith.maximumf %min3A_939, %max3A_984 : vector<16xf32>
      %min3A_987 = arith.minimumf %min3A_941, %max3A_986 : vector<16xf32>
      %get3A_988 = arith.constant 320 : index
      %get3A_989 = tpu.vector_load %arg13[%get3A_988] {strides = array<i32>} : memref<1024xf32, #tpu.memory_space<vmem>>, vector<16xf32>,
      %get3A_990 = vector.shape_cast %get3A_989 : vector<16xf32> to vector<16xf32>
      %sub3A_991 = arith.subf %get3A_990, %broadcast_in_dim3A : vector<16xf32>
      %get3A_992 = arith.constant 320 : index
      %get3A_993 = tpu.vector_load %arg14[%get3A_992] {strides = array<i32>} : memref<1024xf32, #tpu.memory_space<vmem>>, vector<16xf32>,
      %get3A_994 = vector.shape_cast %get3A_993 : vector<16xf32> to vector<16xf32>
      %sub3A_995 = arith.subf %get3A_994, %broadcast_in_dim3A_49 : vector<16xf32>
      %get3A_996 = arith.constant 320 : index
      %get3A_997 = tpu.vector_load %arg15[%get3A_996] {strides = array<i32>} : memref<1024xf32, #tpu.memory_space<vmem>>, vector<16xf32>,
      %get3A_998 = vector.shape_cast %get3A_997 : vector<16xf32> to vector<16xf32>
      %sub3A_999 = arith.subf %get3A_998, %broadcast_in_dim3A_55 : vector<16xf32>
      %mul3A_1000 = arith.mulf %sub3A_991, %sub3A_991 : vector<16xf32>
      %mul3A_1001 = arith.mulf %sub3A_995, %sub3A_995 : vector<16xf32>
      %add3A_1002 = arith.addf %mul3A_1000, %mul3A_1001 : vector<16xf32>
      %mul3A_1003 = arith.mulf %sub3A_999, %sub3A_999 : vector<16xf32>
      %add3A_1004 = arith.addf %add3A_1002, %mul3A_1003 : vector<16xf32>
      %min3A_1005 = arith.minimumf %min3A_959, %add3A_1004 : vector<16xf32>
      %get3A_1006 = arith.constant 320 : index
      %get3A_1007 = tpu.vector_load %arg10[%get3A_1006] {strides = array<i32>} : memref<1040xf32, #tpu.memory_space<vmem>>, vector<16xf32>,
      %get3A_1008 = vector.shape_cast %get3A_1007 : vector<16xf32> to vector<16xf32>
      %sub3A_1009 = arith.subf %get3A_1008, %broadcast_in_dim3A : vector<16xf32>
      %get3A_1010 = arith.constant 320 : index
      %get3A_1011 = tpu.vector_load %arg11[%get3A_1010] {strides = array<i32>} : memref<1040xf32, #tpu.memory_space<vmem>>, vector<16xf32>,
      %get3A_1012 = vector.shape_cast %get3A_1011 : vector<16xf32> to vector<16xf32>
      %sub3A_1013 = arith.subf %get3A_1012, %broadcast_in_dim3A_49 : vector<16xf32>
      %get3A_1014 = arith.constant 320 : index
      %get3A_1015 = tpu.vector_load %arg12[%get3A_1014] {strides = array<i32>} : memref<1040xf32, #tpu.memory_space<vmem>>, vector<16xf32>,
      %get3A_1016 = vector.shape_cast %get3A_1015 : vector<16xf32> to vector<16xf32>
      %sub3A_1017 = arith.subf %get3A_1016, %broadcast_in_dim3A_55 : vector<16xf32>
      %mul3A_1018 = arith.mulf %sub3A_1009, %sub3A_1009 : vector<16xf32>
      %mul3A_1019 = arith.mulf %sub3A_1013, %sub3A_1013 : vector<16xf32>
      %add3A_1020 = arith.addf %mul3A_1018, %mul3A_1019 : vector<16xf32>
      %mul3A_1021 = arith.mulf %sub3A_1017, %sub3A_1017 : vector<16xf32>
      %add3A_1022 = arith.addf %add3A_1020, %mul3A_1021 : vector<16xf32>
      %min3A_1023 = arith.minimumf %min3A_977, %add3A_1022 : vector<16xf32>
      %max3A_1024 = arith.maximumf %min3A_977, %add3A_1022 : vector<16xf32>
      %min3A_1025 = arith.minimumf %min3A_979, %max3A_1024 : vector<16xf32>
      %max3A_1026 = arith.maximumf %min3A_979, %max3A_1024 : vector<16xf32>
      %min3A_1027 = arith.minimumf %min3A_981, %max3A_1026 : vector<16xf32>
      %max3A_1028 = arith.maximumf %min3A_981, %max3A_1026 : vector<16xf32>
      %min3A_1029 = arith.minimumf %min3A_983, %max3A_1028 : vector<16xf32>
      %max3A_1030 = arith.maximumf %min3A_983, %max3A_1028 : vector<16xf32>
      %min3A_1031 = arith.minimumf %min3A_985, %max3A_1030 : vector<16xf32>
      %max3A_1032 = arith.maximumf %min3A_985, %max3A_1030 : vector<16xf32>
      %min3A_1033 = arith.minimumf %min3A_987, %max3A_1032 : vector<16xf32>
      %get3A_1034 = arith.constant 336 : index
      %get3A_1035 = tpu.vector_load %arg13[%get3A_1034] {strides = array<i32>} : memref<1024xf32, #tpu.memory_space<vmem>>, vector<16xf32>,
      %get3A_1036 = vector.shape_cast %get3A_1035 : vector<16xf32> to vector<16xf32>
      %sub3A_1037 = arith.subf %get3A_1036, %broadcast_in_dim3A : vector<16xf32>
      %get3A_1038 = arith.constant 336 : index
      %get3A_1039 = tpu.vector_load %arg14[%get3A_1038] {strides = array<i32>} : memref<1024xf32, #tpu.memory_space<vmem>>, vector<16xf32>,
      %get3A_1040 = vector.shape_cast %get3A_1039 : vector<16xf32> to vector<16xf32>
      %sub3A_1041 = arith.subf %get3A_1040, %broadcast_in_dim3A_49 : vector<16xf32>
      %get3A_1042 = arith.constant 336 : index
      %get3A_1043 = tpu.vector_load %arg15[%get3A_1042] {strides = array<i32>} : memref<1024xf32, #tpu.memory_space<vmem>>, vector<16xf32>,
      %get3A_1044 = vector.shape_cast %get3A_1043 : vector<16xf32> to vector<16xf32>
      %sub3A_1045 = arith.subf %get3A_1044, %broadcast_in_dim3A_55 : vector<16xf32>
      %mul3A_1046 = arith.mulf %sub3A_1037, %sub3A_1037 : vector<16xf32>
      %mul3A_1047 = arith.mulf %sub3A_1041, %sub3A_1041 : vector<16xf32>
      %add3A_1048 = arith.addf %mul3A_1046, %mul3A_1047 : vector<16xf32>
      %mul3A_1049 = arith.mulf %sub3A_1045, %sub3A_1045 : vector<16xf32>
      %add3A_1050 = arith.addf %add3A_1048, %mul3A_1049 : vector<16xf32>
      %min3A_1051 = arith.minimumf %min3A_1005, %add3A_1050 : vector<16xf32>
      %get3A_1052 = arith.constant 336 : index
      %get3A_1053 = tpu.vector_load %arg10[%get3A_1052] {strides = array<i32>} : memref<1040xf32, #tpu.memory_space<vmem>>, vector<16xf32>,
      %get3A_1054 = vector.shape_cast %get3A_1053 : vector<16xf32> to vector<16xf32>
      %sub3A_1055 = arith.subf %get3A_1054, %broadcast_in_dim3A : vector<16xf32>
      %get3A_1056 = arith.constant 336 : index
      %get3A_1057 = tpu.vector_load %arg11[%get3A_1056] {strides = array<i32>} : memref<1040xf32, #tpu.memory_space<vmem>>, vector<16xf32>,
      %get3A_1058 = vector.shape_cast %get3A_1057 : vector<16xf32> to vector<16xf32>
      %sub3A_1059 = arith.subf %get3A_1058, %broadcast_in_dim3A_49 : vector<16xf32>
      %get3A_1060 = arith.constant 336 : index
      %get3A_1061 = tpu.vector_load %arg12[%get3A_1060] {strides = array<i32>} : memref<1040xf32, #tpu.memory_space<vmem>>, vector<16xf32>,
      %get3A_1062 = vector.shape_cast %get3A_1061 : vector<16xf32> to vector<16xf32>
      %sub3A_1063 = arith.subf %get3A_1062, %broadcast_in_dim3A_55 : vector<16xf32>
      %mul3A_1064 = arith.mulf %sub3A_1055, %sub3A_1055 : vector<16xf32>
      %mul3A_1065 = arith.mulf %sub3A_1059, %sub3A_1059 : vector<16xf32>
      %add3A_1066 = arith.addf %mul3A_1064, %mul3A_1065 : vector<16xf32>
      %mul3A_1067 = arith.mulf %sub3A_1063, %sub3A_1063 : vector<16xf32>
      %add3A_1068 = arith.addf %add3A_1066, %mul3A_1067 : vector<16xf32>
      %min3A_1069 = arith.minimumf %min3A_1023, %add3A_1068 : vector<16xf32>
      %max3A_1070 = arith.maximumf %min3A_1023, %add3A_1068 : vector<16xf32>
      %min3A_1071 = arith.minimumf %min3A_1025, %max3A_1070 : vector<16xf32>
      %max3A_1072 = arith.maximumf %min3A_1025, %max3A_1070 : vector<16xf32>
      %min3A_1073 = arith.minimumf %min3A_1027, %max3A_1072 : vector<16xf32>
      %max3A_1074 = arith.maximumf %min3A_1027, %max3A_1072 : vector<16xf32>
      %min3A_1075 = arith.minimumf %min3A_1029, %max3A_1074 : vector<16xf32>
      %max3A_1076 = arith.maximumf %min3A_1029, %max3A_1074 : vector<16xf32>
      %min3A_1077 = arith.minimumf %min3A_1031, %max3A_1076 : vector<16xf32>
      %max3A_1078 = arith.maximumf %min3A_1031, %max3A_1076 : vector<16xf32>
      %min3A_1079 = arith.minimumf %min3A_1033, %max3A_1078 : vector<16xf32>
      %get3A_1080 = arith.constant 352 : index
      %get3A_1081 = tpu.vector_load %arg13[%get3A_1080] {strides = array<i32>} : memref<1024xf32, #tpu.memory_space<vmem>>, vector<16xf32>,
      %get3A_1082 = vector.shape_cast %get3A_1081 : vector<16xf32> to vector<16xf32>
      %sub3A_1083 = arith.subf %get3A_1082, %broadcast_in_dim3A : vector<16xf32>
      %get3A_1084 = arith.constant 352 : index
      %get3A_1085 = tpu.vector_load %arg14[%get3A_1084] {strides = array<i32>} : memref<1024xf32, #tpu.memory_space<vmem>>, vector<16xf32>,
      %get3A_1086 = vector.shape_cast %get3A_1085 : vector<16xf32> to vector<16xf32>
      %sub3A_1087 = arith.subf %get3A_1086, %broadcast_in_dim3A_49 : vector<16xf32>
      %get3A_1088 = arith.constant 352 : index
      %get3A_1089 = tpu.vector_load %arg15[%get3A_1088] {strides = array<i32>} : memref<1024xf32, #tpu.memory_space<vmem>>, vector<16xf32>,
      %get3A_1090 = vector.shape_cast %get3A_1089 : vector<16xf32> to vector<16xf32>
      %sub3A_1091 = arith.subf %get3A_1090, %broadcast_in_dim3A_55 : vector<16xf32>
      %mul3A_1092 = arith.mulf %sub3A_1083, %sub3A_1083 : vector<16xf32>
      %mul3A_1093 = arith.mulf %sub3A_1087, %sub3A_1087 : vector<16xf32>
      %add3A_1094 = arith.addf %mul3A_1092, %mul3A_1093 : vector<16xf32>
      %mul3A_1095 = arith.mulf %sub3A_1091, %sub3A_1091 : vector<16xf32>
      %add3A_1096 = arith.addf %add3A_1094, %mul3A_1095 : vector<16xf32>
      %min3A_1097 = arith.minimumf %min3A_1051, %add3A_1096 : vector<16xf32>
      %get3A_1098 = arith.constant 352 : index
      %get3A_1099 = tpu.vector_load %arg10[%get3A_1098] {strides = array<i32>} : memref<1040xf32, #tpu.memory_space<vmem>>, vector<16xf32>,
      %get3A_1100 = vector.shape_cast %get3A_1099 : vector<16xf32> to vector<16xf32>
      %sub3A_1101 = arith.subf %get3A_1100, %broadcast_in_dim3A : vector<16xf32>
      %get3A_1102 = arith.constant 352 : index
      %get3A_1103 = tpu.vector_load %arg11[%get3A_1102] {strides = array<i32>} : memref<1040xf32, #tpu.memory_space<vmem>>, vector<16xf32>,
      %get3A_1104 = vector.shape_cast %get3A_1103 : vector<16xf32> to vector<16xf32>
      %sub3A_1105 = arith.subf %get3A_1104, %broadcast_in_dim3A_49 : vector<16xf32>
      %get3A_1106 = arith.constant 352 : index
      %get3A_1107 = tpu.vector_load %arg12[%get3A_1106] {strides = array<i32>} : memref<1040xf32, #tpu.memory_space<vmem>>, vector<16xf32>,
      %get3A_1108 = vector.shape_cast %get3A_1107 : vector<16xf32> to vector<16xf32>
      %sub3A_1109 = arith.subf %get3A_1108, %broadcast_in_dim3A_55 : vector<16xf32>
      %mul3A_1110 = arith.mulf %sub3A_1101, %sub3A_1101 : vector<16xf32>
      %mul3A_1111 = arith.mulf %sub3A_1105, %sub3A_1105 : vector<16xf32>
      %add3A_1112 = arith.addf %mul3A_1110, %mul3A_1111 : vector<16xf32>
      %mul3A_1113 = arith.mulf %sub3A_1109, %sub3A_1109 : vector<16xf32>
      %add3A_1114 = arith.addf %add3A_1112, %mul3A_1113 : vector<16xf32>
      %min3A_1115 = arith.minimumf %min3A_1069, %add3A_1114 : vector<16xf32>
      %max3A_1116 = arith.maximumf %min3A_1069, %add3A_1114 : vector<16xf32>
      %min3A_1117 = arith.minimumf %min3A_1071, %max3A_1116 : vector<16xf32>
      %max3A_1118 = arith.maximumf %min3A_1071, %max3A_1116 : vector<16xf32>
      %min3A_1119 = arith.minimumf %min3A_1073, %max3A_1118 : vector<16xf32>
      %max3A_1120 = arith.maximumf %min3A_1073, %max3A_1118 : vector<16xf32>
      %min3A_1121 = arith.minimumf %min3A_1075, %max3A_1120 : vector<16xf32>
      %max3A_1122 = arith.maximumf %min3A_1075, %max3A_1120 : vector<16xf32>
      %min3A_1123 = arith.minimumf %min3A_1077, %max3A_1122 : vector<16xf32>
      %max3A_1124 = arith.maximumf %min3A_1077, %max3A_1122 : vector<16xf32>
      %min3A_1125 = arith.minimumf %min3A_1079, %max3A_1124 : vector<16xf32>
      %get3A_1126 = arith.constant 368 : index
      %get3A_1127 = tpu.vector_load %arg13[%get3A_1126] {strides = array<i32>} : memref<1024xf32, #tpu.memory_space<vmem>>, vector<16xf32>,
      %get3A_1128 = vector.shape_cast %get3A_1127 : vector<16xf32> to vector<16xf32>
      %sub3A_1129 = arith.subf %get3A_1128, %broadcast_in_dim3A : vector<16xf32>
      %get3A_1130 = arith.constant 368 : index
      %get3A_1131 = tpu.vector_load %arg14[%get3A_1130] {strides = array<i32>} : memref<1024xf32, #tpu.memory_space<vmem>>, vector<16xf32>,
      %get3A_1132 = vector.shape_cast %get3A_1131 : vector<16xf32> to vector<16xf32>
      %sub3A_1133 = arith.subf %get3A_1132, %broadcast_in_dim3A_49 : vector<16xf32>
      %get3A_1134 = arith.constant 368 : index
      %get3A_1135 = tpu.vector_load %arg15[%get3A_1134] {strides = array<i32>} : memref<1024xf32, #tpu.memory_space<vmem>>, vector<16xf32>,
      %get3A_1136 = vector.shape_cast %get3A_1135 : vector<16xf32> to vector<16xf32>
      %sub3A_1137 = arith.subf %get3A_1136, %broadcast_in_dim3A_55 : vector<16xf32>
      %mul3A_1138 = arith.mulf %sub3A_1129, %sub3A_1129 : vector<16xf32>
      %mul3A_1139 = arith.mulf %sub3A_1133, %sub3A_1133 : vector<16xf32>
      %add3A_1140 = arith.addf %mul3A_1138, %mul3A_1139 : vector<16xf32>
      %mul3A_1141 = arith.mulf %sub3A_1137, %sub3A_1137 : vector<16xf32>
      %add3A_1142 = arith.addf %add3A_1140, %mul3A_1141 : vector<16xf32>
      %min3A_1143 = arith.minimumf %min3A_1097, %add3A_1142 : vector<16xf32>
      %get3A_1144 = arith.constant 368 : index
      %get3A_1145 = tpu.vector_load %arg10[%get3A_1144] {strides = array<i32>} : memref<1040xf32, #tpu.memory_space<vmem>>, vector<16xf32>,
      %get3A_1146 = vector.shape_cast %get3A_1145 : vector<16xf32> to vector<16xf32>
      %sub3A_1147 = arith.subf %get3A_1146, %broadcast_in_dim3A : vector<16xf32>
      %get3A_1148 = arith.constant 368 : index
      %get3A_1149 = tpu.vector_load %arg11[%get3A_1148] {strides = array<i32>} : memref<1040xf32, #tpu.memory_space<vmem>>, vector<16xf32>,
      %get3A_1150 = vector.shape_cast %get3A_1149 : vector<16xf32> to vector<16xf32>
      %sub3A_1151 = arith.subf %get3A_1150, %broadcast_in_dim3A_49 : vector<16xf32>
      %get3A_1152 = arith.constant 368 : index
      %get3A_1153 = tpu.vector_load %arg12[%get3A_1152] {strides = array<i32>} : memref<1040xf32, #tpu.memory_space<vmem>>, vector<16xf32>,
      %get3A_1154 = vector.shape_cast %get3A_1153 : vector<16xf32> to vector<16xf32>
      %sub3A_1155 = arith.subf %get3A_1154, %broadcast_in_dim3A_55 : vector<16xf32>
      %mul3A_1156 = arith.mulf %sub3A_1147, %sub3A_1147 : vector<16xf32>
      %mul3A_1157 = arith.mulf %sub3A_1151, %sub3A_1151 : vector<16xf32>
      %add3A_1158 = arith.addf %mul3A_1156, %mul3A_1157 : vector<16xf32>
      %mul3A_1159 = arith.mulf %sub3A_1155, %sub3A_1155 : vector<16xf32>
      %add3A_1160 = arith.addf %add3A_1158, %mul3A_1159 : vector<16xf32>
      %min3A_1161 = arith.minimumf %min3A_1115, %add3A_1160 : vector<16xf32>
      %max3A_1162 = arith.maximumf %min3A_1115, %add3A_1160 : vector<16xf32>
      %min3A_1163 = arith.minimumf %min3A_1117, %max3A_1162 : vector<16xf32>
      %max3A_1164 = arith.maximumf %min3A_1117, %max3A_1162 : vector<16xf32>
      %min3A_1165 = arith.minimumf %min3A_1119, %max3A_1164 : vector<16xf32>
      %max3A_1166 = arith.maximumf %min3A_1119, %max3A_1164 : vector<16xf32>
      %min3A_1167 = arith.minimumf %min3A_1121, %max3A_1166 : vector<16xf32>
      %max3A_1168 = arith.maximumf %min3A_1121, %max3A_1166 : vector<16xf32>
      %min3A_1169 = arith.minimumf %min3A_1123, %max3A_1168 : vector<16xf32>
      %max3A_1170 = arith.maximumf %min3A_1123, %max3A_1168 : vector<16xf32>
      %min3A_1171 = arith.minimumf %min3A_1125, %max3A_1170 : vector<16xf32>
      %get3A_1172 = arith.constant 384 : index
      %get3A_1173 = tpu.vector_load %arg13[%get3A_1172] {strides = array<i32>} : memref<1024xf32, #tpu.memory_space<vmem>>, vector<16xf32>,
      %get3A_1174 = vector.shape_cast %get3A_1173 : vector<16xf32> to vector<16xf32>
      %sub3A_1175 = arith.subf %get3A_1174, %broadcast_in_dim3A : vector<16xf32>
      %get3A_1176 = arith.constant 384 : index
      %get3A_1177 = tpu.vector_load %arg14[%get3A_1176] {strides = array<i32>} : memref<1024xf32, #tpu.memory_space<vmem>>, vector<16xf32>,
      %get3A_1178 = vector.shape_cast %get3A_1177 : vector<16xf32> to vector<16xf32>
      %sub3A_1179 = arith.subf %get3A_1178, %broadcast_in_dim3A_49 : vector<16xf32>
      %get3A_1180 = arith.constant 384 : index
      %get3A_1181 = tpu.vector_load %arg15[%get3A_1180] {strides = array<i32>} : memref<1024xf32, #tpu.memory_space<vmem>>, vector<16xf32>,
      %get3A_1182 = vector.shape_cast %get3A_1181 : vector<16xf32> to vector<16xf32>
      %sub3A_1183 = arith.subf %get3A_1182, %broadcast_in_dim3A_55 : vector<16xf32>
      %mul3A_1184 = arith.mulf %sub3A_1175, %sub3A_1175 : vector<16xf32>
      %mul3A_1185 = arith.mulf %sub3A_1179, %sub3A_1179 : vector<16xf32>
      %add3A_1186 = arith.addf %mul3A_1184, %mul3A_1185 : vector<16xf32>
      %mul3A_1187 = arith.mulf %sub3A_1183, %sub3A_1183 : vector<16xf32>
      %add3A_1188 = arith.addf %add3A_1186, %mul3A_1187 : vector<16xf32>
      %min3A_1189 = arith.minimumf %min3A_1143, %add3A_1188 : vector<16xf32>
      %get3A_1190 = arith.constant 384 : index
      %get3A_1191 = tpu.vector_load %arg10[%get3A_1190] {strides = array<i32>} : memref<1040xf32, #tpu.memory_space<vmem>>, vector<16xf32>,
      %get3A_1192 = vector.shape_cast %get3A_1191 : vector<16xf32> to vector<16xf32>
      %sub3A_1193 = arith.subf %get3A_1192, %broadcast_in_dim3A : vector<16xf32>
      %get3A_1194 = arith.constant 384 : index
      %get3A_1195 = tpu.vector_load %arg11[%get3A_1194] {strides = array<i32>} : memref<1040xf32, #tpu.memory_space<vmem>>, vector<16xf32>,
      %get3A_1196 = vector.shape_cast %get3A_1195 : vector<16xf32> to vector<16xf32>
      %sub3A_1197 = arith.subf %get3A_1196, %broadcast_in_dim3A_49 : vector<16xf32>
      %get3A_1198 = arith.constant 384 : index
      %get3A_1199 = tpu.vector_load %arg12[%get3A_1198] {strides = array<i32>} : memref<1040xf32, #tpu.memory_space<vmem>>, vector<16xf32>,
      %get3A_1200 = vector.shape_cast %get3A_1199 : vector<16xf32> to vector<16xf32>
      %sub3A_1201 = arith.subf %get3A_1200, %broadcast_in_dim3A_55 : vector<16xf32>
      %mul3A_1202 = arith.mulf %sub3A_1193, %sub3A_1193 : vector<16xf32>
      %mul3A_1203 = arith.mulf %sub3A_1197, %sub3A_1197 : vector<16xf32>
      %add3A_1204 = arith.addf %mul3A_1202, %mul3A_1203 : vector<16xf32>
      %mul3A_1205 = arith.mulf %sub3A_1201, %sub3A_1201 : vector<16xf32>
      %add3A_1206 = arith.addf %add3A_1204, %mul3A_1205 : vector<16xf32>
      %min3A_1207 = arith.minimumf %min3A_1161, %add3A_1206 : vector<16xf32>
      %max3A_1208 = arith.maximumf %min3A_1161, %add3A_1206 : vector<16xf32>
      %min3A_1209 = arith.minimumf %min3A_1163, %max3A_1208 : vector<16xf32>
      %max3A_1210 = arith.maximumf %min3A_1163, %max3A_1208 : vector<16xf32>
      %min3A_1211 = arith.minimumf %min3A_1165, %max3A_1210 : vector<16xf32>
      %max3A_1212 = arith.maximumf %min3A_1165, %max3A_1210 : vector<16xf32>
      %min3A_1213 = arith.minimumf %min3A_1167, %max3A_1212 : vector<16xf32>
      %max3A_1214 = arith.maximumf %min3A_1167, %max3A_1212 : vector<16xf32>
      %min3A_1215 = arith.minimumf %min3A_1169, %max3A_1214 : vector<16xf32>
      %max3A_1216 = arith.maximumf %min3A_1169, %max3A_1214 : vector<16xf32>
      %min3A_1217 = arith.minimumf %min3A_1171, %max3A_1216 : vector<16xf32>
      %get3A_1218 = arith.constant 400 : index
      %get3A_1219 = tpu.vector_load %arg13[%get3A_1218] {strides = array<i32>} : memref<1024xf32, #tpu.memory_space<vmem>>, vector<16xf32>,
      %get3A_1220 = vector.shape_cast %get3A_1219 : vector<16xf32> to vector<16xf32>
      %sub3A_1221 = arith.subf %get3A_1220, %broadcast_in_dim3A : vector<16xf32>
      %get3A_1222 = arith.constant 400 : index
      %get3A_1223 = tpu.vector_load %arg14[%get3A_1222] {strides = array<i32>} : memref<1024xf32, #tpu.memory_space<vmem>>, vector<16xf32>,
      %get3A_1224 = vector.shape_cast %get3A_1223 : vector<16xf32> to vector<16xf32>
      %sub3A_1225 = arith.subf %get3A_1224, %broadcast_in_dim3A_49 : vector<16xf32>
      %get3A_1226 = arith.constant 400 : index
      %get3A_1227 = tpu.vector_load %arg15[%get3A_1226] {strides = array<i32>} : memref<1024xf32, #tpu.memory_space<vmem>>, vector<16xf32>,
      %get3A_1228 = vector.shape_cast %get3A_1227 : vector<16xf32> to vector<16xf32>
      %sub3A_1229 = arith.subf %get3A_1228, %broadcast_in_dim3A_55 : vector<16xf32>
      %mul3A_1230 = arith.mulf %sub3A_1221, %sub3A_1221 : vector<16xf32>
      %mul3A_1231 = arith.mulf %sub3A_1225, %sub3A_1225 : vector<16xf32>
      %add3A_1232 = arith.addf %mul3A_1230, %mul3A_1231 : vector<16xf32>
      %mul3A_1233 = arith.mulf %sub3A_1229, %sub3A_1229 : vector<16xf32>
      %add3A_1234 = arith.addf %add3A_1232, %mul3A_1233 : vector<16xf32>
      %min3A_1235 = arith.minimumf %min3A_1189, %add3A_1234 : vector<16xf32>
      %get3A_1236 = arith.constant 400 : index
      %get3A_1237 = tpu.vector_load %arg10[%get3A_1236] {strides = array<i32>} : memref<1040xf32, #tpu.memory_space<vmem>>, vector<16xf32>,
      %get3A_1238 = vector.shape_cast %get3A_1237 : vector<16xf32> to vector<16xf32>
      %sub3A_1239 = arith.subf %get3A_1238, %broadcast_in_dim3A : vector<16xf32>
      %get3A_1240 = arith.constant 400 : index
      %get3A_1241 = tpu.vector_load %arg11[%get3A_1240] {strides = array<i32>} : memref<1040xf32, #tpu.memory_space<vmem>>, vector<16xf32>,
      %get3A_1242 = vector.shape_cast %get3A_1241 : vector<16xf32> to vector<16xf32>
      %sub3A_1243 = arith.subf %get3A_1242, %broadcast_in_dim3A_49 : vector<16xf32>
      %get3A_1244 = arith.constant 400 : index
      %get3A_1245 = tpu.vector_load %arg12[%get3A_1244] {strides = array<i32>} : memref<1040xf32, #tpu.memory_space<vmem>>, vector<16xf32>,
      %get3A_1246 = vector.shape_cast %get3A_1245 : vector<16xf32> to vector<16xf32>
      %sub3A_1247 = arith.subf %get3A_1246, %broadcast_in_dim3A_55 : vector<16xf32>
      %mul3A_1248 = arith.mulf %sub3A_1239, %sub3A_1239 : vector<16xf32>
      %mul3A_1249 = arith.mulf %sub3A_1243, %sub3A_1243 : vector<16xf32>
      %add3A_1250 = arith.addf %mul3A_1248, %mul3A_1249 : vector<16xf32>
      %mul3A_1251 = arith.mulf %sub3A_1247, %sub3A_1247 : vector<16xf32>
      %add3A_1252 = arith.addf %add3A_1250, %mul3A_1251 : vector<16xf32>
      %min3A_1253 = arith.minimumf %min3A_1207, %add3A_1252 : vector<16xf32>
      %max3A_1254 = arith.maximumf %min3A_1207, %add3A_1252 : vector<16xf32>
      %min3A_1255 = arith.minimumf %min3A_1209, %max3A_1254 : vector<16xf32>
      %max3A_1256 = arith.maximumf %min3A_1209, %max3A_1254 : vector<16xf32>
      %min3A_1257 = arith.minimumf %min3A_1211, %max3A_1256 : vector<16xf32>
      %max3A_1258 = arith.maximumf %min3A_1211, %max3A_1256 : vector<16xf32>
      %min3A_1259 = arith.minimumf %min3A_1213, %max3A_1258 : vector<16xf32>
      %max3A_1260 = arith.maximumf %min3A_1213, %max3A_1258 : vector<16xf32>
      %min3A_1261 = arith.minimumf %min3A_1215, %max3A_1260 : vector<16xf32>
      %max3A_1262 = arith.maximumf %min3A_1215, %max3A_1260 : vector<16xf32>
      %min3A_1263 = arith.minimumf %min3A_1217, %max3A_1262 : vector<16xf32>
      %get3A_1264 = arith.constant 416 : index
      %get3A_1265 = tpu.vector_load %arg13[%get3A_1264] {strides = array<i32>} : memref<1024xf32, #tpu.memory_space<vmem>>, vector<16xf32>,
      %get3A_1266 = vector.shape_cast %get3A_1265 : vector<16xf32> to vector<16xf32>
      %sub3A_1267 = arith.subf %get3A_1266, %broadcast_in_dim3A : vector<16xf32>
      %get3A_1268 = arith.constant 416 : index
      %get3A_1269 = tpu.vector_load %arg14[%get3A_1268] {strides = array<i32>} : memref<1024xf32, #tpu.memory_space<vmem>>, vector<16xf32>,
      %get3A_1270 = vector.shape_cast %get3A_1269 : vector<16xf32> to vector<16xf32>
      %sub3A_1271 = arith.subf %get3A_1270, %broadcast_in_dim3A_49 : vector<16xf32>
      %get3A_1272 = arith.constant 416 : index
      %get3A_1273 = tpu.vector_load %arg15[%get3A_1272] {strides = array<i32>} : memref<1024xf32, #tpu.memory_space<vmem>>, vector<16xf32>,
      %get3A_1274 = vector.shape_cast %get3A_1273 : vector<16xf32> to vector<16xf32>
      %sub3A_1275 = arith.subf %get3A_1274, %broadcast_in_dim3A_55 : vector<16xf32>
      %mul3A_1276 = arith.mulf %sub3A_1267, %sub3A_1267 : vector<16xf32>
      %mul3A_1277 = arith.mulf %sub3A_1271, %sub3A_1271 : vector<16xf32>
      %add3A_1278 = arith.addf %mul3A_1276, %mul3A_1277 : vector<16xf32>
      %mul3A_1279 = arith.mulf %sub3A_1275, %sub3A_1275 : vector<16xf32>
      %add3A_1280 = arith.addf %add3A_1278, %mul3A_1279 : vector<16xf32>
      %min3A_1281 = arith.minimumf %min3A_1235, %add3A_1280 : vector<16xf32>
      %get3A_1282 = arith.constant 416 : index
      %get3A_1283 = tpu.vector_load %arg10[%get3A_1282] {strides = array<i32>} : memref<1040xf32, #tpu.memory_space<vmem>>, vector<16xf32>,
      %get3A_1284 = vector.shape_cast %get3A_1283 : vector<16xf32> to vector<16xf32>
      %sub3A_1285 = arith.subf %get3A_1284, %broadcast_in_dim3A : vector<16xf32>
      %get3A_1286 = arith.constant 416 : index
      %get3A_1287 = tpu.vector_load %arg11[%get3A_1286] {strides = array<i32>} : memref<1040xf32, #tpu.memory_space<vmem>>, vector<16xf32>,
      %get3A_1288 = vector.shape_cast %get3A_1287 : vector<16xf32> to vector<16xf32>
      %sub3A_1289 = arith.subf %get3A_1288, %broadcast_in_dim3A_49 : vector<16xf32>
      %get3A_1290 = arith.constant 416 : index
      %get3A_1291 = tpu.vector_load %arg12[%get3A_1290] {strides = array<i32>} : memref<1040xf32, #tpu.memory_space<vmem>>, vector<16xf32>,
      %get3A_1292 = vector.shape_cast %get3A_1291 : vector<16xf32> to vector<16xf32>
      %sub3A_1293 = arith.subf %get3A_1292, %broadcast_in_dim3A_55 : vector<16xf32>
      %mul3A_1294 = arith.mulf %sub3A_1285, %sub3A_1285 : vector<16xf32>
      %mul3A_1295 = arith.mulf %sub3A_1289, %sub3A_1289 : vector<16xf32>
      %add3A_1296 = arith.addf %mul3A_1294, %mul3A_1295 : vector<16xf32>
      %mul3A_1297 = arith.mulf %sub3A_1293, %sub3A_1293 : vector<16xf32>
      %add3A_1298 = arith.addf %add3A_1296, %mul3A_1297 : vector<16xf32>
      %min3A_1299 = arith.minimumf %min3A_1253, %add3A_1298 : vector<16xf32>
      %max3A_1300 = arith.maximumf %min3A_1253, %add3A_1298 : vector<16xf32>
      %min3A_1301 = arith.minimumf %min3A_1255, %max3A_1300 : vector<16xf32>
      %max3A_1302 = arith.maximumf %min3A_1255, %max3A_1300 : vector<16xf32>
      %min3A_1303 = arith.minimumf %min3A_1257, %max3A_1302 : vector<16xf32>
      %max3A_1304 = arith.maximumf %min3A_1257, %max3A_1302 : vector<16xf32>
      %min3A_1305 = arith.minimumf %min3A_1259, %max3A_1304 : vector<16xf32>
      %max3A_1306 = arith.maximumf %min3A_1259, %max3A_1304 : vector<16xf32>
      %min3A_1307 = arith.minimumf %min3A_1261, %max3A_1306 : vector<16xf32>
      %max3A_1308 = arith.maximumf %min3A_1261, %max3A_1306 : vector<16xf32>
      %min3A_1309 = arith.minimumf %min3A_1263, %max3A_1308 : vector<16xf32>
      %get3A_1310 = arith.constant 432 : index
      %get3A_1311 = tpu.vector_load %arg13[%get3A_1310] {strides = array<i32>} : memref<1024xf32, #tpu.memory_space<vmem>>, vector<16xf32>,
      %get3A_1312 = vector.shape_cast %get3A_1311 : vector<16xf32> to vector<16xf32>
      %sub3A_1313 = arith.subf %get3A_1312, %broadcast_in_dim3A : vector<16xf32>
      %get3A_1314 = arith.constant 432 : index
      %get3A_1315 = tpu.vector_load %arg14[%get3A_1314] {strides = array<i32>} : memref<1024xf32, #tpu.memory_space<vmem>>, vector<16xf32>,
      %get3A_1316 = vector.shape_cast %get3A_1315 : vector<16xf32> to vector<16xf32>
      %sub3A_1317 = arith.subf %get3A_1316, %broadcast_in_dim3A_49 : vector<16xf32>
      %get3A_1318 = arith.constant 432 : index
      %get3A_1319 = tpu.vector_load %arg15[%get3A_1318] {strides = array<i32>} : memref<1024xf32, #tpu.memory_space<vmem>>, vector<16xf32>,
      %get3A_1320 = vector.shape_cast %get3A_1319 : vector<16xf32> to vector<16xf32>
      %sub3A_1321 = arith.subf %get3A_1320, %broadcast_in_dim3A_55 : vector<16xf32>
      %mul3A_1322 = arith.mulf %sub3A_1313, %sub3A_1313 : vector<16xf32>
      %mul3A_1323 = arith.mulf %sub3A_1317, %sub3A_1317 : vector<16xf32>
      %add3A_1324 = arith.addf %mul3A_1322, %mul3A_1323 : vector<16xf32>
      %mul3A_1325 = arith.mulf %sub3A_1321, %sub3A_1321 : vector<16xf32>
      %add3A_1326 = arith.addf %add3A_1324, %mul3A_1325 : vector<16xf32>
      %min3A_1327 = arith.minimumf %min3A_1281, %add3A_1326 : vector<16xf32>
      %get3A_1328 = arith.constant 432 : index
      %get3A_1329 = tpu.vector_load %arg10[%get3A_1328] {strides = array<i32>} : memref<1040xf32, #tpu.memory_space<vmem>>, vector<16xf32>,
      %get3A_1330 = vector.shape_cast %get3A_1329 : vector<16xf32> to vector<16xf32>
      %sub3A_1331 = arith.subf %get3A_1330, %broadcast_in_dim3A : vector<16xf32>
      %get3A_1332 = arith.constant 432 : index
      %get3A_1333 = tpu.vector_load %arg11[%get3A_1332] {strides = array<i32>} : memref<1040xf32, #tpu.memory_space<vmem>>, vector<16xf32>,
      %get3A_1334 = vector.shape_cast %get3A_1333 : vector<16xf32> to vector<16xf32>
      %sub3A_1335 = arith.subf %get3A_1334, %broadcast_in_dim3A_49 : vector<16xf32>
      %get3A_1336 = arith.constant 432 : index
      %get3A_1337 = tpu.vector_load %arg12[%get3A_1336] {strides = array<i32>} : memref<1040xf32, #tpu.memory_space<vmem>>, vector<16xf32>,
      %get3A_1338 = vector.shape_cast %get3A_1337 : vector<16xf32> to vector<16xf32>
      %sub3A_1339 = arith.subf %get3A_1338, %broadcast_in_dim3A_55 : vector<16xf32>
      %mul3A_1340 = arith.mulf %sub3A_1331, %sub3A_1331 : vector<16xf32>
      %mul3A_1341 = arith.mulf %sub3A_1335, %sub3A_1335 : vector<16xf32>
      %add3A_1342 = arith.addf %mul3A_1340, %mul3A_1341 : vector<16xf32>
      %mul3A_1343 = arith.mulf %sub3A_1339, %sub3A_1339 : vector<16xf32>
      %add3A_1344 = arith.addf %add3A_1342, %mul3A_1343 : vector<16xf32>
      %min3A_1345 = arith.minimumf %min3A_1299, %add3A_1344 : vector<16xf32>
      %max3A_1346 = arith.maximumf %min3A_1299, %add3A_1344 : vector<16xf32>
      %min3A_1347 = arith.minimumf %min3A_1301, %max3A_1346 : vector<16xf32>
      %max3A_1348 = arith.maximumf %min3A_1301, %max3A_1346 : vector<16xf32>
      %min3A_1349 = arith.minimumf %min3A_1303, %max3A_1348 : vector<16xf32>
      %max3A_1350 = arith.maximumf %min3A_1303, %max3A_1348 : vector<16xf32>
      %min3A_1351 = arith.minimumf %min3A_1305, %max3A_1350 : vector<16xf32>
      %max3A_1352 = arith.maximumf %min3A_1305, %max3A_1350 : vector<16xf32>
      %min3A_1353 = arith.minimumf %min3A_1307, %max3A_1352 : vector<16xf32>
      %max3A_1354 = arith.maximumf %min3A_1307, %max3A_1352 : vector<16xf32>
      %min3A_1355 = arith.minimumf %min3A_1309, %max3A_1354 : vector<16xf32>
      %get3A_1356 = arith.constant 448 : index
      %get3A_1357 = tpu.vector_load %arg13[%get3A_1356] {strides = array<i32>} : memref<1024xf32, #tpu.memory_space<vmem>>, vector<16xf32>,
      %get3A_1358 = vector.shape_cast %get3A_1357 : vector<16xf32> to vector<16xf32>
      %sub3A_1359 = arith.subf %get3A_1358, %broadcast_in_dim3A : vector<16xf32>
      %get3A_1360 = arith.constant 448 : index
      %get3A_1361 = tpu.vector_load %arg14[%get3A_1360] {strides = array<i32>} : memref<1024xf32, #tpu.memory_space<vmem>>, vector<16xf32>,
      %get3A_1362 = vector.shape_cast %get3A_1361 : vector<16xf32> to vector<16xf32>
      %sub3A_1363 = arith.subf %get3A_1362, %broadcast_in_dim3A_49 : vector<16xf32>
      %get3A_1364 = arith.constant 448 : index
      %get3A_1365 = tpu.vector_load %arg15[%get3A_1364] {strides = array<i32>} : memref<1024xf32, #tpu.memory_space<vmem>>, vector<16xf32>,
      %get3A_1366 = vector.shape_cast %get3A_1365 : vector<16xf32> to vector<16xf32>
      %sub3A_1367 = arith.subf %get3A_1366, %broadcast_in_dim3A_55 : vector<16xf32>
      %mul3A_1368 = arith.mulf %sub3A_1359, %sub3A_1359 : vector<16xf32>
      %mul3A_1369 = arith.mulf %sub3A_1363, %sub3A_1363 : vector<16xf32>
      %add3A_1370 = arith.addf %mul3A_1368, %mul3A_1369 : vector<16xf32>
      %mul3A_1371 = arith.mulf %sub3A_1367, %sub3A_1367 : vector<16xf32>
      %add3A_1372 = arith.addf %add3A_1370, %mul3A_1371 : vector<16xf32>
      %min3A_1373 = arith.minimumf %min3A_1327, %add3A_1372 : vector<16xf32>
      %get3A_1374 = arith.constant 448 : index
      %get3A_1375 = tpu.vector_load %arg10[%get3A_1374] {strides = array<i32>} : memref<1040xf32, #tpu.memory_space<vmem>>, vector<16xf32>,
      %get3A_1376 = vector.shape_cast %get3A_1375 : vector<16xf32> to vector<16xf32>
      %sub3A_1377 = arith.subf %get3A_1376, %broadcast_in_dim3A : vector<16xf32>
      %get3A_1378 = arith.constant 448 : index
      %get3A_1379 = tpu.vector_load %arg11[%get3A_1378] {strides = array<i32>} : memref<1040xf32, #tpu.memory_space<vmem>>, vector<16xf32>,
      %get3A_1380 = vector.shape_cast %get3A_1379 : vector<16xf32> to vector<16xf32>
      %sub3A_1381 = arith.subf %get3A_1380, %broadcast_in_dim3A_49 : vector<16xf32>
      %get3A_1382 = arith.constant 448 : index
      %get3A_1383 = tpu.vector_load %arg12[%get3A_1382] {strides = array<i32>} : memref<1040xf32, #tpu.memory_space<vmem>>, vector<16xf32>,
      %get3A_1384 = vector.shape_cast %get3A_1383 : vector<16xf32> to vector<16xf32>
      %sub3A_1385 = arith.subf %get3A_1384, %broadcast_in_dim3A_55 : vector<16xf32>
      %mul3A_1386 = arith.mulf %sub3A_1377, %sub3A_1377 : vector<16xf32>
      %mul3A_1387 = arith.mulf %sub3A_1381, %sub3A_1381 : vector<16xf32>
      %add3A_1388 = arith.addf %mul3A_1386, %mul3A_1387 : vector<16xf32>
      %mul3A_1389 = arith.mulf %sub3A_1385, %sub3A_1385 : vector<16xf32>
      %add3A_1390 = arith.addf %add3A_1388, %mul3A_1389 : vector<16xf32>
      %min3A_1391 = arith.minimumf %min3A_1345, %add3A_1390 : vector<16xf32>
      %max3A_1392 = arith.maximumf %min3A_1345, %add3A_1390 : vector<16xf32>
      %min3A_1393 = arith.minimumf %min3A_1347, %max3A_1392 : vector<16xf32>
      %max3A_1394 = arith.maximumf %min3A_1347, %max3A_1392 : vector<16xf32>
      %min3A_1395 = arith.minimumf %min3A_1349, %max3A_1394 : vector<16xf32>
      %max3A_1396 = arith.maximumf %min3A_1349, %max3A_1394 : vector<16xf32>
      %min3A_1397 = arith.minimumf %min3A_1351, %max3A_1396 : vector<16xf32>
      %max3A_1398 = arith.maximumf %min3A_1351, %max3A_1396 : vector<16xf32>
      %min3A_1399 = arith.minimumf %min3A_1353, %max3A_1398 : vector<16xf32>
      %max3A_1400 = arith.maximumf %min3A_1353, %max3A_1398 : vector<16xf32>
      %min3A_1401 = arith.minimumf %min3A_1355, %max3A_1400 : vector<16xf32>
      %get3A_1402 = arith.constant 464 : index
      %get3A_1403 = tpu.vector_load %arg13[%get3A_1402] {strides = array<i32>} : memref<1024xf32, #tpu.memory_space<vmem>>, vector<16xf32>,
      %get3A_1404 = vector.shape_cast %get3A_1403 : vector<16xf32> to vector<16xf32>
      %sub3A_1405 = arith.subf %get3A_1404, %broadcast_in_dim3A : vector<16xf32>
      %get3A_1406 = arith.constant 464 : index
      %get3A_1407 = tpu.vector_load %arg14[%get3A_1406] {strides = array<i32>} : memref<1024xf32, #tpu.memory_space<vmem>>, vector<16xf32>,
      %get3A_1408 = vector.shape_cast %get3A_1407 : vector<16xf32> to vector<16xf32>
      %sub3A_1409 = arith.subf %get3A_1408, %broadcast_in_dim3A_49 : vector<16xf32>
      %get3A_1410 = arith.constant 464 : index
      %get3A_1411 = tpu.vector_load %arg15[%get3A_1410] {strides = array<i32>} : memref<1024xf32, #tpu.memory_space<vmem>>, vector<16xf32>,
      %get3A_1412 = vector.shape_cast %get3A_1411 : vector<16xf32> to vector<16xf32>
      %sub3A_1413 = arith.subf %get3A_1412, %broadcast_in_dim3A_55 : vector<16xf32>
      %mul3A_1414 = arith.mulf %sub3A_1405, %sub3A_1405 : vector<16xf32>
      %mul3A_1415 = arith.mulf %sub3A_1409, %sub3A_1409 : vector<16xf32>
      %add3A_1416 = arith.addf %mul3A_1414, %mul3A_1415 : vector<16xf32>
      %mul3A_1417 = arith.mulf %sub3A_1413, %sub3A_1413 : vector<16xf32>
      %add3A_1418 = arith.addf %add3A_1416, %mul3A_1417 : vector<16xf32>
      %min3A_1419 = arith.minimumf %min3A_1373, %add3A_1418 : vector<16xf32>
      %get3A_1420 = arith.constant 464 : index
      %get3A_1421 = tpu.vector_load %arg10[%get3A_1420] {strides = array<i32>} : memref<1040xf32, #tpu.memory_space<vmem>>, vector<16xf32>,
      %get3A_1422 = vector.shape_cast %get3A_1421 : vector<16xf32> to vector<16xf32>
      %sub3A_1423 = arith.subf %get3A_1422, %broadcast_in_dim3A : vector<16xf32>
      %get3A_1424 = arith.constant 464 : index
      %get3A_1425 = tpu.vector_load %arg11[%get3A_1424] {strides = array<i32>} : memref<1040xf32, #tpu.memory_space<vmem>>, vector<16xf32>,
      %get3A_1426 = vector.shape_cast %get3A_1425 : vector<16xf32> to vector<16xf32>
      %sub3A_1427 = arith.subf %get3A_1426, %broadcast_in_dim3A_49 : vector<16xf32>
      %get3A_1428 = arith.constant 464 : index
      %get3A_1429 = tpu.vector_load %arg12[%get3A_1428] {strides = array<i32>} : memref<1040xf32, #tpu.memory_space<vmem>>, vector<16xf32>,
      %get3A_1430 = vector.shape_cast %get3A_1429 : vector<16xf32> to vector<16xf32>
      %sub3A_1431 = arith.subf %get3A_1430, %broadcast_in_dim3A_55 : vector<16xf32>
      %mul3A_1432 = arith.mulf %sub3A_1423, %sub3A_1423 : vector<16xf32>
      %mul3A_1433 = arith.mulf %sub3A_1427, %sub3A_1427 : vector<16xf32>
      %add3A_1434 = arith.addf %mul3A_1432, %mul3A_1433 : vector<16xf32>
      %mul3A_1435 = arith.mulf %sub3A_1431, %sub3A_1431 : vector<16xf32>
      %add3A_1436 = arith.addf %add3A_1434, %mul3A_1435 : vector<16xf32>
      %min3A_1437 = arith.minimumf %min3A_1391, %add3A_1436 : vector<16xf32>
      %max3A_1438 = arith.maximumf %min3A_1391, %add3A_1436 : vector<16xf32>
      %min3A_1439 = arith.minimumf %min3A_1393, %max3A_1438 : vector<16xf32>
      %max3A_1440 = arith.maximumf %min3A_1393, %max3A_1438 : vector<16xf32>
      %min3A_1441 = arith.minimumf %min3A_1395, %max3A_1440 : vector<16xf32>
      %max3A_1442 = arith.maximumf %min3A_1395, %max3A_1440 : vector<16xf32>
      %min3A_1443 = arith.minimumf %min3A_1397, %max3A_1442 : vector<16xf32>
      %max3A_1444 = arith.maximumf %min3A_1397, %max3A_1442 : vector<16xf32>
      %min3A_1445 = arith.minimumf %min3A_1399, %max3A_1444 : vector<16xf32>
      %max3A_1446 = arith.maximumf %min3A_1399, %max3A_1444 : vector<16xf32>
      %min3A_1447 = arith.minimumf %min3A_1401, %max3A_1446 : vector<16xf32>
      %get3A_1448 = arith.constant 480 : index
      %get3A_1449 = tpu.vector_load %arg13[%get3A_1448] {strides = array<i32>} : memref<1024xf32, #tpu.memory_space<vmem>>, vector<16xf32>,
      %get3A_1450 = vector.shape_cast %get3A_1449 : vector<16xf32> to vector<16xf32>
      %sub3A_1451 = arith.subf %get3A_1450, %broadcast_in_dim3A : vector<16xf32>
      %get3A_1452 = arith.constant 480 : index
      %get3A_1453 = tpu.vector_load %arg14[%get3A_1452] {strides = array<i32>} : memref<1024xf32, #tpu.memory_space<vmem>>, vector<16xf32>,
      %get3A_1454 = vector.shape_cast %get3A_1453 : vector<16xf32> to vector<16xf32>
      %sub3A_1455 = arith.subf %get3A_1454, %broadcast_in_dim3A_49 : vector<16xf32>
      %get3A_1456 = arith.constant 480 : index
      %get3A_1457 = tpu.vector_load %arg15[%get3A_1456] {strides = array<i32>} : memref<1024xf32, #tpu.memory_space<vmem>>, vector<16xf32>,
      %get3A_1458 = vector.shape_cast %get3A_1457 : vector<16xf32> to vector<16xf32>
      %sub3A_1459 = arith.subf %get3A_1458, %broadcast_in_dim3A_55 : vector<16xf32>
      %mul3A_1460 = arith.mulf %sub3A_1451, %sub3A_1451 : vector<16xf32>
      %mul3A_1461 = arith.mulf %sub3A_1455, %sub3A_1455 : vector<16xf32>
      %add3A_1462 = arith.addf %mul3A_1460, %mul3A_1461 : vector<16xf32>
      %mul3A_1463 = arith.mulf %sub3A_1459, %sub3A_1459 : vector<16xf32>
      %add3A_1464 = arith.addf %add3A_1462, %mul3A_1463 : vector<16xf32>
      %min3A_1465 = arith.minimumf %min3A_1419, %add3A_1464 : vector<16xf32>
      %get3A_1466 = arith.constant 480 : index
      %get3A_1467 = tpu.vector_load %arg10[%get3A_1466] {strides = array<i32>} : memref<1040xf32, #tpu.memory_space<vmem>>, vector<16xf32>,
      %get3A_1468 = vector.shape_cast %get3A_1467 : vector<16xf32> to vector<16xf32>
      %sub3A_1469 = arith.subf %get3A_1468, %broadcast_in_dim3A : vector<16xf32>
      %get3A_1470 = arith.constant 480 : index
      %get3A_1471 = tpu.vector_load %arg11[%get3A_1470] {strides = array<i32>} : memref<1040xf32, #tpu.memory_space<vmem>>, vector<16xf32>,
      %get3A_1472 = vector.shape_cast %get3A_1471 : vector<16xf32> to vector<16xf32>
      %sub3A_1473 = arith.subf %get3A_1472, %broadcast_in_dim3A_49 : vector<16xf32>
      %get3A_1474 = arith.constant 480 : index
      %get3A_1475 = tpu.vector_load %arg12[%get3A_1474] {strides = array<i32>} : memref<1040xf32, #tpu.memory_space<vmem>>, vector<16xf32>,
      %get3A_1476 = vector.shape_cast %get3A_1475 : vector<16xf32> to vector<16xf32>
      %sub3A_1477 = arith.subf %get3A_1476, %broadcast_in_dim3A_55 : vector<16xf32>
      %mul3A_1478 = arith.mulf %sub3A_1469, %sub3A_1469 : vector<16xf32>
      %mul3A_1479 = arith.mulf %sub3A_1473, %sub3A_1473 : vector<16xf32>
      %add3A_1480 = arith.addf %mul3A_1478, %mul3A_1479 : vector<16xf32>
      %mul3A_1481 = arith.mulf %sub3A_1477, %sub3A_1477 : vector<16xf32>
      %add3A_1482 = arith.addf %add3A_1480, %mul3A_1481 : vector<16xf32>
      %min3A_1483 = arith.minimumf %min3A_1437, %add3A_1482 : vector<16xf32>
      %max3A_1484 = arith.maximumf %min3A_1437, %add3A_1482 : vector<16xf32>
      %min3A_1485 = arith.minimumf %min3A_1439, %max3A_1484 : vector<16xf32>
      %max3A_1486 = arith.maximumf %min3A_1439, %max3A_1484 : vector<16xf32>
      %min3A_1487 = arith.minimumf %min3A_1441, %max3A_1486 : vector<16xf32>
      %max3A_1488 = arith.maximumf %min3A_1441, %max3A_1486 : vector<16xf32>
      %min3A_1489 = arith.minimumf %min3A_1443, %max3A_1488 : vector<16xf32>
      %max3A_1490 = arith.maximumf %min3A_1443, %max3A_1488 : vector<16xf32>
      %min3A_1491 = arith.minimumf %min3A_1445, %max3A_1490 : vector<16xf32>
      %max3A_1492 = arith.maximumf %min3A_1445, %max3A_1490 : vector<16xf32>
      %min3A_1493 = arith.minimumf %min3A_1447, %max3A_1492 : vector<16xf32>
      %get3A_1494 = arith.constant 496 : index
      %get3A_1495 = tpu.vector_load %arg13[%get3A_1494] {strides = array<i32>} : memref<1024xf32, #tpu.memory_space<vmem>>, vector<16xf32>,
      %get3A_1496 = vector.shape_cast %get3A_1495 : vector<16xf32> to vector<16xf32>
      %sub3A_1497 = arith.subf %get3A_1496, %broadcast_in_dim3A : vector<16xf32>
      %get3A_1498 = arith.constant 496 : index
      %get3A_1499 = tpu.vector_load %arg14[%get3A_1498] {strides = array<i32>} : memref<1024xf32, #tpu.memory_space<vmem>>, vector<16xf32>,
      %get3A_1500 = vector.shape_cast %get3A_1499 : vector<16xf32> to vector<16xf32>
      %sub3A_1501 = arith.subf %get3A_1500, %broadcast_in_dim3A_49 : vector<16xf32>
      %get3A_1502 = arith.constant 496 : index
      %get3A_1503 = tpu.vector_load %arg15[%get3A_1502] {strides = array<i32>} : memref<1024xf32, #tpu.memory_space<vmem>>, vector<16xf32>,
      %get3A_1504 = vector.shape_cast %get3A_1503 : vector<16xf32> to vector<16xf32>
      %sub3A_1505 = arith.subf %get3A_1504, %broadcast_in_dim3A_55 : vector<16xf32>
      %mul3A_1506 = arith.mulf %sub3A_1497, %sub3A_1497 : vector<16xf32>
      %mul3A_1507 = arith.mulf %sub3A_1501, %sub3A_1501 : vector<16xf32>
      %add3A_1508 = arith.addf %mul3A_1506, %mul3A_1507 : vector<16xf32>
      %mul3A_1509 = arith.mulf %sub3A_1505, %sub3A_1505 : vector<16xf32>
      %add3A_1510 = arith.addf %add3A_1508, %mul3A_1509 : vector<16xf32>
      %min3A_1511 = arith.minimumf %min3A_1465, %add3A_1510 : vector<16xf32>
      %get3A_1512 = arith.constant 496 : index
      %get3A_1513 = tpu.vector_load %arg10[%get3A_1512] {strides = array<i32>} : memref<1040xf32, #tpu.memory_space<vmem>>, vector<16xf32>,
      %get3A_1514 = vector.shape_cast %get3A_1513 : vector<16xf32> to vector<16xf32>
      %sub3A_1515 = arith.subf %get3A_1514, %broadcast_in_dim3A : vector<16xf32>
      %get3A_1516 = arith.constant 496 : index
      %get3A_1517 = tpu.vector_load %arg11[%get3A_1516] {strides = array<i32>} : memref<1040xf32, #tpu.memory_space<vmem>>, vector<16xf32>,
      %get3A_1518 = vector.shape_cast %get3A_1517 : vector<16xf32> to vector<16xf32>
      %sub3A_1519 = arith.subf %get3A_1518, %broadcast_in_dim3A_49 : vector<16xf32>
      %get3A_1520 = arith.constant 496 : index
      %get3A_1521 = tpu.vector_load %arg12[%get3A_1520] {strides = array<i32>} : memref<1040xf32, #tpu.memory_space<vmem>>, vector<16xf32>,
      %get3A_1522 = vector.shape_cast %get3A_1521 : vector<16xf32> to vector<16xf32>
      %sub3A_1523 = arith.subf %get3A_1522, %broadcast_in_dim3A_55 : vector<16xf32>
      %mul3A_1524 = arith.mulf %sub3A_1515, %sub3A_1515 : vector<16xf32>
      %mul3A_1525 = arith.mulf %sub3A_1519, %sub3A_1519 : vector<16xf32>
      %add3A_1526 = arith.addf %mul3A_1524, %mul3A_1525 : vector<16xf32>
      %mul3A_1527 = arith.mulf %sub3A_1523, %sub3A_1523 : vector<16xf32>
      %add3A_1528 = arith.addf %add3A_1526, %mul3A_1527 : vector<16xf32>
      %min3A_1529 = arith.minimumf %min3A_1483, %add3A_1528 : vector<16xf32>
      %max3A_1530 = arith.maximumf %min3A_1483, %add3A_1528 : vector<16xf32>
      %min3A_1531 = arith.minimumf %min3A_1485, %max3A_1530 : vector<16xf32>
      %max3A_1532 = arith.maximumf %min3A_1485, %max3A_1530 : vector<16xf32>
      %min3A_1533 = arith.minimumf %min3A_1487, %max3A_1532 : vector<16xf32>
      %max3A_1534 = arith.maximumf %min3A_1487, %max3A_1532 : vector<16xf32>
      %min3A_1535 = arith.minimumf %min3A_1489, %max3A_1534 : vector<16xf32>
      %max3A_1536 = arith.maximumf %min3A_1489, %max3A_1534 : vector<16xf32>
      %min3A_1537 = arith.minimumf %min3A_1491, %max3A_1536 : vector<16xf32>
      %max3A_1538 = arith.maximumf %min3A_1491, %max3A_1536 : vector<16xf32>
      %min3A_1539 = arith.minimumf %min3A_1493, %max3A_1538 : vector<16xf32>
      %get3A_1540 = arith.constant 512 : index
      %get3A_1541 = tpu.vector_load %arg13[%get3A_1540] {strides = array<i32>} : memref<1024xf32, #tpu.memory_space<vmem>>, vector<16xf32>,
      %get3A_1542 = vector.shape_cast %get3A_1541 : vector<16xf32> to vector<16xf32>
      %sub3A_1543 = arith.subf %get3A_1542, %broadcast_in_dim3A : vector<16xf32>
      %get3A_1544 = arith.constant 512 : index
      %get3A_1545 = tpu.vector_load %arg14[%get3A_1544] {strides = array<i32>} : memref<1024xf32, #tpu.memory_space<vmem>>, vector<16xf32>,
      %get3A_1546 = vector.shape_cast %get3A_1545 : vector<16xf32> to vector<16xf32>
      %sub3A_1547 = arith.subf %get3A_1546, %broadcast_in_dim3A_49 : vector<16xf32>
      %get3A_1548 = arith.constant 512 : index
      %get3A_1549 = tpu.vector_load %arg15[%get3A_1548] {strides = array<i32>} : memref<1024xf32, #tpu.memory_space<vmem>>, vector<16xf32>,
      %get3A_1550 = vector.shape_cast %get3A_1549 : vector<16xf32> to vector<16xf32>
      %sub3A_1551 = arith.subf %get3A_1550, %broadcast_in_dim3A_55 : vector<16xf32>
      %mul3A_1552 = arith.mulf %sub3A_1543, %sub3A_1543 : vector<16xf32>
      %mul3A_1553 = arith.mulf %sub3A_1547, %sub3A_1547 : vector<16xf32>
      %add3A_1554 = arith.addf %mul3A_1552, %mul3A_1553 : vector<16xf32>
      %mul3A_1555 = arith.mulf %sub3A_1551, %sub3A_1551 : vector<16xf32>
      %add3A_1556 = arith.addf %add3A_1554, %mul3A_1555 : vector<16xf32>
      %min3A_1557 = arith.minimumf %min3A_1511, %add3A_1556 : vector<16xf32>
      %get3A_1558 = arith.constant 512 : index
      %get3A_1559 = tpu.vector_load %arg10[%get3A_1558] {strides = array<i32>} : memref<1040xf32, #tpu.memory_space<vmem>>, vector<16xf32>,
      %get3A_1560 = vector.shape_cast %get3A_1559 : vector<16xf32> to vector<16xf32>
      %sub3A_1561 = arith.subf %get3A_1560, %broadcast_in_dim3A : vector<16xf32>
      %get3A_1562 = arith.constant 512 : index
      %get3A_1563 = tpu.vector_load %arg11[%get3A_1562] {strides = array<i32>} : memref<1040xf32, #tpu.memory_space<vmem>>, vector<16xf32>,
      %get3A_1564 = vector.shape_cast %get3A_1563 : vector<16xf32> to vector<16xf32>
      %sub3A_1565 = arith.subf %get3A_1564, %broadcast_in_dim3A_49 : vector<16xf32>
      %get3A_1566 = arith.constant 512 : index
      %get3A_1567 = tpu.vector_load %arg12[%get3A_1566] {strides = array<i32>} : memref<1040xf32, #tpu.memory_space<vmem>>, vector<16xf32>,
      %get3A_1568 = vector.shape_cast %get3A_1567 : vector<16xf32> to vector<16xf32>
      %sub3A_1569 = arith.subf %get3A_1568, %broadcast_in_dim3A_55 : vector<16xf32>
      %mul3A_1570 = arith.mulf %sub3A_1561, %sub3A_1561 : vector<16xf32>
      %mul3A_1571 = arith.mulf %sub3A_1565, %sub3A_1565 : vector<16xf32>
      %add3A_1572 = arith.addf %mul3A_1570, %mul3A_1571 : vector<16xf32>
      %mul3A_1573 = arith.mulf %sub3A_1569, %sub3A_1569 : vector<16xf32>
      %add3A_1574 = arith.addf %add3A_1572, %mul3A_1573 : vector<16xf32>
      %min3A_1575 = arith.minimumf %min3A_1529, %add3A_1574 : vector<16xf32>
      %max3A_1576 = arith.maximumf %min3A_1529, %add3A_1574 : vector<16xf32>
      %min3A_1577 = arith.minimumf %min3A_1531, %max3A_1576 : vector<16xf32>
      %max3A_1578 = arith.maximumf %min3A_1531, %max3A_1576 : vector<16xf32>
      %min3A_1579 = arith.minimumf %min3A_1533, %max3A_1578 : vector<16xf32>
      %max3A_1580 = arith.maximumf %min3A_1533, %max3A_1578 : vector<16xf32>
      %min3A_1581 = arith.minimumf %min3A_1535, %max3A_1580 : vector<16xf32>
      %max3A_1582 = arith.maximumf %min3A_1535, %max3A_1580 : vector<16xf32>
      %min3A_1583 = arith.minimumf %min3A_1537, %max3A_1582 : vector<16xf32>
      %max3A_1584 = arith.maximumf %min3A_1537, %max3A_1582 : vector<16xf32>
      %min3A_1585 = arith.minimumf %min3A_1539, %max3A_1584 : vector<16xf32>
      %get3A_1586 = arith.constant 528 : index
      %get3A_1587 = tpu.vector_load %arg13[%get3A_1586] {strides = array<i32>} : memref<1024xf32, #tpu.memory_space<vmem>>, vector<16xf32>,
      %get3A_1588 = vector.shape_cast %get3A_1587 : vector<16xf32> to vector<16xf32>
      %sub3A_1589 = arith.subf %get3A_1588, %broadcast_in_dim3A : vector<16xf32>
      %get3A_1590 = arith.constant 528 : index
      %get3A_1591 = tpu.vector_load %arg14[%get3A_1590] {strides = array<i32>} : memref<1024xf32, #tpu.memory_space<vmem>>, vector<16xf32>,
      %get3A_1592 = vector.shape_cast %get3A_1591 : vector<16xf32> to vector<16xf32>
      %sub3A_1593 = arith.subf %get3A_1592, %broadcast_in_dim3A_49 : vector<16xf32>
      %get3A_1594 = arith.constant 528 : index
      %get3A_1595 = tpu.vector_load %arg15[%get3A_1594] {strides = array<i32>} : memref<1024xf32, #tpu.memory_space<vmem>>, vector<16xf32>,
      %get3A_1596 = vector.shape_cast %get3A_1595 : vector<16xf32> to vector<16xf32>
      %sub3A_1597 = arith.subf %get3A_1596, %broadcast_in_dim3A_55 : vector<16xf32>
      %mul3A_1598 = arith.mulf %sub3A_1589, %sub3A_1589 : vector<16xf32>
      %mul3A_1599 = arith.mulf %sub3A_1593, %sub3A_1593 : vector<16xf32>
      %add3A_1600 = arith.addf %mul3A_1598, %mul3A_1599 : vector<16xf32>
      %mul3A_1601 = arith.mulf %sub3A_1597, %sub3A_1597 : vector<16xf32>
      %add3A_1602 = arith.addf %add3A_1600, %mul3A_1601 : vector<16xf32>
      %min3A_1603 = arith.minimumf %min3A_1557, %add3A_1602 : vector<16xf32>
      %get3A_1604 = arith.constant 528 : index
      %get3A_1605 = tpu.vector_load %arg10[%get3A_1604] {strides = array<i32>} : memref<1040xf32, #tpu.memory_space<vmem>>, vector<16xf32>,
      %get3A_1606 = vector.shape_cast %get3A_1605 : vector<16xf32> to vector<16xf32>
      %sub3A_1607 = arith.subf %get3A_1606, %broadcast_in_dim3A : vector<16xf32>
      %get3A_1608 = arith.constant 528 : index
      %get3A_1609 = tpu.vector_load %arg11[%get3A_1608] {strides = array<i32>} : memref<1040xf32, #tpu.memory_space<vmem>>, vector<16xf32>,
      %get3A_1610 = vector.shape_cast %get3A_1609 : vector<16xf32> to vector<16xf32>
      %sub3A_1611 = arith.subf %get3A_1610, %broadcast_in_dim3A_49 : vector<16xf32>
      %get3A_1612 = arith.constant 528 : index
      %get3A_1613 = tpu.vector_load %arg12[%get3A_1612] {strides = array<i32>} : memref<1040xf32, #tpu.memory_space<vmem>>, vector<16xf32>,
      %get3A_1614 = vector.shape_cast %get3A_1613 : vector<16xf32> to vector<16xf32>
      %sub3A_1615 = arith.subf %get3A_1614, %broadcast_in_dim3A_55 : vector<16xf32>
      %mul3A_1616 = arith.mulf %sub3A_1607, %sub3A_1607 : vector<16xf32>
      %mul3A_1617 = arith.mulf %sub3A_1611, %sub3A_1611 : vector<16xf32>
      %add3A_1618 = arith.addf %mul3A_1616, %mul3A_1617 : vector<16xf32>
      %mul3A_1619 = arith.mulf %sub3A_1615, %sub3A_1615 : vector<16xf32>
      %add3A_1620 = arith.addf %add3A_1618, %mul3A_1619 : vector<16xf32>
      %min3A_1621 = arith.minimumf %min3A_1575, %add3A_1620 : vector<16xf32>
      %max3A_1622 = arith.maximumf %min3A_1575, %add3A_1620 : vector<16xf32>
      %min3A_1623 = arith.minimumf %min3A_1577, %max3A_1622 : vector<16xf32>
      %max3A_1624 = arith.maximumf %min3A_1577, %max3A_1622 : vector<16xf32>
      %min3A_1625 = arith.minimumf %min3A_1579, %max3A_1624 : vector<16xf32>
      %max3A_1626 = arith.maximumf %min3A_1579, %max3A_1624 : vector<16xf32>
      %min3A_1627 = arith.minimumf %min3A_1581, %max3A_1626 : vector<16xf32>
      %max3A_1628 = arith.maximumf %min3A_1581, %max3A_1626 : vector<16xf32>
      %min3A_1629 = arith.minimumf %min3A_1583, %max3A_1628 : vector<16xf32>
      %max3A_1630 = arith.maximumf %min3A_1583, %max3A_1628 : vector<16xf32>
      %min3A_1631 = arith.minimumf %min3A_1585, %max3A_1630 : vector<16xf32>
      %get3A_1632 = arith.constant 544 : index
      %get3A_1633 = tpu.vector_load %arg13[%get3A_1632] {strides = array<i32>} : memref<1024xf32, #tpu.memory_space<vmem>>, vector<16xf32>,
      %get3A_1634 = vector.shape_cast %get3A_1633 : vector<16xf32> to vector<16xf32>
      %sub3A_1635 = arith.subf %get3A_1634, %broadcast_in_dim3A : vector<16xf32>
      %get3A_1636 = arith.constant 544 : index
      %get3A_1637 = tpu.vector_load %arg14[%get3A_1636] {strides = array<i32>} : memref<1024xf32, #tpu.memory_space<vmem>>, vector<16xf32>,
      %get3A_1638 = vector.shape_cast %get3A_1637 : vector<16xf32> to vector<16xf32>
      %sub3A_1639 = arith.subf %get3A_1638, %broadcast_in_dim3A_49 : vector<16xf32>
      %get3A_1640 = arith.constant 544 : index
      %get3A_1641 = tpu.vector_load %arg15[%get3A_1640] {strides = array<i32>} : memref<1024xf32, #tpu.memory_space<vmem>>, vector<16xf32>,
      %get3A_1642 = vector.shape_cast %get3A_1641 : vector<16xf32> to vector<16xf32>
      %sub3A_1643 = arith.subf %get3A_1642, %broadcast_in_dim3A_55 : vector<16xf32>
      %mul3A_1644 = arith.mulf %sub3A_1635, %sub3A_1635 : vector<16xf32>
      %mul3A_1645 = arith.mulf %sub3A_1639, %sub3A_1639 : vector<16xf32>
      %add3A_1646 = arith.addf %mul3A_1644, %mul3A_1645 : vector<16xf32>
      %mul3A_1647 = arith.mulf %sub3A_1643, %sub3A_1643 : vector<16xf32>
      %add3A_1648 = arith.addf %add3A_1646, %mul3A_1647 : vector<16xf32>
      %min3A_1649 = arith.minimumf %min3A_1603, %add3A_1648 : vector<16xf32>
      %get3A_1650 = arith.constant 544 : index
      %get3A_1651 = tpu.vector_load %arg10[%get3A_1650] {strides = array<i32>} : memref<1040xf32, #tpu.memory_space<vmem>>, vector<16xf32>,
      %get3A_1652 = vector.shape_cast %get3A_1651 : vector<16xf32> to vector<16xf32>
      %sub3A_1653 = arith.subf %get3A_1652, %broadcast_in_dim3A : vector<16xf32>
      %get3A_1654 = arith.constant 544 : index
      %get3A_1655 = tpu.vector_load %arg11[%get3A_1654] {strides = array<i32>} : memref<1040xf32, #tpu.memory_space<vmem>>, vector<16xf32>,
      %get3A_1656 = vector.shape_cast %get3A_1655 : vector<16xf32> to vector<16xf32>
      %sub3A_1657 = arith.subf %get3A_1656, %broadcast_in_dim3A_49 : vector<16xf32>
      %get3A_1658 = arith.constant 544 : index
      %get3A_1659 = tpu.vector_load %arg12[%get3A_1658] {strides = array<i32>} : memref<1040xf32, #tpu.memory_space<vmem>>, vector<16xf32>,
      %get3A_1660 = vector.shape_cast %get3A_1659 : vector<16xf32> to vector<16xf32>
      %sub3A_1661 = arith.subf %get3A_1660, %broadcast_in_dim3A_55 : vector<16xf32>
      %mul3A_1662 = arith.mulf %sub3A_1653, %sub3A_1653 : vector<16xf32>
      %mul3A_1663 = arith.mulf %sub3A_1657, %sub3A_1657 : vector<16xf32>
      %add3A_1664 = arith.addf %mul3A_1662, %mul3A_1663 : vector<16xf32>
      %mul3A_1665 = arith.mulf %sub3A_1661, %sub3A_1661 : vector<16xf32>
      %add3A_1666 = arith.addf %add3A_1664, %mul3A_1665 : vector<16xf32>
      %min3A_1667 = arith.minimumf %min3A_1621, %add3A_1666 : vector<16xf32>
      %max3A_1668 = arith.maximumf %min3A_1621, %add3A_1666 : vector<16xf32>
      %min3A_1669 = arith.minimumf %min3A_1623, %max3A_1668 : vector<16xf32>
      %max3A_1670 = arith.maximumf %min3A_1623, %max3A_1668 : vector<16xf32>
      %min3A_1671 = arith.minimumf %min3A_1625, %max3A_1670 : vector<16xf32>
      %max3A_1672 = arith.maximumf %min3A_1625, %max3A_1670 : vector<16xf32>
      %min3A_1673 = arith.minimumf %min3A_1627, %max3A_1672 : vector<16xf32>
      %max3A_1674 = arith.maximumf %min3A_1627, %max3A_1672 : vector<16xf32>
      %min3A_1675 = arith.minimumf %min3A_1629, %max3A_1674 : vector<16xf32>
      %max3A_1676 = arith.maximumf %min3A_1629, %max3A_1674 : vector<16xf32>
      %min3A_1677 = arith.minimumf %min3A_1631, %max3A_1676 : vector<16xf32>
      %get3A_1678 = arith.constant 560 : index
      %get3A_1679 = tpu.vector_load %arg13[%get3A_1678] {strides = array<i32>} : memref<1024xf32, #tpu.memory_space<vmem>>, vector<16xf32>,
      %get3A_1680 = vector.shape_cast %get3A_1679 : vector<16xf32> to vector<16xf32>
      %sub3A_1681 = arith.subf %get3A_1680, %broadcast_in_dim3A : vector<16xf32>
      %get3A_1682 = arith.constant 560 : index
      %get3A_1683 = tpu.vector_load %arg14[%get3A_1682] {strides = array<i32>} : memref<1024xf32, #tpu.memory_space<vmem>>, vector<16xf32>,
      %get3A_1684 = vector.shape_cast %get3A_1683 : vector<16xf32> to vector<16xf32>
      %sub3A_1685 = arith.subf %get3A_1684, %broadcast_in_dim3A_49 : vector<16xf32>
      %get3A_1686 = arith.constant 560 : index
      %get3A_1687 = tpu.vector_load %arg15[%get3A_1686] {strides = array<i32>} : memref<1024xf32, #tpu.memory_space<vmem>>, vector<16xf32>,
      %get3A_1688 = vector.shape_cast %get3A_1687 : vector<16xf32> to vector<16xf32>
      %sub3A_1689 = arith.subf %get3A_1688, %broadcast_in_dim3A_55 : vector<16xf32>
      %mul3A_1690 = arith.mulf %sub3A_1681, %sub3A_1681 : vector<16xf32>
      %mul3A_1691 = arith.mulf %sub3A_1685, %sub3A_1685 : vector<16xf32>
      %add3A_1692 = arith.addf %mul3A_1690, %mul3A_1691 : vector<16xf32>
      %mul3A_1693 = arith.mulf %sub3A_1689, %sub3A_1689 : vector<16xf32>
      %add3A_1694 = arith.addf %add3A_1692, %mul3A_1693 : vector<16xf32>
      %min3A_1695 = arith.minimumf %min3A_1649, %add3A_1694 : vector<16xf32>
      %get3A_1696 = arith.constant 560 : index
      %get3A_1697 = tpu.vector_load %arg10[%get3A_1696] {strides = array<i32>} : memref<1040xf32, #tpu.memory_space<vmem>>, vector<16xf32>,
      %get3A_1698 = vector.shape_cast %get3A_1697 : vector<16xf32> to vector<16xf32>
      %sub3A_1699 = arith.subf %get3A_1698, %broadcast_in_dim3A : vector<16xf32>
      %get3A_1700 = arith.constant 560 : index
      %get3A_1701 = tpu.vector_load %arg11[%get3A_1700] {strides = array<i32>} : memref<1040xf32, #tpu.memory_space<vmem>>, vector<16xf32>,
      %get3A_1702 = vector.shape_cast %get3A_1701 : vector<16xf32> to vector<16xf32>
      %sub3A_1703 = arith.subf %get3A_1702, %broadcast_in_dim3A_49 : vector<16xf32>
      %get3A_1704 = arith.constant 560 : index
      %get3A_1705 = tpu.vector_load %arg12[%get3A_1704] {strides = array<i32>} : memref<1040xf32, #tpu.memory_space<vmem>>, vector<16xf32>,
      %get3A_1706 = vector.shape_cast %get3A_1705 : vector<16xf32> to vector<16xf32>
      %sub3A_1707 = arith.subf %get3A_1706, %broadcast_in_dim3A_55 : vector<16xf32>
      %mul3A_1708 = arith.mulf %sub3A_1699, %sub3A_1699 : vector<16xf32>
      %mul3A_1709 = arith.mulf %sub3A_1703, %sub3A_1703 : vector<16xf32>
      %add3A_1710 = arith.addf %mul3A_1708, %mul3A_1709 : vector<16xf32>
      %mul3A_1711 = arith.mulf %sub3A_1707, %sub3A_1707 : vector<16xf32>
      %add3A_1712 = arith.addf %add3A_1710, %mul3A_1711 : vector<16xf32>
      %min3A_1713 = arith.minimumf %min3A_1667, %add3A_1712 : vector<16xf32>
      %max3A_1714 = arith.maximumf %min3A_1667, %add3A_1712 : vector<16xf32>
      %min3A_1715 = arith.minimumf %min3A_1669, %max3A_1714 : vector<16xf32>
      %max3A_1716 = arith.maximumf %min3A_1669, %max3A_1714 : vector<16xf32>
      %min3A_1717 = arith.minimumf %min3A_1671, %max3A_1716 : vector<16xf32>
      %max3A_1718 = arith.maximumf %min3A_1671, %max3A_1716 : vector<16xf32>
      %min3A_1719 = arith.minimumf %min3A_1673, %max3A_1718 : vector<16xf32>
      %max3A_1720 = arith.maximumf %min3A_1673, %max3A_1718 : vector<16xf32>
      %min3A_1721 = arith.minimumf %min3A_1675, %max3A_1720 : vector<16xf32>
      %max3A_1722 = arith.maximumf %min3A_1675, %max3A_1720 : vector<16xf32>
      %min3A_1723 = arith.minimumf %min3A_1677, %max3A_1722 : vector<16xf32>
      %get3A_1724 = arith.constant 576 : index
      %get3A_1725 = tpu.vector_load %arg13[%get3A_1724] {strides = array<i32>} : memref<1024xf32, #tpu.memory_space<vmem>>, vector<16xf32>,
      %get3A_1726 = vector.shape_cast %get3A_1725 : vector<16xf32> to vector<16xf32>
      %sub3A_1727 = arith.subf %get3A_1726, %broadcast_in_dim3A : vector<16xf32>
      %get3A_1728 = arith.constant 576 : index
      %get3A_1729 = tpu.vector_load %arg14[%get3A_1728] {strides = array<i32>} : memref<1024xf32, #tpu.memory_space<vmem>>, vector<16xf32>,
      %get3A_1730 = vector.shape_cast %get3A_1729 : vector<16xf32> to vector<16xf32>
      %sub3A_1731 = arith.subf %get3A_1730, %broadcast_in_dim3A_49 : vector<16xf32>
      %get3A_1732 = arith.constant 576 : index
      %get3A_1733 = tpu.vector_load %arg15[%get3A_1732] {strides = array<i32>} : memref<1024xf32, #tpu.memory_space<vmem>>, vector<16xf32>,
      %get3A_1734 = vector.shape_cast %get3A_1733 : vector<16xf32> to vector<16xf32>
      %sub3A_1735 = arith.subf %get3A_1734, %broadcast_in_dim3A_55 : vector<16xf32>
      %mul3A_1736 = arith.mulf %sub3A_1727, %sub3A_1727 : vector<16xf32>
      %mul3A_1737 = arith.mulf %sub3A_1731, %sub3A_1731 : vector<16xf32>
      %add3A_1738 = arith.addf %mul3A_1736, %mul3A_1737 : vector<16xf32>
      %mul3A_1739 = arith.mulf %sub3A_1735, %sub3A_1735 : vector<16xf32>
      %add3A_1740 = arith.addf %add3A_1738, %mul3A_1739 : vector<16xf32>
      %min3A_1741 = arith.minimumf %min3A_1695, %add3A_1740 : vector<16xf32>
      %get3A_1742 = arith.constant 576 : index
      %get3A_1743 = tpu.vector_load %arg10[%get3A_1742] {strides = array<i32>} : memref<1040xf32, #tpu.memory_space<vmem>>, vector<16xf32>,
      %get3A_1744 = vector.shape_cast %get3A_1743 : vector<16xf32> to vector<16xf32>
      %sub3A_1745 = arith.subf %get3A_1744, %broadcast_in_dim3A : vector<16xf32>
      %get3A_1746 = arith.constant 576 : index
      %get3A_1747 = tpu.vector_load %arg11[%get3A_1746] {strides = array<i32>} : memref<1040xf32, #tpu.memory_space<vmem>>, vector<16xf32>,
      %get3A_1748 = vector.shape_cast %get3A_1747 : vector<16xf32> to vector<16xf32>
      %sub3A_1749 = arith.subf %get3A_1748, %broadcast_in_dim3A_49 : vector<16xf32>
      %get3A_1750 = arith.constant 576 : index
      %get3A_1751 = tpu.vector_load %arg12[%get3A_1750] {strides = array<i32>} : memref<1040xf32, #tpu.memory_space<vmem>>, vector<16xf32>,
      %get3A_1752 = vector.shape_cast %get3A_1751 : vector<16xf32> to vector<16xf32>
      %sub3A_1753 = arith.subf %get3A_1752, %broadcast_in_dim3A_55 : vector<16xf32>
      %mul3A_1754 = arith.mulf %sub3A_1745, %sub3A_1745 : vector<16xf32>
      %mul3A_1755 = arith.mulf %sub3A_1749, %sub3A_1749 : vector<16xf32>
      %add3A_1756 = arith.addf %mul3A_1754, %mul3A_1755 : vector<16xf32>
      %mul3A_1757 = arith.mulf %sub3A_1753, %sub3A_1753 : vector<16xf32>
      %add3A_1758 = arith.addf %add3A_1756, %mul3A_1757 : vector<16xf32>
      %min3A_1759 = arith.minimumf %min3A_1713, %add3A_1758 : vector<16xf32>
      %max3A_1760 = arith.maximumf %min3A_1713, %add3A_1758 : vector<16xf32>
      %min3A_1761 = arith.minimumf %min3A_1715, %max3A_1760 : vector<16xf32>
      %max3A_1762 = arith.maximumf %min3A_1715, %max3A_1760 : vector<16xf32>
      %min3A_1763 = arith.minimumf %min3A_1717, %max3A_1762 : vector<16xf32>
      %max3A_1764 = arith.maximumf %min3A_1717, %max3A_1762 : vector<16xf32>
      %min3A_1765 = arith.minimumf %min3A_1719, %max3A_1764 : vector<16xf32>
      %max3A_1766 = arith.maximumf %min3A_1719, %max3A_1764 : vector<16xf32>
      %min3A_1767 = arith.minimumf %min3A_1721, %max3A_1766 : vector<16xf32>
      %max3A_1768 = arith.maximumf %min3A_1721, %max3A_1766 : vector<16xf32>
      %min3A_1769 = arith.minimumf %min3A_1723, %max3A_1768 : vector<16xf32>
      %get3A_1770 = arith.constant 592 : index
      %get3A_1771 = tpu.vector_load %arg13[%get3A_1770] {strides = array<i32>} : memref<1024xf32, #tpu.memory_space<vmem>>, vector<16xf32>,
      %get3A_1772 = vector.shape_cast %get3A_1771 : vector<16xf32> to vector<16xf32>
      %sub3A_1773 = arith.subf %get3A_1772, %broadcast_in_dim3A : vector<16xf32>
      %get3A_1774 = arith.constant 592 : index
      %get3A_1775 = tpu.vector_load %arg14[%get3A_1774] {strides = array<i32>} : memref<1024xf32, #tpu.memory_space<vmem>>, vector<16xf32>,
      %get3A_1776 = vector.shape_cast %get3A_1775 : vector<16xf32> to vector<16xf32>
      %sub3A_1777 = arith.subf %get3A_1776, %broadcast_in_dim3A_49 : vector<16xf32>
      %get3A_1778 = arith.constant 592 : index
      %get3A_1779 = tpu.vector_load %arg15[%get3A_1778] {strides = array<i32>} : memref<1024xf32, #tpu.memory_space<vmem>>, vector<16xf32>,
      %get3A_1780 = vector.shape_cast %get3A_1779 : vector<16xf32> to vector<16xf32>
      %sub3A_1781 = arith.subf %get3A_1780, %broadcast_in_dim3A_55 : vector<16xf32>
      %mul3A_1782 = arith.mulf %sub3A_1773, %sub3A_1773 : vector<16xf32>
      %mul3A_1783 = arith.mulf %sub3A_1777, %sub3A_1777 : vector<16xf32>
      %add3A_1784 = arith.addf %mul3A_1782, %mul3A_1783 : vector<16xf32>
      %mul3A_1785 = arith.mulf %sub3A_1781, %sub3A_1781 : vector<16xf32>
      %add3A_1786 = arith.addf %add3A_1784, %mul3A_1785 : vector<16xf32>
      %min3A_1787 = arith.minimumf %min3A_1741, %add3A_1786 : vector<16xf32>
      %get3A_1788 = arith.constant 592 : index
      %get3A_1789 = tpu.vector_load %arg10[%get3A_1788] {strides = array<i32>} : memref<1040xf32, #tpu.memory_space<vmem>>, vector<16xf32>,
      %get3A_1790 = vector.shape_cast %get3A_1789 : vector<16xf32> to vector<16xf32>
      %sub3A_1791 = arith.subf %get3A_1790, %broadcast_in_dim3A : vector<16xf32>
      %get3A_1792 = arith.constant 592 : index
      %get3A_1793 = tpu.vector_load %arg11[%get3A_1792] {strides = array<i32>} : memref<1040xf32, #tpu.memory_space<vmem>>, vector<16xf32>,
      %get3A_1794 = vector.shape_cast %get3A_1793 : vector<16xf32> to vector<16xf32>
      %sub3A_1795 = arith.subf %get3A_1794, %broadcast_in_dim3A_49 : vector<16xf32>
      %get3A_1796 = arith.constant 592 : index
      %get3A_1797 = tpu.vector_load %arg12[%get3A_1796] {strides = array<i32>} : memref<1040xf32, #tpu.memory_space<vmem>>, vector<16xf32>,
      %get3A_1798 = vector.shape_cast %get3A_1797 : vector<16xf32> to vector<16xf32>
      %sub3A_1799 = arith.subf %get3A_1798, %broadcast_in_dim3A_55 : vector<16xf32>
      %mul3A_1800 = arith.mulf %sub3A_1791, %sub3A_1791 : vector<16xf32>
      %mul3A_1801 = arith.mulf %sub3A_1795, %sub3A_1795 : vector<16xf32>
      %add3A_1802 = arith.addf %mul3A_1800, %mul3A_1801 : vector<16xf32>
      %mul3A_1803 = arith.mulf %sub3A_1799, %sub3A_1799 : vector<16xf32>
      %add3A_1804 = arith.addf %add3A_1802, %mul3A_1803 : vector<16xf32>
      %min3A_1805 = arith.minimumf %min3A_1759, %add3A_1804 : vector<16xf32>
      %max3A_1806 = arith.maximumf %min3A_1759, %add3A_1804 : vector<16xf32>
      %min3A_1807 = arith.minimumf %min3A_1761, %max3A_1806 : vector<16xf32>
      %max3A_1808 = arith.maximumf %min3A_1761, %max3A_1806 : vector<16xf32>
      %min3A_1809 = arith.minimumf %min3A_1763, %max3A_1808 : vector<16xf32>
      %max3A_1810 = arith.maximumf %min3A_1763, %max3A_1808 : vector<16xf32>
      %min3A_1811 = arith.minimumf %min3A_1765, %max3A_1810 : vector<16xf32>
      %max3A_1812 = arith.maximumf %min3A_1765, %max3A_1810 : vector<16xf32>
      %min3A_1813 = arith.minimumf %min3A_1767, %max3A_1812 : vector<16xf32>
      %max3A_1814 = arith.maximumf %min3A_1767, %max3A_1812 : vector<16xf32>
      %min3A_1815 = arith.minimumf %min3A_1769, %max3A_1814 : vector<16xf32>
      %get3A_1816 = arith.constant 608 : index
      %get3A_1817 = tpu.vector_load %arg13[%get3A_1816] {strides = array<i32>} : memref<1024xf32, #tpu.memory_space<vmem>>, vector<16xf32>,
      %get3A_1818 = vector.shape_cast %get3A_1817 : vector<16xf32> to vector<16xf32>
      %sub3A_1819 = arith.subf %get3A_1818, %broadcast_in_dim3A : vector<16xf32>
      %get3A_1820 = arith.constant 608 : index
      %get3A_1821 = tpu.vector_load %arg14[%get3A_1820] {strides = array<i32>} : memref<1024xf32, #tpu.memory_space<vmem>>, vector<16xf32>,
      %get3A_1822 = vector.shape_cast %get3A_1821 : vector<16xf32> to vector<16xf32>
      %sub3A_1823 = arith.subf %get3A_1822, %broadcast_in_dim3A_49 : vector<16xf32>
      %get3A_1824 = arith.constant 608 : index
      %get3A_1825 = tpu.vector_load %arg15[%get3A_1824] {strides = array<i32>} : memref<1024xf32, #tpu.memory_space<vmem>>, vector<16xf32>,
      %get3A_1826 = vector.shape_cast %get3A_1825 : vector<16xf32> to vector<16xf32>
      %sub3A_1827 = arith.subf %get3A_1826, %broadcast_in_dim3A_55 : vector<16xf32>
      %mul3A_1828 = arith.mulf %sub3A_1819, %sub3A_1819 : vector<16xf32>
      %mul3A_1829 = arith.mulf %sub3A_1823, %sub3A_1823 : vector<16xf32>
      %add3A_1830 = arith.addf %mul3A_1828, %mul3A_1829 : vector<16xf32>
      %mul3A_1831 = arith.mulf %sub3A_1827, %sub3A_1827 : vector<16xf32>
      %add3A_1832 = arith.addf %add3A_1830, %mul3A_1831 : vector<16xf32>
      %min3A_1833 = arith.minimumf %min3A_1787, %add3A_1832 : vector<16xf32>
      %get3A_1834 = arith.constant 608 : index
      %get3A_1835 = tpu.vector_load %arg10[%get3A_1834] {strides = array<i32>} : memref<1040xf32, #tpu.memory_space<vmem>>, vector<16xf32>,
      %get3A_1836 = vector.shape_cast %get3A_1835 : vector<16xf32> to vector<16xf32>
      %sub3A_1837 = arith.subf %get3A_1836, %broadcast_in_dim3A : vector<16xf32>
      %get3A_1838 = arith.constant 608 : index
      %get3A_1839 = tpu.vector_load %arg11[%get3A_1838] {strides = array<i32>} : memref<1040xf32, #tpu.memory_space<vmem>>, vector<16xf32>,
      %get3A_1840 = vector.shape_cast %get3A_1839 : vector<16xf32> to vector<16xf32>
      %sub3A_1841 = arith.subf %get3A_1840, %broadcast_in_dim3A_49 : vector<16xf32>
      %get3A_1842 = arith.constant 608 : index
      %get3A_1843 = tpu.vector_load %arg12[%get3A_1842] {strides = array<i32>} : memref<1040xf32, #tpu.memory_space<vmem>>, vector<16xf32>,
      %get3A_1844 = vector.shape_cast %get3A_1843 : vector<16xf32> to vector<16xf32>
      %sub3A_1845 = arith.subf %get3A_1844, %broadcast_in_dim3A_55 : vector<16xf32>
      %mul3A_1846 = arith.mulf %sub3A_1837, %sub3A_1837 : vector<16xf32>
      %mul3A_1847 = arith.mulf %sub3A_1841, %sub3A_1841 : vector<16xf32>
      %add3A_1848 = arith.addf %mul3A_1846, %mul3A_1847 : vector<16xf32>
      %mul3A_1849 = arith.mulf %sub3A_1845, %sub3A_1845 : vector<16xf32>
      %add3A_1850 = arith.addf %add3A_1848, %mul3A_1849 : vector<16xf32>
      %min3A_1851 = arith.minimumf %min3A_1805, %add3A_1850 : vector<16xf32>
      %max3A_1852 = arith.maximumf %min3A_1805, %add3A_1850 : vector<16xf32>
      %min3A_1853 = arith.minimumf %min3A_1807, %max3A_1852 : vector<16xf32>
      %max3A_1854 = arith.maximumf %min3A_1807, %max3A_1852 : vector<16xf32>
      %min3A_1855 = arith.minimumf %min3A_1809, %max3A_1854 : vector<16xf32>
      %max3A_1856 = arith.maximumf %min3A_1809, %max3A_1854 : vector<16xf32>
      %min3A_1857 = arith.minimumf %min3A_1811, %max3A_1856 : vector<16xf32>
      %max3A_1858 = arith.maximumf %min3A_1811, %max3A_1856 : vector<16xf32>
      %min3A_1859 = arith.minimumf %min3A_1813, %max3A_1858 : vector<16xf32>
      %max3A_1860 = arith.maximumf %min3A_1813, %max3A_1858 : vector<16xf32>
      %min3A_1861 = arith.minimumf %min3A_1815, %max3A_1860 : vector<16xf32>
      %get3A_1862 = arith.constant 624 : index
      %get3A_1863 = tpu.vector_load %arg13[%get3A_1862] {strides = array<i32>} : memref<1024xf32, #tpu.memory_space<vmem>>, vector<16xf32>,
      %get3A_1864 = vector.shape_cast %get3A_1863 : vector<16xf32> to vector<16xf32>
      %sub3A_1865 = arith.subf %get3A_1864, %broadcast_in_dim3A : vector<16xf32>
      %get3A_1866 = arith.constant 624 : index
      %get3A_1867 = tpu.vector_load %arg14[%get3A_1866] {strides = array<i32>} : memref<1024xf32, #tpu.memory_space<vmem>>, vector<16xf32>,
      %get3A_1868 = vector.shape_cast %get3A_1867 : vector<16xf32> to vector<16xf32>
      %sub3A_1869 = arith.subf %get3A_1868, %broadcast_in_dim3A_49 : vector<16xf32>
      %get3A_1870 = arith.constant 624 : index
      %get3A_1871 = tpu.vector_load %arg15[%get3A_1870] {strides = array<i32>} : memref<1024xf32, #tpu.memory_space<vmem>>, vector<16xf32>,
      %get3A_1872 = vector.shape_cast %get3A_1871 : vector<16xf32> to vector<16xf32>
      %sub3A_1873 = arith.subf %get3A_1872, %broadcast_in_dim3A_55 : vector<16xf32>
      %mul3A_1874 = arith.mulf %sub3A_1865, %sub3A_1865 : vector<16xf32>
      %mul3A_1875 = arith.mulf %sub3A_1869, %sub3A_1869 : vector<16xf32>
      %add3A_1876 = arith.addf %mul3A_1874, %mul3A_1875 : vector<16xf32>
      %mul3A_1877 = arith.mulf %sub3A_1873, %sub3A_1873 : vector<16xf32>
      %add3A_1878 = arith.addf %add3A_1876, %mul3A_1877 : vector<16xf32>
      %min3A_1879 = arith.minimumf %min3A_1833, %add3A_1878 : vector<16xf32>
      %get3A_1880 = arith.constant 624 : index
      %get3A_1881 = tpu.vector_load %arg10[%get3A_1880] {strides = array<i32>} : memref<1040xf32, #tpu.memory_space<vmem>>, vector<16xf32>,
      %get3A_1882 = vector.shape_cast %get3A_1881 : vector<16xf32> to vector<16xf32>
      %sub3A_1883 = arith.subf %get3A_1882, %broadcast_in_dim3A : vector<16xf32>
      %get3A_1884 = arith.constant 624 : index
      %get3A_1885 = tpu.vector_load %arg11[%get3A_1884] {strides = array<i32>} : memref<1040xf32, #tpu.memory_space<vmem>>, vector<16xf32>,
      %get3A_1886 = vector.shape_cast %get3A_1885 : vector<16xf32> to vector<16xf32>
      %sub3A_1887 = arith.subf %get3A_1886, %broadcast_in_dim3A_49 : vector<16xf32>
      %get3A_1888 = arith.constant 624 : index
      %get3A_1889 = tpu.vector_load %arg12[%get3A_1888] {strides = array<i32>} : memref<1040xf32, #tpu.memory_space<vmem>>, vector<16xf32>,
      %get3A_1890 = vector.shape_cast %get3A_1889 : vector<16xf32> to vector<16xf32>
      %sub3A_1891 = arith.subf %get3A_1890, %broadcast_in_dim3A_55 : vector<16xf32>
      %mul3A_1892 = arith.mulf %sub3A_1883, %sub3A_1883 : vector<16xf32>
      %mul3A_1893 = arith.mulf %sub3A_1887, %sub3A_1887 : vector<16xf32>
      %add3A_1894 = arith.addf %mul3A_1892, %mul3A_1893 : vector<16xf32>
      %mul3A_1895 = arith.mulf %sub3A_1891, %sub3A_1891 : vector<16xf32>
      %add3A_1896 = arith.addf %add3A_1894, %mul3A_1895 : vector<16xf32>
      %min3A_1897 = arith.minimumf %min3A_1851, %add3A_1896 : vector<16xf32>
      %max3A_1898 = arith.maximumf %min3A_1851, %add3A_1896 : vector<16xf32>
      %min3A_1899 = arith.minimumf %min3A_1853, %max3A_1898 : vector<16xf32>
      %max3A_1900 = arith.maximumf %min3A_1853, %max3A_1898 : vector<16xf32>
      %min3A_1901 = arith.minimumf %min3A_1855, %max3A_1900 : vector<16xf32>
      %max3A_1902 = arith.maximumf %min3A_1855, %max3A_1900 : vector<16xf32>
      %min3A_1903 = arith.minimumf %min3A_1857, %max3A_1902 : vector<16xf32>
      %max3A_1904 = arith.maximumf %min3A_1857, %max3A_1902 : vector<16xf32>
      %min3A_1905 = arith.minimumf %min3A_1859, %max3A_1904 : vector<16xf32>
      %max3A_1906 = arith.maximumf %min3A_1859, %max3A_1904 : vector<16xf32>
      %min3A_1907 = arith.minimumf %min3A_1861, %max3A_1906 : vector<16xf32>
      %get3A_1908 = arith.constant 640 : index
      %get3A_1909 = tpu.vector_load %arg13[%get3A_1908] {strides = array<i32>} : memref<1024xf32, #tpu.memory_space<vmem>>, vector<16xf32>,
      %get3A_1910 = vector.shape_cast %get3A_1909 : vector<16xf32> to vector<16xf32>
      %sub3A_1911 = arith.subf %get3A_1910, %broadcast_in_dim3A : vector<16xf32>
      %get3A_1912 = arith.constant 640 : index
      %get3A_1913 = tpu.vector_load %arg14[%get3A_1912] {strides = array<i32>} : memref<1024xf32, #tpu.memory_space<vmem>>, vector<16xf32>,
      %get3A_1914 = vector.shape_cast %get3A_1913 : vector<16xf32> to vector<16xf32>
      %sub3A_1915 = arith.subf %get3A_1914, %broadcast_in_dim3A_49 : vector<16xf32>
      %get3A_1916 = arith.constant 640 : index
      %get3A_1917 = tpu.vector_load %arg15[%get3A_1916] {strides = array<i32>} : memref<1024xf32, #tpu.memory_space<vmem>>, vector<16xf32>,
      %get3A_1918 = vector.shape_cast %get3A_1917 : vector<16xf32> to vector<16xf32>
      %sub3A_1919 = arith.subf %get3A_1918, %broadcast_in_dim3A_55 : vector<16xf32>
      %mul3A_1920 = arith.mulf %sub3A_1911, %sub3A_1911 : vector<16xf32>
      %mul3A_1921 = arith.mulf %sub3A_1915, %sub3A_1915 : vector<16xf32>
      %add3A_1922 = arith.addf %mul3A_1920, %mul3A_1921 : vector<16xf32>
      %mul3A_1923 = arith.mulf %sub3A_1919, %sub3A_1919 : vector<16xf32>
      %add3A_1924 = arith.addf %add3A_1922, %mul3A_1923 : vector<16xf32>
      %min3A_1925 = arith.minimumf %min3A_1879, %add3A_1924 : vector<16xf32>
      %get3A_1926 = arith.constant 640 : index
      %get3A_1927 = tpu.vector_load %arg10[%get3A_1926] {strides = array<i32>} : memref<1040xf32, #tpu.memory_space<vmem>>, vector<16xf32>,
      %get3A_1928 = vector.shape_cast %get3A_1927 : vector<16xf32> to vector<16xf32>
      %sub3A_1929 = arith.subf %get3A_1928, %broadcast_in_dim3A : vector<16xf32>
      %get3A_1930 = arith.constant 640 : index
      %get3A_1931 = tpu.vector_load %arg11[%get3A_1930] {strides = array<i32>} : memref<1040xf32, #tpu.memory_space<vmem>>, vector<16xf32>,
      %get3A_1932 = vector.shape_cast %get3A_1931 : vector<16xf32> to vector<16xf32>
      %sub3A_1933 = arith.subf %get3A_1932, %broadcast_in_dim3A_49 : vector<16xf32>
      %get3A_1934 = arith.constant 640 : index
      %get3A_1935 = tpu.vector_load %arg12[%get3A_1934] {strides = array<i32>} : memref<1040xf32, #tpu.memory_space<vmem>>, vector<16xf32>,
      %get3A_1936 = vector.shape_cast %get3A_1935 : vector<16xf32> to vector<16xf32>
      %sub3A_1937 = arith.subf %get3A_1936, %broadcast_in_dim3A_55 : vector<16xf32>
      %mul3A_1938 = arith.mulf %sub3A_1929, %sub3A_1929 : vector<16xf32>
      %mul3A_1939 = arith.mulf %sub3A_1933, %sub3A_1933 : vector<16xf32>
      %add3A_1940 = arith.addf %mul3A_1938, %mul3A_1939 : vector<16xf32>
      %mul3A_1941 = arith.mulf %sub3A_1937, %sub3A_1937 : vector<16xf32>
      %add3A_1942 = arith.addf %add3A_1940, %mul3A_1941 : vector<16xf32>
      %min3A_1943 = arith.minimumf %min3A_1897, %add3A_1942 : vector<16xf32>
      %max3A_1944 = arith.maximumf %min3A_1897, %add3A_1942 : vector<16xf32>
      %min3A_1945 = arith.minimumf %min3A_1899, %max3A_1944 : vector<16xf32>
      %max3A_1946 = arith.maximumf %min3A_1899, %max3A_1944 : vector<16xf32>
      %min3A_1947 = arith.minimumf %min3A_1901, %max3A_1946 : vector<16xf32>
      %max3A_1948 = arith.maximumf %min3A_1901, %max3A_1946 : vector<16xf32>
      %min3A_1949 = arith.minimumf %min3A_1903, %max3A_1948 : vector<16xf32>
      %max3A_1950 = arith.maximumf %min3A_1903, %max3A_1948 : vector<16xf32>
      %min3A_1951 = arith.minimumf %min3A_1905, %max3A_1950 : vector<16xf32>
      %max3A_1952 = arith.maximumf %min3A_1905, %max3A_1950 : vector<16xf32>
      %min3A_1953 = arith.minimumf %min3A_1907, %max3A_1952 : vector<16xf32>
      %get3A_1954 = arith.constant 656 : index
      %get3A_1955 = tpu.vector_load %arg13[%get3A_1954] {strides = array<i32>} : memref<1024xf32, #tpu.memory_space<vmem>>, vector<16xf32>,
      %get3A_1956 = vector.shape_cast %get3A_1955 : vector<16xf32> to vector<16xf32>
      %sub3A_1957 = arith.subf %get3A_1956, %broadcast_in_dim3A : vector<16xf32>
      %get3A_1958 = arith.constant 656 : index
      %get3A_1959 = tpu.vector_load %arg14[%get3A_1958] {strides = array<i32>} : memref<1024xf32, #tpu.memory_space<vmem>>, vector<16xf32>,
      %get3A_1960 = vector.shape_cast %get3A_1959 : vector<16xf32> to vector<16xf32>
      %sub3A_1961 = arith.subf %get3A_1960, %broadcast_in_dim3A_49 : vector<16xf32>
      %get3A_1962 = arith.constant 656 : index
      %get3A_1963 = tpu.vector_load %arg15[%get3A_1962] {strides = array<i32>} : memref<1024xf32, #tpu.memory_space<vmem>>, vector<16xf32>,
      %get3A_1964 = vector.shape_cast %get3A_1963 : vector<16xf32> to vector<16xf32>
      %sub3A_1965 = arith.subf %get3A_1964, %broadcast_in_dim3A_55 : vector<16xf32>
      %mul3A_1966 = arith.mulf %sub3A_1957, %sub3A_1957 : vector<16xf32>
      %mul3A_1967 = arith.mulf %sub3A_1961, %sub3A_1961 : vector<16xf32>
      %add3A_1968 = arith.addf %mul3A_1966, %mul3A_1967 : vector<16xf32>
      %mul3A_1969 = arith.mulf %sub3A_1965, %sub3A_1965 : vector<16xf32>
      %add3A_1970 = arith.addf %add3A_1968, %mul3A_1969 : vector<16xf32>
      %min3A_1971 = arith.minimumf %min3A_1925, %add3A_1970 : vector<16xf32>
      %get3A_1972 = arith.constant 656 : index
      %get3A_1973 = tpu.vector_load %arg10[%get3A_1972] {strides = array<i32>} : memref<1040xf32, #tpu.memory_space<vmem>>, vector<16xf32>,
      %get3A_1974 = vector.shape_cast %get3A_1973 : vector<16xf32> to vector<16xf32>
      %sub3A_1975 = arith.subf %get3A_1974, %broadcast_in_dim3A : vector<16xf32>
      %get3A_1976 = arith.constant 656 : index
      %get3A_1977 = tpu.vector_load %arg11[%get3A_1976] {strides = array<i32>} : memref<1040xf32, #tpu.memory_space<vmem>>, vector<16xf32>,
      %get3A_1978 = vector.shape_cast %get3A_1977 : vector<16xf32> to vector<16xf32>
      %sub3A_1979 = arith.subf %get3A_1978, %broadcast_in_dim3A_49 : vector<16xf32>
      %get3A_1980 = arith.constant 656 : index
      %get3A_1981 = tpu.vector_load %arg12[%get3A_1980] {strides = array<i32>} : memref<1040xf32, #tpu.memory_space<vmem>>, vector<16xf32>,
      %get3A_1982 = vector.shape_cast %get3A_1981 : vector<16xf32> to vector<16xf32>
      %sub3A_1983 = arith.subf %get3A_1982, %broadcast_in_dim3A_55 : vector<16xf32>
      %mul3A_1984 = arith.mulf %sub3A_1975, %sub3A_1975 : vector<16xf32>
      %mul3A_1985 = arith.mulf %sub3A_1979, %sub3A_1979 : vector<16xf32>
      %add3A_1986 = arith.addf %mul3A_1984, %mul3A_1985 : vector<16xf32>
      %mul3A_1987 = arith.mulf %sub3A_1983, %sub3A_1983 : vector<16xf32>
      %add3A_1988 = arith.addf %add3A_1986, %mul3A_1987 : vector<16xf32>
      %min3A_1989 = arith.minimumf %min3A_1943, %add3A_1988 : vector<16xf32>
      %max3A_1990 = arith.maximumf %min3A_1943, %add3A_1988 : vector<16xf32>
      %min3A_1991 = arith.minimumf %min3A_1945, %max3A_1990 : vector<16xf32>
      %max3A_1992 = arith.maximumf %min3A_1945, %max3A_1990 : vector<16xf32>
      %min3A_1993 = arith.minimumf %min3A_1947, %max3A_1992 : vector<16xf32>
      %max3A_1994 = arith.maximumf %min3A_1947, %max3A_1992 : vector<16xf32>
      %min3A_1995 = arith.minimumf %min3A_1949, %max3A_1994 : vector<16xf32>
      %max3A_1996 = arith.maximumf %min3A_1949, %max3A_1994 : vector<16xf32>
      %min3A_1997 = arith.minimumf %min3A_1951, %max3A_1996 : vector<16xf32>
      %max3A_1998 = arith.maximumf %min3A_1951, %max3A_1996 : vector<16xf32>
      %min3A_1999 = arith.minimumf %min3A_1953, %max3A_1998 : vector<16xf32>
      %get3A_2000 = arith.constant 672 : index
      %get3A_2001 = tpu.vector_load %arg13[%get3A_2000] {strides = array<i32>} : memref<1024xf32, #tpu.memory_space<vmem>>, vector<16xf32>,
      %get3A_2002 = vector.shape_cast %get3A_2001 : vector<16xf32> to vector<16xf32>
      %sub3A_2003 = arith.subf %get3A_2002, %broadcast_in_dim3A : vector<16xf32>
      %get3A_2004 = arith.constant 672 : index
      %get3A_2005 = tpu.vector_load %arg14[%get3A_2004] {strides = array<i32>} : memref<1024xf32, #tpu.memory_space<vmem>>, vector<16xf32>,
      %get3A_2006 = vector.shape_cast %get3A_2005 : vector<16xf32> to vector<16xf32>
      %sub3A_2007 = arith.subf %get3A_2006, %broadcast_in_dim3A_49 : vector<16xf32>
      %get3A_2008 = arith.constant 672 : index
      %get3A_2009 = tpu.vector_load %arg15[%get3A_2008] {strides = array<i32>} : memref<1024xf32, #tpu.memory_space<vmem>>, vector<16xf32>,
      %get3A_2010 = vector.shape_cast %get3A_2009 : vector<16xf32> to vector<16xf32>
      %sub3A_2011 = arith.subf %get3A_2010, %broadcast_in_dim3A_55 : vector<16xf32>
      %mul3A_2012 = arith.mulf %sub3A_2003, %sub3A_2003 : vector<16xf32>
      %mul3A_2013 = arith.mulf %sub3A_2007, %sub3A_2007 : vector<16xf32>
      %add3A_2014 = arith.addf %mul3A_2012, %mul3A_2013 : vector<16xf32>
      %mul3A_2015 = arith.mulf %sub3A_2011, %sub3A_2011 : vector<16xf32>
      %add3A_2016 = arith.addf %add3A_2014, %mul3A_2015 : vector<16xf32>
      %min3A_2017 = arith.minimumf %min3A_1971, %add3A_2016 : vector<16xf32>
      %get3A_2018 = arith.constant 672 : index
      %get3A_2019 = tpu.vector_load %arg10[%get3A_2018] {strides = array<i32>} : memref<1040xf32, #tpu.memory_space<vmem>>, vector<16xf32>,
      %get3A_2020 = vector.shape_cast %get3A_2019 : vector<16xf32> to vector<16xf32>
      %sub3A_2021 = arith.subf %get3A_2020, %broadcast_in_dim3A : vector<16xf32>
      %get3A_2022 = arith.constant 672 : index
      %get3A_2023 = tpu.vector_load %arg11[%get3A_2022] {strides = array<i32>} : memref<1040xf32, #tpu.memory_space<vmem>>, vector<16xf32>,
      %get3A_2024 = vector.shape_cast %get3A_2023 : vector<16xf32> to vector<16xf32>
      %sub3A_2025 = arith.subf %get3A_2024, %broadcast_in_dim3A_49 : vector<16xf32>
      %get3A_2026 = arith.constant 672 : index
      %get3A_2027 = tpu.vector_load %arg12[%get3A_2026] {strides = array<i32>} : memref<1040xf32, #tpu.memory_space<vmem>>, vector<16xf32>,
      %get3A_2028 = vector.shape_cast %get3A_2027 : vector<16xf32> to vector<16xf32>
      %sub3A_2029 = arith.subf %get3A_2028, %broadcast_in_dim3A_55 : vector<16xf32>
      %mul3A_2030 = arith.mulf %sub3A_2021, %sub3A_2021 : vector<16xf32>
      %mul3A_2031 = arith.mulf %sub3A_2025, %sub3A_2025 : vector<16xf32>
      %add3A_2032 = arith.addf %mul3A_2030, %mul3A_2031 : vector<16xf32>
      %mul3A_2033 = arith.mulf %sub3A_2029, %sub3A_2029 : vector<16xf32>
      %add3A_2034 = arith.addf %add3A_2032, %mul3A_2033 : vector<16xf32>
      %min3A_2035 = arith.minimumf %min3A_1989, %add3A_2034 : vector<16xf32>
      %max3A_2036 = arith.maximumf %min3A_1989, %add3A_2034 : vector<16xf32>
      %min3A_2037 = arith.minimumf %min3A_1991, %max3A_2036 : vector<16xf32>
      %max3A_2038 = arith.maximumf %min3A_1991, %max3A_2036 : vector<16xf32>
      %min3A_2039 = arith.minimumf %min3A_1993, %max3A_2038 : vector<16xf32>
      %max3A_2040 = arith.maximumf %min3A_1993, %max3A_2038 : vector<16xf32>
      %min3A_2041 = arith.minimumf %min3A_1995, %max3A_2040 : vector<16xf32>
      %max3A_2042 = arith.maximumf %min3A_1995, %max3A_2040 : vector<16xf32>
      %min3A_2043 = arith.minimumf %min3A_1997, %max3A_2042 : vector<16xf32>
      %max3A_2044 = arith.maximumf %min3A_1997, %max3A_2042 : vector<16xf32>
      %min3A_2045 = arith.minimumf %min3A_1999, %max3A_2044 : vector<16xf32>
      %get3A_2046 = arith.constant 688 : index
      %get3A_2047 = tpu.vector_load %arg13[%get3A_2046] {strides = array<i32>} : memref<1024xf32, #tpu.memory_space<vmem>>, vector<16xf32>,
      %get3A_2048 = vector.shape_cast %get3A_2047 : vector<16xf32> to vector<16xf32>
      %sub3A_2049 = arith.subf %get3A_2048, %broadcast_in_dim3A : vector<16xf32>
      %get3A_2050 = arith.constant 688 : index
      %get3A_2051 = tpu.vector_load %arg14[%get3A_2050] {strides = array<i32>} : memref<1024xf32, #tpu.memory_space<vmem>>, vector<16xf32>,
      %get3A_2052 = vector.shape_cast %get3A_2051 : vector<16xf32> to vector<16xf32>
      %sub3A_2053 = arith.subf %get3A_2052, %broadcast_in_dim3A_49 : vector<16xf32>
      %get3A_2054 = arith.constant 688 : index
      %get3A_2055 = tpu.vector_load %arg15[%get3A_2054] {strides = array<i32>} : memref<1024xf32, #tpu.memory_space<vmem>>, vector<16xf32>,
      %get3A_2056 = vector.shape_cast %get3A_2055 : vector<16xf32> to vector<16xf32>
      %sub3A_2057 = arith.subf %get3A_2056, %broadcast_in_dim3A_55 : vector<16xf32>
      %mul3A_2058 = arith.mulf %sub3A_2049, %sub3A_2049 : vector<16xf32>
      %mul3A_2059 = arith.mulf %sub3A_2053, %sub3A_2053 : vector<16xf32>
      %add3A_2060 = arith.addf %mul3A_2058, %mul3A_2059 : vector<16xf32>
      %mul3A_2061 = arith.mulf %sub3A_2057, %sub3A_2057 : vector<16xf32>
      %add3A_2062 = arith.addf %add3A_2060, %mul3A_2061 : vector<16xf32>
      %min3A_2063 = arith.minimumf %min3A_2017, %add3A_2062 : vector<16xf32>
      %get3A_2064 = arith.constant 688 : index
      %get3A_2065 = tpu.vector_load %arg10[%get3A_2064] {strides = array<i32>} : memref<1040xf32, #tpu.memory_space<vmem>>, vector<16xf32>,
      %get3A_2066 = vector.shape_cast %get3A_2065 : vector<16xf32> to vector<16xf32>
      %sub3A_2067 = arith.subf %get3A_2066, %broadcast_in_dim3A : vector<16xf32>
      %get3A_2068 = arith.constant 688 : index
      %get3A_2069 = tpu.vector_load %arg11[%get3A_2068] {strides = array<i32>} : memref<1040xf32, #tpu.memory_space<vmem>>, vector<16xf32>,
      %get3A_2070 = vector.shape_cast %get3A_2069 : vector<16xf32> to vector<16xf32>
      %sub3A_2071 = arith.subf %get3A_2070, %broadcast_in_dim3A_49 : vector<16xf32>
      %get3A_2072 = arith.constant 688 : index
      %get3A_2073 = tpu.vector_load %arg12[%get3A_2072] {strides = array<i32>} : memref<1040xf32, #tpu.memory_space<vmem>>, vector<16xf32>,
      %get3A_2074 = vector.shape_cast %get3A_2073 : vector<16xf32> to vector<16xf32>
      %sub3A_2075 = arith.subf %get3A_2074, %broadcast_in_dim3A_55 : vector<16xf32>
      %mul3A_2076 = arith.mulf %sub3A_2067, %sub3A_2067 : vector<16xf32>
      %mul3A_2077 = arith.mulf %sub3A_2071, %sub3A_2071 : vector<16xf32>
      %add3A_2078 = arith.addf %mul3A_2076, %mul3A_2077 : vector<16xf32>
      %mul3A_2079 = arith.mulf %sub3A_2075, %sub3A_2075 : vector<16xf32>
      %add3A_2080 = arith.addf %add3A_2078, %mul3A_2079 : vector<16xf32>
      %min3A_2081 = arith.minimumf %min3A_2035, %add3A_2080 : vector<16xf32>
      %max3A_2082 = arith.maximumf %min3A_2035, %add3A_2080 : vector<16xf32>
      %min3A_2083 = arith.minimumf %min3A_2037, %max3A_2082 : vector<16xf32>
      %max3A_2084 = arith.maximumf %min3A_2037, %max3A_2082 : vector<16xf32>
      %min3A_2085 = arith.minimumf %min3A_2039, %max3A_2084 : vector<16xf32>
      %max3A_2086 = arith.maximumf %min3A_2039, %max3A_2084 : vector<16xf32>
      %min3A_2087 = arith.minimumf %min3A_2041, %max3A_2086 : vector<16xf32>
      %max3A_2088 = arith.maximumf %min3A_2041, %max3A_2086 : vector<16xf32>
      %min3A_2089 = arith.minimumf %min3A_2043, %max3A_2088 : vector<16xf32>
      %max3A_2090 = arith.maximumf %min3A_2043, %max3A_2088 : vector<16xf32>
      %min3A_2091 = arith.minimumf %min3A_2045, %max3A_2090 : vector<16xf32>
      %get3A_2092 = arith.constant 704 : index
      %get3A_2093 = tpu.vector_load %arg13[%get3A_2092] {strides = array<i32>} : memref<1024xf32, #tpu.memory_space<vmem>>, vector<16xf32>,
      %get3A_2094 = vector.shape_cast %get3A_2093 : vector<16xf32> to vector<16xf32>
      %sub3A_2095 = arith.subf %get3A_2094, %broadcast_in_dim3A : vector<16xf32>
      %get3A_2096 = arith.constant 704 : index
      %get3A_2097 = tpu.vector_load %arg14[%get3A_2096] {strides = array<i32>} : memref<1024xf32, #tpu.memory_space<vmem>>, vector<16xf32>,
      %get3A_2098 = vector.shape_cast %get3A_2097 : vector<16xf32> to vector<16xf32>
      %sub3A_2099 = arith.subf %get3A_2098, %broadcast_in_dim3A_49 : vector<16xf32>
      %get3A_2100 = arith.constant 704 : index
      %get3A_2101 = tpu.vector_load %arg15[%get3A_2100] {strides = array<i32>} : memref<1024xf32, #tpu.memory_space<vmem>>, vector<16xf32>,
      %get3A_2102 = vector.shape_cast %get3A_2101 : vector<16xf32> to vector<16xf32>
      %sub3A_2103 = arith.subf %get3A_2102, %broadcast_in_dim3A_55 : vector<16xf32>
      %mul3A_2104 = arith.mulf %sub3A_2095, %sub3A_2095 : vector<16xf32>
      %mul3A_2105 = arith.mulf %sub3A_2099, %sub3A_2099 : vector<16xf32>
      %add3A_2106 = arith.addf %mul3A_2104, %mul3A_2105 : vector<16xf32>
      %mul3A_2107 = arith.mulf %sub3A_2103, %sub3A_2103 : vector<16xf32>
      %add3A_2108 = arith.addf %add3A_2106, %mul3A_2107 : vector<16xf32>
      %min3A_2109 = arith.minimumf %min3A_2063, %add3A_2108 : vector<16xf32>
      %get3A_2110 = arith.constant 704 : index
      %get3A_2111 = tpu.vector_load %arg10[%get3A_2110] {strides = array<i32>} : memref<1040xf32, #tpu.memory_space<vmem>>, vector<16xf32>,
      %get3A_2112 = vector.shape_cast %get3A_2111 : vector<16xf32> to vector<16xf32>
      %sub3A_2113 = arith.subf %get3A_2112, %broadcast_in_dim3A : vector<16xf32>
      %get3A_2114 = arith.constant 704 : index
      %get3A_2115 = tpu.vector_load %arg11[%get3A_2114] {strides = array<i32>} : memref<1040xf32, #tpu.memory_space<vmem>>, vector<16xf32>,
      %get3A_2116 = vector.shape_cast %get3A_2115 : vector<16xf32> to vector<16xf32>
      %sub3A_2117 = arith.subf %get3A_2116, %broadcast_in_dim3A_49 : vector<16xf32>
      %get3A_2118 = arith.constant 704 : index
      %get3A_2119 = tpu.vector_load %arg12[%get3A_2118] {strides = array<i32>} : memref<1040xf32, #tpu.memory_space<vmem>>, vector<16xf32>,
      %get3A_2120 = vector.shape_cast %get3A_2119 : vector<16xf32> to vector<16xf32>
      %sub3A_2121 = arith.subf %get3A_2120, %broadcast_in_dim3A_55 : vector<16xf32>
      %mul3A_2122 = arith.mulf %sub3A_2113, %sub3A_2113 : vector<16xf32>
      %mul3A_2123 = arith.mulf %sub3A_2117, %sub3A_2117 : vector<16xf32>
      %add3A_2124 = arith.addf %mul3A_2122, %mul3A_2123 : vector<16xf32>
      %mul3A_2125 = arith.mulf %sub3A_2121, %sub3A_2121 : vector<16xf32>
      %add3A_2126 = arith.addf %add3A_2124, %mul3A_2125 : vector<16xf32>
      %min3A_2127 = arith.minimumf %min3A_2081, %add3A_2126 : vector<16xf32>
      %max3A_2128 = arith.maximumf %min3A_2081, %add3A_2126 : vector<16xf32>
      %min3A_2129 = arith.minimumf %min3A_2083, %max3A_2128 : vector<16xf32>
      %max3A_2130 = arith.maximumf %min3A_2083, %max3A_2128 : vector<16xf32>
      %min3A_2131 = arith.minimumf %min3A_2085, %max3A_2130 : vector<16xf32>
      %max3A_2132 = arith.maximumf %min3A_2085, %max3A_2130 : vector<16xf32>
      %min3A_2133 = arith.minimumf %min3A_2087, %max3A_2132 : vector<16xf32>
      %max3A_2134 = arith.maximumf %min3A_2087, %max3A_2132 : vector<16xf32>
      %min3A_2135 = arith.minimumf %min3A_2089, %max3A_2134 : vector<16xf32>
      %max3A_2136 = arith.maximumf %min3A_2089, %max3A_2134 : vector<16xf32>
      %min3A_2137 = arith.minimumf %min3A_2091, %max3A_2136 : vector<16xf32>
      %get3A_2138 = arith.constant 720 : index
      %get3A_2139 = tpu.vector_load %arg13[%get3A_2138] {strides = array<i32>} : memref<1024xf32, #tpu.memory_space<vmem>>, vector<16xf32>,
      %get3A_2140 = vector.shape_cast %get3A_2139 : vector<16xf32> to vector<16xf32>
      %sub3A_2141 = arith.subf %get3A_2140, %broadcast_in_dim3A : vector<16xf32>
      %get3A_2142 = arith.constant 720 : index
      %get3A_2143 = tpu.vector_load %arg14[%get3A_2142] {strides = array<i32>} : memref<1024xf32, #tpu.memory_space<vmem>>, vector<16xf32>,
      %get3A_2144 = vector.shape_cast %get3A_2143 : vector<16xf32> to vector<16xf32>
      %sub3A_2145 = arith.subf %get3A_2144, %broadcast_in_dim3A_49 : vector<16xf32>
      %get3A_2146 = arith.constant 720 : index
      %get3A_2147 = tpu.vector_load %arg15[%get3A_2146] {strides = array<i32>} : memref<1024xf32, #tpu.memory_space<vmem>>, vector<16xf32>,
      %get3A_2148 = vector.shape_cast %get3A_2147 : vector<16xf32> to vector<16xf32>
      %sub3A_2149 = arith.subf %get3A_2148, %broadcast_in_dim3A_55 : vector<16xf32>
      %mul3A_2150 = arith.mulf %sub3A_2141, %sub3A_2141 : vector<16xf32>
      %mul3A_2151 = arith.mulf %sub3A_2145, %sub3A_2145 : vector<16xf32>
      %add3A_2152 = arith.addf %mul3A_2150, %mul3A_2151 : vector<16xf32>
      %mul3A_2153 = arith.mulf %sub3A_2149, %sub3A_2149 : vector<16xf32>
      %add3A_2154 = arith.addf %add3A_2152, %mul3A_2153 : vector<16xf32>
      %min3A_2155 = arith.minimumf %min3A_2109, %add3A_2154 : vector<16xf32>
      %get3A_2156 = arith.constant 720 : index
      %get3A_2157 = tpu.vector_load %arg10[%get3A_2156] {strides = array<i32>} : memref<1040xf32, #tpu.memory_space<vmem>>, vector<16xf32>,
      %get3A_2158 = vector.shape_cast %get3A_2157 : vector<16xf32> to vector<16xf32>
      %sub3A_2159 = arith.subf %get3A_2158, %broadcast_in_dim3A : vector<16xf32>
      %get3A_2160 = arith.constant 720 : index
      %get3A_2161 = tpu.vector_load %arg11[%get3A_2160] {strides = array<i32>} : memref<1040xf32, #tpu.memory_space<vmem>>, vector<16xf32>,
      %get3A_2162 = vector.shape_cast %get3A_2161 : vector<16xf32> to vector<16xf32>
      %sub3A_2163 = arith.subf %get3A_2162, %broadcast_in_dim3A_49 : vector<16xf32>
      %get3A_2164 = arith.constant 720 : index
      %get3A_2165 = tpu.vector_load %arg12[%get3A_2164] {strides = array<i32>} : memref<1040xf32, #tpu.memory_space<vmem>>, vector<16xf32>,
      %get3A_2166 = vector.shape_cast %get3A_2165 : vector<16xf32> to vector<16xf32>
      %sub3A_2167 = arith.subf %get3A_2166, %broadcast_in_dim3A_55 : vector<16xf32>
      %mul3A_2168 = arith.mulf %sub3A_2159, %sub3A_2159 : vector<16xf32>
      %mul3A_2169 = arith.mulf %sub3A_2163, %sub3A_2163 : vector<16xf32>
      %add3A_2170 = arith.addf %mul3A_2168, %mul3A_2169 : vector<16xf32>
      %mul3A_2171 = arith.mulf %sub3A_2167, %sub3A_2167 : vector<16xf32>
      %add3A_2172 = arith.addf %add3A_2170, %mul3A_2171 : vector<16xf32>
      %min3A_2173 = arith.minimumf %min3A_2127, %add3A_2172 : vector<16xf32>
      %max3A_2174 = arith.maximumf %min3A_2127, %add3A_2172 : vector<16xf32>
      %min3A_2175 = arith.minimumf %min3A_2129, %max3A_2174 : vector<16xf32>
      %max3A_2176 = arith.maximumf %min3A_2129, %max3A_2174 : vector<16xf32>
      %min3A_2177 = arith.minimumf %min3A_2131, %max3A_2176 : vector<16xf32>
      %max3A_2178 = arith.maximumf %min3A_2131, %max3A_2176 : vector<16xf32>
      %min3A_2179 = arith.minimumf %min3A_2133, %max3A_2178 : vector<16xf32>
      %max3A_2180 = arith.maximumf %min3A_2133, %max3A_2178 : vector<16xf32>
      %min3A_2181 = arith.minimumf %min3A_2135, %max3A_2180 : vector<16xf32>
      %max3A_2182 = arith.maximumf %min3A_2135, %max3A_2180 : vector<16xf32>
      %min3A_2183 = arith.minimumf %min3A_2137, %max3A_2182 : vector<16xf32>
      %get3A_2184 = arith.constant 736 : index
      %get3A_2185 = tpu.vector_load %arg13[%get3A_2184] {strides = array<i32>} : memref<1024xf32, #tpu.memory_space<vmem>>, vector<16xf32>,
      %get3A_2186 = vector.shape_cast %get3A_2185 : vector<16xf32> to vector<16xf32>
      %sub3A_2187 = arith.subf %get3A_2186, %broadcast_in_dim3A : vector<16xf32>
      %get3A_2188 = arith.constant 736 : index
      %get3A_2189 = tpu.vector_load %arg14[%get3A_2188] {strides = array<i32>} : memref<1024xf32, #tpu.memory_space<vmem>>, vector<16xf32>,
      %get3A_2190 = vector.shape_cast %get3A_2189 : vector<16xf32> to vector<16xf32>
      %sub3A_2191 = arith.subf %get3A_2190, %broadcast_in_dim3A_49 : vector<16xf32>
      %get3A_2192 = arith.constant 736 : index
      %get3A_2193 = tpu.vector_load %arg15[%get3A_2192] {strides = array<i32>} : memref<1024xf32, #tpu.memory_space<vmem>>, vector<16xf32>,
      %get3A_2194 = vector.shape_cast %get3A_2193 : vector<16xf32> to vector<16xf32>
      %sub3A_2195 = arith.subf %get3A_2194, %broadcast_in_dim3A_55 : vector<16xf32>
      %mul3A_2196 = arith.mulf %sub3A_2187, %sub3A_2187 : vector<16xf32>
      %mul3A_2197 = arith.mulf %sub3A_2191, %sub3A_2191 : vector<16xf32>
      %add3A_2198 = arith.addf %mul3A_2196, %mul3A_2197 : vector<16xf32>
      %mul3A_2199 = arith.mulf %sub3A_2195, %sub3A_2195 : vector<16xf32>
      %add3A_2200 = arith.addf %add3A_2198, %mul3A_2199 : vector<16xf32>
      %min3A_2201 = arith.minimumf %min3A_2155, %add3A_2200 : vector<16xf32>
      %get3A_2202 = arith.constant 736 : index
      %get3A_2203 = tpu.vector_load %arg10[%get3A_2202] {strides = array<i32>} : memref<1040xf32, #tpu.memory_space<vmem>>, vector<16xf32>,
      %get3A_2204 = vector.shape_cast %get3A_2203 : vector<16xf32> to vector<16xf32>
      %sub3A_2205 = arith.subf %get3A_2204, %broadcast_in_dim3A : vector<16xf32>
      %get3A_2206 = arith.constant 736 : index
      %get3A_2207 = tpu.vector_load %arg11[%get3A_2206] {strides = array<i32>} : memref<1040xf32, #tpu.memory_space<vmem>>, vector<16xf32>,
      %get3A_2208 = vector.shape_cast %get3A_2207 : vector<16xf32> to vector<16xf32>
      %sub3A_2209 = arith.subf %get3A_2208, %broadcast_in_dim3A_49 : vector<16xf32>
      %get3A_2210 = arith.constant 736 : index
      %get3A_2211 = tpu.vector_load %arg12[%get3A_2210] {strides = array<i32>} : memref<1040xf32, #tpu.memory_space<vmem>>, vector<16xf32>,
      %get3A_2212 = vector.shape_cast %get3A_2211 : vector<16xf32> to vector<16xf32>
      %sub3A_2213 = arith.subf %get3A_2212, %broadcast_in_dim3A_55 : vector<16xf32>
      %mul3A_2214 = arith.mulf %sub3A_2205, %sub3A_2205 : vector<16xf32>
      %mul3A_2215 = arith.mulf %sub3A_2209, %sub3A_2209 : vector<16xf32>
      %add3A_2216 = arith.addf %mul3A_2214, %mul3A_2215 : vector<16xf32>
      %mul3A_2217 = arith.mulf %sub3A_2213, %sub3A_2213 : vector<16xf32>
      %add3A_2218 = arith.addf %add3A_2216, %mul3A_2217 : vector<16xf32>
      %min3A_2219 = arith.minimumf %min3A_2173, %add3A_2218 : vector<16xf32>
      %max3A_2220 = arith.maximumf %min3A_2173, %add3A_2218 : vector<16xf32>
      %min3A_2221 = arith.minimumf %min3A_2175, %max3A_2220 : vector<16xf32>
      %max3A_2222 = arith.maximumf %min3A_2175, %max3A_2220 : vector<16xf32>
      %min3A_2223 = arith.minimumf %min3A_2177, %max3A_2222 : vector<16xf32>
      %max3A_2224 = arith.maximumf %min3A_2177, %max3A_2222 : vector<16xf32>
      %min3A_2225 = arith.minimumf %min3A_2179, %max3A_2224 : vector<16xf32>
      %max3A_2226 = arith.maximumf %min3A_2179, %max3A_2224 : vector<16xf32>
      %min3A_2227 = arith.minimumf %min3A_2181, %max3A_2226 : vector<16xf32>
      %max3A_2228 = arith.maximumf %min3A_2181, %max3A_2226 : vector<16xf32>
      %min3A_2229 = arith.minimumf %min3A_2183, %max3A_2228 : vector<16xf32>
      %get3A_2230 = arith.constant 752 : index
      %get3A_2231 = tpu.vector_load %arg13[%get3A_2230] {strides = array<i32>} : memref<1024xf32, #tpu.memory_space<vmem>>, vector<16xf32>,
      %get3A_2232 = vector.shape_cast %get3A_2231 : vector<16xf32> to vector<16xf32>
      %sub3A_2233 = arith.subf %get3A_2232, %broadcast_in_dim3A : vector<16xf32>
      %get3A_2234 = arith.constant 752 : index
      %get3A_2235 = tpu.vector_load %arg14[%get3A_2234] {strides = array<i32>} : memref<1024xf32, #tpu.memory_space<vmem>>, vector<16xf32>,
      %get3A_2236 = vector.shape_cast %get3A_2235 : vector<16xf32> to vector<16xf32>
      %sub3A_2237 = arith.subf %get3A_2236, %broadcast_in_dim3A_49 : vector<16xf32>
      %get3A_2238 = arith.constant 752 : index
      %get3A_2239 = tpu.vector_load %arg15[%get3A_2238] {strides = array<i32>} : memref<1024xf32, #tpu.memory_space<vmem>>, vector<16xf32>,
      %get3A_2240 = vector.shape_cast %get3A_2239 : vector<16xf32> to vector<16xf32>
      %sub3A_2241 = arith.subf %get3A_2240, %broadcast_in_dim3A_55 : vector<16xf32>
      %mul3A_2242 = arith.mulf %sub3A_2233, %sub3A_2233 : vector<16xf32>
      %mul3A_2243 = arith.mulf %sub3A_2237, %sub3A_2237 : vector<16xf32>
      %add3A_2244 = arith.addf %mul3A_2242, %mul3A_2243 : vector<16xf32>
      %mul3A_2245 = arith.mulf %sub3A_2241, %sub3A_2241 : vector<16xf32>
      %add3A_2246 = arith.addf %add3A_2244, %mul3A_2245 : vector<16xf32>
      %min3A_2247 = arith.minimumf %min3A_2201, %add3A_2246 : vector<16xf32>
      %get3A_2248 = arith.constant 752 : index
      %get3A_2249 = tpu.vector_load %arg10[%get3A_2248] {strides = array<i32>} : memref<1040xf32, #tpu.memory_space<vmem>>, vector<16xf32>,
      %get3A_2250 = vector.shape_cast %get3A_2249 : vector<16xf32> to vector<16xf32>
      %sub3A_2251 = arith.subf %get3A_2250, %broadcast_in_dim3A : vector<16xf32>
      %get3A_2252 = arith.constant 752 : index
      %get3A_2253 = tpu.vector_load %arg11[%get3A_2252] {strides = array<i32>} : memref<1040xf32, #tpu.memory_space<vmem>>, vector<16xf32>,
      %get3A_2254 = vector.shape_cast %get3A_2253 : vector<16xf32> to vector<16xf32>
      %sub3A_2255 = arith.subf %get3A_2254, %broadcast_in_dim3A_49 : vector<16xf32>
      %get3A_2256 = arith.constant 752 : index
      %get3A_2257 = tpu.vector_load %arg12[%get3A_2256] {strides = array<i32>} : memref<1040xf32, #tpu.memory_space<vmem>>, vector<16xf32>,
      %get3A_2258 = vector.shape_cast %get3A_2257 : vector<16xf32> to vector<16xf32>
      %sub3A_2259 = arith.subf %get3A_2258, %broadcast_in_dim3A_55 : vector<16xf32>
      %mul3A_2260 = arith.mulf %sub3A_2251, %sub3A_2251 : vector<16xf32>
      %mul3A_2261 = arith.mulf %sub3A_2255, %sub3A_2255 : vector<16xf32>
      %add3A_2262 = arith.addf %mul3A_2260, %mul3A_2261 : vector<16xf32>
      %mul3A_2263 = arith.mulf %sub3A_2259, %sub3A_2259 : vector<16xf32>
      %add3A_2264 = arith.addf %add3A_2262, %mul3A_2263 : vector<16xf32>
      %min3A_2265 = arith.minimumf %min3A_2219, %add3A_2264 : vector<16xf32>
      %max3A_2266 = arith.maximumf %min3A_2219, %add3A_2264 : vector<16xf32>
      %min3A_2267 = arith.minimumf %min3A_2221, %max3A_2266 : vector<16xf32>
      %max3A_2268 = arith.maximumf %min3A_2221, %max3A_2266 : vector<16xf32>
      %min3A_2269 = arith.minimumf %min3A_2223, %max3A_2268 : vector<16xf32>
      %max3A_2270 = arith.maximumf %min3A_2223, %max3A_2268 : vector<16xf32>
      %min3A_2271 = arith.minimumf %min3A_2225, %max3A_2270 : vector<16xf32>
      %max3A_2272 = arith.maximumf %min3A_2225, %max3A_2270 : vector<16xf32>
      %min3A_2273 = arith.minimumf %min3A_2227, %max3A_2272 : vector<16xf32>
      %max3A_2274 = arith.maximumf %min3A_2227, %max3A_2272 : vector<16xf32>
      %min3A_2275 = arith.minimumf %min3A_2229, %max3A_2274 : vector<16xf32>
      %get3A_2276 = arith.constant 768 : index
      %get3A_2277 = tpu.vector_load %arg13[%get3A_2276] {strides = array<i32>} : memref<1024xf32, #tpu.memory_space<vmem>>, vector<16xf32>,
      %get3A_2278 = vector.shape_cast %get3A_2277 : vector<16xf32> to vector<16xf32>
      %sub3A_2279 = arith.subf %get3A_2278, %broadcast_in_dim3A : vector<16xf32>
      %get3A_2280 = arith.constant 768 : index
      %get3A_2281 = tpu.vector_load %arg14[%get3A_2280] {strides = array<i32>} : memref<1024xf32, #tpu.memory_space<vmem>>, vector<16xf32>,
      %get3A_2282 = vector.shape_cast %get3A_2281 : vector<16xf32> to vector<16xf32>
      %sub3A_2283 = arith.subf %get3A_2282, %broadcast_in_dim3A_49 : vector<16xf32>
      %get3A_2284 = arith.constant 768 : index
      %get3A_2285 = tpu.vector_load %arg15[%get3A_2284] {strides = array<i32>} : memref<1024xf32, #tpu.memory_space<vmem>>, vector<16xf32>,
      %get3A_2286 = vector.shape_cast %get3A_2285 : vector<16xf32> to vector<16xf32>
      %sub3A_2287 = arith.subf %get3A_2286, %broadcast_in_dim3A_55 : vector<16xf32>
      %mul3A_2288 = arith.mulf %sub3A_2279, %sub3A_2279 : vector<16xf32>
      %mul3A_2289 = arith.mulf %sub3A_2283, %sub3A_2283 : vector<16xf32>
      %add3A_2290 = arith.addf %mul3A_2288, %mul3A_2289 : vector<16xf32>
      %mul3A_2291 = arith.mulf %sub3A_2287, %sub3A_2287 : vector<16xf32>
      %add3A_2292 = arith.addf %add3A_2290, %mul3A_2291 : vector<16xf32>
      %min3A_2293 = arith.minimumf %min3A_2247, %add3A_2292 : vector<16xf32>
      %get3A_2294 = arith.constant 768 : index
      %get3A_2295 = tpu.vector_load %arg10[%get3A_2294] {strides = array<i32>} : memref<1040xf32, #tpu.memory_space<vmem>>, vector<16xf32>,
      %get3A_2296 = vector.shape_cast %get3A_2295 : vector<16xf32> to vector<16xf32>
      %sub3A_2297 = arith.subf %get3A_2296, %broadcast_in_dim3A : vector<16xf32>
      %get3A_2298 = arith.constant 768 : index
      %get3A_2299 = tpu.vector_load %arg11[%get3A_2298] {strides = array<i32>} : memref<1040xf32, #tpu.memory_space<vmem>>, vector<16xf32>,
      %get3A_2300 = vector.shape_cast %get3A_2299 : vector<16xf32> to vector<16xf32>
      %sub3A_2301 = arith.subf %get3A_2300, %broadcast_in_dim3A_49 : vector<16xf32>
      %get3A_2302 = arith.constant 768 : index
      %get3A_2303 = tpu.vector_load %arg12[%get3A_2302] {strides = array<i32>} : memref<1040xf32, #tpu.memory_space<vmem>>, vector<16xf32>,
      %get3A_2304 = vector.shape_cast %get3A_2303 : vector<16xf32> to vector<16xf32>
      %sub3A_2305 = arith.subf %get3A_2304, %broadcast_in_dim3A_55 : vector<16xf32>
      %mul3A_2306 = arith.mulf %sub3A_2297, %sub3A_2297 : vector<16xf32>
      %mul3A_2307 = arith.mulf %sub3A_2301, %sub3A_2301 : vector<16xf32>
      %add3A_2308 = arith.addf %mul3A_2306, %mul3A_2307 : vector<16xf32>
      %mul3A_2309 = arith.mulf %sub3A_2305, %sub3A_2305 : vector<16xf32>
      %add3A_2310 = arith.addf %add3A_2308, %mul3A_2309 : vector<16xf32>
      %min3A_2311 = arith.minimumf %min3A_2265, %add3A_2310 : vector<16xf32>
      %max3A_2312 = arith.maximumf %min3A_2265, %add3A_2310 : vector<16xf32>
      %min3A_2313 = arith.minimumf %min3A_2267, %max3A_2312 : vector<16xf32>
      %max3A_2314 = arith.maximumf %min3A_2267, %max3A_2312 : vector<16xf32>
      %min3A_2315 = arith.minimumf %min3A_2269, %max3A_2314 : vector<16xf32>
      %max3A_2316 = arith.maximumf %min3A_2269, %max3A_2314 : vector<16xf32>
      %min3A_2317 = arith.minimumf %min3A_2271, %max3A_2316 : vector<16xf32>
      %max3A_2318 = arith.maximumf %min3A_2271, %max3A_2316 : vector<16xf32>
      %min3A_2319 = arith.minimumf %min3A_2273, %max3A_2318 : vector<16xf32>
      %max3A_2320 = arith.maximumf %min3A_2273, %max3A_2318 : vector<16xf32>
      %min3A_2321 = arith.minimumf %min3A_2275, %max3A_2320 : vector<16xf32>
      %get3A_2322 = arith.constant 784 : index
      %get3A_2323 = tpu.vector_load %arg13[%get3A_2322] {strides = array<i32>} : memref<1024xf32, #tpu.memory_space<vmem>>, vector<16xf32>,
      %get3A_2324 = vector.shape_cast %get3A_2323 : vector<16xf32> to vector<16xf32>
      %sub3A_2325 = arith.subf %get3A_2324, %broadcast_in_dim3A : vector<16xf32>
      %get3A_2326 = arith.constant 784 : index
      %get3A_2327 = tpu.vector_load %arg14[%get3A_2326] {strides = array<i32>} : memref<1024xf32, #tpu.memory_space<vmem>>, vector<16xf32>,
      %get3A_2328 = vector.shape_cast %get3A_2327 : vector<16xf32> to vector<16xf32>
      %sub3A_2329 = arith.subf %get3A_2328, %broadcast_in_dim3A_49 : vector<16xf32>
      %get3A_2330 = arith.constant 784 : index
      %get3A_2331 = tpu.vector_load %arg15[%get3A_2330] {strides = array<i32>} : memref<1024xf32, #tpu.memory_space<vmem>>, vector<16xf32>,
      %get3A_2332 = vector.shape_cast %get3A_2331 : vector<16xf32> to vector<16xf32>
      %sub3A_2333 = arith.subf %get3A_2332, %broadcast_in_dim3A_55 : vector<16xf32>
      %mul3A_2334 = arith.mulf %sub3A_2325, %sub3A_2325 : vector<16xf32>
      %mul3A_2335 = arith.mulf %sub3A_2329, %sub3A_2329 : vector<16xf32>
      %add3A_2336 = arith.addf %mul3A_2334, %mul3A_2335 : vector<16xf32>
      %mul3A_2337 = arith.mulf %sub3A_2333, %sub3A_2333 : vector<16xf32>
      %add3A_2338 = arith.addf %add3A_2336, %mul3A_2337 : vector<16xf32>
      %min3A_2339 = arith.minimumf %min3A_2293, %add3A_2338 : vector<16xf32>
      %get3A_2340 = arith.constant 784 : index
      %get3A_2341 = tpu.vector_load %arg10[%get3A_2340] {strides = array<i32>} : memref<1040xf32, #tpu.memory_space<vmem>>, vector<16xf32>,
      %get3A_2342 = vector.shape_cast %get3A_2341 : vector<16xf32> to vector<16xf32>
      %sub3A_2343 = arith.subf %get3A_2342, %broadcast_in_dim3A : vector<16xf32>
      %get3A_2344 = arith.constant 784 : index
      %get3A_2345 = tpu.vector_load %arg11[%get3A_2344] {strides = array<i32>} : memref<1040xf32, #tpu.memory_space<vmem>>, vector<16xf32>,
      %get3A_2346 = vector.shape_cast %get3A_2345 : vector<16xf32> to vector<16xf32>
      %sub3A_2347 = arith.subf %get3A_2346, %broadcast_in_dim3A_49 : vector<16xf32>
      %get3A_2348 = arith.constant 784 : index
      %get3A_2349 = tpu.vector_load %arg12[%get3A_2348] {strides = array<i32>} : memref<1040xf32, #tpu.memory_space<vmem>>, vector<16xf32>,
      %get3A_2350 = vector.shape_cast %get3A_2349 : vector<16xf32> to vector<16xf32>
      %sub3A_2351 = arith.subf %get3A_2350, %broadcast_in_dim3A_55 : vector<16xf32>
      %mul3A_2352 = arith.mulf %sub3A_2343, %sub3A_2343 : vector<16xf32>
      %mul3A_2353 = arith.mulf %sub3A_2347, %sub3A_2347 : vector<16xf32>
      %add3A_2354 = arith.addf %mul3A_2352, %mul3A_2353 : vector<16xf32>
      %mul3A_2355 = arith.mulf %sub3A_2351, %sub3A_2351 : vector<16xf32>
      %add3A_2356 = arith.addf %add3A_2354, %mul3A_2355 : vector<16xf32>
      %min3A_2357 = arith.minimumf %min3A_2311, %add3A_2356 : vector<16xf32>
      %max3A_2358 = arith.maximumf %min3A_2311, %add3A_2356 : vector<16xf32>
      %min3A_2359 = arith.minimumf %min3A_2313, %max3A_2358 : vector<16xf32>
      %max3A_2360 = arith.maximumf %min3A_2313, %max3A_2358 : vector<16xf32>
      %min3A_2361 = arith.minimumf %min3A_2315, %max3A_2360 : vector<16xf32>
      %max3A_2362 = arith.maximumf %min3A_2315, %max3A_2360 : vector<16xf32>
      %min3A_2363 = arith.minimumf %min3A_2317, %max3A_2362 : vector<16xf32>
      %max3A_2364 = arith.maximumf %min3A_2317, %max3A_2362 : vector<16xf32>
      %min3A_2365 = arith.minimumf %min3A_2319, %max3A_2364 : vector<16xf32>
      %max3A_2366 = arith.maximumf %min3A_2319, %max3A_2364 : vector<16xf32>
      %min3A_2367 = arith.minimumf %min3A_2321, %max3A_2366 : vector<16xf32>
      %get3A_2368 = arith.constant 800 : index
      %get3A_2369 = tpu.vector_load %arg13[%get3A_2368] {strides = array<i32>} : memref<1024xf32, #tpu.memory_space<vmem>>, vector<16xf32>,
      %get3A_2370 = vector.shape_cast %get3A_2369 : vector<16xf32> to vector<16xf32>
      %sub3A_2371 = arith.subf %get3A_2370, %broadcast_in_dim3A : vector<16xf32>
      %get3A_2372 = arith.constant 800 : index
      %get3A_2373 = tpu.vector_load %arg14[%get3A_2372] {strides = array<i32>} : memref<1024xf32, #tpu.memory_space<vmem>>, vector<16xf32>,
      %get3A_2374 = vector.shape_cast %get3A_2373 : vector<16xf32> to vector<16xf32>
      %sub3A_2375 = arith.subf %get3A_2374, %broadcast_in_dim3A_49 : vector<16xf32>
      %get3A_2376 = arith.constant 800 : index
      %get3A_2377 = tpu.vector_load %arg15[%get3A_2376] {strides = array<i32>} : memref<1024xf32, #tpu.memory_space<vmem>>, vector<16xf32>,
      %get3A_2378 = vector.shape_cast %get3A_2377 : vector<16xf32> to vector<16xf32>
      %sub3A_2379 = arith.subf %get3A_2378, %broadcast_in_dim3A_55 : vector<16xf32>
      %mul3A_2380 = arith.mulf %sub3A_2371, %sub3A_2371 : vector<16xf32>
      %mul3A_2381 = arith.mulf %sub3A_2375, %sub3A_2375 : vector<16xf32>
      %add3A_2382 = arith.addf %mul3A_2380, %mul3A_2381 : vector<16xf32>
      %mul3A_2383 = arith.mulf %sub3A_2379, %sub3A_2379 : vector<16xf32>
      %add3A_2384 = arith.addf %add3A_2382, %mul3A_2383 : vector<16xf32>
      %min3A_2385 = arith.minimumf %min3A_2339, %add3A_2384 : vector<16xf32>
      %get3A_2386 = arith.constant 800 : index
      %get3A_2387 = tpu.vector_load %arg10[%get3A_2386] {strides = array<i32>} : memref<1040xf32, #tpu.memory_space<vmem>>, vector<16xf32>,
      %get3A_2388 = vector.shape_cast %get3A_2387 : vector<16xf32> to vector<16xf32>
      %sub3A_2389 = arith.subf %get3A_2388, %broadcast_in_dim3A : vector<16xf32>
      %get3A_2390 = arith.constant 800 : index
      %get3A_2391 = tpu.vector_load %arg11[%get3A_2390] {strides = array<i32>} : memref<1040xf32, #tpu.memory_space<vmem>>, vector<16xf32>,
      %get3A_2392 = vector.shape_cast %get3A_2391 : vector<16xf32> to vector<16xf32>
      %sub3A_2393 = arith.subf %get3A_2392, %broadcast_in_dim3A_49 : vector<16xf32>
      %get3A_2394 = arith.constant 800 : index
      %get3A_2395 = tpu.vector_load %arg12[%get3A_2394] {strides = array<i32>} : memref<1040xf32, #tpu.memory_space<vmem>>, vector<16xf32>,
      %get3A_2396 = vector.shape_cast %get3A_2395 : vector<16xf32> to vector<16xf32>
      %sub3A_2397 = arith.subf %get3A_2396, %broadcast_in_dim3A_55 : vector<16xf32>
      %mul3A_2398 = arith.mulf %sub3A_2389, %sub3A_2389 : vector<16xf32>
      %mul3A_2399 = arith.mulf %sub3A_2393, %sub3A_2393 : vector<16xf32>
      %add3A_2400 = arith.addf %mul3A_2398, %mul3A_2399 : vector<16xf32>
      %mul3A_2401 = arith.mulf %sub3A_2397, %sub3A_2397 : vector<16xf32>
      %add3A_2402 = arith.addf %add3A_2400, %mul3A_2401 : vector<16xf32>
      %min3A_2403 = arith.minimumf %min3A_2357, %add3A_2402 : vector<16xf32>
      %max3A_2404 = arith.maximumf %min3A_2357, %add3A_2402 : vector<16xf32>
      %min3A_2405 = arith.minimumf %min3A_2359, %max3A_2404 : vector<16xf32>
      %max3A_2406 = arith.maximumf %min3A_2359, %max3A_2404 : vector<16xf32>
      %min3A_2407 = arith.minimumf %min3A_2361, %max3A_2406 : vector<16xf32>
      %max3A_2408 = arith.maximumf %min3A_2361, %max3A_2406 : vector<16xf32>
      %min3A_2409 = arith.minimumf %min3A_2363, %max3A_2408 : vector<16xf32>
      %max3A_2410 = arith.maximumf %min3A_2363, %max3A_2408 : vector<16xf32>
      %min3A_2411 = arith.minimumf %min3A_2365, %max3A_2410 : vector<16xf32>
      %max3A_2412 = arith.maximumf %min3A_2365, %max3A_2410 : vector<16xf32>
      %min3A_2413 = arith.minimumf %min3A_2367, %max3A_2412 : vector<16xf32>
      %get3A_2414 = arith.constant 816 : index
      %get3A_2415 = tpu.vector_load %arg13[%get3A_2414] {strides = array<i32>} : memref<1024xf32, #tpu.memory_space<vmem>>, vector<16xf32>,
      %get3A_2416 = vector.shape_cast %get3A_2415 : vector<16xf32> to vector<16xf32>
      %sub3A_2417 = arith.subf %get3A_2416, %broadcast_in_dim3A : vector<16xf32>
      %get3A_2418 = arith.constant 816 : index
      %get3A_2419 = tpu.vector_load %arg14[%get3A_2418] {strides = array<i32>} : memref<1024xf32, #tpu.memory_space<vmem>>, vector<16xf32>,
      %get3A_2420 = vector.shape_cast %get3A_2419 : vector<16xf32> to vector<16xf32>
      %sub3A_2421 = arith.subf %get3A_2420, %broadcast_in_dim3A_49 : vector<16xf32>
      %get3A_2422 = arith.constant 816 : index
      %get3A_2423 = tpu.vector_load %arg15[%get3A_2422] {strides = array<i32>} : memref<1024xf32, #tpu.memory_space<vmem>>, vector<16xf32>,
      %get3A_2424 = vector.shape_cast %get3A_2423 : vector<16xf32> to vector<16xf32>
      %sub3A_2425 = arith.subf %get3A_2424, %broadcast_in_dim3A_55 : vector<16xf32>
      %mul3A_2426 = arith.mulf %sub3A_2417, %sub3A_2417 : vector<16xf32>
      %mul3A_2427 = arith.mulf %sub3A_2421, %sub3A_2421 : vector<16xf32>
      %add3A_2428 = arith.addf %mul3A_2426, %mul3A_2427 : vector<16xf32>
      %mul3A_2429 = arith.mulf %sub3A_2425, %sub3A_2425 : vector<16xf32>
      %add3A_2430 = arith.addf %add3A_2428, %mul3A_2429 : vector<16xf32>
      %min3A_2431 = arith.minimumf %min3A_2385, %add3A_2430 : vector<16xf32>
      %get3A_2432 = arith.constant 816 : index
      %get3A_2433 = tpu.vector_load %arg10[%get3A_2432] {strides = array<i32>} : memref<1040xf32, #tpu.memory_space<vmem>>, vector<16xf32>,
      %get3A_2434 = vector.shape_cast %get3A_2433 : vector<16xf32> to vector<16xf32>
      %sub3A_2435 = arith.subf %get3A_2434, %broadcast_in_dim3A : vector<16xf32>
      %get3A_2436 = arith.constant 816 : index
      %get3A_2437 = tpu.vector_load %arg11[%get3A_2436] {strides = array<i32>} : memref<1040xf32, #tpu.memory_space<vmem>>, vector<16xf32>,
      %get3A_2438 = vector.shape_cast %get3A_2437 : vector<16xf32> to vector<16xf32>
      %sub3A_2439 = arith.subf %get3A_2438, %broadcast_in_dim3A_49 : vector<16xf32>
      %get3A_2440 = arith.constant 816 : index
      %get3A_2441 = tpu.vector_load %arg12[%get3A_2440] {strides = array<i32>} : memref<1040xf32, #tpu.memory_space<vmem>>, vector<16xf32>,
      %get3A_2442 = vector.shape_cast %get3A_2441 : vector<16xf32> to vector<16xf32>
      %sub3A_2443 = arith.subf %get3A_2442, %broadcast_in_dim3A_55 : vector<16xf32>
      %mul3A_2444 = arith.mulf %sub3A_2435, %sub3A_2435 : vector<16xf32>
      %mul3A_2445 = arith.mulf %sub3A_2439, %sub3A_2439 : vector<16xf32>
      %add3A_2446 = arith.addf %mul3A_2444, %mul3A_2445 : vector<16xf32>
      %mul3A_2447 = arith.mulf %sub3A_2443, %sub3A_2443 : vector<16xf32>
      %add3A_2448 = arith.addf %add3A_2446, %mul3A_2447 : vector<16xf32>
      %min3A_2449 = arith.minimumf %min3A_2403, %add3A_2448 : vector<16xf32>
      %max3A_2450 = arith.maximumf %min3A_2403, %add3A_2448 : vector<16xf32>
      %min3A_2451 = arith.minimumf %min3A_2405, %max3A_2450 : vector<16xf32>
      %max3A_2452 = arith.maximumf %min3A_2405, %max3A_2450 : vector<16xf32>
      %min3A_2453 = arith.minimumf %min3A_2407, %max3A_2452 : vector<16xf32>
      %max3A_2454 = arith.maximumf %min3A_2407, %max3A_2452 : vector<16xf32>
      %min3A_2455 = arith.minimumf %min3A_2409, %max3A_2454 : vector<16xf32>
      %max3A_2456 = arith.maximumf %min3A_2409, %max3A_2454 : vector<16xf32>
      %min3A_2457 = arith.minimumf %min3A_2411, %max3A_2456 : vector<16xf32>
      %max3A_2458 = arith.maximumf %min3A_2411, %max3A_2456 : vector<16xf32>
      %min3A_2459 = arith.minimumf %min3A_2413, %max3A_2458 : vector<16xf32>
      %get3A_2460 = arith.constant 832 : index
      %get3A_2461 = tpu.vector_load %arg13[%get3A_2460] {strides = array<i32>} : memref<1024xf32, #tpu.memory_space<vmem>>, vector<16xf32>,
      %get3A_2462 = vector.shape_cast %get3A_2461 : vector<16xf32> to vector<16xf32>
      %sub3A_2463 = arith.subf %get3A_2462, %broadcast_in_dim3A : vector<16xf32>
      %get3A_2464 = arith.constant 832 : index
      %get3A_2465 = tpu.vector_load %arg14[%get3A_2464] {strides = array<i32>} : memref<1024xf32, #tpu.memory_space<vmem>>, vector<16xf32>,
      %get3A_2466 = vector.shape_cast %get3A_2465 : vector<16xf32> to vector<16xf32>
      %sub3A_2467 = arith.subf %get3A_2466, %broadcast_in_dim3A_49 : vector<16xf32>
      %get3A_2468 = arith.constant 832 : index
      %get3A_2469 = tpu.vector_load %arg15[%get3A_2468] {strides = array<i32>} : memref<1024xf32, #tpu.memory_space<vmem>>, vector<16xf32>,
      %get3A_2470 = vector.shape_cast %get3A_2469 : vector<16xf32> to vector<16xf32>
      %sub3A_2471 = arith.subf %get3A_2470, %broadcast_in_dim3A_55 : vector<16xf32>
      %mul3A_2472 = arith.mulf %sub3A_2463, %sub3A_2463 : vector<16xf32>
      %mul3A_2473 = arith.mulf %sub3A_2467, %sub3A_2467 : vector<16xf32>
      %add3A_2474 = arith.addf %mul3A_2472, %mul3A_2473 : vector<16xf32>
      %mul3A_2475 = arith.mulf %sub3A_2471, %sub3A_2471 : vector<16xf32>
      %add3A_2476 = arith.addf %add3A_2474, %mul3A_2475 : vector<16xf32>
      %min3A_2477 = arith.minimumf %min3A_2431, %add3A_2476 : vector<16xf32>
      %get3A_2478 = arith.constant 832 : index
      %get3A_2479 = tpu.vector_load %arg10[%get3A_2478] {strides = array<i32>} : memref<1040xf32, #tpu.memory_space<vmem>>, vector<16xf32>,
      %get3A_2480 = vector.shape_cast %get3A_2479 : vector<16xf32> to vector<16xf32>
      %sub3A_2481 = arith.subf %get3A_2480, %broadcast_in_dim3A : vector<16xf32>
      %get3A_2482 = arith.constant 832 : index
      %get3A_2483 = tpu.vector_load %arg11[%get3A_2482] {strides = array<i32>} : memref<1040xf32, #tpu.memory_space<vmem>>, vector<16xf32>,
      %get3A_2484 = vector.shape_cast %get3A_2483 : vector<16xf32> to vector<16xf32>
      %sub3A_2485 = arith.subf %get3A_2484, %broadcast_in_dim3A_49 : vector<16xf32>
      %get3A_2486 = arith.constant 832 : index
      %get3A_2487 = tpu.vector_load %arg12[%get3A_2486] {strides = array<i32>} : memref<1040xf32, #tpu.memory_space<vmem>>, vector<16xf32>,
      %get3A_2488 = vector.shape_cast %get3A_2487 : vector<16xf32> to vector<16xf32>
      %sub3A_2489 = arith.subf %get3A_2488, %broadcast_in_dim3A_55 : vector<16xf32>
      %mul3A_2490 = arith.mulf %sub3A_2481, %sub3A_2481 : vector<16xf32>
      %mul3A_2491 = arith.mulf %sub3A_2485, %sub3A_2485 : vector<16xf32>
      %add3A_2492 = arith.addf %mul3A_2490, %mul3A_2491 : vector<16xf32>
      %mul3A_2493 = arith.mulf %sub3A_2489, %sub3A_2489 : vector<16xf32>
      %add3A_2494 = arith.addf %add3A_2492, %mul3A_2493 : vector<16xf32>
      %min3A_2495 = arith.minimumf %min3A_2449, %add3A_2494 : vector<16xf32>
      %max3A_2496 = arith.maximumf %min3A_2449, %add3A_2494 : vector<16xf32>
      %min3A_2497 = arith.minimumf %min3A_2451, %max3A_2496 : vector<16xf32>
      %max3A_2498 = arith.maximumf %min3A_2451, %max3A_2496 : vector<16xf32>
      %min3A_2499 = arith.minimumf %min3A_2453, %max3A_2498 : vector<16xf32>
      %max3A_2500 = arith.maximumf %min3A_2453, %max3A_2498 : vector<16xf32>
      %min3A_2501 = arith.minimumf %min3A_2455, %max3A_2500 : vector<16xf32>
      %max3A_2502 = arith.maximumf %min3A_2455, %max3A_2500 : vector<16xf32>
      %min3A_2503 = arith.minimumf %min3A_2457, %max3A_2502 : vector<16xf32>
      %max3A_2504 = arith.maximumf %min3A_2457, %max3A_2502 : vector<16xf32>
      %min3A_2505 = arith.minimumf %min3A_2459, %max3A_2504 : vector<16xf32>
      %get3A_2506 = arith.constant 848 : index
      %get3A_2507 = tpu.vector_load %arg13[%get3A_2506] {strides = array<i32>} : memref<1024xf32, #tpu.memory_space<vmem>>, vector<16xf32>,
      %get3A_2508 = vector.shape_cast %get3A_2507 : vector<16xf32> to vector<16xf32>
      %sub3A_2509 = arith.subf %get3A_2508, %broadcast_in_dim3A : vector<16xf32>
      %get3A_2510 = arith.constant 848 : index
      %get3A_2511 = tpu.vector_load %arg14[%get3A_2510] {strides = array<i32>} : memref<1024xf32, #tpu.memory_space<vmem>>, vector<16xf32>,
      %get3A_2512 = vector.shape_cast %get3A_2511 : vector<16xf32> to vector<16xf32>
      %sub3A_2513 = arith.subf %get3A_2512, %broadcast_in_dim3A_49 : vector<16xf32>
      %get3A_2514 = arith.constant 848 : index
      %get3A_2515 = tpu.vector_load %arg15[%get3A_2514] {strides = array<i32>} : memref<1024xf32, #tpu.memory_space<vmem>>, vector<16xf32>,
      %get3A_2516 = vector.shape_cast %get3A_2515 : vector<16xf32> to vector<16xf32>
      %sub3A_2517 = arith.subf %get3A_2516, %broadcast_in_dim3A_55 : vector<16xf32>
      %mul3A_2518 = arith.mulf %sub3A_2509, %sub3A_2509 : vector<16xf32>
      %mul3A_2519 = arith.mulf %sub3A_2513, %sub3A_2513 : vector<16xf32>
      %add3A_2520 = arith.addf %mul3A_2518, %mul3A_2519 : vector<16xf32>
      %mul3A_2521 = arith.mulf %sub3A_2517, %sub3A_2517 : vector<16xf32>
      %add3A_2522 = arith.addf %add3A_2520, %mul3A_2521 : vector<16xf32>
      %min3A_2523 = arith.minimumf %min3A_2477, %add3A_2522 : vector<16xf32>
      %get3A_2524 = arith.constant 848 : index
      %get3A_2525 = tpu.vector_load %arg10[%get3A_2524] {strides = array<i32>} : memref<1040xf32, #tpu.memory_space<vmem>>, vector<16xf32>,
      %get3A_2526 = vector.shape_cast %get3A_2525 : vector<16xf32> to vector<16xf32>
      %sub3A_2527 = arith.subf %get3A_2526, %broadcast_in_dim3A : vector<16xf32>
      %get3A_2528 = arith.constant 848 : index
      %get3A_2529 = tpu.vector_load %arg11[%get3A_2528] {strides = array<i32>} : memref<1040xf32, #tpu.memory_space<vmem>>, vector<16xf32>,
      %get3A_2530 = vector.shape_cast %get3A_2529 : vector<16xf32> to vector<16xf32>
      %sub3A_2531 = arith.subf %get3A_2530, %broadcast_in_dim3A_49 : vector<16xf32>
      %get3A_2532 = arith.constant 848 : index
      %get3A_2533 = tpu.vector_load %arg12[%get3A_2532] {strides = array<i32>} : memref<1040xf32, #tpu.memory_space<vmem>>, vector<16xf32>,
      %get3A_2534 = vector.shape_cast %get3A_2533 : vector<16xf32> to vector<16xf32>
      %sub3A_2535 = arith.subf %get3A_2534, %broadcast_in_dim3A_55 : vector<16xf32>
      %mul3A_2536 = arith.mulf %sub3A_2527, %sub3A_2527 : vector<16xf32>
      %mul3A_2537 = arith.mulf %sub3A_2531, %sub3A_2531 : vector<16xf32>
      %add3A_2538 = arith.addf %mul3A_2536, %mul3A_2537 : vector<16xf32>
      %mul3A_2539 = arith.mulf %sub3A_2535, %sub3A_2535 : vector<16xf32>
      %add3A_2540 = arith.addf %add3A_2538, %mul3A_2539 : vector<16xf32>
      %min3A_2541 = arith.minimumf %min3A_2495, %add3A_2540 : vector<16xf32>
      %max3A_2542 = arith.maximumf %min3A_2495, %add3A_2540 : vector<16xf32>
      %min3A_2543 = arith.minimumf %min3A_2497, %max3A_2542 : vector<16xf32>
      %max3A_2544 = arith.maximumf %min3A_2497, %max3A_2542 : vector<16xf32>
      %min3A_2545 = arith.minimumf %min3A_2499, %max3A_2544 : vector<16xf32>
      %max3A_2546 = arith.maximumf %min3A_2499, %max3A_2544 : vector<16xf32>
      %min3A_2547 = arith.minimumf %min3A_2501, %max3A_2546 : vector<16xf32>
      %max3A_2548 = arith.maximumf %min3A_2501, %max3A_2546 : vector<16xf32>
      %min3A_2549 = arith.minimumf %min3A_2503, %max3A_2548 : vector<16xf32>
      %max3A_2550 = arith.maximumf %min3A_2503, %max3A_2548 : vector<16xf32>
      %min3A_2551 = arith.minimumf %min3A_2505, %max3A_2550 : vector<16xf32>
      %get3A_2552 = arith.constant 864 : index
      %get3A_2553 = tpu.vector_load %arg13[%get3A_2552] {strides = array<i32>} : memref<1024xf32, #tpu.memory_space<vmem>>, vector<16xf32>,
      %get3A_2554 = vector.shape_cast %get3A_2553 : vector<16xf32> to vector<16xf32>
      %sub3A_2555 = arith.subf %get3A_2554, %broadcast_in_dim3A : vector<16xf32>
      %get3A_2556 = arith.constant 864 : index
      %get3A_2557 = tpu.vector_load %arg14[%get3A_2556] {strides = array<i32>} : memref<1024xf32, #tpu.memory_space<vmem>>, vector<16xf32>,
      %get3A_2558 = vector.shape_cast %get3A_2557 : vector<16xf32> to vector<16xf32>
      %sub3A_2559 = arith.subf %get3A_2558, %broadcast_in_dim3A_49 : vector<16xf32>
      %get3A_2560 = arith.constant 864 : index
      %get3A_2561 = tpu.vector_load %arg15[%get3A_2560] {strides = array<i32>} : memref<1024xf32, #tpu.memory_space<vmem>>, vector<16xf32>,
      %get3A_2562 = vector.shape_cast %get3A_2561 : vector<16xf32> to vector<16xf32>
      %sub3A_2563 = arith.subf %get3A_2562, %broadcast_in_dim3A_55 : vector<16xf32>
      %mul3A_2564 = arith.mulf %sub3A_2555, %sub3A_2555 : vector<16xf32>
      %mul3A_2565 = arith.mulf %sub3A_2559, %sub3A_2559 : vector<16xf32>
      %add3A_2566 = arith.addf %mul3A_2564, %mul3A_2565 : vector<16xf32>
      %mul3A_2567 = arith.mulf %sub3A_2563, %sub3A_2563 : vector<16xf32>
      %add3A_2568 = arith.addf %add3A_2566, %mul3A_2567 : vector<16xf32>
      %min3A_2569 = arith.minimumf %min3A_2523, %add3A_2568 : vector<16xf32>
      %get3A_2570 = arith.constant 864 : index
      %get3A_2571 = tpu.vector_load %arg10[%get3A_2570] {strides = array<i32>} : memref<1040xf32, #tpu.memory_space<vmem>>, vector<16xf32>,
      %get3A_2572 = vector.shape_cast %get3A_2571 : vector<16xf32> to vector<16xf32>
      %sub3A_2573 = arith.subf %get3A_2572, %broadcast_in_dim3A : vector<16xf32>
      %get3A_2574 = arith.constant 864 : index
      %get3A_2575 = tpu.vector_load %arg11[%get3A_2574] {strides = array<i32>} : memref<1040xf32, #tpu.memory_space<vmem>>, vector<16xf32>,
      %get3A_2576 = vector.shape_cast %get3A_2575 : vector<16xf32> to vector<16xf32>
      %sub3A_2577 = arith.subf %get3A_2576, %broadcast_in_dim3A_49 : vector<16xf32>
      %get3A_2578 = arith.constant 864 : index
      %get3A_2579 = tpu.vector_load %arg12[%get3A_2578] {strides = array<i32>} : memref<1040xf32, #tpu.memory_space<vmem>>, vector<16xf32>,
      %get3A_2580 = vector.shape_cast %get3A_2579 : vector<16xf32> to vector<16xf32>
      %sub3A_2581 = arith.subf %get3A_2580, %broadcast_in_dim3A_55 : vector<16xf32>
      %mul3A_2582 = arith.mulf %sub3A_2573, %sub3A_2573 : vector<16xf32>
      %mul3A_2583 = arith.mulf %sub3A_2577, %sub3A_2577 : vector<16xf32>
      %add3A_2584 = arith.addf %mul3A_2582, %mul3A_2583 : vector<16xf32>
      %mul3A_2585 = arith.mulf %sub3A_2581, %sub3A_2581 : vector<16xf32>
      %add3A_2586 = arith.addf %add3A_2584, %mul3A_2585 : vector<16xf32>
      %min3A_2587 = arith.minimumf %min3A_2541, %add3A_2586 : vector<16xf32>
      %max3A_2588 = arith.maximumf %min3A_2541, %add3A_2586 : vector<16xf32>
      %min3A_2589 = arith.minimumf %min3A_2543, %max3A_2588 : vector<16xf32>
      %max3A_2590 = arith.maximumf %min3A_2543, %max3A_2588 : vector<16xf32>
      %min3A_2591 = arith.minimumf %min3A_2545, %max3A_2590 : vector<16xf32>
      %max3A_2592 = arith.maximumf %min3A_2545, %max3A_2590 : vector<16xf32>
      %min3A_2593 = arith.minimumf %min3A_2547, %max3A_2592 : vector<16xf32>
      %max3A_2594 = arith.maximumf %min3A_2547, %max3A_2592 : vector<16xf32>
      %min3A_2595 = arith.minimumf %min3A_2549, %max3A_2594 : vector<16xf32>
      %max3A_2596 = arith.maximumf %min3A_2549, %max3A_2594 : vector<16xf32>
      %min3A_2597 = arith.minimumf %min3A_2551, %max3A_2596 : vector<16xf32>
      %get3A_2598 = arith.constant 880 : index
      %get3A_2599 = tpu.vector_load %arg13[%get3A_2598] {strides = array<i32>} : memref<1024xf32, #tpu.memory_space<vmem>>, vector<16xf32>,
      %get3A_2600 = vector.shape_cast %get3A_2599 : vector<16xf32> to vector<16xf32>
      %sub3A_2601 = arith.subf %get3A_2600, %broadcast_in_dim3A : vector<16xf32>
      %get3A_2602 = arith.constant 880 : index
      %get3A_2603 = tpu.vector_load %arg14[%get3A_2602] {strides = array<i32>} : memref<1024xf32, #tpu.memory_space<vmem>>, vector<16xf32>,
      %get3A_2604 = vector.shape_cast %get3A_2603 : vector<16xf32> to vector<16xf32>
      %sub3A_2605 = arith.subf %get3A_2604, %broadcast_in_dim3A_49 : vector<16xf32>
      %get3A_2606 = arith.constant 880 : index
      %get3A_2607 = tpu.vector_load %arg15[%get3A_2606] {strides = array<i32>} : memref<1024xf32, #tpu.memory_space<vmem>>, vector<16xf32>,
      %get3A_2608 = vector.shape_cast %get3A_2607 : vector<16xf32> to vector<16xf32>
      %sub3A_2609 = arith.subf %get3A_2608, %broadcast_in_dim3A_55 : vector<16xf32>
      %mul3A_2610 = arith.mulf %sub3A_2601, %sub3A_2601 : vector<16xf32>
      %mul3A_2611 = arith.mulf %sub3A_2605, %sub3A_2605 : vector<16xf32>
      %add3A_2612 = arith.addf %mul3A_2610, %mul3A_2611 : vector<16xf32>
      %mul3A_2613 = arith.mulf %sub3A_2609, %sub3A_2609 : vector<16xf32>
      %add3A_2614 = arith.addf %add3A_2612, %mul3A_2613 : vector<16xf32>
      %min3A_2615 = arith.minimumf %min3A_2569, %add3A_2614 : vector<16xf32>
      %get3A_2616 = arith.constant 880 : index
      %get3A_2617 = tpu.vector_load %arg10[%get3A_2616] {strides = array<i32>} : memref<1040xf32, #tpu.memory_space<vmem>>, vector<16xf32>,
      %get3A_2618 = vector.shape_cast %get3A_2617 : vector<16xf32> to vector<16xf32>
      %sub3A_2619 = arith.subf %get3A_2618, %broadcast_in_dim3A : vector<16xf32>
      %get3A_2620 = arith.constant 880 : index
      %get3A_2621 = tpu.vector_load %arg11[%get3A_2620] {strides = array<i32>} : memref<1040xf32, #tpu.memory_space<vmem>>, vector<16xf32>,
      %get3A_2622 = vector.shape_cast %get3A_2621 : vector<16xf32> to vector<16xf32>
      %sub3A_2623 = arith.subf %get3A_2622, %broadcast_in_dim3A_49 : vector<16xf32>
      %get3A_2624 = arith.constant 880 : index
      %get3A_2625 = tpu.vector_load %arg12[%get3A_2624] {strides = array<i32>} : memref<1040xf32, #tpu.memory_space<vmem>>, vector<16xf32>,
      %get3A_2626 = vector.shape_cast %get3A_2625 : vector<16xf32> to vector<16xf32>
      %sub3A_2627 = arith.subf %get3A_2626, %broadcast_in_dim3A_55 : vector<16xf32>
      %mul3A_2628 = arith.mulf %sub3A_2619, %sub3A_2619 : vector<16xf32>
      %mul3A_2629 = arith.mulf %sub3A_2623, %sub3A_2623 : vector<16xf32>
      %add3A_2630 = arith.addf %mul3A_2628, %mul3A_2629 : vector<16xf32>
      %mul3A_2631 = arith.mulf %sub3A_2627, %sub3A_2627 : vector<16xf32>
      %add3A_2632 = arith.addf %add3A_2630, %mul3A_2631 : vector<16xf32>
      %min3A_2633 = arith.minimumf %min3A_2587, %add3A_2632 : vector<16xf32>
      %max3A_2634 = arith.maximumf %min3A_2587, %add3A_2632 : vector<16xf32>
      %min3A_2635 = arith.minimumf %min3A_2589, %max3A_2634 : vector<16xf32>
      %max3A_2636 = arith.maximumf %min3A_2589, %max3A_2634 : vector<16xf32>
      %min3A_2637 = arith.minimumf %min3A_2591, %max3A_2636 : vector<16xf32>
      %max3A_2638 = arith.maximumf %min3A_2591, %max3A_2636 : vector<16xf32>
      %min3A_2639 = arith.minimumf %min3A_2593, %max3A_2638 : vector<16xf32>
      %max3A_2640 = arith.maximumf %min3A_2593, %max3A_2638 : vector<16xf32>
      %min3A_2641 = arith.minimumf %min3A_2595, %max3A_2640 : vector<16xf32>
      %max3A_2642 = arith.maximumf %min3A_2595, %max3A_2640 : vector<16xf32>
      %min3A_2643 = arith.minimumf %min3A_2597, %max3A_2642 : vector<16xf32>
      %get3A_2644 = arith.constant 896 : index
      %get3A_2645 = tpu.vector_load %arg13[%get3A_2644] {strides = array<i32>} : memref<1024xf32, #tpu.memory_space<vmem>>, vector<16xf32>,
      %get3A_2646 = vector.shape_cast %get3A_2645 : vector<16xf32> to vector<16xf32>
      %sub3A_2647 = arith.subf %get3A_2646, %broadcast_in_dim3A : vector<16xf32>
      %get3A_2648 = arith.constant 896 : index
      %get3A_2649 = tpu.vector_load %arg14[%get3A_2648] {strides = array<i32>} : memref<1024xf32, #tpu.memory_space<vmem>>, vector<16xf32>,
      %get3A_2650 = vector.shape_cast %get3A_2649 : vector<16xf32> to vector<16xf32>
      %sub3A_2651 = arith.subf %get3A_2650, %broadcast_in_dim3A_49 : vector<16xf32>
      %get3A_2652 = arith.constant 896 : index
      %get3A_2653 = tpu.vector_load %arg15[%get3A_2652] {strides = array<i32>} : memref<1024xf32, #tpu.memory_space<vmem>>, vector<16xf32>,
      %get3A_2654 = vector.shape_cast %get3A_2653 : vector<16xf32> to vector<16xf32>
      %sub3A_2655 = arith.subf %get3A_2654, %broadcast_in_dim3A_55 : vector<16xf32>
      %mul3A_2656 = arith.mulf %sub3A_2647, %sub3A_2647 : vector<16xf32>
      %mul3A_2657 = arith.mulf %sub3A_2651, %sub3A_2651 : vector<16xf32>
      %add3A_2658 = arith.addf %mul3A_2656, %mul3A_2657 : vector<16xf32>
      %mul3A_2659 = arith.mulf %sub3A_2655, %sub3A_2655 : vector<16xf32>
      %add3A_2660 = arith.addf %add3A_2658, %mul3A_2659 : vector<16xf32>
      %min3A_2661 = arith.minimumf %min3A_2615, %add3A_2660 : vector<16xf32>
      %get3A_2662 = arith.constant 896 : index
      %get3A_2663 = tpu.vector_load %arg10[%get3A_2662] {strides = array<i32>} : memref<1040xf32, #tpu.memory_space<vmem>>, vector<16xf32>,
      %get3A_2664 = vector.shape_cast %get3A_2663 : vector<16xf32> to vector<16xf32>
      %sub3A_2665 = arith.subf %get3A_2664, %broadcast_in_dim3A : vector<16xf32>
      %get3A_2666 = arith.constant 896 : index
      %get3A_2667 = tpu.vector_load %arg11[%get3A_2666] {strides = array<i32>} : memref<1040xf32, #tpu.memory_space<vmem>>, vector<16xf32>,
      %get3A_2668 = vector.shape_cast %get3A_2667 : vector<16xf32> to vector<16xf32>
      %sub3A_2669 = arith.subf %get3A_2668, %broadcast_in_dim3A_49 : vector<16xf32>
      %get3A_2670 = arith.constant 896 : index
      %get3A_2671 = tpu.vector_load %arg12[%get3A_2670] {strides = array<i32>} : memref<1040xf32, #tpu.memory_space<vmem>>, vector<16xf32>,
      %get3A_2672 = vector.shape_cast %get3A_2671 : vector<16xf32> to vector<16xf32>
      %sub3A_2673 = arith.subf %get3A_2672, %broadcast_in_dim3A_55 : vector<16xf32>
      %mul3A_2674 = arith.mulf %sub3A_2665, %sub3A_2665 : vector<16xf32>
      %mul3A_2675 = arith.mulf %sub3A_2669, %sub3A_2669 : vector<16xf32>
      %add3A_2676 = arith.addf %mul3A_2674, %mul3A_2675 : vector<16xf32>
      %mul3A_2677 = arith.mulf %sub3A_2673, %sub3A_2673 : vector<16xf32>
      %add3A_2678 = arith.addf %add3A_2676, %mul3A_2677 : vector<16xf32>
      %min3A_2679 = arith.minimumf %min3A_2633, %add3A_2678 : vector<16xf32>
      %max3A_2680 = arith.maximumf %min3A_2633, %add3A_2678 : vector<16xf32>
      %min3A_2681 = arith.minimumf %min3A_2635, %max3A_2680 : vector<16xf32>
      %max3A_2682 = arith.maximumf %min3A_2635, %max3A_2680 : vector<16xf32>
      %min3A_2683 = arith.minimumf %min3A_2637, %max3A_2682 : vector<16xf32>
      %max3A_2684 = arith.maximumf %min3A_2637, %max3A_2682 : vector<16xf32>
      %min3A_2685 = arith.minimumf %min3A_2639, %max3A_2684 : vector<16xf32>
      %max3A_2686 = arith.maximumf %min3A_2639, %max3A_2684 : vector<16xf32>
      %min3A_2687 = arith.minimumf %min3A_2641, %max3A_2686 : vector<16xf32>
      %max3A_2688 = arith.maximumf %min3A_2641, %max3A_2686 : vector<16xf32>
      %min3A_2689 = arith.minimumf %min3A_2643, %max3A_2688 : vector<16xf32>
      %get3A_2690 = arith.constant 912 : index
      %get3A_2691 = tpu.vector_load %arg13[%get3A_2690] {strides = array<i32>} : memref<1024xf32, #tpu.memory_space<vmem>>, vector<16xf32>,
      %get3A_2692 = vector.shape_cast %get3A_2691 : vector<16xf32> to vector<16xf32>
      %sub3A_2693 = arith.subf %get3A_2692, %broadcast_in_dim3A : vector<16xf32>
      %get3A_2694 = arith.constant 912 : index
      %get3A_2695 = tpu.vector_load %arg14[%get3A_2694] {strides = array<i32>} : memref<1024xf32, #tpu.memory_space<vmem>>, vector<16xf32>,
      %get3A_2696 = vector.shape_cast %get3A_2695 : vector<16xf32> to vector<16xf32>
      %sub3A_2697 = arith.subf %get3A_2696, %broadcast_in_dim3A_49 : vector<16xf32>
      %get3A_2698 = arith.constant 912 : index
      %get3A_2699 = tpu.vector_load %arg15[%get3A_2698] {strides = array<i32>} : memref<1024xf32, #tpu.memory_space<vmem>>, vector<16xf32>,
      %get3A_2700 = vector.shape_cast %get3A_2699 : vector<16xf32> to vector<16xf32>
      %sub3A_2701 = arith.subf %get3A_2700, %broadcast_in_dim3A_55 : vector<16xf32>
      %mul3A_2702 = arith.mulf %sub3A_2693, %sub3A_2693 : vector<16xf32>
      %mul3A_2703 = arith.mulf %sub3A_2697, %sub3A_2697 : vector<16xf32>
      %add3A_2704 = arith.addf %mul3A_2702, %mul3A_2703 : vector<16xf32>
      %mul3A_2705 = arith.mulf %sub3A_2701, %sub3A_2701 : vector<16xf32>
      %add3A_2706 = arith.addf %add3A_2704, %mul3A_2705 : vector<16xf32>
      %min3A_2707 = arith.minimumf %min3A_2661, %add3A_2706 : vector<16xf32>
      %get3A_2708 = arith.constant 912 : index
      %get3A_2709 = tpu.vector_load %arg10[%get3A_2708] {strides = array<i32>} : memref<1040xf32, #tpu.memory_space<vmem>>, vector<16xf32>,
      %get3A_2710 = vector.shape_cast %get3A_2709 : vector<16xf32> to vector<16xf32>
      %sub3A_2711 = arith.subf %get3A_2710, %broadcast_in_dim3A : vector<16xf32>
      %get3A_2712 = arith.constant 912 : index
      %get3A_2713 = tpu.vector_load %arg11[%get3A_2712] {strides = array<i32>} : memref<1040xf32, #tpu.memory_space<vmem>>, vector<16xf32>,
      %get3A_2714 = vector.shape_cast %get3A_2713 : vector<16xf32> to vector<16xf32>
      %sub3A_2715 = arith.subf %get3A_2714, %broadcast_in_dim3A_49 : vector<16xf32>
      %get3A_2716 = arith.constant 912 : index
      %get3A_2717 = tpu.vector_load %arg12[%get3A_2716] {strides = array<i32>} : memref<1040xf32, #tpu.memory_space<vmem>>, vector<16xf32>,
      %get3A_2718 = vector.shape_cast %get3A_2717 : vector<16xf32> to vector<16xf32>
      %sub3A_2719 = arith.subf %get3A_2718, %broadcast_in_dim3A_55 : vector<16xf32>
      %mul3A_2720 = arith.mulf %sub3A_2711, %sub3A_2711 : vector<16xf32>
      %mul3A_2721 = arith.mulf %sub3A_2715, %sub3A_2715 : vector<16xf32>
      %add3A_2722 = arith.addf %mul3A_2720, %mul3A_2721 : vector<16xf32>
      %mul3A_2723 = arith.mulf %sub3A_2719, %sub3A_2719 : vector<16xf32>
      %add3A_2724 = arith.addf %add3A_2722, %mul3A_2723 : vector<16xf32>
      %min3A_2725 = arith.minimumf %min3A_2679, %add3A_2724 : vector<16xf32>
      %max3A_2726 = arith.maximumf %min3A_2679, %add3A_2724 : vector<16xf32>
      %min3A_2727 = arith.minimumf %min3A_2681, %max3A_2726 : vector<16xf32>
      %max3A_2728 = arith.maximumf %min3A_2681, %max3A_2726 : vector<16xf32>
      %min3A_2729 = arith.minimumf %min3A_2683, %max3A_2728 : vector<16xf32>
      %max3A_2730 = arith.maximumf %min3A_2683, %max3A_2728 : vector<16xf32>
      %min3A_2731 = arith.minimumf %min3A_2685, %max3A_2730 : vector<16xf32>
      %max3A_2732 = arith.maximumf %min3A_2685, %max3A_2730 : vector<16xf32>
      %min3A_2733 = arith.minimumf %min3A_2687, %max3A_2732 : vector<16xf32>
      %max3A_2734 = arith.maximumf %min3A_2687, %max3A_2732 : vector<16xf32>
      %min3A_2735 = arith.minimumf %min3A_2689, %max3A_2734 : vector<16xf32>
      %get3A_2736 = arith.constant 928 : index
      %get3A_2737 = tpu.vector_load %arg13[%get3A_2736] {strides = array<i32>} : memref<1024xf32, #tpu.memory_space<vmem>>, vector<16xf32>,
      %get3A_2738 = vector.shape_cast %get3A_2737 : vector<16xf32> to vector<16xf32>
      %sub3A_2739 = arith.subf %get3A_2738, %broadcast_in_dim3A : vector<16xf32>
      %get3A_2740 = arith.constant 928 : index
      %get3A_2741 = tpu.vector_load %arg14[%get3A_2740] {strides = array<i32>} : memref<1024xf32, #tpu.memory_space<vmem>>, vector<16xf32>,
      %get3A_2742 = vector.shape_cast %get3A_2741 : vector<16xf32> to vector<16xf32>
      %sub3A_2743 = arith.subf %get3A_2742, %broadcast_in_dim3A_49 : vector<16xf32>
      %get3A_2744 = arith.constant 928 : index
      %get3A_2745 = tpu.vector_load %arg15[%get3A_2744] {strides = array<i32>} : memref<1024xf32, #tpu.memory_space<vmem>>, vector<16xf32>,
      %get3A_2746 = vector.shape_cast %get3A_2745 : vector<16xf32> to vector<16xf32>
      %sub3A_2747 = arith.subf %get3A_2746, %broadcast_in_dim3A_55 : vector<16xf32>
      %mul3A_2748 = arith.mulf %sub3A_2739, %sub3A_2739 : vector<16xf32>
      %mul3A_2749 = arith.mulf %sub3A_2743, %sub3A_2743 : vector<16xf32>
      %add3A_2750 = arith.addf %mul3A_2748, %mul3A_2749 : vector<16xf32>
      %mul3A_2751 = arith.mulf %sub3A_2747, %sub3A_2747 : vector<16xf32>
      %add3A_2752 = arith.addf %add3A_2750, %mul3A_2751 : vector<16xf32>
      %min3A_2753 = arith.minimumf %min3A_2707, %add3A_2752 : vector<16xf32>
      %get3A_2754 = arith.constant 928 : index
      %get3A_2755 = tpu.vector_load %arg10[%get3A_2754] {strides = array<i32>} : memref<1040xf32, #tpu.memory_space<vmem>>, vector<16xf32>,
      %get3A_2756 = vector.shape_cast %get3A_2755 : vector<16xf32> to vector<16xf32>
      %sub3A_2757 = arith.subf %get3A_2756, %broadcast_in_dim3A : vector<16xf32>
      %get3A_2758 = arith.constant 928 : index
      %get3A_2759 = tpu.vector_load %arg11[%get3A_2758] {strides = array<i32>} : memref<1040xf32, #tpu.memory_space<vmem>>, vector<16xf32>,
      %get3A_2760 = vector.shape_cast %get3A_2759 : vector<16xf32> to vector<16xf32>
      %sub3A_2761 = arith.subf %get3A_2760, %broadcast_in_dim3A_49 : vector<16xf32>
      %get3A_2762 = arith.constant 928 : index
      %get3A_2763 = tpu.vector_load %arg12[%get3A_2762] {strides = array<i32>} : memref<1040xf32, #tpu.memory_space<vmem>>, vector<16xf32>,
      %get3A_2764 = vector.shape_cast %get3A_2763 : vector<16xf32> to vector<16xf32>
      %sub3A_2765 = arith.subf %get3A_2764, %broadcast_in_dim3A_55 : vector<16xf32>
      %mul3A_2766 = arith.mulf %sub3A_2757, %sub3A_2757 : vector<16xf32>
      %mul3A_2767 = arith.mulf %sub3A_2761, %sub3A_2761 : vector<16xf32>
      %add3A_2768 = arith.addf %mul3A_2766, %mul3A_2767 : vector<16xf32>
      %mul3A_2769 = arith.mulf %sub3A_2765, %sub3A_2765 : vector<16xf32>
      %add3A_2770 = arith.addf %add3A_2768, %mul3A_2769 : vector<16xf32>
      %min3A_2771 = arith.minimumf %min3A_2725, %add3A_2770 : vector<16xf32>
      %max3A_2772 = arith.maximumf %min3A_2725, %add3A_2770 : vector<16xf32>
      %min3A_2773 = arith.minimumf %min3A_2727, %max3A_2772 : vector<16xf32>
      %max3A_2774 = arith.maximumf %min3A_2727, %max3A_2772 : vector<16xf32>
      %min3A_2775 = arith.minimumf %min3A_2729, %max3A_2774 : vector<16xf32>
      %max3A_2776 = arith.maximumf %min3A_2729, %max3A_2774 : vector<16xf32>
      %min3A_2777 = arith.minimumf %min3A_2731, %max3A_2776 : vector<16xf32>
      %max3A_2778 = arith.maximumf %min3A_2731, %max3A_2776 : vector<16xf32>
      %min3A_2779 = arith.minimumf %min3A_2733, %max3A_2778 : vector<16xf32>
      %max3A_2780 = arith.maximumf %min3A_2733, %max3A_2778 : vector<16xf32>
      %min3A_2781 = arith.minimumf %min3A_2735, %max3A_2780 : vector<16xf32>
      %get3A_2782 = arith.constant 944 : index
      %get3A_2783 = tpu.vector_load %arg13[%get3A_2782] {strides = array<i32>} : memref<1024xf32, #tpu.memory_space<vmem>>, vector<16xf32>,
      %get3A_2784 = vector.shape_cast %get3A_2783 : vector<16xf32> to vector<16xf32>
      %sub3A_2785 = arith.subf %get3A_2784, %broadcast_in_dim3A : vector<16xf32>
      %get3A_2786 = arith.constant 944 : index
      %get3A_2787 = tpu.vector_load %arg14[%get3A_2786] {strides = array<i32>} : memref<1024xf32, #tpu.memory_space<vmem>>, vector<16xf32>,
      %get3A_2788 = vector.shape_cast %get3A_2787 : vector<16xf32> to vector<16xf32>
      %sub3A_2789 = arith.subf %get3A_2788, %broadcast_in_dim3A_49 : vector<16xf32>
      %get3A_2790 = arith.constant 944 : index
      %get3A_2791 = tpu.vector_load %arg15[%get3A_2790] {strides = array<i32>} : memref<1024xf32, #tpu.memory_space<vmem>>, vector<16xf32>,
      %get3A_2792 = vector.shape_cast %get3A_2791 : vector<16xf32> to vector<16xf32>
      %sub3A_2793 = arith.subf %get3A_2792, %broadcast_in_dim3A_55 : vector<16xf32>
      %mul3A_2794 = arith.mulf %sub3A_2785, %sub3A_2785 : vector<16xf32>
      %mul3A_2795 = arith.mulf %sub3A_2789, %sub3A_2789 : vector<16xf32>
      %add3A_2796 = arith.addf %mul3A_2794, %mul3A_2795 : vector<16xf32>
      %mul3A_2797 = arith.mulf %sub3A_2793, %sub3A_2793 : vector<16xf32>
      %add3A_2798 = arith.addf %add3A_2796, %mul3A_2797 : vector<16xf32>
      %min3A_2799 = arith.minimumf %min3A_2753, %add3A_2798 : vector<16xf32>
      %get3A_2800 = arith.constant 944 : index
      %get3A_2801 = tpu.vector_load %arg10[%get3A_2800] {strides = array<i32>} : memref<1040xf32, #tpu.memory_space<vmem>>, vector<16xf32>,
      %get3A_2802 = vector.shape_cast %get3A_2801 : vector<16xf32> to vector<16xf32>
      %sub3A_2803 = arith.subf %get3A_2802, %broadcast_in_dim3A : vector<16xf32>
      %get3A_2804 = arith.constant 944 : index
      %get3A_2805 = tpu.vector_load %arg11[%get3A_2804] {strides = array<i32>} : memref<1040xf32, #tpu.memory_space<vmem>>, vector<16xf32>,
      %get3A_2806 = vector.shape_cast %get3A_2805 : vector<16xf32> to vector<16xf32>
      %sub3A_2807 = arith.subf %get3A_2806, %broadcast_in_dim3A_49 : vector<16xf32>
      %get3A_2808 = arith.constant 944 : index
      %get3A_2809 = tpu.vector_load %arg12[%get3A_2808] {strides = array<i32>} : memref<1040xf32, #tpu.memory_space<vmem>>, vector<16xf32>,
      %get3A_2810 = vector.shape_cast %get3A_2809 : vector<16xf32> to vector<16xf32>
      %sub3A_2811 = arith.subf %get3A_2810, %broadcast_in_dim3A_55 : vector<16xf32>
      %mul3A_2812 = arith.mulf %sub3A_2803, %sub3A_2803 : vector<16xf32>
      %mul3A_2813 = arith.mulf %sub3A_2807, %sub3A_2807 : vector<16xf32>
      %add3A_2814 = arith.addf %mul3A_2812, %mul3A_2813 : vector<16xf32>
      %mul3A_2815 = arith.mulf %sub3A_2811, %sub3A_2811 : vector<16xf32>
      %add3A_2816 = arith.addf %add3A_2814, %mul3A_2815 : vector<16xf32>
      %min3A_2817 = arith.minimumf %min3A_2771, %add3A_2816 : vector<16xf32>
      %max3A_2818 = arith.maximumf %min3A_2771, %add3A_2816 : vector<16xf32>
      %min3A_2819 = arith.minimumf %min3A_2773, %max3A_2818 : vector<16xf32>
      %max3A_2820 = arith.maximumf %min3A_2773, %max3A_2818 : vector<16xf32>
      %min3A_2821 = arith.minimumf %min3A_2775, %max3A_2820 : vector<16xf32>
      %max3A_2822 = arith.maximumf %min3A_2775, %max3A_2820 : vector<16xf32>
      %min3A_2823 = arith.minimumf %min3A_2777, %max3A_2822 : vector<16xf32>
      %max3A_2824 = arith.maximumf %min3A_2777, %max3A_2822 : vector<16xf32>
      %min3A_2825 = arith.minimumf %min3A_2779, %max3A_2824 : vector<16xf32>
      %max3A_2826 = arith.maximumf %min3A_2779, %max3A_2824 : vector<16xf32>
      %min3A_2827 = arith.minimumf %min3A_2781, %max3A_2826 : vector<16xf32>
      %get3A_2828 = arith.constant 960 : index
      %get3A_2829 = tpu.vector_load %arg13[%get3A_2828] {strides = array<i32>} : memref<1024xf32, #tpu.memory_space<vmem>>, vector<16xf32>,
      %get3A_2830 = vector.shape_cast %get3A_2829 : vector<16xf32> to vector<16xf32>
      %sub3A_2831 = arith.subf %get3A_2830, %broadcast_in_dim3A : vector<16xf32>
      %get3A_2832 = arith.constant 960 : index
      %get3A_2833 = tpu.vector_load %arg14[%get3A_2832] {strides = array<i32>} : memref<1024xf32, #tpu.memory_space<vmem>>, vector<16xf32>,
      %get3A_2834 = vector.shape_cast %get3A_2833 : vector<16xf32> to vector<16xf32>
      %sub3A_2835 = arith.subf %get3A_2834, %broadcast_in_dim3A_49 : vector<16xf32>
      %get3A_2836 = arith.constant 960 : index
      %get3A_2837 = tpu.vector_load %arg15[%get3A_2836] {strides = array<i32>} : memref<1024xf32, #tpu.memory_space<vmem>>, vector<16xf32>,
      %get3A_2838 = vector.shape_cast %get3A_2837 : vector<16xf32> to vector<16xf32>
      %sub3A_2839 = arith.subf %get3A_2838, %broadcast_in_dim3A_55 : vector<16xf32>
      %mul3A_2840 = arith.mulf %sub3A_2831, %sub3A_2831 : vector<16xf32>
      %mul3A_2841 = arith.mulf %sub3A_2835, %sub3A_2835 : vector<16xf32>
      %add3A_2842 = arith.addf %mul3A_2840, %mul3A_2841 : vector<16xf32>
      %mul3A_2843 = arith.mulf %sub3A_2839, %sub3A_2839 : vector<16xf32>
      %add3A_2844 = arith.addf %add3A_2842, %mul3A_2843 : vector<16xf32>
      %min3A_2845 = arith.minimumf %min3A_2799, %add3A_2844 : vector<16xf32>
      %get3A_2846 = arith.constant 960 : index
      %get3A_2847 = tpu.vector_load %arg10[%get3A_2846] {strides = array<i32>} : memref<1040xf32, #tpu.memory_space<vmem>>, vector<16xf32>,
      %get3A_2848 = vector.shape_cast %get3A_2847 : vector<16xf32> to vector<16xf32>
      %sub3A_2849 = arith.subf %get3A_2848, %broadcast_in_dim3A : vector<16xf32>
      %get3A_2850 = arith.constant 960 : index
      %get3A_2851 = tpu.vector_load %arg11[%get3A_2850] {strides = array<i32>} : memref<1040xf32, #tpu.memory_space<vmem>>, vector<16xf32>,
      %get3A_2852 = vector.shape_cast %get3A_2851 : vector<16xf32> to vector<16xf32>
      %sub3A_2853 = arith.subf %get3A_2852, %broadcast_in_dim3A_49 : vector<16xf32>
      %get3A_2854 = arith.constant 960 : index
      %get3A_2855 = tpu.vector_load %arg12[%get3A_2854] {strides = array<i32>} : memref<1040xf32, #tpu.memory_space<vmem>>, vector<16xf32>,
      %get3A_2856 = vector.shape_cast %get3A_2855 : vector<16xf32> to vector<16xf32>
      %sub3A_2857 = arith.subf %get3A_2856, %broadcast_in_dim3A_55 : vector<16xf32>
      %mul3A_2858 = arith.mulf %sub3A_2849, %sub3A_2849 : vector<16xf32>
      %mul3A_2859 = arith.mulf %sub3A_2853, %sub3A_2853 : vector<16xf32>
      %add3A_2860 = arith.addf %mul3A_2858, %mul3A_2859 : vector<16xf32>
      %mul3A_2861 = arith.mulf %sub3A_2857, %sub3A_2857 : vector<16xf32>
      %add3A_2862 = arith.addf %add3A_2860, %mul3A_2861 : vector<16xf32>
      %min3A_2863 = arith.minimumf %min3A_2817, %add3A_2862 : vector<16xf32>
      %max3A_2864 = arith.maximumf %min3A_2817, %add3A_2862 : vector<16xf32>
      %min3A_2865 = arith.minimumf %min3A_2819, %max3A_2864 : vector<16xf32>
      %max3A_2866 = arith.maximumf %min3A_2819, %max3A_2864 : vector<16xf32>
      %min3A_2867 = arith.minimumf %min3A_2821, %max3A_2866 : vector<16xf32>
      %max3A_2868 = arith.maximumf %min3A_2821, %max3A_2866 : vector<16xf32>
      %min3A_2869 = arith.minimumf %min3A_2823, %max3A_2868 : vector<16xf32>
      %max3A_2870 = arith.maximumf %min3A_2823, %max3A_2868 : vector<16xf32>
      %min3A_2871 = arith.minimumf %min3A_2825, %max3A_2870 : vector<16xf32>
      %max3A_2872 = arith.maximumf %min3A_2825, %max3A_2870 : vector<16xf32>
      %min3A_2873 = arith.minimumf %min3A_2827, %max3A_2872 : vector<16xf32>
      %get3A_2874 = arith.constant 976 : index
      %get3A_2875 = tpu.vector_load %arg13[%get3A_2874] {strides = array<i32>} : memref<1024xf32, #tpu.memory_space<vmem>>, vector<16xf32>,
      %get3A_2876 = vector.shape_cast %get3A_2875 : vector<16xf32> to vector<16xf32>
      %sub3A_2877 = arith.subf %get3A_2876, %broadcast_in_dim3A : vector<16xf32>
      %get3A_2878 = arith.constant 976 : index
      %get3A_2879 = tpu.vector_load %arg14[%get3A_2878] {strides = array<i32>} : memref<1024xf32, #tpu.memory_space<vmem>>, vector<16xf32>,
      %get3A_2880 = vector.shape_cast %get3A_2879 : vector<16xf32> to vector<16xf32>
      %sub3A_2881 = arith.subf %get3A_2880, %broadcast_in_dim3A_49 : vector<16xf32>
      %get3A_2882 = arith.constant 976 : index
      %get3A_2883 = tpu.vector_load %arg15[%get3A_2882] {strides = array<i32>} : memref<1024xf32, #tpu.memory_space<vmem>>, vector<16xf32>,
      %get3A_2884 = vector.shape_cast %get3A_2883 : vector<16xf32> to vector<16xf32>
      %sub3A_2885 = arith.subf %get3A_2884, %broadcast_in_dim3A_55 : vector<16xf32>
      %mul3A_2886 = arith.mulf %sub3A_2877, %sub3A_2877 : vector<16xf32>
      %mul3A_2887 = arith.mulf %sub3A_2881, %sub3A_2881 : vector<16xf32>
      %add3A_2888 = arith.addf %mul3A_2886, %mul3A_2887 : vector<16xf32>
      %mul3A_2889 = arith.mulf %sub3A_2885, %sub3A_2885 : vector<16xf32>
      %add3A_2890 = arith.addf %add3A_2888, %mul3A_2889 : vector<16xf32>
      %min3A_2891 = arith.minimumf %min3A_2845, %add3A_2890 : vector<16xf32>
      %get3A_2892 = arith.constant 976 : index
      %get3A_2893 = tpu.vector_load %arg10[%get3A_2892] {strides = array<i32>} : memref<1040xf32, #tpu.memory_space<vmem>>, vector<16xf32>,
      %get3A_2894 = vector.shape_cast %get3A_2893 : vector<16xf32> to vector<16xf32>
      %sub3A_2895 = arith.subf %get3A_2894, %broadcast_in_dim3A : vector<16xf32>
      %get3A_2896 = arith.constant 976 : index
      %get3A_2897 = tpu.vector_load %arg11[%get3A_2896] {strides = array<i32>} : memref<1040xf32, #tpu.memory_space<vmem>>, vector<16xf32>,
      %get3A_2898 = vector.shape_cast %get3A_2897 : vector<16xf32> to vector<16xf32>
      %sub3A_2899 = arith.subf %get3A_2898, %broadcast_in_dim3A_49 : vector<16xf32>
      %get3A_2900 = arith.constant 976 : index
      %get3A_2901 = tpu.vector_load %arg12[%get3A_2900] {strides = array<i32>} : memref<1040xf32, #tpu.memory_space<vmem>>, vector<16xf32>,
      %get3A_2902 = vector.shape_cast %get3A_2901 : vector<16xf32> to vector<16xf32>
      %sub3A_2903 = arith.subf %get3A_2902, %broadcast_in_dim3A_55 : vector<16xf32>
      %mul3A_2904 = arith.mulf %sub3A_2895, %sub3A_2895 : vector<16xf32>
      %mul3A_2905 = arith.mulf %sub3A_2899, %sub3A_2899 : vector<16xf32>
      %add3A_2906 = arith.addf %mul3A_2904, %mul3A_2905 : vector<16xf32>
      %mul3A_2907 = arith.mulf %sub3A_2903, %sub3A_2903 : vector<16xf32>
      %add3A_2908 = arith.addf %add3A_2906, %mul3A_2907 : vector<16xf32>
      %min3A_2909 = arith.minimumf %min3A_2863, %add3A_2908 : vector<16xf32>
      %max3A_2910 = arith.maximumf %min3A_2863, %add3A_2908 : vector<16xf32>
      %min3A_2911 = arith.minimumf %min3A_2865, %max3A_2910 : vector<16xf32>
      %max3A_2912 = arith.maximumf %min3A_2865, %max3A_2910 : vector<16xf32>
      %min3A_2913 = arith.minimumf %min3A_2867, %max3A_2912 : vector<16xf32>
      %max3A_2914 = arith.maximumf %min3A_2867, %max3A_2912 : vector<16xf32>
      %min3A_2915 = arith.minimumf %min3A_2869, %max3A_2914 : vector<16xf32>
      %max3A_2916 = arith.maximumf %min3A_2869, %max3A_2914 : vector<16xf32>
      %min3A_2917 = arith.minimumf %min3A_2871, %max3A_2916 : vector<16xf32>
      %max3A_2918 = arith.maximumf %min3A_2871, %max3A_2916 : vector<16xf32>
      %min3A_2919 = arith.minimumf %min3A_2873, %max3A_2918 : vector<16xf32>
      %get3A_2920 = arith.constant 992 : index
      %get3A_2921 = tpu.vector_load %arg13[%get3A_2920] {strides = array<i32>} : memref<1024xf32, #tpu.memory_space<vmem>>, vector<16xf32>,
      %get3A_2922 = vector.shape_cast %get3A_2921 : vector<16xf32> to vector<16xf32>
      %sub3A_2923 = arith.subf %get3A_2922, %broadcast_in_dim3A : vector<16xf32>
      %get3A_2924 = arith.constant 992 : index
      %get3A_2925 = tpu.vector_load %arg14[%get3A_2924] {strides = array<i32>} : memref<1024xf32, #tpu.memory_space<vmem>>, vector<16xf32>,
      %get3A_2926 = vector.shape_cast %get3A_2925 : vector<16xf32> to vector<16xf32>
      %sub3A_2927 = arith.subf %get3A_2926, %broadcast_in_dim3A_49 : vector<16xf32>
      %get3A_2928 = arith.constant 992 : index
      %get3A_2929 = tpu.vector_load %arg15[%get3A_2928] {strides = array<i32>} : memref<1024xf32, #tpu.memory_space<vmem>>, vector<16xf32>,
      %get3A_2930 = vector.shape_cast %get3A_2929 : vector<16xf32> to vector<16xf32>
      %sub3A_2931 = arith.subf %get3A_2930, %broadcast_in_dim3A_55 : vector<16xf32>
      %mul3A_2932 = arith.mulf %sub3A_2923, %sub3A_2923 : vector<16xf32>
      %mul3A_2933 = arith.mulf %sub3A_2927, %sub3A_2927 : vector<16xf32>
      %add3A_2934 = arith.addf %mul3A_2932, %mul3A_2933 : vector<16xf32>
      %mul3A_2935 = arith.mulf %sub3A_2931, %sub3A_2931 : vector<16xf32>
      %add3A_2936 = arith.addf %add3A_2934, %mul3A_2935 : vector<16xf32>
      %min3A_2937 = arith.minimumf %min3A_2891, %add3A_2936 : vector<16xf32>
      %get3A_2938 = arith.constant 992 : index
      %get3A_2939 = tpu.vector_load %arg10[%get3A_2938] {strides = array<i32>} : memref<1040xf32, #tpu.memory_space<vmem>>, vector<16xf32>,
      %get3A_2940 = vector.shape_cast %get3A_2939 : vector<16xf32> to vector<16xf32>
      %sub3A_2941 = arith.subf %get3A_2940, %broadcast_in_dim3A : vector<16xf32>
      %get3A_2942 = arith.constant 992 : index
      %get3A_2943 = tpu.vector_load %arg11[%get3A_2942] {strides = array<i32>} : memref<1040xf32, #tpu.memory_space<vmem>>, vector<16xf32>,
      %get3A_2944 = vector.shape_cast %get3A_2943 : vector<16xf32> to vector<16xf32>
      %sub3A_2945 = arith.subf %get3A_2944, %broadcast_in_dim3A_49 : vector<16xf32>
      %get3A_2946 = arith.constant 992 : index
      %get3A_2947 = tpu.vector_load %arg12[%get3A_2946] {strides = array<i32>} : memref<1040xf32, #tpu.memory_space<vmem>>, vector<16xf32>,
      %get3A_2948 = vector.shape_cast %get3A_2947 : vector<16xf32> to vector<16xf32>
      %sub3A_2949 = arith.subf %get3A_2948, %broadcast_in_dim3A_55 : vector<16xf32>
      %mul3A_2950 = arith.mulf %sub3A_2941, %sub3A_2941 : vector<16xf32>
      %mul3A_2951 = arith.mulf %sub3A_2945, %sub3A_2945 : vector<16xf32>
      %add3A_2952 = arith.addf %mul3A_2950, %mul3A_2951 : vector<16xf32>
      %mul3A_2953 = arith.mulf %sub3A_2949, %sub3A_2949 : vector<16xf32>
      %add3A_2954 = arith.addf %add3A_2952, %mul3A_2953 : vector<16xf32>
      %min3A_2955 = arith.minimumf %min3A_2909, %add3A_2954 : vector<16xf32>
      %max3A_2956 = arith.maximumf %min3A_2909, %add3A_2954 : vector<16xf32>
      %min3A_2957 = arith.minimumf %min3A_2911, %max3A_2956 : vector<16xf32>
      %max3A_2958 = arith.maximumf %min3A_2911, %max3A_2956 : vector<16xf32>
      %min3A_2959 = arith.minimumf %min3A_2913, %max3A_2958 : vector<16xf32>
      %max3A_2960 = arith.maximumf %min3A_2913, %max3A_2958 : vector<16xf32>
      %min3A_2961 = arith.minimumf %min3A_2915, %max3A_2960 : vector<16xf32>
      %max3A_2962 = arith.maximumf %min3A_2915, %max3A_2960 : vector<16xf32>
      %min3A_2963 = arith.minimumf %min3A_2917, %max3A_2962 : vector<16xf32>
      %max3A_2964 = arith.maximumf %min3A_2917, %max3A_2962 : vector<16xf32>
      %min3A_2965 = arith.minimumf %min3A_2919, %max3A_2964 : vector<16xf32>
      %get3A_2966 = arith.constant 1008 : index
      %get3A_2967 = tpu.vector_load %arg13[%get3A_2966] {strides = array<i32>} : memref<1024xf32, #tpu.memory_space<vmem>>, vector<16xf32>,
      %get3A_2968 = vector.shape_cast %get3A_2967 : vector<16xf32> to vector<16xf32>
      %sub3A_2969 = arith.subf %get3A_2968, %broadcast_in_dim3A : vector<16xf32>
      %get3A_2970 = arith.constant 1008 : index
      %get3A_2971 = tpu.vector_load %arg14[%get3A_2970] {strides = array<i32>} : memref<1024xf32, #tpu.memory_space<vmem>>, vector<16xf32>,
      %get3A_2972 = vector.shape_cast %get3A_2971 : vector<16xf32> to vector<16xf32>
      %sub3A_2973 = arith.subf %get3A_2972, %broadcast_in_dim3A_49 : vector<16xf32>
      %get3A_2974 = arith.constant 1008 : index
      %get3A_2975 = tpu.vector_load %arg15[%get3A_2974] {strides = array<i32>} : memref<1024xf32, #tpu.memory_space<vmem>>, vector<16xf32>,
      %get3A_2976 = vector.shape_cast %get3A_2975 : vector<16xf32> to vector<16xf32>
      %sub3A_2977 = arith.subf %get3A_2976, %broadcast_in_dim3A_55 : vector<16xf32>
      %mul3A_2978 = arith.mulf %sub3A_2969, %sub3A_2969 : vector<16xf32>
      %mul3A_2979 = arith.mulf %sub3A_2973, %sub3A_2973 : vector<16xf32>
      %add3A_2980 = arith.addf %mul3A_2978, %mul3A_2979 : vector<16xf32>
      %mul3A_2981 = arith.mulf %sub3A_2977, %sub3A_2977 : vector<16xf32>
      %add3A_2982 = arith.addf %add3A_2980, %mul3A_2981 : vector<16xf32>
      %min3A_2983 = arith.minimumf %min3A_2937, %add3A_2982 : vector<16xf32>
      %get3A_2984 = arith.constant 1008 : index
      %get3A_2985 = tpu.vector_load %arg10[%get3A_2984] {strides = array<i32>} : memref<1040xf32, #tpu.memory_space<vmem>>, vector<16xf32>,
      %get3A_2986 = vector.shape_cast %get3A_2985 : vector<16xf32> to vector<16xf32>
      %sub3A_2987 = arith.subf %get3A_2986, %broadcast_in_dim3A : vector<16xf32>
      %get3A_2988 = arith.constant 1008 : index
      %get3A_2989 = tpu.vector_load %arg11[%get3A_2988] {strides = array<i32>} : memref<1040xf32, #tpu.memory_space<vmem>>, vector<16xf32>,
      %get3A_2990 = vector.shape_cast %get3A_2989 : vector<16xf32> to vector<16xf32>
      %sub3A_2991 = arith.subf %get3A_2990, %broadcast_in_dim3A_49 : vector<16xf32>
      %get3A_2992 = arith.constant 1008 : index
      %get3A_2993 = tpu.vector_load %arg12[%get3A_2992] {strides = array<i32>} : memref<1040xf32, #tpu.memory_space<vmem>>, vector<16xf32>,
      %get3A_2994 = vector.shape_cast %get3A_2993 : vector<16xf32> to vector<16xf32>
      %sub3A_2995 = arith.subf %get3A_2994, %broadcast_in_dim3A_55 : vector<16xf32>
      %mul3A_2996 = arith.mulf %sub3A_2987, %sub3A_2987 : vector<16xf32>
      %mul3A_2997 = arith.mulf %sub3A_2991, %sub3A_2991 : vector<16xf32>
      %add3A_2998 = arith.addf %mul3A_2996, %mul3A_2997 : vector<16xf32>
      %mul3A_2999 = arith.mulf %sub3A_2995, %sub3A_2995 : vector<16xf32>
      %add3A_3000 = arith.addf %add3A_2998, %mul3A_2999 : vector<16xf32>
      %min3A_3001 = arith.minimumf %min3A_2955, %add3A_3000 : vector<16xf32>
      %max3A_3002 = arith.maximumf %min3A_2955, %add3A_3000 : vector<16xf32>
      %min3A_3003 = arith.minimumf %min3A_2957, %max3A_3002 : vector<16xf32>
      %max3A_3004 = arith.maximumf %min3A_2957, %max3A_3002 : vector<16xf32>
      %min3A_3005 = arith.minimumf %min3A_2959, %max3A_3004 : vector<16xf32>
      %max3A_3006 = arith.maximumf %min3A_2959, %max3A_3004 : vector<16xf32>
      %min3A_3007 = arith.minimumf %min3A_2961, %max3A_3006 : vector<16xf32>
      %max3A_3008 = arith.maximumf %min3A_2961, %max3A_3006 : vector<16xf32>
      %min3A_3009 = arith.minimumf %min3A_2963, %max3A_3008 : vector<16xf32>
      %max3A_3010 = arith.maximumf %min3A_2963, %max3A_3008 : vector<16xf32>
      %min3A_3011 = arith.minimumf %min3A_2965, %max3A_3010 : vector<16xf32>
      %xor3A = arith.constant 1 : i32
      %xor3A_3012 = vector.broadcast %xor3A : i32 to vector<16xi32>
      %xor3A_3013 = arith.xori %iota3A, %xor3A_3012 : vector<16xi32>
      %broadcast_in_dim3A_3014 = vector.shape_cast %xor3A_3013 : vector<16xi32> to vector<16x1xi32>
      %gather3A = vector.shape_cast %broadcast_in_dim3A_3014 : vector<16x1xi32> to vector<16xi32>
      %gather3A_3015 = tpu.dynamic_gather %min3A_2983[%gather3A] in [0] : vector<16xf32>, vector<16xi32> -> vector<16xf32>
      %min3A_3016 = arith.minimumf %min3A_2983, %gather3A_3015 : vector<16xf32>
      %xor3A_3017 = arith.constant 2 : i32
      %xor3A_3018 = vector.broadcast %xor3A_3017 : i32 to vector<16xi32>
      %xor3A_3019 = arith.xori %iota3A, %xor3A_3018 : vector<16xi32>
      %broadcast_in_dim3A_3020 = vector.shape_cast %xor3A_3019 : vector<16xi32> to vector<16x1xi32>
      %gather3A_3021 = vector.shape_cast %broadcast_in_dim3A_3020 : vector<16x1xi32> to vector<16xi32>
      %gather3A_3022 = tpu.dynamic_gather %min3A_3016[%gather3A_3021] in [0] : vector<16xf32>, vector<16xi32> -> vector<16xf32>
      %min3A_3023 = arith.minimumf %min3A_3016, %gather3A_3022 : vector<16xf32>
      %xor3A_3024 = arith.constant 4 : i32
      %xor3A_3025 = vector.broadcast %xor3A_3024 : i32 to vector<16xi32>
      %xor3A_3026 = arith.xori %iota3A, %xor3A_3025 : vector<16xi32>
      %broadcast_in_dim3A_3027 = vector.shape_cast %xor3A_3026 : vector<16xi32> to vector<16x1xi32>
      %gather3A_3028 = vector.shape_cast %broadcast_in_dim3A_3027 : vector<16x1xi32> to vector<16xi32>
      %gather3A_3029 = tpu.dynamic_gather %min3A_3023[%gather3A_3028] in [0] : vector<16xf32>, vector<16xi32> -> vector<16xf32>
      %min3A_3030 = arith.minimumf %min3A_3023, %gather3A_3029 : vector<16xf32>
      %xor3A_3031 = arith.constant 8 : i32
      %xor3A_3032 = vector.broadcast %xor3A_3031 : i32 to vector<16xi32>
      %xor3A_3033 = arith.xori %iota3A, %xor3A_3032 : vector<16xi32>
      %broadcast_in_dim3A_3034 = vector.shape_cast %xor3A_3033 : vector<16xi32> to vector<16x1xi32>
      %gather3A_3035 = vector.shape_cast %broadcast_in_dim3A_3034 : vector<16x1xi32> to vector<16xi32>
      %gather3A_3036 = tpu.dynamic_gather %min3A_3030[%gather3A_3035] in [0] : vector<16xf32>, vector<16xi32> -> vector<16xf32>
      %min3A_3037 = arith.minimumf %min3A_3030, %gather3A_3036 : vector<16xf32>
      %add3A_3038 = arith.constant 113 : i32
      %add3A_3039 = arith.addi %sub3A_40, %add3A_3038 : i32
      %swap3A = arith.index_cast %add3A_3039 : i32 to index
      %swap3A_3040 = tpu.vector_load %arg17[%swap3A] {strides = array<i32>} : memref<384xf32, #tpu.memory_space<vmem>>, vector<16xf32>,
      %swap3A_3041 = vector.shape_cast %swap3A_3040 : vector<16xf32> to vector<16xf32>
      %swap3A_3042 = vector.shape_cast %min3A_3037 : vector<16xf32> to vector<16xf32>
      tpu.vector_store %arg17[%swap3A], %swap3A_3042 {strides = array<i32>} : memref<384xf32, #tpu.memory_space<vmem>>, vector<16xf32>,
      %broadcast_in_dim3A_3043 = arith.constant 0.000000e+00 : f32
      %broadcast_in_dim3A_3044 = vector.broadcast %broadcast_in_dim3A_3043 : f32 to vector<16xf32>
      %broadcast_in_dim3A_3045 = arith.constant 3.000000e+38 : f32
      %broadcast_in_dim3A_3046 = vector.broadcast %broadcast_in_dim3A_3045 : f32 to vector<16xf32>
      %broadcast_in_dim3A_3047 = arith.constant 16 : i32
      %broadcast_in_dim3A_3048 = vector.broadcast %broadcast_in_dim3A_3047 : i32 to vector<16xi32>
      %xor3A_3049 = arith.constant 1 : i32
      %xor3A_3050 = vector.broadcast %xor3A_3049 : i32 to vector<16xi32>
      %xor3A_3051 = arith.xori %iota3A, %xor3A_3050 : vector<16xi32>
      %broadcast_in_dim3A_3052 = vector.shape_cast %xor3A_3051 : vector<16xi32> to vector<16x1xi32>
      %gather3A_3053 = vector.shape_cast %broadcast_in_dim3A_3052 : vector<16x1xi32> to vector<16xi32>
      %gather3A_3054 = tpu.dynamic_gather %min3A_3001[%gather3A_3053] in [0] : vector<16xf32>, vector<16xi32> -> vector<16xf32>
      %min3A_3055 = arith.minimumf %min3A_3001, %gather3A_3054 : vector<16xf32>
      %xor3A_3056 = arith.constant 2 : i32
      %xor3A_3057 = vector.broadcast %xor3A_3056 : i32 to vector<16xi32>
      %xor3A_3058 = arith.xori %iota3A, %xor3A_3057 : vector<16xi32>
      %broadcast_in_dim3A_3059 = vector.shape_cast %xor3A_3058 : vector<16xi32> to vector<16x1xi32>
      %gather3A_3060 = vector.shape_cast %broadcast_in_dim3A_3059 : vector<16x1xi32> to vector<16xi32>
      %gather3A_3061 = tpu.dynamic_gather %min3A_3055[%gather3A_3060] in [0] : vector<16xf32>, vector<16xi32> -> vector<16xf32>
      %min3A_3062 = arith.minimumf %min3A_3055, %gather3A_3061 : vector<16xf32>
      %xor3A_3063 = arith.constant 4 : i32
      %xor3A_3064 = vector.broadcast %xor3A_3063 : i32 to vector<16xi32>
      %xor3A_3065 = arith.xori %iota3A, %xor3A_3064 : vector<16xi32>
      %broadcast_in_dim3A_3066 = vector.shape_cast %xor3A_3065 : vector<16xi32> to vector<16x1xi32>
      %gather3A_3067 = vector.shape_cast %broadcast_in_dim3A_3066 : vector<16x1xi32> to vector<16xi32>
      %gather3A_3068 = tpu.dynamic_gather %min3A_3062[%gather3A_3067] in [0] : vector<16xf32>, vector<16xi32> -> vector<16xf32>
      %min3A_3069 = arith.minimumf %min3A_3062, %gather3A_3068 : vector<16xf32>
      %xor3A_3070 = arith.constant 8 : i32
      %xor3A_3071 = vector.broadcast %xor3A_3070 : i32 to vector<16xi32>
      %xor3A_3072 = arith.xori %iota3A, %xor3A_3071 : vector<16xi32>
      %broadcast_in_dim3A_3073 = vector.shape_cast %xor3A_3072 : vector<16xi32> to vector<16x1xi32>
      %gather3A_3074 = vector.shape_cast %broadcast_in_dim3A_3073 : vector<16x1xi32> to vector<16xi32>
      %gather3A_3075 = tpu.dynamic_gather %min3A_3069[%gather3A_3074] in [0] : vector<16xf32>, vector<16xi32> -> vector<16xf32>
      %min3A_3076 = arith.minimumf %min3A_3069, %gather3A_3075 : vector<16xf32>
      %eq3A_3077 = arith.cmpf oeq, %min3A_3001, %min3A_3076 : vector<16xf32>
      %select_n3A_3078 = arith.select %eq3A_3077, %iota3A, %broadcast_in_dim3A_3048 : vector<16xi1>, vector<16xi32>
      %xor3A_3079 = arith.constant 1 : i32
      %xor3A_3080 = vector.broadcast %xor3A_3079 : i32 to vector<16xi32>
      %xor3A_3081 = arith.xori %iota3A, %xor3A_3080 : vector<16xi32>
      %broadcast_in_dim3A_3082 = vector.shape_cast %xor3A_3081 : vector<16xi32> to vector<16x1xi32>
      %gather3A_3083 = vector.shape_cast %broadcast_in_dim3A_3082 : vector<16x1xi32> to vector<16xi32>
      %gather3A_3084 = tpu.dynamic_gather %select_n3A_3078[%gather3A_3083] in [0] : vector<16xi32>, vector<16xi32> -> vector<16xi32>
      %min3A_3085 = arith.minsi %select_n3A_3078, %gather3A_3084 : vector<16xi32>
      %xor3A_3086 = arith.constant 2 : i32
      %xor3A_3087 = vector.broadcast %xor3A_3086 : i32 to vector<16xi32>
      %xor3A_3088 = arith.xori %iota3A, %xor3A_3087 : vector<16xi32>
      %broadcast_in_dim3A_3089 = vector.shape_cast %xor3A_3088 : vector<16xi32> to vector<16x1xi32>
      %gather3A_3090 = vector.shape_cast %broadcast_in_dim3A_3089 : vector<16x1xi32> to vector<16xi32>
      %gather3A_3091 = tpu.dynamic_gather %min3A_3085[%gather3A_3090] in [0] : vector<16xi32>, vector<16xi32> -> vector<16xi32>
      %min3A_3092 = arith.minsi %min3A_3085, %gather3A_3091 : vector<16xi32>
      %xor3A_3093 = arith.constant 4 : i32
      %xor3A_3094 = vector.broadcast %xor3A_3093 : i32 to vector<16xi32>
      %xor3A_3095 = arith.xori %iota3A, %xor3A_3094 : vector<16xi32>
      %broadcast_in_dim3A_3096 = vector.shape_cast %xor3A_3095 : vector<16xi32> to vector<16x1xi32>
      %gather3A_3097 = vector.shape_cast %broadcast_in_dim3A_3096 : vector<16x1xi32> to vector<16xi32>
      %gather3A_3098 = tpu.dynamic_gather %min3A_3092[%gather3A_3097] in [0] : vector<16xi32>, vector<16xi32> -> vector<16xi32>
      %min3A_3099 = arith.minsi %min3A_3092, %gather3A_3098 : vector<16xi32>
      %xor3A_3100 = arith.constant 8 : i32
      %xor3A_3101 = vector.broadcast %xor3A_3100 : i32 to vector<16xi32>
      %xor3A_3102 = arith.xori %iota3A, %xor3A_3101 : vector<16xi32>
      %broadcast_in_dim3A_3103 = vector.shape_cast %xor3A_3102 : vector<16xi32> to vector<16x1xi32>
      %gather3A_3104 = vector.shape_cast %broadcast_in_dim3A_3103 : vector<16x1xi32> to vector<16xi32>
      %gather3A_3105 = tpu.dynamic_gather %min3A_3099[%gather3A_3104] in [0] : vector<16xi32>, vector<16xi32> -> vector<16xi32>
      %min3A_3106 = arith.minsi %min3A_3099, %gather3A_3105 : vector<16xi32>
      %eq3A_3107 = arith.cmpi eq, %iota3A, %min3A_3106 : vector<16xi32>
      %select_n3A_3108 = arith.select %eq3A_3107, %min3A_3003, %min3A_3001 : vector<16xi1>, vector<16xf32>
      %select_n3A_3109 = arith.select %eq3A_3107, %min3A_3005, %min3A_3003 : vector<16xi1>, vector<16xf32>
      %select_n3A_3110 = arith.select %eq3A_3107, %min3A_3007, %min3A_3005 : vector<16xi1>, vector<16xf32>
      %select_n3A_3111 = arith.select %eq3A_3107, %min3A_3009, %min3A_3007 : vector<16xi1>, vector<16xf32>
      %select_n3A_3112 = arith.select %eq3A_3107, %min3A_3011, %min3A_3009 : vector<16xi1>, vector<16xf32>
      %select_n3A_3113 = arith.select %eq3A_3107, %broadcast_in_dim3A_3046, %min3A_3011 : vector<16xi1>, vector<16xf32>
      %xor3A_3114 = arith.constant 1 : i32
      %xor3A_3115 = vector.broadcast %xor3A_3114 : i32 to vector<16xi32>
      %xor3A_3116 = arith.xori %iota3A, %xor3A_3115 : vector<16xi32>
      %broadcast_in_dim3A_3117 = vector.shape_cast %xor3A_3116 : vector<16xi32> to vector<16x1xi32>
      %gather3A_3118 = vector.shape_cast %broadcast_in_dim3A_3117 : vector<16x1xi32> to vector<16xi32>
      %gather3A_3119 = tpu.dynamic_gather %select_n3A_3108[%gather3A_3118] in [0] : vector<16xf32>, vector<16xi32> -> vector<16xf32>
      %min3A_3120 = arith.minimumf %select_n3A_3108, %gather3A_3119 : vector<16xf32>
      %xor3A_3121 = arith.constant 2 : i32
      %xor3A_3122 = vector.broadcast %xor3A_3121 : i32 to vector<16xi32>
      %xor3A_3123 = arith.xori %iota3A, %xor3A_3122 : vector<16xi32>
      %broadcast_in_dim3A_3124 = vector.shape_cast %xor3A_3123 : vector<16xi32> to vector<16x1xi32>
      %gather3A_3125 = vector.shape_cast %broadcast_in_dim3A_3124 : vector<16x1xi32> to vector<16xi32>
      %gather3A_3126 = tpu.dynamic_gather %min3A_3120[%gather3A_3125] in [0] : vector<16xf32>, vector<16xi32> -> vector<16xf32>
      %min3A_3127 = arith.minimumf %min3A_3120, %gather3A_3126 : vector<16xf32>
      %xor3A_3128 = arith.constant 4 : i32
      %xor3A_3129 = vector.broadcast %xor3A_3128 : i32 to vector<16xi32>
      %xor3A_3130 = arith.xori %iota3A, %xor3A_3129 : vector<16xi32>
      %broadcast_in_dim3A_3131 = vector.shape_cast %xor3A_3130 : vector<16xi32> to vector<16x1xi32>
      %gather3A_3132 = vector.shape_cast %broadcast_in_dim3A_3131 : vector<16x1xi32> to vector<16xi32>
      %gather3A_3133 = tpu.dynamic_gather %min3A_3127[%gather3A_3132] in [0] : vector<16xf32>, vector<16xi32> -> vector<16xf32>
      %min3A_3134 = arith.minimumf %min3A_3127, %gather3A_3133 : vector<16xf32>
      %xor3A_3135 = arith.constant 8 : i32
      %xor3A_3136 = vector.broadcast %xor3A_3135 : i32 to vector<16xi32>
      %xor3A_3137 = arith.xori %iota3A, %xor3A_3136 : vector<16xi32>
      %broadcast_in_dim3A_3138 = vector.shape_cast %xor3A_3137 : vector<16xi32> to vector<16x1xi32>
      %gather3A_3139 = vector.shape_cast %broadcast_in_dim3A_3138 : vector<16x1xi32> to vector<16xi32>
      %gather3A_3140 = tpu.dynamic_gather %min3A_3134[%gather3A_3139] in [0] : vector<16xf32>, vector<16xi32> -> vector<16xf32>
      %min3A_3141 = arith.minimumf %min3A_3134, %gather3A_3140 : vector<16xf32>
      %add3A_3142 = arith.addf %broadcast_in_dim3A_3044, %min3A_3141 : vector<16xf32>
      %eq3A_3143 = arith.cmpf oeq, %select_n3A_3108, %min3A_3141 : vector<16xf32>
      %select_n3A_3144 = arith.select %eq3A_3143, %iota3A, %broadcast_in_dim3A_3048 : vector<16xi1>, vector<16xi32>
      %xor3A_3145 = arith.constant 1 : i32
      %xor3A_3146 = vector.broadcast %xor3A_3145 : i32 to vector<16xi32>
      %xor3A_3147 = arith.xori %iota3A, %xor3A_3146 : vector<16xi32>
      %broadcast_in_dim3A_3148 = vector.shape_cast %xor3A_3147 : vector<16xi32> to vector<16x1xi32>
      %gather3A_3149 = vector.shape_cast %broadcast_in_dim3A_3148 : vector<16x1xi32> to vector<16xi32>
      %gather3A_3150 = tpu.dynamic_gather %select_n3A_3144[%gather3A_3149] in [0] : vector<16xi32>, vector<16xi32> -> vector<16xi32>
      %min3A_3151 = arith.minsi %select_n3A_3144, %gather3A_3150 : vector<16xi32>
      %xor3A_3152 = arith.constant 2 : i32
      %xor3A_3153 = vector.broadcast %xor3A_3152 : i32 to vector<16xi32>
      %xor3A_3154 = arith.xori %iota3A, %xor3A_3153 : vector<16xi32>
      %broadcast_in_dim3A_3155 = vector.shape_cast %xor3A_3154 : vector<16xi32> to vector<16x1xi32>
      %gather3A_3156 = vector.shape_cast %broadcast_in_dim3A_3155 : vector<16x1xi32> to vector<16xi32>
      %gather3A_3157 = tpu.dynamic_gather %min3A_3151[%gather3A_3156] in [0] : vector<16xi32>, vector<16xi32> -> vector<16xi32>
      %min3A_3158 = arith.minsi %min3A_3151, %gather3A_3157 : vector<16xi32>
      %xor3A_3159 = arith.constant 4 : i32
      %xor3A_3160 = vector.broadcast %xor3A_3159 : i32 to vector<16xi32>
      %xor3A_3161 = arith.xori %iota3A, %xor3A_3160 : vector<16xi32>
      %broadcast_in_dim3A_3162 = vector.shape_cast %xor3A_3161 : vector<16xi32> to vector<16x1xi32>
      %gather3A_3163 = vector.shape_cast %broadcast_in_dim3A_3162 : vector<16x1xi32> to vector<16xi32>
      %gather3A_3164 = tpu.dynamic_gather %min3A_3158[%gather3A_3163] in [0] : vector<16xi32>, vector<16xi32> -> vector<16xi32>
      %min3A_3165 = arith.minsi %min3A_3158, %gather3A_3164 : vector<16xi32>
      %xor3A_3166 = arith.constant 8 : i32
      %xor3A_3167 = vector.broadcast %xor3A_3166 : i32 to vector<16xi32>
      %xor3A_3168 = arith.xori %iota3A, %xor3A_3167 : vector<16xi32>
      %broadcast_in_dim3A_3169 = vector.shape_cast %xor3A_3168 : vector<16xi32> to vector<16x1xi32>
      %gather3A_3170 = vector.shape_cast %broadcast_in_dim3A_3169 : vector<16x1xi32> to vector<16xi32>
      %gather3A_3171 = tpu.dynamic_gather %min3A_3165[%gather3A_3170] in [0] : vector<16xi32>, vector<16xi32> -> vector<16xi32>
      %min3A_3172 = arith.minsi %min3A_3165, %gather3A_3171 : vector<16xi32>
      %eq3A_3173 = arith.cmpi eq, %iota3A, %min3A_3172 : vector<16xi32>
      %select_n3A_3174 = arith.select %eq3A_3173, %select_n3A_3109, %select_n3A_3108 : vector<16xi1>, vector<16xf32>
      %select_n3A_3175 = arith.select %eq3A_3173, %select_n3A_3110, %select_n3A_3109 : vector<16xi1>, vector<16xf32>
      %select_n3A_3176 = arith.select %eq3A_3173, %select_n3A_3111, %select_n3A_3110 : vector<16xi1>, vector<16xf32>
      %select_n3A_3177 = arith.select %eq3A_3173, %select_n3A_3112, %select_n3A_3111 : vector<16xi1>, vector<16xf32>
      %select_n3A_3178 = arith.select %eq3A_3173, %select_n3A_3113, %select_n3A_3112 : vector<16xi1>, vector<16xf32>
      %select_n3A_3179 = arith.select %eq3A_3173, %broadcast_in_dim3A_3046, %select_n3A_3113 : vector<16xi1>, vector<16xf32>
      %xor3A_3180 = arith.constant 1 : i32
      %xor3A_3181 = vector.broadcast %xor3A_3180 : i32 to vector<16xi32>
      %xor3A_3182 = arith.xori %iota3A, %xor3A_3181 : vector<16xi32>
      %broadcast_in_dim3A_3183 = vector.shape_cast %xor3A_3182 : vector<16xi32> to vector<16x1xi32>
      %gather3A_3184 = vector.shape_cast %broadcast_in_dim3A_3183 : vector<16x1xi32> to vector<16xi32>
      %gather3A_3185 = tpu.dynamic_gather %select_n3A_3174[%gather3A_3184] in [0] : vector<16xf32>, vector<16xi32> -> vector<16xf32>
      %min3A_3186 = arith.minimumf %select_n3A_3174, %gather3A_3185 : vector<16xf32>
      %xor3A_3187 = arith.constant 2 : i32
      %xor3A_3188 = vector.broadcast %xor3A_3187 : i32 to vector<16xi32>
      %xor3A_3189 = arith.xori %iota3A, %xor3A_3188 : vector<16xi32>
      %broadcast_in_dim3A_3190 = vector.shape_cast %xor3A_3189 : vector<16xi32> to vector<16x1xi32>
      %gather3A_3191 = vector.shape_cast %broadcast_in_dim3A_3190 : vector<16x1xi32> to vector<16xi32>
      %gather3A_3192 = tpu.dynamic_gather %min3A_3186[%gather3A_3191] in [0] : vector<16xf32>, vector<16xi32> -> vector<16xf32>
      %min3A_3193 = arith.minimumf %min3A_3186, %gather3A_3192 : vector<16xf32>
      %xor3A_3194 = arith.constant 4 : i32
      %xor3A_3195 = vector.broadcast %xor3A_3194 : i32 to vector<16xi32>
      %xor3A_3196 = arith.xori %iota3A, %xor3A_3195 : vector<16xi32>
      %broadcast_in_dim3A_3197 = vector.shape_cast %xor3A_3196 : vector<16xi32> to vector<16x1xi32>
      %gather3A_3198 = vector.shape_cast %broadcast_in_dim3A_3197 : vector<16x1xi32> to vector<16xi32>
      %gather3A_3199 = tpu.dynamic_gather %min3A_3193[%gather3A_3198] in [0] : vector<16xf32>, vector<16xi32> -> vector<16xf32>
      %min3A_3200 = arith.minimumf %min3A_3193, %gather3A_3199 : vector<16xf32>
      %xor3A_3201 = arith.constant 8 : i32
      %xor3A_3202 = vector.broadcast %xor3A_3201 : i32 to vector<16xi32>
      %xor3A_3203 = arith.xori %iota3A, %xor3A_3202 : vector<16xi32>
      %broadcast_in_dim3A_3204 = vector.shape_cast %xor3A_3203 : vector<16xi32> to vector<16x1xi32>
      %gather3A_3205 = vector.shape_cast %broadcast_in_dim3A_3204 : vector<16x1xi32> to vector<16xi32>
      %gather3A_3206 = tpu.dynamic_gather %min3A_3200[%gather3A_3205] in [0] : vector<16xf32>, vector<16xi32> -> vector<16xf32>
      %min3A_3207 = arith.minimumf %min3A_3200, %gather3A_3206 : vector<16xf32>
      %add3A_3208 = arith.addf %add3A_3142, %min3A_3207 : vector<16xf32>
      %eq3A_3209 = arith.cmpf oeq, %select_n3A_3174, %min3A_3207 : vector<16xf32>
      %select_n3A_3210 = arith.select %eq3A_3209, %iota3A, %broadcast_in_dim3A_3048 : vector<16xi1>, vector<16xi32>
      %xor3A_3211 = arith.constant 1 : i32
      %xor3A_3212 = vector.broadcast %xor3A_3211 : i32 to vector<16xi32>
      %xor3A_3213 = arith.xori %iota3A, %xor3A_3212 : vector<16xi32>
      %broadcast_in_dim3A_3214 = vector.shape_cast %xor3A_3213 : vector<16xi32> to vector<16x1xi32>
      %gather3A_3215 = vector.shape_cast %broadcast_in_dim3A_3214 : vector<16x1xi32> to vector<16xi32>
      %gather3A_3216 = tpu.dynamic_gather %select_n3A_3210[%gather3A_3215] in [0] : vector<16xi32>, vector<16xi32> -> vector<16xi32>
      %min3A_3217 = arith.minsi %select_n3A_3210, %gather3A_3216 : vector<16xi32>
      %xor3A_3218 = arith.constant 2 : i32
      %xor3A_3219 = vector.broadcast %xor3A_3218 : i32 to vector<16xi32>
      %xor3A_3220 = arith.xori %iota3A, %xor3A_3219 : vector<16xi32>
      %broadcast_in_dim3A_3221 = vector.shape_cast %xor3A_3220 : vector<16xi32> to vector<16x1xi32>
      %gather3A_3222 = vector.shape_cast %broadcast_in_dim3A_3221 : vector<16x1xi32> to vector<16xi32>
      %gather3A_3223 = tpu.dynamic_gather %min3A_3217[%gather3A_3222] in [0] : vector<16xi32>, vector<16xi32> -> vector<16xi32>
      %min3A_3224 = arith.minsi %min3A_3217, %gather3A_3223 : vector<16xi32>
      %xor3A_3225 = arith.constant 4 : i32
      %xor3A_3226 = vector.broadcast %xor3A_3225 : i32 to vector<16xi32>
      %xor3A_3227 = arith.xori %iota3A, %xor3A_3226 : vector<16xi32>
      %broadcast_in_dim3A_3228 = vector.shape_cast %xor3A_3227 : vector<16xi32> to vector<16x1xi32>
      %gather3A_3229 = vector.shape_cast %broadcast_in_dim3A_3228 : vector<16x1xi32> to vector<16xi32>
      %gather3A_3230 = tpu.dynamic_gather %min3A_3224[%gather3A_3229] in [0] : vector<16xi32>, vector<16xi32> -> vector<16xi32>
      %min3A_3231 = arith.minsi %min3A_3224, %gather3A_3230 : vector<16xi32>
      %xor3A_3232 = arith.constant 8 : i32
      %xor3A_3233 = vector.broadcast %xor3A_3232 : i32 to vector<16xi32>
      %xor3A_3234 = arith.xori %iota3A, %xor3A_3233 : vector<16xi32>
      %broadcast_in_dim3A_3235 = vector.shape_cast %xor3A_3234 : vector<16xi32> to vector<16x1xi32>
      %gather3A_3236 = vector.shape_cast %broadcast_in_dim3A_3235 : vector<16x1xi32> to vector<16xi32>
      %gather3A_3237 = tpu.dynamic_gather %min3A_3231[%gather3A_3236] in [0] : vector<16xi32>, vector<16xi32> -> vector<16xi32>
      %min3A_3238 = arith.minsi %min3A_3231, %gather3A_3237 : vector<16xi32>
      %eq3A_3239 = arith.cmpi eq, %iota3A, %min3A_3238 : vector<16xi32>
      %select_n3A_3240 = arith.select %eq3A_3239, %select_n3A_3175, %select_n3A_3174 : vector<16xi1>, vector<16xf32>
      %select_n3A_3241 = arith.select %eq3A_3239, %select_n3A_3176, %select_n3A_3175 : vector<16xi1>, vector<16xf32>
      %select_n3A_3242 = arith.select %eq3A_3239, %select_n3A_3177, %select_n3A_3176 : vector<16xi1>, vector<16xf32>
      %select_n3A_3243 = arith.select %eq3A_3239, %select_n3A_3178, %select_n3A_3177 : vector<16xi1>, vector<16xf32>
      %select_n3A_3244 = arith.select %eq3A_3239, %select_n3A_3179, %select_n3A_3178 : vector<16xi1>, vector<16xf32>
      %select_n3A_3245 = arith.select %eq3A_3239, %broadcast_in_dim3A_3046, %select_n3A_3179 : vector<16xi1>, vector<16xf32>
      %xor3A_3246 = arith.constant 1 : i32
      %xor3A_3247 = vector.broadcast %xor3A_3246 : i32 to vector<16xi32>
      %xor3A_3248 = arith.xori %iota3A, %xor3A_3247 : vector<16xi32>
      %broadcast_in_dim3A_3249 = vector.shape_cast %xor3A_3248 : vector<16xi32> to vector<16x1xi32>
      %gather3A_3250 = vector.shape_cast %broadcast_in_dim3A_3249 : vector<16x1xi32> to vector<16xi32>
      %gather3A_3251 = tpu.dynamic_gather %select_n3A_3240[%gather3A_3250] in [0] : vector<16xf32>, vector<16xi32> -> vector<16xf32>
      %min3A_3252 = arith.minimumf %select_n3A_3240, %gather3A_3251 : vector<16xf32>
      %xor3A_3253 = arith.constant 2 : i32
      %xor3A_3254 = vector.broadcast %xor3A_3253 : i32 to vector<16xi32>
      %xor3A_3255 = arith.xori %iota3A, %xor3A_3254 : vector<16xi32>
      %broadcast_in_dim3A_3256 = vector.shape_cast %xor3A_3255 : vector<16xi32> to vector<16x1xi32>
      %gather3A_3257 = vector.shape_cast %broadcast_in_dim3A_3256 : vector<16x1xi32> to vector<16xi32>
      %gather3A_3258 = tpu.dynamic_gather %min3A_3252[%gather3A_3257] in [0] : vector<16xf32>, vector<16xi32> -> vector<16xf32>
      %min3A_3259 = arith.minimumf %min3A_3252, %gather3A_3258 : vector<16xf32>
      %xor3A_3260 = arith.constant 4 : i32
      %xor3A_3261 = vector.broadcast %xor3A_3260 : i32 to vector<16xi32>
      %xor3A_3262 = arith.xori %iota3A, %xor3A_3261 : vector<16xi32>
      %broadcast_in_dim3A_3263 = vector.shape_cast %xor3A_3262 : vector<16xi32> to vector<16x1xi32>
      %gather3A_3264 = vector.shape_cast %broadcast_in_dim3A_3263 : vector<16x1xi32> to vector<16xi32>
      %gather3A_3265 = tpu.dynamic_gather %min3A_3259[%gather3A_3264] in [0] : vector<16xf32>, vector<16xi32> -> vector<16xf32>
      %min3A_3266 = arith.minimumf %min3A_3259, %gather3A_3265 : vector<16xf32>
      %xor3A_3267 = arith.constant 8 : i32
      %xor3A_3268 = vector.broadcast %xor3A_3267 : i32 to vector<16xi32>
      %xor3A_3269 = arith.xori %iota3A, %xor3A_3268 : vector<16xi32>
      %broadcast_in_dim3A_3270 = vector.shape_cast %xor3A_3269 : vector<16xi32> to vector<16x1xi32>
      %gather3A_3271 = vector.shape_cast %broadcast_in_dim3A_3270 : vector<16x1xi32> to vector<16xi32>
      %gather3A_3272 = tpu.dynamic_gather %min3A_3266[%gather3A_3271] in [0] : vector<16xf32>, vector<16xi32> -> vector<16xf32>
      %min3A_3273 = arith.minimumf %min3A_3266, %gather3A_3272 : vector<16xf32>
      %add3A_3274 = arith.addf %add3A_3208, %min3A_3273 : vector<16xf32>
      %eq3A_3275 = arith.cmpf oeq, %select_n3A_3240, %min3A_3273 : vector<16xf32>
      %select_n3A_3276 = arith.select %eq3A_3275, %iota3A, %broadcast_in_dim3A_3048 : vector<16xi1>, vector<16xi32>
      %xor3A_3277 = arith.constant 1 : i32
      %xor3A_3278 = vector.broadcast %xor3A_3277 : i32 to vector<16xi32>
      %xor3A_3279 = arith.xori %iota3A, %xor3A_3278 : vector<16xi32>
      %broadcast_in_dim3A_3280 = vector.shape_cast %xor3A_3279 : vector<16xi32> to vector<16x1xi32>
      %gather3A_3281 = vector.shape_cast %broadcast_in_dim3A_3280 : vector<16x1xi32> to vector<16xi32>
      %gather3A_3282 = tpu.dynamic_gather %select_n3A_3276[%gather3A_3281] in [0] : vector<16xi32>, vector<16xi32> -> vector<16xi32>
      %min3A_3283 = arith.minsi %select_n3A_3276, %gather3A_3282 : vector<16xi32>
      %xor3A_3284 = arith.constant 2 : i32
      %xor3A_3285 = vector.broadcast %xor3A_3284 : i32 to vector<16xi32>
      %xor3A_3286 = arith.xori %iota3A, %xor3A_3285 : vector<16xi32>
      %broadcast_in_dim3A_3287 = vector.shape_cast %xor3A_3286 : vector<16xi32> to vector<16x1xi32>
      %gather3A_3288 = vector.shape_cast %broadcast_in_dim3A_3287 : vector<16x1xi32> to vector<16xi32>
      %gather3A_3289 = tpu.dynamic_gather %min3A_3283[%gather3A_3288] in [0] : vector<16xi32>, vector<16xi32> -> vector<16xi32>
      %min3A_3290 = arith.minsi %min3A_3283, %gather3A_3289 : vector<16xi32>
      %xor3A_3291 = arith.constant 4 : i32
      %xor3A_3292 = vector.broadcast %xor3A_3291 : i32 to vector<16xi32>
      %xor3A_3293 = arith.xori %iota3A, %xor3A_3292 : vector<16xi32>
      %broadcast_in_dim3A_3294 = vector.shape_cast %xor3A_3293 : vector<16xi32> to vector<16x1xi32>
      %gather3A_3295 = vector.shape_cast %broadcast_in_dim3A_3294 : vector<16x1xi32> to vector<16xi32>
      %gather3A_3296 = tpu.dynamic_gather %min3A_3290[%gather3A_3295] in [0] : vector<16xi32>, vector<16xi32> -> vector<16xi32>
      %min3A_3297 = arith.minsi %min3A_3290, %gather3A_3296 : vector<16xi32>
      %xor3A_3298 = arith.constant 8 : i32
      %xor3A_3299 = vector.broadcast %xor3A_3298 : i32 to vector<16xi32>
      %xor3A_3300 = arith.xori %iota3A, %xor3A_3299 : vector<16xi32>
      %broadcast_in_dim3A_3301 = vector.shape_cast %xor3A_3300 : vector<16xi32> to vector<16x1xi32>
      %gather3A_3302 = vector.shape_cast %broadcast_in_dim3A_3301 : vector<16x1xi32> to vector<16xi32>
      %gather3A_3303 = tpu.dynamic_gather %min3A_3297[%gather3A_3302] in [0] : vector<16xi32>, vector<16xi32> -> vector<16xi32>
      %min3A_3304 = arith.minsi %min3A_3297, %gather3A_3303 : vector<16xi32>
      %eq3A_3305 = arith.cmpi eq, %iota3A, %min3A_3304 : vector<16xi32>
      %select_n3A_3306 = arith.select %eq3A_3305, %select_n3A_3241, %select_n3A_3240 : vector<16xi1>, vector<16xf32>
      %select_n3A_3307 = arith.select %eq3A_3305, %select_n3A_3242, %select_n3A_3241 : vector<16xi1>, vector<16xf32>
      %select_n3A_3308 = arith.select %eq3A_3305, %select_n3A_3243, %select_n3A_3242 : vector<16xi1>, vector<16xf32>
      %select_n3A_3309 = arith.select %eq3A_3305, %select_n3A_3244, %select_n3A_3243 : vector<16xi1>, vector<16xf32>
      %select_n3A_3310 = arith.select %eq3A_3305, %select_n3A_3245, %select_n3A_3244 : vector<16xi1>, vector<16xf32>
      %select_n3A_3311 = arith.select %eq3A_3305, %broadcast_in_dim3A_3046, %select_n3A_3245 : vector<16xi1>, vector<16xf32>
      %xor3A_3312 = arith.constant 1 : i32
      %xor3A_3313 = vector.broadcast %xor3A_3312 : i32 to vector<16xi32>
      %xor3A_3314 = arith.xori %iota3A, %xor3A_3313 : vector<16xi32>
      %broadcast_in_dim3A_3315 = vector.shape_cast %xor3A_3314 : vector<16xi32> to vector<16x1xi32>
      %gather3A_3316 = vector.shape_cast %broadcast_in_dim3A_3315 : vector<16x1xi32> to vector<16xi32>
      %gather3A_3317 = tpu.dynamic_gather %select_n3A_3306[%gather3A_3316] in [0] : vector<16xf32>, vector<16xi32> -> vector<16xf32>
      %min3A_3318 = arith.minimumf %select_n3A_3306, %gather3A_3317 : vector<16xf32>
      %xor3A_3319 = arith.constant 2 : i32
      %xor3A_3320 = vector.broadcast %xor3A_3319 : i32 to vector<16xi32>
      %xor3A_3321 = arith.xori %iota3A, %xor3A_3320 : vector<16xi32>
      %broadcast_in_dim3A_3322 = vector.shape_cast %xor3A_3321 : vector<16xi32> to vector<16x1xi32>
      %gather3A_3323 = vector.shape_cast %broadcast_in_dim3A_3322 : vector<16x1xi32> to vector<16xi32>
      %gather3A_3324 = tpu.dynamic_gather %min3A_3318[%gather3A_3323] in [0] : vector<16xf32>, vector<16xi32> -> vector<16xf32>
      %min3A_3325 = arith.minimumf %min3A_3318, %gather3A_3324 : vector<16xf32>
      %xor3A_3326 = arith.constant 4 : i32
      %xor3A_3327 = vector.broadcast %xor3A_3326 : i32 to vector<16xi32>
      %xor3A_3328 = arith.xori %iota3A, %xor3A_3327 : vector<16xi32>
      %broadcast_in_dim3A_3329 = vector.shape_cast %xor3A_3328 : vector<16xi32> to vector<16x1xi32>
      %gather3A_3330 = vector.shape_cast %broadcast_in_dim3A_3329 : vector<16x1xi32> to vector<16xi32>
      %gather3A_3331 = tpu.dynamic_gather %min3A_3325[%gather3A_3330] in [0] : vector<16xf32>, vector<16xi32> -> vector<16xf32>
      %min3A_3332 = arith.minimumf %min3A_3325, %gather3A_3331 : vector<16xf32>
      %xor3A_3333 = arith.constant 8 : i32
      %xor3A_3334 = vector.broadcast %xor3A_3333 : i32 to vector<16xi32>
      %xor3A_3335 = arith.xori %iota3A, %xor3A_3334 : vector<16xi32>
      %broadcast_in_dim3A_3336 = vector.shape_cast %xor3A_3335 : vector<16xi32> to vector<16x1xi32>
      %gather3A_3337 = vector.shape_cast %broadcast_in_dim3A_3336 : vector<16x1xi32> to vector<16xi32>
      %gather3A_3338 = tpu.dynamic_gather %min3A_3332[%gather3A_3337] in [0] : vector<16xf32>, vector<16xi32> -> vector<16xf32>
      %min3A_3339 = arith.minimumf %min3A_3332, %gather3A_3338 : vector<16xf32>
      %add3A_3340 = arith.addf %add3A_3274, %min3A_3339 : vector<16xf32>
      %eq3A_3341 = arith.cmpf oeq, %select_n3A_3306, %min3A_3339 : vector<16xf32>
      %select_n3A_3342 = arith.select %eq3A_3341, %iota3A, %broadcast_in_dim3A_3048 : vector<16xi1>, vector<16xi32>
      %xor3A_3343 = arith.constant 1 : i32
      %xor3A_3344 = vector.broadcast %xor3A_3343 : i32 to vector<16xi32>
      %xor3A_3345 = arith.xori %iota3A, %xor3A_3344 : vector<16xi32>
      %broadcast_in_dim3A_3346 = vector.shape_cast %xor3A_3345 : vector<16xi32> to vector<16x1xi32>
      %gather3A_3347 = vector.shape_cast %broadcast_in_dim3A_3346 : vector<16x1xi32> to vector<16xi32>
      %gather3A_3348 = tpu.dynamic_gather %select_n3A_3342[%gather3A_3347] in [0] : vector<16xi32>, vector<16xi32> -> vector<16xi32>
      %min3A_3349 = arith.minsi %select_n3A_3342, %gather3A_3348 : vector<16xi32>
      %xor3A_3350 = arith.constant 2 : i32
      %xor3A_3351 = vector.broadcast %xor3A_3350 : i32 to vector<16xi32>
      %xor3A_3352 = arith.xori %iota3A, %xor3A_3351 : vector<16xi32>
      %broadcast_in_dim3A_3353 = vector.shape_cast %xor3A_3352 : vector<16xi32> to vector<16x1xi32>
      %gather3A_3354 = vector.shape_cast %broadcast_in_dim3A_3353 : vector<16x1xi32> to vector<16xi32>
      %gather3A_3355 = tpu.dynamic_gather %min3A_3349[%gather3A_3354] in [0] : vector<16xi32>, vector<16xi32> -> vector<16xi32>
      %min3A_3356 = arith.minsi %min3A_3349, %gather3A_3355 : vector<16xi32>
      %xor3A_3357 = arith.constant 4 : i32
      %xor3A_3358 = vector.broadcast %xor3A_3357 : i32 to vector<16xi32>
      %xor3A_3359 = arith.xori %iota3A, %xor3A_3358 : vector<16xi32>
      %broadcast_in_dim3A_3360 = vector.shape_cast %xor3A_3359 : vector<16xi32> to vector<16x1xi32>
      %gather3A_3361 = vector.shape_cast %broadcast_in_dim3A_3360 : vector<16x1xi32> to vector<16xi32>
      %gather3A_3362 = tpu.dynamic_gather %min3A_3356[%gather3A_3361] in [0] : vector<16xi32>, vector<16xi32> -> vector<16xi32>
      %min3A_3363 = arith.minsi %min3A_3356, %gather3A_3362 : vector<16xi32>
      %xor3A_3364 = arith.constant 8 : i32
      %xor3A_3365 = vector.broadcast %xor3A_3364 : i32 to vector<16xi32>
      %xor3A_3366 = arith.xori %iota3A, %xor3A_3365 : vector<16xi32>
      %broadcast_in_dim3A_3367 = vector.shape_cast %xor3A_3366 : vector<16xi32> to vector<16x1xi32>
      %gather3A_3368 = vector.shape_cast %broadcast_in_dim3A_3367 : vector<16x1xi32> to vector<16xi32>
      %gather3A_3369 = tpu.dynamic_gather %min3A_3363[%gather3A_3368] in [0] : vector<16xi32>, vector<16xi32> -> vector<16xi32>
      %min3A_3370 = arith.minsi %min3A_3363, %gather3A_3369 : vector<16xi32>
      %eq3A_3371 = arith.cmpi eq, %iota3A, %min3A_3370 : vector<16xi32>
      %select_n3A_3372 = arith.select %eq3A_3371, %select_n3A_3307, %select_n3A_3306 : vector<16xi1>, vector<16xf32>
      %select_n3A_3373 = arith.select %eq3A_3371, %select_n3A_3308, %select_n3A_3307 : vector<16xi1>, vector<16xf32>
      %select_n3A_3374 = arith.select %eq3A_3371, %select_n3A_3309, %select_n3A_3308 : vector<16xi1>, vector<16xf32>
      %select_n3A_3375 = arith.select %eq3A_3371, %select_n3A_3310, %select_n3A_3309 : vector<16xi1>, vector<16xf32>
      %select_n3A_3376 = arith.select %eq3A_3371, %select_n3A_3311, %select_n3A_3310 : vector<16xi1>, vector<16xf32>
      %select_n3A_3377 = arith.select %eq3A_3371, %broadcast_in_dim3A_3046, %select_n3A_3311 : vector<16xi1>, vector<16xf32>
      %xor3A_3378 = arith.constant 1 : i32
      %xor3A_3379 = vector.broadcast %xor3A_3378 : i32 to vector<16xi32>
      %xor3A_3380 = arith.xori %iota3A, %xor3A_3379 : vector<16xi32>
      %broadcast_in_dim3A_3381 = vector.shape_cast %xor3A_3380 : vector<16xi32> to vector<16x1xi32>
      %gather3A_3382 = vector.shape_cast %broadcast_in_dim3A_3381 : vector<16x1xi32> to vector<16xi32>
      %gather3A_3383 = tpu.dynamic_gather %select_n3A_3372[%gather3A_3382] in [0] : vector<16xf32>, vector<16xi32> -> vector<16xf32>
      %min3A_3384 = arith.minimumf %select_n3A_3372, %gather3A_3383 : vector<16xf32>
      %xor3A_3385 = arith.constant 2 : i32
      %xor3A_3386 = vector.broadcast %xor3A_3385 : i32 to vector<16xi32>
      %xor3A_3387 = arith.xori %iota3A, %xor3A_3386 : vector<16xi32>
      %broadcast_in_dim3A_3388 = vector.shape_cast %xor3A_3387 : vector<16xi32> to vector<16x1xi32>
      %gather3A_3389 = vector.shape_cast %broadcast_in_dim3A_3388 : vector<16x1xi32> to vector<16xi32>
      %gather3A_3390 = tpu.dynamic_gather %min3A_3384[%gather3A_3389] in [0] : vector<16xf32>, vector<16xi32> -> vector<16xf32>
      %min3A_3391 = arith.minimumf %min3A_3384, %gather3A_3390 : vector<16xf32>
      %xor3A_3392 = arith.constant 4 : i32
      %xor3A_3393 = vector.broadcast %xor3A_3392 : i32 to vector<16xi32>
      %xor3A_3394 = arith.xori %iota3A, %xor3A_3393 : vector<16xi32>
      %broadcast_in_dim3A_3395 = vector.shape_cast %xor3A_3394 : vector<16xi32> to vector<16x1xi32>
      %gather3A_3396 = vector.shape_cast %broadcast_in_dim3A_3395 : vector<16x1xi32> to vector<16xi32>
      %gather3A_3397 = tpu.dynamic_gather %min3A_3391[%gather3A_3396] in [0] : vector<16xf32>, vector<16xi32> -> vector<16xf32>
      %min3A_3398 = arith.minimumf %min3A_3391, %gather3A_3397 : vector<16xf32>
      %xor3A_3399 = arith.constant 8 : i32
      %xor3A_3400 = vector.broadcast %xor3A_3399 : i32 to vector<16xi32>
      %xor3A_3401 = arith.xori %iota3A, %xor3A_3400 : vector<16xi32>
      %broadcast_in_dim3A_3402 = vector.shape_cast %xor3A_3401 : vector<16xi32> to vector<16x1xi32>
      %gather3A_3403 = vector.shape_cast %broadcast_in_dim3A_3402 : vector<16x1xi32> to vector<16xi32>
      %gather3A_3404 = tpu.dynamic_gather %min3A_3398[%gather3A_3403] in [0] : vector<16xf32>, vector<16xi32> -> vector<16xf32>
      %min3A_3405 = arith.minimumf %min3A_3398, %gather3A_3404 : vector<16xf32>
      %add3A_3406 = arith.addf %add3A_3340, %min3A_3405 : vector<16xf32>
      %div3A_3407 = arith.constant 5.000000e+00 : f32
      %div3A_3408 = vector.broadcast %div3A_3407 : f32 to vector<16xf32>
      %div3A_3409 = arith.divf %add3A_3406, %div3A_3408 : vector<16xf32>
      %add3A_3410 = arith.constant 113 : i32
      %add3A_3411 = arith.addi %sub3A_40, %add3A_3410 : i32
      %swap3A_3412 = arith.index_cast %add3A_3411 : i32 to index
      %swap3A_3413 = tpu.vector_load %arg16[%swap3A_3412] {strides = array<i32>} : memref<384xf32, #tpu.memory_space<vmem>>, vector<16xf32>,
      %swap3A_3414 = vector.shape_cast %swap3A_3413 : vector<16xf32> to vector<16xf32>
      %swap3A_3415 = vector.shape_cast %div3A_3409 : vector<16xf32> to vector<16xf32>
      tpu.vector_store %arg16[%swap3A_3412], %swap3A_3415 {strides = array<i32>} : memref<384xf32, #tpu.memory_space<vmem>>, vector<16xf32>,
    }
    %scan3A_37 = arith.constant 256 : i32
    "tpu.region"() ({
      %run_scoped3A = tpu.sem_alloc : memref<!tpu.dma_semaphore, #tpu.memory_space<semaphore_mem>>
      %dma_start3A = arith.constant 128 : i32
      %dma_start3A_38 = tpu.memref_slice %arg16[%dma_start3A] : memref<384xf32, #tpu.memory_space<vmem>> -> memref<256xf32, #tpu.memory_space<vmem>>
      %dma_start3A_39 = tpu.memref_slice %arg8[%select_n3A, %mul3A_32] : memref<8x1024xf32, #tpu.memory_space<hbm>> -> memref<1x256xf32, #tpu.memory_space<hbm>>
      %dma_start3A_40 = tpu.memref_squeeze %dma_start3A_39 : memref<1x256xf32, #tpu.memory_space<hbm>> -> memref<256xf32, #tpu.memory_space<hbm>>
      %dma_start3A_41 = tpu.memref_slice %arg8[%select_n3A, %mul3A_32] : memref<8x1024xf32, #tpu.memory_space<hbm>> -> memref<1x256xf32, #tpu.memory_space<hbm>>
      %dma_start3A_42 = tpu.memref_squeeze %dma_start3A_41 : memref<1x256xf32, #tpu.memory_space<hbm>> -> memref<256xf32, #tpu.memory_space<hbm>>
      %dma_start3A_43 = arith.constant 128 : i32
      %dma_start3A_44 = tpu.memref_slice %arg16[%dma_start3A_43] : memref<384xf32, #tpu.memory_space<vmem>> -> memref<256xf32, #tpu.memory_space<vmem>>
      tpu.enqueue_dma source(%dma_start3A_44 : memref<256xf32, #tpu.memory_space<vmem>>) target(%dma_start3A_42 : memref<256xf32, #tpu.memory_space<hbm>>) target_semaphore(%run_scoped3A : memref<!tpu.dma_semaphore, #tpu.memory_space<semaphore_mem>>)
      %dma_wait3A = arith.constant 128 : i32
      %dma_wait3A_45 = tpu.memref_slice %arg16[%dma_wait3A] : memref<384xf32, #tpu.memory_space<vmem>> -> memref<256xf32, #tpu.memory_space<vmem>>
      %dma_wait3A_46 = tpu.memref_slice %arg8[%select_n3A, %mul3A_32] : memref<8x1024xf32, #tpu.memory_space<hbm>> -> memref<1x256xf32, #tpu.memory_space<hbm>>
      %dma_wait3A_47 = tpu.memref_squeeze %dma_wait3A_46 : memref<1x256xf32, #tpu.memory_space<hbm>> -> memref<256xf32, #tpu.memory_space<hbm>>
      %dma_wait3A_48 = tpu.memref_slice %arg8[%select_n3A, %mul3A_32] : memref<8x1024xf32, #tpu.memory_space<hbm>> -> memref<1x256xf32, #tpu.memory_space<hbm>>
      %dma_wait3A_49 = tpu.memref_squeeze %dma_wait3A_48 : memref<1x256xf32, #tpu.memory_space<hbm>> -> memref<256xf32, #tpu.memory_space<hbm>>
      %dma_wait3A_50 = arith.constant 128 : i32
      %dma_wait3A_51 = tpu.memref_slice %arg16[%dma_wait3A_50] : memref<384xf32, #tpu.memory_space<vmem>> -> memref<256xf32, #tpu.memory_space<vmem>>
      tpu.wait_dma2 semaphore(%run_scoped3A : memref<!tpu.dma_semaphore, #tpu.memory_space<semaphore_mem>>) src(%dma_wait3A_51 : memref<256xf32, #tpu.memory_space<vmem>>) dst(%dma_wait3A_49 : memref<256xf32, #tpu.memory_space<hbm>>)
      tpu.yield
    }) : () -> ()
    "tpu.region"() ({
      %run_scoped3A = tpu.sem_alloc : memref<!tpu.dma_semaphore, #tpu.memory_space<semaphore_mem>>
      %dma_start3A = arith.constant 128 : i32
      %dma_start3A_38 = tpu.memref_slice %arg17[%dma_start3A] : memref<384xf32, #tpu.memory_space<vmem>> -> memref<256xf32, #tpu.memory_space<vmem>>
      %dma_start3A_39 = tpu.memref_slice %arg9[%select_n3A, %mul3A_32] : memref<8x1024xf32, #tpu.memory_space<hbm>> -> memref<1x256xf32, #tpu.memory_space<hbm>>
      %dma_start3A_40 = tpu.memref_squeeze %dma_start3A_39 : memref<1x256xf32, #tpu.memory_space<hbm>> -> memref<256xf32, #tpu.memory_space<hbm>>
      %dma_start3A_41 = tpu.memref_slice %arg9[%select_n3A, %mul3A_32] : memref<8x1024xf32, #tpu.memory_space<hbm>> -> memref<1x256xf32, #tpu.memory_space<hbm>>
      %dma_start3A_42 = tpu.memref_squeeze %dma_start3A_41 : memref<1x256xf32, #tpu.memory_space<hbm>> -> memref<256xf32, #tpu.memory_space<hbm>>
      %dma_start3A_43 = arith.constant 128 : i32
      %dma_start3A_44 = tpu.memref_slice %arg17[%dma_start3A_43] : memref<384xf32, #tpu.memory_space<vmem>> -> memref<256xf32, #tpu.memory_space<vmem>>
      tpu.enqueue_dma source(%dma_start3A_44 : memref<256xf32, #tpu.memory_space<vmem>>) target(%dma_start3A_42 : memref<256xf32, #tpu.memory_space<hbm>>) target_semaphore(%run_scoped3A : memref<!tpu.dma_semaphore, #tpu.memory_space<semaphore_mem>>)
      %dma_wait3A = arith.constant 128 : i32
      %dma_wait3A_45 = tpu.memref_slice %arg17[%dma_wait3A] : memref<384xf32, #tpu.memory_space<vmem>> -> memref<256xf32, #tpu.memory_space<vmem>>
      %dma_wait3A_46 = tpu.memref_slice %arg9[%select_n3A, %mul3A_32] : memref<8x1024xf32, #tpu.memory_space<hbm>> -> memref<1x256xf32, #tpu.memory_space<hbm>>
      %dma_wait3A_47 = tpu.memref_squeeze %dma_wait3A_46 : memref<1x256xf32, #tpu.memory_space<hbm>> -> memref<256xf32, #tpu.memory_space<hbm>>
      %dma_wait3A_48 = tpu.memref_slice %arg9[%select_n3A, %mul3A_32] : memref<8x1024xf32, #tpu.memory_space<hbm>> -> memref<1x256xf32, #tpu.memory_space<hbm>>
      %dma_wait3A_49 = tpu.memref_squeeze %dma_wait3A_48 : memref<1x256xf32, #tpu.memory_space<hbm>> -> memref<256xf32, #tpu.memory_space<hbm>>
      %dma_wait3A_50 = arith.constant 128 : i32
      %dma_wait3A_51 = tpu.memref_slice %arg17[%dma_wait3A_50] : memref<384xf32, #tpu.memory_space<vmem>> -> memref<256xf32, #tpu.memory_space<vmem>>
      tpu.wait_dma2 semaphore(%run_scoped3A : memref<!tpu.dma_semaphore, #tpu.memory_space<semaphore_mem>>) src(%dma_wait3A_51 : memref<256xf32, #tpu.memory_space<vmem>>) dst(%dma_wait3A_49 : memref<256xf32, #tpu.memory_space<hbm>>)
      tpu.yield
    }) : () -> ()
    return
  }
}

module attributes {stable_mosaic.version = 14 : i64} {
  func.func @_stats_body(%arg0: memref<8x1024xf32, #tpu.memory_space<vmem>>, %arg1: memref<8x1024xf32, #tpu.memory_space<vmem>>, %arg2: memref<1x128xf32, #tpu.memory_space<vmem>>) attributes {dimension_semantics = [], scalar_prefetch = 0 : i64, scratch_operands = 0 : i64, tpu.core_type = #tpu.core_type<tc>} {
    %get3A = arith.constant 0 : index
    %get3A_0 = arith.constant 0 : index
    %get3A_1 = vector.load %arg0[%get3A, %get3A_0] : memref<8x1024xf32, #tpu.memory_space<vmem>>, vector<8x1024xf32>
    %reduce_sum3A = arith.constant dense<0.000000e+00> : vector<8xf32>
    %reduce_sum3A_2 = vector.multi_reduction <add>, %get3A_1, %reduce_sum3A [1] : vector<8x1024xf32> to vector<8xf32>
    %broadcast_in_dim3A = vector.shape_cast %reduce_sum3A_2 : vector<8xf32> to vector<8x1xf32>
    %div3A = arith.constant 1.024000e+03 : f32
    %div3A_3 = vector.broadcast %div3A : f32 to vector<8x1xf32>
    %div3A_4 = arith.divf %broadcast_in_dim3A, %div3A_3 : vector<8x1xf32>
    %sub3A = vector.broadcast %div3A_4 : vector<8x1xf32> to vector<8x1024xf32>
    %sub3A_5 = arith.subf %get3A_1, %sub3A : vector<8x1024xf32>
    %integer_pow3A = arith.mulf %sub3A_5, %sub3A_5 : vector<8x1024xf32>
    %reduce_sum3A_6 = arith.constant dense<0.000000e+00> : vector<8xf32>
    %reduce_sum3A_7 = vector.multi_reduction <add>, %integer_pow3A, %reduce_sum3A_6 [1] : vector<8x1024xf32> to vector<8xf32>
    %broadcast_in_dim3A_8 = vector.shape_cast %reduce_sum3A_7 : vector<8xf32> to vector<8x1xf32>
    %div3A_9 = arith.constant 1.023000e+03 : f32
    %div3A_10 = vector.broadcast %div3A_9 : f32 to vector<8x1xf32>
    %div3A_11 = arith.divf %broadcast_in_dim3A_8, %div3A_10 : vector<8x1xf32>
    %sqrt3A = math.sqrt %div3A_11 : vector<8x1xf32>
    %mul3A = arith.constant 1.050000e+00 : f32
    %mul3A_12 = vector.broadcast %mul3A : f32 to vector<8x1xf32>
    %mul3A_13 = arith.mulf %mul3A_12, %sqrt3A : vector<8x1xf32>
    %add3A = arith.addf %div3A_4, %mul3A_13 : vector<8x1xf32>
    %gt3A = vector.broadcast %add3A : vector<8x1xf32> to vector<8x1024xf32>
    %gt3A_14 = arith.cmpf ogt, %get3A_1, %gt3A : vector<8x1024xf32>
    %convert_element_type3A = arith.extui %gt3A_14 : vector<8x1024xi1> to vector<8x1024xi32>
    %convert_element_type3A_15 = arith.sitofp %convert_element_type3A : vector<8x1024xi32> to vector<8x1024xf32>
    %mul3A_16 = arith.mulf %get3A_1, %convert_element_type3A_15 : vector<8x1024xf32>
    %reduce_sum3A_17 = arith.constant dense<0.000000e+00> : vector<8xf32>
    %reduce_sum3A_18 = vector.multi_reduction <add>, %mul3A_16, %reduce_sum3A_17 [1] : vector<8x1024xf32> to vector<8xf32>
    %div3A_19 = arith.constant 1.024000e+03 : f32
    %div3A_20 = vector.broadcast %div3A_19 : f32 to vector<8xf32>
    %div3A_21 = arith.divf %reduce_sum3A_18, %div3A_20 : vector<8xf32>
    %reduce_sum3A_22 = vector.shape_cast %div3A_21 : vector<8xf32> to vector<1x8xf32>
    %reduce_sum3A_23 = arith.constant dense<0.000000e+00> : vector<1xf32>
    %reduce_sum3A_24 = vector.multi_reduction <add>, %reduce_sum3A_22, %reduce_sum3A_23 [1] : vector<1x8xf32> to vector<1xf32>
    %reduce_sum3A_25 = vector.shape_cast %reduce_sum3A_24 : vector<1xf32> to vector<1x1xf32>
    %reduce_sum3A_26 = vector.extract %reduce_sum3A_25[0, 0] : f32 from vector<1x1xf32>
    %div3A_27 = arith.constant 8.000000e+00 : f32
    %div3A_28 = arith.divf %reduce_sum3A_26, %div3A_27 : f32
    %get3A_29 = arith.constant 0 : index
    %get3A_30 = arith.constant 0 : index
    %get3A_31 = vector.load %arg1[%get3A_29, %get3A_30] : memref<8x1024xf32, #tpu.memory_space<vmem>>, vector<8x1024xf32>
    %reduce_sum3A_32 = arith.constant dense<0.000000e+00> : vector<8xf32>
    %reduce_sum3A_33 = vector.multi_reduction <add>, %get3A_31, %reduce_sum3A_32 [1] : vector<8x1024xf32> to vector<8xf32>
    %div3A_34 = arith.constant 1.024000e+03 : f32
    %div3A_35 = vector.broadcast %div3A_34 : f32 to vector<8xf32>
    %div3A_36 = arith.divf %reduce_sum3A_33, %div3A_35 : vector<8xf32>
    %reduce_sum3A_37 = vector.shape_cast %div3A_36 : vector<8xf32> to vector<1x8xf32>
    %reduce_sum3A_38 = arith.constant dense<0.000000e+00> : vector<1xf32>
    %reduce_sum3A_39 = vector.multi_reduction <add>, %reduce_sum3A_37, %reduce_sum3A_38 [1] : vector<1x8xf32> to vector<1xf32>
    %reduce_sum3A_40 = vector.shape_cast %reduce_sum3A_39 : vector<1xf32> to vector<1x1xf32>
    %reduce_sum3A_41 = vector.extract %reduce_sum3A_40[0, 0] : f32 from vector<1x1xf32>
    %div3A_42 = arith.constant 8.000000e+00 : f32
    %div3A_43 = arith.divf %reduce_sum3A_41, %div3A_42 : f32
    %mul3A_44 = arith.constant 5.000000e+00 : f32
    %mul3A_45 = arith.mulf %div3A_43, %mul3A_44 : f32
    %mul3A_46 = arith.constant 3.000000e+00 : f32
    %mul3A_47 = arith.mulf %div3A_28, %mul3A_46 : f32
    %add3A_48 = arith.addf %mul3A_45, %mul3A_47 : f32
    %broadcast_in_dim3A_49 = vector.broadcast %add3A_48 : f32 to vector<1x128xf32>
    %swap3A = arith.constant 0 : index
    %swap3A_50 = arith.constant 0 : index
    %swap3A_51 = vector.load %arg2[%swap3A, %swap3A_50] : memref<1x128xf32, #tpu.memory_space<vmem>>, vector<1x128xf32>
    tpu.vector_store %arg2[%swap3A, %swap3A_50], %broadcast_in_dim3A_49 {strides = array<i32>} : memref<1x128xf32, #tpu.memory_space<vmem>>, vector<1x128xf32>,
    return
  }
}

</mosaic_0001>

<sc_bundles>
// kernel: kernel.4.cloned.1.call-start
scs
__scs_entry_jumppad:
0x0: {  	(pc) =	sbr.rel $0x88, $3  }
0x1: {  	(tag) =	ssettag $0x0;
	lr =	simm.s32 $0x1  }
0x2: {  	[smem:$0x3F9F] =	sst lr;
	_ =	strace $0xD0000000  }
0x3: {  	_ = 	snop  }
0x4: {  	_ = 	snop  }
0x5: {  	_ = 	snop  }
0x6: {  	_ = 	snop  }
0x7: {  	_ = 	snop  }
__scs_overlays_trampoline_lowered:
0x8: {  	[smem:$0x3FAE] =	sst s0  }
0x9: {  	[smem:$0x3FAF] =	sst s1  }
0xa: {  	[smem:$0x3FB0] =	sst s2  }
0xb: {  	[smem:$0x3FB1] =	sst s3  }
0xc: {  	[smem:$0x3FB2] =	sst s4  }
0xd: {  	[smem:$0x3FB3] =	sst s5  }
0xe: {  	[smem:$0x3FB4] =	sst s6  }
0xf: {  	[smem:$0x3FB5] =	sst s7  }
0x10: {  	[smem:$0x3FB6] =	sst s8  }
0x11: {  	[smem:$0x3FB7] =	sst s9;
	s0 =	simm.s32 @!p0 $0x0  }
0x12: {  	s1 =	sld [smem:$0x3F9D];
	s0 =	simm.s32 @p0 $0x1  }
0x13: {  	[smem:$0x3FB8] =	sst s0;
	s0 =	simm.s32 @!p1 $0x0  }
0x14: {  	s2 =	sld [smem:$0x3F9C];
	s0 =	simm.s32 @p1 $0x1  }
0x15: {  	[smem:$0x3FB9] =	sst s0;
	s0 =	simm.s32 @!p2 $0x0  }
0x16: {  	s3 =	sld [smem:$0x3FDB];
	s0 =	simm.s32 @p2 $0x1  }
0x17: {  	s4 =	simm.s32 $0x1BF5;
	[smem:$0x3FBB] =	sst s0  }
0x18: {  	s0 =	sld [smem:$0x3F9E];
	_ =	swait.ge [sflag:s4], $0x0  }
0x19: {  	s7 =	sld [smem:$0x3F9F]  }
0x1a: {  	s8 =	sadd.s32 $0xFFFFE003, lr  }
0x1b: {  	s9 =	sadd.s32 $0xFFFFFEF7, lr;
	s5 =	simm.s32 $0xFFFFFFFF;
	p2 =	slt.u32 s8, $0xFFFFF086  }
0x1c: {  	p1 =	slt.u32 s9, $0xF7A;
	s5 =	simm.s32 @!p2 $0x0  }
0x1d: {  	s5 =	simm.s32 @p1 $0x1;
	p0 =	seq.s32 s7, s2  }
0x1e: {  	s7 =	smul.u32 @!p0 $0xF7A, s2;
	p2 =	seq.s32 @!p0 s5, $0x0  }
0x1f: {  	s9 =	smul.u32 $0xF7A, s1;
	s8 =	simm.s32 @!p0 $0x1BF5;
	p2 =	por !p2, p0  }
0x20: {  	[sflag:s8] =	ssyncset.s32 @!p0 $0xFFFFF086;
	s6 =	sadd.s32 @!p0 s3, s7;
	s7 =	simm.s32 @!p0 $0x108  }
0x21: {  	s3 =	sadd.s32 s3, s9;
	s6 =	sadd.s32 @!p0 $0x88, s6;
	s7 =	simm.s32 @p2 $0x1082  }
0x22: {  	[simem:s7], [sflag:s8] =	dma.local @!p0 [hbm:s6], $0xF7A  }
0x23: {  	s9 =	sor.u32 $0xD0000000, s2;
	s6 =	simm.s32 $0x108;
	_ =	swait.ge @!p0 [sflag:s8], $0x0  }
0x24: {  	s3 =	sadd.s32 $0x88, s3;
	s6 =	simm.s32 @!p1 $0x1082;
	[sflag:s4] =	ssyncset.s32 $0xFFFFF086  }
0x25: {  	[simem:s6], [sflag:s4] =	dma.local [hbm:s3], $0xF7A  }
0x26: {  	[smem:$0x3F9F] =	sst s1;
	(tag) =	ssettag s2;
	_ =	strace s9  }
0x27: {  	s1 =	sld [smem:$0x3FAF]  }
0x28: {  	s2 =	sld [smem:$0x3FB0]  }
0x29: {  	s4 =	sld [smem:$0x3FB2]  }
0x2a: {  	p0 =	seq.s32 s5, $0x0;
	s5 =	sld [smem:$0x3FB3]  }
0x2b: {  	s6 =	sld [smem:$0x3FB4]  }
0x2c: {  	s7 =	sld [smem:$0x3FB5]  }
0x2d: {  	s3 =	simm.s32 $0x108;
	s8 =	sld [smem:$0x3FB6]  }
0x2e: {  	s3 =	simm.s32 @!p0 $0x1082;
	s9 =	sld [smem:$0x3FB7]  }
0x2f: {  	lr =	sadd.s32 s0, s3;
	s0 =	sld [smem:$0x3FAE]  }
0x30: {  	s3 =	sld [smem:$0x3FB1]  }
0x31: {  	[smem:$0x3FBA] =	sst s10  }
0x32: {  	s10 =	sld [smem:$0x3FB8];
	_ =	sdelay $0x3  }
0x33: {  	p0 =	seq.s32 s10, $0x1;
	s10 =	sld [smem:$0x3FBA];
	_ =	sdelay $0x3  }
0x34: {  	[smem:$0x3FBA] =	sst s10  }
0x35: {  	s10 =	sld [smem:$0x3FB9];
	_ =	sdelay $0x3  }
0x36: {  	p1 =	seq.s32 s10, $0x1;
	s10 =	sld [smem:$0x3FBA];
	_ =	sdelay $0x3  }
0x37: {  	[smem:$0x3FBA] =	sst s10  }
0x38: {  	s10 =	sld [smem:$0x3FBB]  }
0x39: {  	_ = 	snop;
	(pc) =	sbr.ind lr, $3  }
0x3a: {  	_ = 	snop  }
0x3b: {  	_ = 	snop  }
0x3c: {  	p2 =	seq.s32 s10, $0x1;
	s10 =	sld [smem:$0x3FBA]  }
0x3d: {  	_ =	shalt  }
0x3e: {  	_ =	shalt  }
0x3f: {  	_ =	shalt  }
0x40: {  	_ =	shalt  }
0x41: {  	_ =	shalt  }
0x42: {  	_ =	shalt  }
0x43: {  	_ =	shalt  }
0x44: {  	_ =	shalt  }
0x45: {  	_ =	shalt  }
0x46: {  	_ =	shalt  }
0x47: {  	_ =	shalt  }
0x48: {  	_ =	shalt  }
0x49: {  	_ =	shalt  }
0x4a: {  	_ =	shalt  }
0x4b: {  	_ =	shalt  }
0x4c: {  	_ =	shalt  }
0x4d: {  	_ =	shalt  }
0x4e: {  	_ =	shalt  }
0x4f: {  	_ =	shalt  }
0x50: {  	_ =	shalt  }
0x51: {  	_ =	shalt  }
0x52: {  	_ =	shalt  }
0x53: {  	_ =	shalt  }
0x54: {  	_ =	shalt  }
0x55: {  	_ =	shalt  }
0x56: {  	_ =	shalt  }
0x57: {  	_ =	shalt  }
0x58: {  	_ =	shalt  }
0x59: {  	_ =	shalt  }
0x5a: {  	_ =	shalt  }
0x5b: {  	_ =	shalt  }
0x5c: {  	_ =	shalt  }
0x5d: {  	_ =	shalt  }
0x5e: {  	_ =	shalt  }
0x5f: {  	_ =	shalt  }
0x60: {  	_ =	shalt  }
0x61: {  	_ =	shalt  }
0x62: {  	_ =	shalt  }
0x63: {  	_ =	shalt  }
0x64: {  	_ =	shalt  }
0x65: {  	_ =	shalt  }
0x66: {  	_ =	shalt  }
0x67: {  	_ =	shalt  }
0x68: {  	_ =	shalt  }
0x69: {  	_ =	shalt  }
0x6a: {  	_ =	shalt  }
0x6b: {  	_ =	shalt  }
0x6c: {  	_ =	shalt  }
0x6d: {  	_ =	shalt  }
0x6e: {  	_ =	shalt  }
0x6f: {  	_ =	shalt  }
0x70: {  	_ =	shalt  }
0x71: {  	_ =	shalt  }
0x72: {  	_ =	shalt  }
0x73: {  	_ =	shalt  }
0x74: {  	_ =	shalt  }
0x75: {  	_ =	shalt  }
0x76: {  	_ =	shalt  }
0x77: {  	_ =	shalt  }
0x78: {  	_ =	shalt  }
0x79: {  	_ =	shalt  }
0x7a: {  	_ =	shalt  }
0x7b: {  	_ =	shalt  }
0x7c: {  	_ =	shalt  }
0x7d: {  	_ =	shalt  }
0x7e: {  	_ =	shalt  }
0x7f: {  	_ =	shalt  }
0x80: {  	_ =	shalt  }
0x81: {  	_ =	shalt  }
0x82: {  	_ =	shalt  }
0x83: {  	_ =	shalt  }
0x84: {  	_ =	shalt  }
0x85: {  	_ =	shalt  }
0x86: {  	_ =	shalt  }
0x87: {  	_ =	shalt  }
.Lfunc_end0:
.L_simem_size_0:
called_computation_lowered:
.L_overlay_start_0:
0x88: {  	s2 =	sld [smem:$0x3FD9]  }
0x89: {  	s3 =	sld [smem:$0x3FFE];
	_ =	sdelay $0x1  }
0x8a: {  	s1 =	srdreg.scid  }
0x8b: {  	s0 =	sand.u32 $0x1, s1  }
0x8c: {  	s16 =	sshll.u32 s0, $0xA;
	s2 =	sadd.s32 s3, s2  }
0x8d: {  	s2 =	sadd.s32 s2, s16  }
0x8e: {  	[smem:$0x3FC6] =	sst s2  }
0x8f: {  	_ = 	snop  }
0x90: {  	(tm) =	ssettm $0x1  }
0x91: {  	s17 =	sld [smem:$0x3FFB];
	_ =	sdelay $0x3  }
0x92: {  	_ =	strace s17  }
0x93: {  	s2 =	sld [smem:$0x3FFC];
	_ =	sdelay $0x3  }
0x94: {  	_ =	strace s2  }
0x95: {  	s2 =	sld [smem:$0x3FFD];
	_ =	sdelay $0x3  }
0x96: {  	_ =	strace s2  }
0x97: {  	_ =	strace $0x8FFFFFFF  }
0x98: {  	s18 =	sld [smem:$0x3FDB];
	_ =	sdelay $0x1  }
0x99: {  	s19 =	simm.s32 $_scs_section_size  }
0x9a: {  	s4 =	simm.s32 $_size__tile_overlayer_lowered;
	s5 =	simm.s32 $_tile_overlayer_lowered  }
0x9b: {  	s22 =	simm.s32 $0x1BFF;
	s21 =	sshll.u32 s5, $0x1;
	s2 =	sadd.s32 s19, s18  }
0x9c: {  	s6 =	simm.s32 $0x0;
	s20 =	sshll.u32 s4, $0x1;
	s4 =	sadd.s32 s21, s2  }
0x9d: {  	[timem:s6], [sflag:s22] =	dma.local [hbm:s4], s20  }
0x9e: {  	_ =	swait.ge [sflag:s22], s20  }
0x9f: {  	s3 =	ssub.s32 $0x0, s20;
	[sflag:s22] =	ssyncset.done $0x0  }
0xa0: {  	[sflag:s22] =	ssyncadd.s32 s3;
	_ =	sdelay $0x1  }
0xa1: {  	s23 =	simm.s32 $0x1B8B  }
0xa2: {  	_ =	swait.ge [sflag:s23], $0x1  }
0xa3: {  	[sflag:s23] =	ssyncset.done $0x0  }
0xa4: {  	s25 =	simm.s32 $0x1B8E;
	s24 =	sld [smem:$0x3FFE];
	[sflag:s23] =	ssyncadd.s32 $0xFFFFFFFF  }
0xa5: {  	s26 =	simm.s32 $execute0_lowered;
	[smem:$0x3FD2] =	sst s25  }
0xa6: {  	s4 =	sshll.u32 s26, $0x1;
	_ =	strace $0x80000046;
	[dreg:$0x1] =	wrdreg $0xFFFFFFFF  }
0xa7: {  	s28 =	simm.s32 $_size_execute0_lowered;
	s2 =	sadd.s32 s2, s4;
	[dreg:$0x0] =	wrdreg $0x0  }
0xa8: {  	s4 =	sshll.u32 s28, $0x1;
	[dreg:$0x2] =	wrdreg s2  }
0xa9: {  	[dreg:$0x3] =	wrdreg s4  }
0xaa: {  	[dreg:$0x4] =	wrdreg $0xC0  }
0xab: {  	_ =	task [dreg:s6], $0x5FFFF  }
0xac: {  	[dreg:$0x1] =	wrdreg $0xFFFFFFFF  }
0xad: {  	[dreg:$0x0] =	wrdreg $0x60  }
0xae: {  	[dreg:$0x2] =	wrdreg s24  }
0xaf: {  	[dreg:$0x3] =	wrdreg $0x9  }
0xb0: {  	_ =	task.clear_ibuf [dreg:s6], $0x4FFFF;
	_ =	strace $0x90000046  }
0xb1: {  	s29 =	simm.s32 $0x9;
	_ =	strace $0x80000048  }
0xb2: {  	_ =	swait.ge [sflag:s29], $0x1  }
0xb3: {  	[sflag:s29] =	ssyncadd.s32 $0xFFFFFFFF  }
0xb4: {  	_ =	strace $0x90000048  }
0xb5: {  	_ =	sfence  }
0xb6: {  	s30 =	sld [smem:$0x0];
	_ =	sdelay $0x2  }
0xb7: {  	s31 =	sshll.u32 s1, $0xD;
	s1 =	sshrl.u32 s1, $0x2  }
0xb8: {  	s3 =	sand.u32 $0x4000, s31;
	s1 =	sadd.s32 s1, s30  }
0xb9: {  	s0 =	sor.u32 s3, s0;
	s1 =	sshll.u32 s1, $0x11  }
0xba: {  	s0 =	sor.u32 s1, s0  }
0xbb: {  	s0 =	sadd.s32 $0x8F2B, s0  }
0xbc: {  	[sflag:s0] =	ssyncadd.remote.s32 $0x1  }
0xbd: {  	_ =	sfence.sel $0xFFFF  }
0xbe: {  	[dreg:$0x0] =	wrdreg $0xFFFFFFFF;
	(pc) =	sbr.abs _section_cstart, $3  }
0xbf: {  	[dreg:$0x1] =	wrdreg $0xFFFFFFFF  }
0xc0: {  	_ =	task.clear_ibuf [dreg:s6], $0x2FFFF;
	_ =	strace $0x9FFFFFFF  }
0xc1: {  	(tm) =	ssettm $0x7FFFFFFF  }
tec
execute0_lowered:
.L_overlay_start_1:
0x0: {  	(tag) =	ssettag $0x1  }
0x1: {  	s3 =	rddreg [dreg:$0x0];
	s1 =	stileid.u32;
	v0 =	vimm.s32 $0xEFCDAB89  }
0x2: {  	s0 =	rddreg [dreg:$0x1];
	s4 =	srdreg.scid;
	s2 =	simm.s32 $0x0;
	v1 =	vimm.s32 $0x67452301;
	v2 =	vimm.s32 $0xDCFE98BA;
	v54 =	vimm.s32 $0x54761032  }
0x3: {  	v4 =	vimm.s32 $0xBA98FEDC;
	v5 =	vimm.s32 $0x32107654;
	s15 =	simm.s32 $0x80;
	s16 =	simm.s32 $0x400;
	s17 =	simm.s32 $0x1  }
0x4: {  	v6 =	vimm.s32 $0xFEDCBA98;
	s18 =	simm.s32 $0x480;
	s19 =	simm.s32 $0x900;
	s20 =	simm.s32 $0xD80  }
0x5: {  	v3 =	vimm.f32 $5.000000000e+00;
	v7 =	vimm.s32 $0x76543210;
	s21 =	simm.s32 $0x1180;
	s22 =	simm.s32 $0x1580;
	[smem:$0x7FF] =	sst s2;
	v0 =	vunpack.c.l.s4.s8 v0  }
0x6: {  	s23 =	simm.s32 $0x1A00;
	s24 =	simm.s32 $0x1B80;
	v1 =	vunpack.c.l.s4.s8 v1;
	v2 =	vunpack.c.l.s4.s8 v2;
	v4 =	vunpack.c.l.s4.s8 v4;
	_ =	strace $0x80000047  }
0x7: {  	s25 =	simm.s32 $0x0;
	s5 =	sshll.u32 s1, $0x1;
	s4 =	sand.u32 $0x1, s4;
	v5 =	vunpack.c.l.s4.s8 v5;
	v6 =	vunpack.c.l.s4.s8 v6;
	(erf) = vrcp.f32 v3  }
0x8: {  	s6 =	sshll.u32 s1, $0x6;
	s29 =	sand.u32 $0x1, s1;
	v7 =	vunpack.c.l.s4.s8 v7;
	s5 =	sand.u32 $0x2, s5;
	v0 =	vunpack.c.0.s8.s32 v0;
	v1 =	vunpack.c.0.s8.s32 v1  }
0x9: {  	s6 =	sand.u32 $0x380, s6;
	s26 =	ssub.s32 $0x2, s4;
	s30 =	sshll.u32 s29, $0xB;
	v3 =	vunpack.c.l.s4.s8 v54;
	v4 =	vunpack.c.0.s8.s32 v4;
	v5 =	vunpack.c.0.s8.s32 v5  }
0xa: {  	s31 =	sshll.u32 s4, $0xA;
	s5 =	sor.u32 s4, s5;
	s7 =	sshrl.u32 s6, $0x3;
	v2 =	vunpack.c.0.s8.s32 v2;
	v56 =	vunpack.c.0.s8.s32 v6;
	v0 =	vcombine.low v1, v0  }
0xb: {  	s28 =	sshrl.u32 s26, $0x1;
	s9 =	sor.u32 s31, s30;
	v58 =	vunpack.c.0.s8.s32 v7;
	s5 =	sshll.u32 s5, $0xB;
	v3 =	vunpack.c.0.s8.s32 v3;
	v57 =	vcombine.low v5, v4  }
0xc: {  	s8 =	sadd.s32 s7, s3;
	s12 =	ssub.s32 s26, s28;
	s10 =	sor.u32 $0x3FC, s9;
	v61 =	vand.u32 $0xF, v56;
	v59 =	vand.u32 $0xF, v0  }
0xd: {  	s5 =	sor.u32 s6, s5;
	s4 =	sadd.s32 $0x1E00, s8;
	s6 =	sadd.s32 $0x1600, s8;
	v4 =	vcombine.low v61, v58;
	v55 =	vcombine.low v3, v2;
	v63 =	vand.u32 $0xF, v57;
	[tilespmem:$0x1FFC0] =	vst v59  }
0xe: {  	s7 =	sadd.s32 $0x1200, s8;
	s10 =	sshrl.u32 s10, $0x2;
	s12 =	smax.u32 s12, $0x1;
	[tilespmem:$0x1FFE0] =	vst v63  }
0xf: {  	s5 =	sshrl.u32 s5, $0x3;
	s13 =	sadd.s32 $0x480, s10;
	s14 =	sadd.s32 $0x900, s10;
	[tilespmem:$0x1FFF0] =	vst v4;
	v60 =	vand.u32 $0xF, v55  }
0x10: {  	s11 =	sadd.s32 s5, s3;
	s3 =	sadd.s32 $0x1A00, s8;
	s5 =	sadd.s32 $0x2200, s8;
	[tilespmem:$0x1FFB0] =	vst v60;
	v62 =	vpop (erf)  }
0x11: {  	s8 =	sadd.s32 $0xE00, s8;
	s9 =	sadd.s32 $0x2600, s11;
	s11 =	sadd.s32 $0x2A00, s11;
	[tilespmem:$0x1FFD0] =	vst v62  }
.LBB2_1:
0x12: {  	[tilespmem:s2], [sflag:$0x1] =	stream.strided.gather [hbm4b:s3+s15], $0x400, s16, s15, $0x38;
	[tilespmem:$0x1C80] =	vst v63  }
0x13: {  	_ =	swait.ge [sflag:s17], $0x400  }
0x14: {  	[sflag:s17] =	ssyncset.done $0x0  }
0x15: {  	[sflag:s17] =	ssyncadd.s32 $0xFFFFFC00  }
0x16: {  	[tilespmem:s18], [sflag:$0x1] =	stream.strided.gather [hbm4b:s4+s15], $0x400, s16, s15, $0x38;
	[tilespmem:$0x1C80] =	vst v63  }
0x17: {  	_ =	swait.ge [sflag:s17], $0x400  }
0x18: {  	[sflag:s17] =	ssyncset.done $0x0  }
0x19: {  	[sflag:s17] =	ssyncadd.s32 $0xFFFFFC00  }
0x1a: {  	[tilespmem:s19], [sflag:$0x1] =	stream.strided.gather [hbm4b:s5+s15], $0x400, s16, s15, $0x38;
	[tilespmem:$0x1C80] =	vst v63  }
0x1b: {  	_ =	swait.ge [sflag:s17], $0x400  }
0x1c: {  	[sflag:s17] =	ssyncset.done $0x0  }
0x1d: {  	[sflag:s17] =	ssyncadd.s32 $0xFFFFFC00  }
0x1e: {  	[tilespmem:s20], [sflag:$0x1] =	stream.strided.gather [hbm4b:s6+s15], $0x400, s16, s15, $0x38;
	[tilespmem:$0x1C80] =	vst v63  }
0x1f: {  	_ =	swait.ge [sflag:s17], $0x400  }
0x20: {  	[sflag:s17] =	ssyncset.done $0x0  }
0x21: {  	[sflag:s17] =	ssyncadd.s32 $0xFFFFFC00  }
0x22: {  	[tilespmem:s21], [sflag:$0x1] =	stream.strided.gather [hbm4b:s7+s15], $0x400, s16, s15, $0x38;
	[tilespmem:$0x1C80] =	vst v63  }
0x23: {  	_ =	swait.ge [sflag:s17], $0x400  }
0x24: {  	[sflag:s17] =	ssyncset.done $0x0  }
0x25: {  	[sflag:s17] =	ssyncadd.s32 $0xFFFFFC00  }
0x26: {  	[tilespmem:s22], [sflag:$0x1] =	stream.strided.gather [hbm4b:s8+s15], $0x400, s16, s15, $0x38;
	[tilespmem:$0x1C80] =	vst v63  }
0x27: {  	_ =	swait.ge [sflag:s17], $0x400  }
0x28: {  	[sflag:s17] =	ssyncset.done $0x0  }
0x29: {  	s26 =	simm.s32 $0x5C0;
	[sflag:s17] =	ssyncadd.s32 $0xFFFFFC00  }
.LBB2_2:
0x2a: {  	v0 =	vld [tilespmem:$0x0]  }
0x2b: {  	v1 =	vld [tilespmem:$0x480]  }
0x2c: {  	v2 =	vld [tilespmem:$0x900]  }
0x2d: {  	v3 =	vld [tilespmem:$0x10]  }
0x2e: {  	v4 =	vld [tilespmem:$0x490]  }
0x2f: {  	s28 =	sshra.s32 s26, $0x2;
	v5 =	vld [tilespmem:$0x910]  }
0x30: {  	v9 =	vld [tilespmem:$0x20];
	s29 =	sadd.s32 s28, s10  }
0x31: {  	s30 =	sadd.s32 s28, s13;
	v7 =	vld.msk [tilespmem:s29+$0xFFFFFE90 ss:$0x0], $0xffff  }
0x32: {  	s31 =	sadd.s32 s28, s14;
	v8 =	vld.msk [tilespmem:s30+$0xFFFFFE90 ss:$0x0], $0xffff  }
0x33: {  	v6 =	vld.msk [tilespmem:s31+$0xFFFFFE90 ss:$0x0], $0xffff  }
0x34: {  	v10 =	vld [tilespmem:$0x4A0]  }
0x35: {  	v11 =	vld [tilespmem:$0x30]  }
0x36: {  	v12 =	vld [tilespmem:$0x4B0]  }
0x37: {  	v17 =	vld [tilespmem:$0x930];
	v0 =	vsub.f32 v0, v7;
	v1 =	vsub.f32 v1, v8  }
0x38: {  	v29 =	vld [tilespmem:$0x50];
	v2 =	vsub.f32 v2, v6;
	v3 =	vsub.f32 v3, v7  }
0x39: {  	v31 =	vld [tilespmem:$0x4D0];
	v4 =	vsub.f32 v4, v8;
	v5 =	vsub.f32 v5, v6  }
0x3a: {  	v49 =	vld [tilespmem:$0x80];
	v15 =	vsub.f32 v9, v7;
	v16 =	vsub.f32 v10, v8  }
0x3b: {  	v63 =	vld [tilespmem:$0x920];
	v21 =	vsub.f32 v11, v7;
	v22 =	vsub.f32 v12, v8  }
0x3c: {  	v9 =	vsub.f32 v17, v6;
	v0 =	vmul.f32 v0, v0;
	v1 =	vmul.f32 v1, v1  }
0x3d: {  	v24 =	vld [tilespmem:$0x40];
	v34 =	vsub.f32 v29, v7;
	v62 =	vmul.f32 v2, v2;
	v3 =	vmul.f32 v3, v3  }
0x3e: {  	v27 =	vld [tilespmem:$0x940];
	v35 =	vsub.f32 v31, v8;
	v4 =	vmul.f32 v4, v4;
	v14 =	vmul.f32 v5, v5  }
0x3f: {  	v17 =	vld [tilespmem:$0x500];
	v60 =	vsub.f32 v49, v7;
	v19 =	vmul.f32 v15, v15;
	v20 =	vmul.f32 v16, v16  }
0x40: {  	v2 =	vsub.f32 v63, v6;
	v5 =	vmul.f32 v21, v21;
	v11 =	vmul.f32 v22, v22  }
0x41: {  	v0 =	vadd.f32 v1, v0;
	v13 =	vadd.f32 v4, v3  }
0x42: {  	v15 =	vld [tilespmem:$0x4F0];
	v3 =	vadd.f32 v20, v19;
	v5 =	vadd.f32 v11, v5  }
0x43: {  	v16 =	vld [tilespmem:$0x970];
	v2 =	vmul.f32 v2, v2;
	v4 =	vsub.f32 v24, v7;
	v11 =	vsub.f32 v27, v6  }
0x44: {  	v9 =	vmul.f32 v9, v9;
	v61 =	vsub.f32 v17, v8;
	v0 =	vadd.f32 v62, v0  }
0x45: {  	v1 =	vadd.f32 v14, v13;
	v2 =	vadd.f32 v2, v3;
	v4 =	vmul.f32 v4, v4  }
0x46: {  	v39 =	vld [tilespmem:$0x4E0];
	v5 =	vadd.f32 v9, v5;
	v11 =	vmul.f32 v11, v11;
	v9 =	vmul.f32 v35, v35  }
0x47: {  	v13 =	vld [tilespmem:$0x4C0];
	v15 =	vsub.f32 v15, v8;
	v18 =	vmin.f32 v0, $3.000000010e+38;
	v0 =	vmax.f32 v0, $3.000000010e+38  }
0x48: {  	v14 =	vld [tilespmem:$0x950];
	v16 =	vsub.f32 v16, v6;
	v19 =	vmul.f32 v61, v61;
	v0 =	vmin.f32 v0, $3.000000010e+38  }
0x49: {  	v42 =	vld [tilespmem:$0x960];
	v23 =	vmax.f32 v18, v1;
	v1 =	vmin.f32 v18, v1;
	v15 =	vmul.f32 v15, v15  }
0x4a: {  	v53 =	vmul.f32 v16, v16;
	v18 =	vmul.f32 v60, v60;
	v25 =	vmin.f32 v0, v23  }
0x4b: {  	v26 =	vmax.f32 v0, v23;
	v28 =	vmin.f32 v1, v2;
	v1 =	vmax.f32 v1, v2  }
0x4c: {  	v0 =	vmin.f32 v0, v26;
	v2 =	vmin.f32 v25, v1;
	v1 =	vmax.f32 v25, v1  }
0x4d: {  	v62 =	vld [tilespmem:$0x990];
	v30 =	vsub.f32 v13, v8;
	v32 =	vmax.f32 v28, v5;
	v38 =	vsub.f32 v14, v6  }
0x4e: {  	v44 =	vld [tilespmem:$0x70];
	v3 =	vmin.f32 v28, v5;
	v14 =	vsub.f32 v39, v8;
	v13 =	vsub.f32 v42, v6  }
0x4f: {  	v23 =	vld [tilespmem:$0x520];
	v10 =	vmax.f32 v0, v1;
	v1 =	vmin.f32 v0, v1;
	v33 =	vmin.f32 v2, v32  }
0x50: {  	v28 =	vld [tilespmem:$0xB0];
	v2 =	vmax.f32 v2, v32;
	v0 =	vmin.f32 v0, v10;
	v12 =	vmul.f32 v30, v30  }
0x51: {  	v37 =	vld [tilespmem:$0x60];
	v10 =	vmin.f32 v1, v2;
	v1 =	vmax.f32 v1, v2;
	v2 =	vmul.f32 v34, v34  }
0x52: {  	v22 =	vsub.f32 v62, v6;
	v41 =	vmul.f32 v38, v38;
	v14 =	vmul.f32 v14, v14;
	v30 =	vld [tilespmem:$0x530]  }
0x53: {  	v13 =	vmul.f32 v13, v13;
	v4 =	vadd.f32 v12, v4;
	v2 =	vadd.f32 v9, v2  }
0x54: {  	v21 =	vld [tilespmem:$0xA0];
	v36 =	vmin.f32 v0, v1;
	v9 =	vsub.f32 v44, v7;
	v29 =	vsub.f32 v23, v8  }
0x55: {  	v1 =	vmax.f32 v0, v1;
	v5 =	vsub.f32 v28, v7;
	v4 =	vadd.f32 v11, v4  }
0x56: {  	v0 =	vmin.f32 v0, v1;
	v2 =	vadd.f32 v41, v2;
	v11 =	vsub.f32 v37, v7  }
0x57: {  	v9 =	vmul.f32 v9, v9;
	v39 =	vsub.f32 v30, v8;
	v5 =	vmul.f32 v5, v5  }
0x58: {  	v40 =	vmin.f32 v3, v4;
	v3 =	vmax.f32 v3, v4;
	v11 =	vmul.f32 v11, v11  }
0x59: {  	v52 =	vadd.f32 v15, v9;
	v9 =	vsub.f32 v21, v7;
	v4 =	vmax.f32 v33, v3  }
0x5a: {  	v3 =	vmin.f32 v33, v3;
	v45 =	vmax.f32 v40, v2;
	v1 =	vmin.f32 v40, v2  }
0x5b: {  	v43 =	vmin.f32 v10, v4;
	v4 =	vmax.f32 v10, v4;
	v46 =	vmin.f32 v3, v45  }
0x5c: {  	v54 =	vld [tilespmem:$0x90];
	v3 =	vmax.f32 v3, v45;
	v11 =	vadd.f32 v14, v11;
	v58 =	vadd.f32 v53, v52  }
0x5d: {  	v33 =	vld [tilespmem:$0x9B0];
	v9 =	vmul.f32 v9, v9;
	v10 =	vmin.f32 v36, v4;
	v4 =	vmax.f32 v36, v4  }
0x5e: {  	v37 =	vld [tilespmem:$0xC0];
	v12 =	vmax.f32 v0, v4;
	v4 =	vmin.f32 v0, v4;
	v11 =	vadd.f32 v13, v11  }
0x5f: {  	v40 =	vld [tilespmem:$0x540];
	v0 =	vmin.f32 v0, v12;
	v12 =	vmax.f32 v43, v3;
	v3 =	vmin.f32 v43, v3  }
0x60: {  	v47 =	vmax.f32 v10, v12;
	v10 =	vmin.f32 v10, v12;
	v51 =	vmax.f32 v1, v11  }
0x61: {  	v56 =	vld [tilespmem:$0x510];
	v1 =	vmin.f32 v1, v11;
	v12 =	vsub.f32 v54, v7;
	v11 =	vmul.f32 v22, v22  }
0x62: {  	v42 =	vsub.f32 v33, v6;
	v48 =	vmax.f32 v4, v47;
	v4 =	vmin.f32 v4, v47  }
0x63: {  	v50 =	vld [tilespmem:$0x980];
	v55 =	vmin.f32 v46, v51;
	v2 =	vmax.f32 v46, v51;
	v63 =	vmin.f32 v1, v58  }
0x64: {  	v1 =	vmax.f32 v1, v58;
	v46 =	vsub.f32 v37, v7;
	v47 =	vsub.f32 v40, v8  }
0x65: {  	v43 =	vld [tilespmem:$0x9C0];
	v0 =	vmin.f32 v0, v48;
	v57 =	vmin.f32 v3, v2;
	v2 =	vmax.f32 v3, v2  }
0x66: {  	v45 =	vld [tilespmem:$0xD0];
	[tilespmem:$0x1F8C0] =	vst v4;
	v20 =	vmin.f32 v55, v1;
	v4 =	vsub.f32 v56, v8;
	v1 =	vmax.f32 v55, v1  }
0x67: {  	v26 =	vld [tilespmem:$0x9A0];
	v3 =	vadd.f32 v19, v18;
	v12 =	vmul.f32 v12, v12;
	v59 =	vmin.f32 v10, v2  }
0x68: {  	v48 =	vld [tilespmem:$0x550];
	[tilespmem:$0x1F9A0] =	vst v0;
	v2 =	vmax.f32 v10, v2;
	v0 =	vsub.f32 v50, v6;
	v24 =	vmin.f32 v57, v1  }
0x69: {  	v1 =	vmax.f32 v57, v1;
	v52 =	vmul.f32 v47, v47;
	v4 =	vmul.f32 v4, v4  }
0x6a: {  	v25 =	vmin.f32 v59, v1;
	v51 =	vsub.f32 v43, v6;
	v0 =	vmul.f32 v0, v0  }
0x6b: {  	v1 =	vmax.f32 v59, v1;
	v59 =	vsub.f32 v45, v7;
	v4 =	vadd.f32 v4, v12  }
0x6c: {  	v12 =	vsub.f32 v26, v6;
	v57 =	vmul.f32 v51, v51;
	v0 =	vadd.f32 v0, v3  }
0x6d: {  	v60 =	vsub.f32 v48, v8;
	v4 =	vadd.f32 v11, v4;
	v11 =	vmul.f32 v29, v29  }
0x6e: {  	v23 =	vld [tilespmem:$0x570];
	v36 =	vmul.f32 v12, v12;
	v27 =	vmin.f32 v63, v0;
	v0 =	vmax.f32 v63, v0  }
0x6f: {  	v28 =	vld [tilespmem:$0x9F0];
	[tilespmem:$0x1F8D0] =	vst v2;
	v12 =	vmul.f32 v39, v39;
	v2 =	vmin.f32 v20, v0;
	v0 =	vmax.f32 v20, v0  }
0x70: {  	v53 =	vld [tilespmem:$0x9D0];
	[tilespmem:$0x1F8F0] =	vst v1;
	v32 =	vmax.f32 v27, v4;
	v1 =	vmin.f32 v27, v4;
	v35 =	vadd.f32 v11, v9  }
0x71: {  	v45 =	vld [tilespmem:$0x590];
	v5 =	vadd.f32 v12, v5;
	v9 =	vmul.f32 v42, v42;
	v10 =	vmax.f32 v24, v0  }
0x72: {  	v0 =	vmin.f32 v24, v0;
	v34 =	vmin.f32 v2, v32;
	v2 =	vmax.f32 v2, v32  }
0x73: {  	v51 =	vld [tilespmem:$0x120];
	v32 =	vsub.f32 v23, v8;
	v31 =	vmin.f32 v25, v10;
	v3 =	vmax.f32 v25, v10  }
0x74: {  	v63 =	vld [tilespmem:$0x560];
	v38 =	vmax.f32 v0, v2;
	v0 =	vmin.f32 v0, v2;
	v4 =	vadd.f32 v36, v35  }
0x75: {  	v50 =	vadd.f32 v9, v5;
	v10 =	vsub.f32 v53, v6;
	v9 =	vmul.f32 v59, v59  }
0x76: {  	v62 =	vld [tilespmem:$0xE0];
	v36 =	vsub.f32 v28, v6;
	v53 =	vsub.f32 v45, v8;
	v41 =	vmin.f32 v31, v38  }
0x77: {  	[tilespmem:$0x1F900] =	vst v3;
	v11 =	vmax.f32 v31, v38;
	v3 =	vmul.f32 v46, v46;
	v37 =	vmul.f32 v32, v32  }
0x78: {  	v21 =	vld [tilespmem:$0xF0];
	[tilespmem:$0x1FA90] =	vst v11;
	v44 =	vmin.f32 v1, v4;
	v1 =	vmax.f32 v1, v4;
	v11 =	vmul.f32 v60, v60  }
0x79: {  	v10 =	vmul.f32 v10, v10;
	v27 =	vsub.f32 v63, v8;
	v60 =	vsub.f32 v51, v7  }
0x7a: {  	v48 =	vld [tilespmem:$0xA10];
	v4 =	vmin.f32 v34, v1;
	v1 =	vmax.f32 v34, v1;
	v55 =	vmin.f32 v44, v50  }
0x7b: {  	v59 =	vld [tilespmem:$0x130];
	v56 =	vadd.f32 v52, v3;
	v3 =	vsub.f32 v62, v7;
	v49 =	vmin.f32 v0, v1  }
0x7c: {  	v38 =	vld [tilespmem:$0x580];
	v0 =	vmax.f32 v0, v1;
	v1 =	vmax.f32 v44, v50;
	v9 =	vadd.f32 v11, v9  }
0x7d: {  	v43 =	vld [tilespmem:$0x110];
	v30 =	vmul.f32 v27, v27;
	v11 =	vsub.f32 v21, v7;
	v54 =	vmin.f32 v41, v0  }
0x7e: {  	v0 =	vmax.f32 v41, v0;
	v58 =	vmax.f32 v4, v1;
	v1 =	vmin.f32 v4, v1  }
0x7f: {  	v2 =	vadd.f32 v57, v56;
	v3 =	vmul.f32 v3, v3;
	v56 =	vsub.f32 v48, v6  }
0x80: {  	v19 =	vld [tilespmem:$0x9E0];
	v27 =	vsub.f32 v59, v7;
	v61 =	vmax.f32 v49, v58;
	v5 =	vmin.f32 v49, v58  }
0x81: {  	v62 =	vld [tilespmem:$0x5B0];
	v25 =	vadd.f32 v10, v9;
	v11 =	vmul.f32 v11, v11;
	v44 =	vsub.f32 v38, v8  }
0x82: {  	v9 =	vsub.f32 v43, v7;
	v18 =	vmin.f32 v54, v61;
	v4 =	vmax.f32 v54, v61  }
0x83: {  	v35 =	vld [tilespmem:$0x100];
	[tilespmem:$0x1FAB0] =	vst v0;
	v20 =	vmax.f32 v55, v2;
	v0 =	vmin.f32 v55, v2;
	v33 =	vadd.f32 v30, v3  }
0x84: {  	v41 =	vld [tilespmem:$0xA00];
	v22 =	vmin.f32 v1, v20;
	v1 =	vmax.f32 v1, v20;
	v29 =	vmin.f32 v0, v25  }
0x85: {  	v57 =	vld [tilespmem:$0xA20];
	[tilespmem:$0x1FAD0] =	vst v4;
	v0 =	vmax.f32 v0, v25;
	v4 =	vsub.f32 v19, v6;
	v11 =	vadd.f32 v37, v11  }
0x86: {  	v9 =	vmul.f32 v9, v9;
	v28 =	vsub.f32 v62, v8;
	v24 =	vmin.f32 v5, v1  }
0x87: {  	v1 =	vmax.f32 v5, v1;
	v31 =	vmin.f32 v22, v0;
	v0 =	vmax.f32 v22, v0  }
0x88: {  	v54 =	vld [tilespmem:$0x5A0];
	v5 =	vmul.f32 v36, v36;
	v26 =	vmin.f32 v18, v1;
	v1 =	vmax.f32 v18, v1  }
0x89: {  	v34 =	vmul.f32 v4, v4;
	v39 =	vmin.f32 v24, v0;
	v4 =	vsub.f32 v35, v7  }
0x8a: {  	v0 =	vmax.f32 v24, v0;
	v12 =	vsub.f32 v41, v6;
	v19 =	vsub.f32 v57, v6  }
0x8b: {  	v40 =	vmin.f32 v26, v0;
	v0 =	vmax.f32 v26, v0;
	v5 =	vadd.f32 v5, v11  }
0x8c: {  	v11 =	vmul.f32 v44, v44;
	v2 =	vadd.f32 v34, v33;
	v4 =	vmul.f32 v4, v4  }
0x8d: {  	v50 =	vmul.f32 v12, v12;
	v12 =	vmul.f32 v53, v53;
	v61 =	vsub.f32 v54, v8  }
0x8e: {  	[tilespmem:$0x1FAF0] =	vst v1;
	v25 =	vmul.f32 v19, v19;
	v42 =	vmin.f32 v29, v2;
	v1 =	vmax.f32 v29, v2  }
0x8f: {  	v4 =	vadd.f32 v11, v4;
	v9 =	vadd.f32 v12, v9;
	v20 =	vmul.f32 v61, v61  }
0x90: {  	v21 =	vld [tilespmem:$0xA30];
	v2 =	vmin.f32 v31, v1;
	v1 =	vmax.f32 v31, v1;
	v47 =	vmax.f32 v42, v5  }
0x91: {  	[tilespmem:$0x1FB10] =	vst v0;
	v0 =	vmin.f32 v42, v5;
	v5 =	vmul.f32 v56, v56;
	v10 =	vmax.f32 v39, v1  }
0x92: {  	v37 =	vld [tilespmem:$0x5D0];
	v1 =	vmin.f32 v39, v1;
	v49 =	vmin.f32 v2, v47;
	v2 =	vmax.f32 v2, v47  }
0x93: {  	v4 =	vadd.f32 v50, v4;
	v46 =	vmin.f32 v40, v10;
	v3 =	vmax.f32 v40, v10  }
0x94: {  	v30 =	vld [tilespmem:$0x140];
	v52 =	vmax.f32 v1, v2;
	v1 =	vmin.f32 v1, v2;
	v18 =	vadd.f32 v5, v9  }
0x95: {  	v31 =	vld [tilespmem:$0x5C0];
	v10 =	vsub.f32 v21, v6;
	v9 =	vmul.f32 v27, v27;
	v55 =	vmin.f32 v46, v52  }
0x96: {  	v42 =	vld [tilespmem:$0xA50];
	v11 =	vmax.f32 v46, v52;
	v58 =	vmin.f32 v0, v4;
	v0 =	vmax.f32 v0, v4  }
0x97: {  	v59 =	vld [tilespmem:$0x5F0];
	[tilespmem:$0x1FB30] =	vst v3;
	v3 =	vmul.f32 v60, v60;
	v46 =	vsub.f32 v37, v8;
	v4 =	vmin.f32 v49, v0  }
0x98: {  	[tilespmem:$0x1FB50] =	vst v11;
	v0 =	vmax.f32 v49, v0;
	v23 =	vmin.f32 v58, v18;
	v11 =	vmul.f32 v28, v28  }
0x99: {  	v35 =	vld [tilespmem:$0x150];
	v10 =	vmul.f32 v10, v10;
	v63 =	vmin.f32 v1, v0;
	v0 =	vmax.f32 v1, v0  }
0x9a: {  	v57 =	vld [tilespmem:$0x170];
	v1 =	vmax.f32 v58, v18;
	v24 =	vadd.f32 v20, v3;
	v3 =	vsub.f32 v30, v7  }
0x9b: {  	v21 =	vld [tilespmem:$0x600];
	v41 =	vsub.f32 v31, v8;
	v50 =	vsub.f32 v42, v6;
	v51 =	vmul.f32 v46, v46  }
0x9c: {  	v52 =	vld [tilespmem:$0x5E0];
	v20 =	vsub.f32 v59, v8;
	v22 =	vmin.f32 v55, v0;
	v0 =	vmax.f32 v55, v0  }
0x9d: {  	v33 =	vld [tilespmem:$0xA40];
	v26 =	vmax.f32 v4, v1;
	v1 =	vmin.f32 v4, v1;
	v9 =	vadd.f32 v11, v9  }
0x9e: {  	v62 =	vld [tilespmem:$0xA70];
	v11 =	vsub.f32 v35, v7;
	v29 =	vmax.f32 v63, v26;
	v2 =	vadd.f32 v25, v24  }
0x9f: {  	v5 =	vmin.f32 v63, v26;
	v3 =	vmul.f32 v3, v3;
	v44 =	vmul.f32 v41, v41  }
0xa0: {  	v28 =	vsub.f32 v21, v8;
	v32 =	vmin.f32 v22, v29;
	v4 =	vmax.f32 v22, v29  }
0xa1: {  	v18 =	vld [tilespmem:$0x180];
	v39 =	vadd.f32 v10, v9;
	v11 =	vmul.f32 v11, v11;
	v58 =	vsub.f32 v52, v8  }
0xa2: {  	v9 =	vsub.f32 v57, v7;
	[tilespmem:$0x1FB90] =	vst v4;
	v34 =	vmax.f32 v23, v2;
	v4 =	vsub.f32 v33, v6  }
0xa3: {  	v49 =	vld [tilespmem:$0x160];
	[tilespmem:$0x1FB70] =	vst v0;
	v0 =	vmin.f32 v23, v2;
	v47 =	vadd.f32 v44, v3;
	v23 =	vsub.f32 v62, v6  }
0xa4: {  	v55 =	vld [tilespmem:$0xA60];
	v33 =	vmul.f32 v28, v28;
	v36 =	vmin.f32 v1, v34;
	v1 =	vmax.f32 v1, v34  }
0xa5: {  	v24 =	vld [tilespmem:$0xA80];
	v43 =	vmin.f32 v0, v39;
	v0 =	vmax.f32 v0, v39;
	v11 =	vadd.f32 v51, v11  }
0xa6: {  	v26 =	vld [tilespmem:$0x190];
	v9 =	vmul.f32 v9, v9;
	v27 =	vsub.f32 v18, v7;
	v38 =	vmin.f32 v5, v1  }
0xa7: {  	v1 =	vmax.f32 v5, v1;
	v45 =	vmin.f32 v36, v0;
	v0 =	vmax.f32 v36, v0  }
0xa8: {  	v48 =	vmul.f32 v4, v4;
	v5 =	vmul.f32 v50, v50;
	v4 =	vsub.f32 v49, v7  }
0xa9: {  	v29 =	vld [tilespmem:$0x610];
	v12 =	vsub.f32 v55, v6;
	v40 =	vmin.f32 v32, v1;
	v1 =	vmax.f32 v32, v1  }
0xaa: {  	v53 =	vmin.f32 v38, v0;
	v0 =	vmax.f32 v38, v0;
	v32 =	vsub.f32 v24, v6  }
0xab: {  	v41 =	vsub.f32 v26, v7;
	v2 =	vadd.f32 v48, v47;
	v54 =	vmin.f32 v40, v0  }
0xac: {  	v59 =	vld [tilespmem:$0x1C0];
	v5 =	vadd.f32 v5, v11;
	v4 =	vmul.f32 v4, v4;
	v11 =	vmul.f32 v58, v58  }
0xad: {  	v34 =	vld [tilespmem:$0xA90];
	v0 =	vmax.f32 v40, v0;
	v17 =	vmul.f32 v12, v12;
	v12 =	vmul.f32 v20, v20  }
0xae: {  	v42 =	vsub.f32 v29, v8;
	v38 =	vmul.f32 v32, v32;
	v46 =	vmul.f32 v41, v41  }
0xaf: {  	v26 =	vld [tilespmem:$0x1D0];
	[tilespmem:$0x1FBB0] =	vst v1;
	v56 =	vmin.f32 v43, v2;
	v1 =	vmax.f32 v43, v2;
	v4 =	vadd.f32 v11, v4  }
0xb0: {  	v9 =	vadd.f32 v12, v9;
	v47 =	vmul.f32 v42, v42;
	v2 =	vmin.f32 v45, v1  }
0xb1: {  	v39 =	vld [tilespmem:$0x1A0];
	[tilespmem:$0x1FBD0] =	vst v0;
	v1 =	vmax.f32 v45, v1;
	v61 =	vmax.f32 v56, v5;
	v0 =	vmin.f32 v56, v5  }
0xb2: {  	v48 =	vld [tilespmem:$0xAA0];
	v5 =	vmul.f32 v23, v23;
	v45 =	vsub.f32 v34, v6;
	v23 =	vsub.f32 v59, v7  }
0xb3: {  	v10 =	vmax.f32 v53, v1;
	v1 =	vmin.f32 v53, v1;
	v63 =	vmin.f32 v2, v61  }
0xb4: {  	v2 =	vmax.f32 v2, v61;
	v4 =	vadd.f32 v17, v4;
	v41 =	vsub.f32 v26, v7  }
0xb5: {  	v43 =	vld [tilespmem:$0x620];
	v60 =	vmin.f32 v54, v10;
	v3 =	vmax.f32 v54, v10;
	v19 =	vmax.f32 v1, v2  }
0xb6: {  	v1 =	vmin.f32 v1, v2;
	v31 =	vadd.f32 v5, v9;
	v10 =	vadd.f32 v47, v46  }
0xb7: {  	v5 =	vsub.f32 v39, v7;
	v12 =	vsub.f32 v48, v6;
	v22 =	vmin.f32 v60, v19  }
0xb8: {  	v11 =	vmax.f32 v60, v19;
	v25 =	vmin.f32 v0, v4;
	v0 =	vmax.f32 v0, v4  }
0xb9: {  	v53 =	vld [tilespmem:$0x1B0];
	[tilespmem:$0x1FBF0] =	vst v3;
	v3 =	vmul.f32 v27, v27;
	v4 =	vmin.f32 v63, v0;
	v0 =	vmax.f32 v63, v0  }
0xba: {  	v57 =	vld [tilespmem:$0xAB0];
	v36 =	vmin.f32 v25, v31;
	v13 =	vsub.f32 v43, v8;
	v5 =	vmul.f32 v5, v5  }
0xbb: {  	v54 =	vld [tilespmem:$0x630];
	v12 =	vmul.f32 v12, v12;
	v30 =	vmin.f32 v1, v0;
	v0 =	vmax.f32 v1, v0  }
0xbc: {  	v1 =	vmax.f32 v25, v31;
	v37 =	vadd.f32 v33, v3;
	v3 =	vmul.f32 v45, v45  }
0xbd: {  	v19 =	vld [tilespmem:$0xAC0];
	v35 =	vmin.f32 v22, v0;
	v0 =	vmax.f32 v22, v0;
	v40 =	vmax.f32 v4, v1  }
0xbe: {  	v1 =	vmin.f32 v4, v1;
	v13 =	vmul.f32 v13, v13;
	v63 =	vsub.f32 v53, v7  }
0xbf: {  	v42 =	vld [tilespmem:$0x670];
	v22 =	vsub.f32 v57, v6;
	v44 =	vmax.f32 v30, v40;
	v2 =	vadd.f32 v38, v37  }
0xc0: {  	v61 =	vld [tilespmem:$0x640];
	v9 =	vmin.f32 v30, v40;
	v3 =	vadd.f32 v3, v10;
	v18 =	vsub.f32 v54, v8  }
0xc1: {  	v33 =	vld [tilespmem:$0x660];
	v49 =	vmin.f32 v35, v44;
	v4 =	vmax.f32 v35, v44;
	v5 =	vadd.f32 v13, v5  }
0xc2: {  	[tilespmem:$0x1FC30] =	vst v0;
	v25 =	vsub.f32 v19, v6;
	v50 =	vmax.f32 v36, v2;
	v0 =	vmin.f32 v36, v2  }
0xc3: {  	[tilespmem:$0x1FC50] =	vst v4;
	v4 =	vmul.f32 v63, v63;
	v10 =	vmul.f32 v18, v18;
	v51 =	vmax.f32 v1, v50  }
0xc4: {  	v28 =	vld [tilespmem:$0x650];
	v1 =	vmin.f32 v1, v50;
	v58 =	vmax.f32 v0, v3;
	v0 =	vmin.f32 v0, v3  }
0xc5: {  	v30 =	vld [tilespmem:$0x1E0];
	v5 =	vadd.f32 v12, v5;
	v3 =	vsub.f32 v61, v8;
	v29 =	vmul.f32 v25, v25  }
0xc6: {  	v40 =	vld [tilespmem:$0x1F0];
	v14 =	vsub.f32 v33, v8;
	v12 =	vsub.f32 v42, v8;
	v52 =	vmax.f32 v9, v51  }
0xc7: {  	v57 =	vld [tilespmem:$0x230];
	v55 =	vmin.f32 v9, v51;
	v60 =	vmax.f32 v1, v58;
	v1 =	vmin.f32 v1, v58  }
0xc8: {  	v44 =	vld [tilespmem:$0xAF0];
	v4 =	vadd.f32 v10, v4;
	v9 =	vmul.f32 v22, v22;
	v56 =	vmin.f32 v49, v52  }
0xc9: {  	v19 =	vld [tilespmem:$0x680];
	v2 =	vmax.f32 v49, v52;
	v62 =	vmin.f32 v55, v60;
	v21 =	vmin.f32 v0, v5  }
0xca: {  	v0 =	vmax.f32 v0, v5;
	v5 =	vmul.f32 v23, v23;
	v3 =	vmul.f32 v3, v3  }
0xcb: {  	v35 =	vld [tilespmem:$0xAD0];
	v10 =	vsub.f32 v30, v7;
	v14 =	vmul.f32 v14, v14;
	v13 =	vsub.f32 v40, v7  }
0xcc: {  	v18 =	vld [tilespmem:$0x200];
	v12 =	vmul.f32 v12, v12;
	[tilespmem:$0x1FC70] =	vst v2;
	v2 =	vmax.f32 v55, v60;
	v4 =	vadd.f32 v9, v4  }
0xcd: {  	v37 =	vld [tilespmem:$0xAE0];
	v24 =	vmax.f32 v1, v0;
	v9 =	vsub.f32 v28, v8;
	v51 =	vsub.f32 v44, v6  }
0xce: {  	v50 =	vld [tilespmem:$0xB10];
	v0 =	vmin.f32 v1, v0;
	v54 =	vsub.f32 v19, v8;
	v28 =	vsub.f32 v57, v7  }
0xcf: {  	v25 =	vld [tilespmem:$0xB70];
	v20 =	vmin.f32 v56, v2;
	v2 =	vmax.f32 v56, v2;
	v27 =	vmin.f32 v62, v24  }
0xd0: {  	[tilespmem:$0x1FC10] =	vst v11;
	v11 =	vmax.f32 v62, v24;
	v3 =	vadd.f32 v3, v5;
	v5 =	vsub.f32 v35, v6  }
0xd1: {  	v59 =	vld [tilespmem:$0x6B0];
	v10 =	vmul.f32 v10, v10;
	v13 =	vmul.f32 v13, v13;
	v53 =	vsub.f32 v18, v7  }
0xd2: {  	v48 =	vld [tilespmem:$0x210];
	v31 =	vmin.f32 v20, v11;
	v11 =	vmax.f32 v20, v11;
	v32 =	vmax.f32 v21, v4  }
0xd3: {  	v49 =	vld [tilespmem:$0x690];
	[tilespmem:$0x1FC90] =	vst v2;
	v2 =	vmin.f32 v21, v4;
	v9 =	vmul.f32 v9, v9;
	v4 =	vsub.f32 v37, v6  }
0xd4: {  	v52 =	vld [tilespmem:$0x220];
	v15 =	vmul.f32 v54, v54;
	v61 =	vsub.f32 v50, v6;
	v57 =	vsub.f32 v25, v6  }
0xd5: {  	v34 =	vmax.f32 v0, v32;
	v3 =	vadd.f32 v29, v3;
	v0 =	vmin.f32 v0, v32  }
0xd6: {  	v55 =	vld [tilespmem:$0x6A0];
	v5 =	vmul.f32 v5, v5;
	v47 =	vadd.f32 v14, v10;
	v12 =	vadd.f32 v12, v13  }
0xd7: {  	v22 =	vld [tilespmem:$0x240];
	v10 =	vsub.f32 v48, v7;
	v14 =	vsub.f32 v59, v8;
	v36 =	vmin.f32 v27, v34  }
0xd8: {  	v40 =	vld [tilespmem:$0x6D0];
	v1 =	vmax.f32 v27, v34;
	v4 =	vmul.f32 v4, v4;
	v58 =	vsub.f32 v49, v8  }
0xd9: {  	v24 =	vld [tilespmem:$0x260];
	v17 =	vsub.f32 v52, v7;
	v38 =	vmin.f32 v31, v1;
	v1 =	vmax.f32 v31, v1  }
0xda: {  	v46 =	vld [tilespmem:$0xB00];
	v39 =	vmin.f32 v2, v3;
	v2 =	vmax.f32 v2, v3;
	v3 =	vmul.f32 v41, v41  }
0xdb: {  	v56 =	vld [tilespmem:$0xB20];
	v10 =	vmul.f32 v10, v10;
	v18 =	vsub.f32 v55, v8;
	v14 =	vmul.f32 v14, v14  }
0xdc: {  	v37 =	vld [tilespmem:$0x250];
	v41 =	vsub.f32 v22, v7;
	v43 =	vmax.f32 v0, v2;
	v2 =	vmin.f32 v0, v2  }
0xdd: {  	v60 =	vld [tilespmem:$0xB30];
	v4 =	vadd.f32 v4, v47;
	v0 =	vmul.f32 v51, v51;
	v26 =	vmul.f32 v17, v17  }
0xde: {  	v29 =	vld [tilespmem:$0xB40];
	v17 =	vsub.f32 v40, v8;
	v24 =	vsub.f32 v24, v7;
	v20 =	vmin.f32 v36, v43  }
0xdf: {  	[tilespmem:$0x1FCB0] =	vst v11;
	v45 =	vadd.f32 v9, v3;
	v11 =	vmax.f32 v36, v43;
	v3 =	vsub.f32 v46, v6  }
0xe0: {  	v49 =	vld [tilespmem:$0x6F0];
	v27 =	vmul.f32 v18, v18;
	v36 =	vsub.f32 v56, v6;
	v44 =	vmul.f32 v41, v41  }
0xe1: {  	v55 =	vld [tilespmem:$0x710];
	v13 =	vsub.f32 v37, v7;
	v16 =	vmin.f32 v38, v11;
	v11 =	vmax.f32 v38, v11  }
0xe2: {  	v62 =	vld [tilespmem:$0x6C0];
	v0 =	vadd.f32 v0, v12;
	v12 =	vmul.f32 v58, v58;
	v38 =	vsub.f32 v60, v6  }
0xe3: {  	v59 =	vld [tilespmem:$0x2A0];
	v47 =	vsub.f32 v29, v6;
	v17 =	vmul.f32 v17, v17;
	v24 =	vmul.f32 v24, v24  }
0xe4: {  	v43 =	vld [tilespmem:$0x6E0];
	v5 =	vadd.f32 v5, v45;
	[tilespmem:$0x1FCE0] =	vst v11;
	v11 =	vmul.f32 v53, v53;
	v3 =	vmul.f32 v3, v3  }
0xe5: {  	v46 =	vld [tilespmem:$0xB60];
	v42 =	vmul.f32 v36, v36;
	v54 =	vsub.f32 v49, v8;
	v63 =	vadd.f32 v12, v10  }
0xe6: {  	v41 =	vld [tilespmem:$0xBB0];
	v13 =	vmul.f32 v13, v13;
	v10 =	vadd.f32 v27, v26;
	v29 =	vsub.f32 v55, v8  }
0xe7: {  	[tilespmem:$0x1F950] =	vst v1;
	v23 =	vmin.f32 v39, v5;
	v11 =	vadd.f32 v15, v11;
	v1 =	vmax.f32 v39, v5  }
0xe8: {  	v39 =	vmul.f32 v28, v28;
	v5 =	vsub.f32 v62, v8;
	v50 =	vadd.f32 v17, v13  }
0xe9: {  	v45 =	vld [tilespmem:$0xB50];
	v58 =	vmul.f32 v54, v54;
	v13 =	vsub.f32 v59, v7;
	v33 =	vadd.f32 v42, v10  }
0xea: {  	v48 =	vld [tilespmem:$0x270];
	v12 =	vmin.f32 v2, v1;
	v15 =	vsub.f32 v43, v8;
	v10 =	vsub.f32 v46, v6  }
0xeb: {  	v56 =	vld [tilespmem:$0xB90];
	v1 =	vmax.f32 v2, v1;
	v17 =	vsub.f32 v41, v6;
	v21 =	vadd.f32 v3, v11  }
0xec: {  	v26 =	vld [tilespmem:$0x280];
	v3 =	vmul.f32 v61, v61;
	v14 =	vadd.f32 v14, v39;
	v11 =	vmul.f32 v38, v38  }
0xed: {  	v27 =	vld [tilespmem:$0x700];
	v5 =	vmul.f32 v5, v5;
	v19 =	vmin.f32 v20, v1;
	v1 =	vmax.f32 v20, v1  }
0xee: {  	v62 =	vld [tilespmem:$0x720];
	v18 =	vmin.f32 v16, v1;
	v9 =	vsub.f32 v45, v6;
	v15 =	vmul.f32 v15, v15  }
0xef: {  	v28 =	vld [tilespmem:$0x2B0];
	v1 =	vmax.f32 v16, v1;
	v10 =	vmul.f32 v10, v10;
	v2 =	vadd.f32 v3, v63  }
0xf0: {  	v30 =	vld [tilespmem:$0x730];
	v45 =	vmul.f32 v13, v13;
	v32 =	vadd.f32 v11, v14;
	v3 =	vadd.f32 v5, v44  }
0xf1: {  	v51 =	vld [tilespmem:$0xB80];
	v17 =	vmul.f32 v17, v17;
	v5 =	vsub.f32 v48, v7;
	v60 =	vsub.f32 v26, v7  }
0xf2: {  	v53 =	vld [tilespmem:$0x290];
	v14 =	vmul.f32 v47, v47;
	[tilespmem:$0x1FD00] =	vst v1;
	v61 =	vsub.f32 v27, v8;
	v1 =	vsub.f32 v56, v6  }
0xf3: {  	v37 =	vld [tilespmem:$0x300];
	v9 =	vmul.f32 v9, v9;
	v52 =	vadd.f32 v15, v24;
	v15 =	vmin.f32 v23, v4  }
0xf4: {  	v43 =	vld [tilespmem:$0x2C0];
	v4 =	vmax.f32 v23, v4;
	v42 =	vsub.f32 v62, v8;
	v48 =	vsub.f32 v28, v7  }
0xf5: {  	v63 =	vld [tilespmem:$0xBA0];
	v35 =	vadd.f32 v14, v3;
	v5 =	vmul.f32 v5, v5;
	v16 =	vmin.f32 v12, v4  }
0xf6: {  	v47 =	vld [tilespmem:$0xBC0];
	v3 =	vsub.f32 v51, v6;
	v20 =	vmul.f32 v60, v60;
	v23 =	vmul.f32 v61, v61  }
0xf7: {  	v56 =	vld [tilespmem:$0xBD0];
	v14 =	vsub.f32 v53, v7;
	v4 =	vmax.f32 v12, v4;
	v1 =	vmul.f32 v1, v1  }
0xf8: {  	v11 =	vld [tilespmem:$0x7A0];
	v31 =	vadd.f32 v9, v50;
	v38 =	vadd.f32 v10, v52;
	v9 =	vmul.f32 v57, v57  }
0xf9: {  	v49 =	vld [tilespmem:$0x2D0];
	v24 =	vmin.f32 v19, v4;
	v46 =	vmul.f32 v42, v42;
	v4 =	vmax.f32 v19, v4  }
0xfa: {  	v44 =	vld [tilespmem:$0x740];
	v19 =	vmul.f32 v48, v48;
	v5 =	vadd.f32 v58, v5;
	v40 =	vadd.f32 v23, v20  }
0xfb: {  	v28 =	vld [tilespmem:$0xBF0];
	v3 =	vmul.f32 v3, v3;
	v23 =	vsub.f32 v43, v7;
	v10 =	vsub.f32 v63, v6  }
0xfc: {  	v61 =	vld [tilespmem:$0x2F0];
	v25 =	vmin.f32 v18, v4;
	v12 =	vadd.f32 v46, v45;
	v62 =	vsub.f32 v47, v6  }
0xfd: {  	v50 =	vld [tilespmem:$0x750];
	v4 =	vmax.f32 v18, v4;
	v39 =	vsub.f32 v56, v6;
	v18 =	vsub.f32 v11, v8  }
0xfe: {  	v57 =	vld [tilespmem:$0x2E0];
	v14 =	vmul.f32 v14, v14;
	v34 =	vadd.f32 v9, v5;
	v36 =	vadd.f32 v3, v40  }
0xff: {  	v58 =	vld [tilespmem:$0x760];
	v5 =	vmul.f32 v29, v29;
	v9 =	vsub.f32 v30, v8;
	v3 =	vsub.f32 v44, v8  }
0x100: {  	v60 =	vld [tilespmem:$0xBE0];
	v59 =	vmul.f32 v23, v23;
	v23 =	vsub.f32 v49, v7;
	v10 =	vmul.f32 v10, v10  }
0x101: {  	[tilespmem:$0x1FD20] =	vst v4;
	v63 =	vld [tilespmem:$0x770];
	v45 =	vmul.f32 v39, v39;
	v4 =	vsub.f32 v61, v7;
	v5 =	vadd.f32 v5, v14  }
0x102: {  	v51 =	vld [tilespmem:$0xC10];
	v9 =	vmul.f32 v9, v9;
	v3 =	vmul.f32 v3, v3;
	v13 =	vsub.f32 v50, v8  }
0x103: {  	v40 =	vld [tilespmem:$0x780];
	v29 =	vsub.f32 v57, v7;
	v43 =	vadd.f32 v10, v12;
	v10 =	vmin.f32 v15, v0  }
0x104: {  	v42 =	vld [tilespmem:$0x310];
	v0 =	vmax.f32 v15, v0;
	v30 =	vsub.f32 v58, v8;
	v9 =	vadd.f32 v9, v19  }
0x105: {  	v46 =	vld [tilespmem:$0x790];
	v12 =	vmul.f32 v23, v23;
	v53 =	vadd.f32 v1, v5;
	v1 =	vadd.f32 v3, v59  }
0x106: {  	v61 =	vld [tilespmem:$0x320];
	v4 =	vmul.f32 v4, v4;
	v5 =	vsub.f32 v60, v6;
	v50 =	vsub.f32 v63, v8  }
0x107: {  	v54 =	vld [tilespmem:$0xC30];
	v13 =	vmul.f32 v13, v13;
	v60 =	vsub.f32 v28, v6;
	v3 =	vsub.f32 v51, v6  }
0x108: {  	v15 =	vmul.f32 v29, v29;
	v63 =	vsub.f32 v40, v8;
	v41 =	vadd.f32 v17, v9  }
0x109: {  	v9 =	vmul.f32 v62, v62;
	v17 =	vmul.f32 v30, v30;
	v44 =	vadd.f32 v13, v12  }
0x10a: {  	v49 =	vld [tilespmem:$0xC00];
	v5 =	vmul.f32 v5, v5;
	v62 =	vsub.f32 v37, v7;
	v30 =	vsub.f32 v42, v7  }
0x10b: {  	v55 =	vld [tilespmem:$0x340];
	v12 =	vsub.f32 v46, v8;
	v3 =	vmul.f32 v3, v3;
	v28 =	vsub.f32 v61, v7  }
0x10c: {  	v52 =	vld [tilespmem:$0x7B0];
	v13 =	vsub.f32 v54, v6;
	v40 =	vmul.f32 v63, v63;
	v47 =	vadd.f32 v9, v1  }
0x10d: {  	v37 =	vld [tilespmem:$0xC20];
	v48 =	vadd.f32 v17, v15;
	v17 =	vmin.f32 v16, v0;
	v19 =	vadd.f32 v45, v44  }
0x10e: {  	v42 =	vld [tilespmem:$0x330];
	v1 =	vmul.f32 v50, v50;
	v0 =	vmax.f32 v16, v0;
	v39 =	vmul.f32 v62, v62  }
0x10f: {  	v29 =	vld [tilespmem:$0x7C0];
	v15 =	vsub.f32 v49, v6;
	v16 =	vmul.f32 v30, v30;
	v12 =	vmul.f32 v12, v12  }
0x110: {  	v58 =	vmul.f32 v28, v28;
	v13 =	vmul.f32 v13, v13;
	v56 =	vadd.f32 v5, v48  }
0x111: {  	v57 =	vld [tilespmem:$0x350];
	v27 =	vmin.f32 v24, v0;
	v1 =	vadd.f32 v1, v4;
	v4 =	vadd.f32 v40, v39  }
0x112: {  	v61 =	vld [tilespmem:$0x7D0];
	v5 =	vmul.f32 v60, v60;
	v12 =	vadd.f32 v12, v16;
	v16 =	vsub.f32 v55, v7  }
0x113: {  	v44 =	vld [tilespmem:$0x360];
	v15 =	vmul.f32 v15, v15;
	v62 =	vsub.f32 v37, v6;
	v14 =	vsub.f32 v42, v7  }
0x114: {  	v45 =	vld [tilespmem:$0x7E0];
	v0 =	vmax.f32 v24, v0;
	v37 =	vsub.f32 v52, v8;
	v42 =	vsub.f32 v29, v8  }
0x115: {  	[tilespmem:$0x1F7A0] =	vst v34;
	v30 =	vld [tilespmem:$0x7F0];
	v60 =	vmul.f32 v18, v18;
	v46 =	vadd.f32 v5, v1;
	v59 =	vadd.f32 v15, v4  }
0x116: {  	[tilespmem:$0x1F7B0] =	vst v36;
	v39 =	vld [tilespmem:$0xC40];
	v49 =	vadd.f32 v3, v12;
	v12 =	vmin.f32 v25, v0;
	v0 =	vmax.f32 v25, v0  }
0x117: {  	[tilespmem:$0x1F7C0] =	vst v47;
	v40 =	vld [tilespmem:$0xC50];
	v63 =	vadd.f32 v60, v58;
	v1 =	vsub.f32 v57, v7;
	v16 =	vmul.f32 v16, v16  }
0x118: {  	[tilespmem:$0x1F7D0] =	vst v19;
	v48 =	vld [tilespmem:$0x370];
	v5 =	vsub.f32 v61, v8;
	v14 =	vmul.f32 v14, v14;
	v3 =	vmul.f32 v37, v37  }
0x119: {  	[tilespmem:$0x1F960] =	vst v0;
	v15 =	vmul.f32 v62, v62;
	v23 =	vmul.f32 v42, v42;
	v62 =	vsub.f32 v44, v7  }
0x11a: {  	v29 =	vmin.f32 v10, v21;
	v37 =	vsub.f32 v30, v8;
	[tilespmem:$0x1F7E0] =	vst v49;
	v14 =	vadd.f32 v3, v14  }
0x11b: {  	v50 =	vmul.f32 v1, v1;
	v54 =	vadd.f32 v15, v63;
	v51 =	vld [tilespmem:$0xC60];
	v52 =	vadd.f32 v23, v16  }
0x11c: {  	v5 =	vmul.f32 v5, v5;
	v60 =	vld [tilespmem:$0xC70];
	v4 =	vsub.f32 v39, v6;
	v61 =	vsub.f32 v40, v6  }
0x11d: {  	v10 =	vmax.f32 v10, v21;
	v63 =	vsub.f32 v45, v8;
	v28 =	vsub.f32 v48, v7;
	v39 =	vld [tilespmem:$0x380]  }
0x11e: {  	v18 =	vmul.f32 v62, v62;
	v40 =	vld [tilespmem:$0x800];
	v24 =	vmul.f32 v37, v37;
	v5 =	vadd.f32 v5, v50  }
0x11f: {  	v55 =	vld [tilespmem:$0x390];
	v14 =	vadd.f32 v13, v14;
	v13 =	vmin.f32 v17, v10;
	v21 =	vmul.f32 v63, v63  }
0x120: {  	v57 =	vld [tilespmem:$0x810];
	v10 =	vmax.f32 v17, v10;
	v23 =	vmul.f32 v28, v28;
	v4 =	vmul.f32 v4, v4  }
0x121: {  	v42 =	vld [tilespmem:$0x3B0];
	v17 =	vmul.f32 v61, v61;
	v3 =	vmin.f32 v27, v10;
	v18 =	vadd.f32 v21, v18  }
0x122: {  	v61 =	vld [tilespmem:$0xC90];
	v10 =	vmax.f32 v27, v10;
	v23 =	vadd.f32 v24, v23;
	v22 =	vadd.f32 v4, v52  }
0x123: {  	v37 =	vld [tilespmem:$0x820];
	v45 =	vadd.f32 v17, v5;
	v17 =	vmin.f32 v12, v10;
	v0 =	vsub.f32 v51, v6  }
0x124: {  	v62 =	vmax.f32 v12, v10;
	v5 =	vld [tilespmem:$0x3A0];
	v16 =	vsub.f32 v60, v6;
	v63 =	vsub.f32 v39, v7  }
0x125: {  	v24 =	vmax.f32 v29, v2;
	v60 =	vld [tilespmem:$0xC80];
	v4 =	vsub.f32 v40, v8;
	v30 =	vsub.f32 v55, v7  }
0x126: {  	v21 =	vsub.f32 v57, v8;
	v40 =	vld [tilespmem:$0xCA0];
	v28 =	vsub.f32 v42, v7;
	v58 =	vmul.f32 v0, v0  }
0x127: {  	v55 =	vld [tilespmem:$0x830];
	v16 =	vmul.f32 v16, v16;
	v12 =	vmul.f32 v63, v63;
	v15 =	vsub.f32 v61, v6  }
0x128: {  	v57 =	vld [tilespmem:$0xCB0];
	v21 =	vmul.f32 v21, v21;
	v28 =	vmul.f32 v28, v28;
	v51 =	vadd.f32 v58, v18  }
0x129: {  	[tilespmem:$0x1FD50] =	vst v62;
	v62 =	vld [tilespmem:$0x840];
	v44 =	vadd.f32 v16, v23;
	v18 =	vmin.f32 v29, v2;
	v16 =	vmul.f32 v4, v4  }
0x12a: {  	v2 =	vmul.f32 v30, v30;
	v15 =	vmul.f32 v15, v15;
	v58 =	vsub.f32 v5, v7  }
0x12b: {  	v39 =	vsub.f32 v60, v6;
	v26 =	vmin.f32 v18, v33;
	v60 =	vsub.f32 v37, v8  }
0x12c: {  	v61 =	vld [tilespmem:$0x3C0];
	v27 =	vsub.f32 v40, v6;
	v2 =	vadd.f32 v21, v2;
	v21 =	vmin.f32 v26, v32  }
0x12d: {  	v63 =	vld [tilespmem:$0xCC0];
	v29 =	vsub.f32 v55, v8;
	v30 =	vsub.f32 v57, v6;
	v23 =	vmin.f32 v21, v35  }
0x12e: {  	v11 =	vsub.f32 v62, v8;
	v12 =	vadd.f32 v16, v12;
	v25 =	vmin.f32 v23, v31  }
0x12f: {  	v9 =	vmovc v31;
	v16 =	vmul.f32 v58, v58;
	v52 =	vmul.f32 v39, v39;
	v31 =	vmin.f32 v25, v38  }
0x130: {  	v10 =	vmovc v32;
	v40 =	vld [tilespmem:$0x850];
	v29 =	vmul.f32 v29, v29;
	v0 =	vmul.f32 v27, v27;
	v42 =	vmin.f32 v31, v34  }
0x131: {  	v4 =	vmovc v35;
	v55 =	vld [tilespmem:$0x3E0];
	v1 =	vmul.f32 v30, v30;
	v32 =	vsub.f32 v61, v7;
	v35 =	vmin.f32 v42, v36  }
0x132: {  	v5 =	vmovc v38;
	v39 =	vld [tilespmem:$0x3D0];
	v20 =	vsub.f32 v63, v6;
	v2 =	vadd.f32 v15, v2;
	v38 =	vmin.f32 v35, v53  }
0x133: {  	v61 =	vld [tilespmem:$0xCE0];
	v15 =	vmul.f32 v60, v60;
	v50 =	vadd.f32 v52, v12;
	v12 =	vmin.f32 v38, v43  }
0x134: {  	v63 =	vld [tilespmem:$0x3F0];
	v28 =	vadd.f32 v29, v28;
	v30 =	vmovc v41;
	v32 =	vmul.f32 v32, v32;
	v41 =	vmin.f32 v12, v41  }
0x135: {  	v52 =	vld [tilespmem:$0xCD0];
	v15 =	vadd.f32 v15, v16;
	v40 =	vsub.f32 v40, v8;
	v48 =	vmin.f32 v41, v47  }
0x136: {  	v27 =	vsub.f32 v55, v7;
	v16 =	vadd.f32 v1, v28;
	v37 =	vmin.f32 v48, v19  }
0x137: {  	v29 =	vld [tilespmem:$0xCF0];
	v28 =	vmul.f32 v11, v11;
	v15 =	vadd.f32 v0, v15;
	v36 =	vmin.f32 v37, v56  }
0x138: {  	v1 =	vld [tilespmem:$0x870];
	v39 =	vsub.f32 v39, v7;
	v40 =	vmul.f32 v40, v40;
	v57 =	vmin.f32 v36, v46  }
0x139: {  	v58 =	vld [tilespmem:$0x860];
	v61 =	vsub.f32 v61, v6;
	v63 =	vsub.f32 v63, v7;
	v60 =	vmin.f32 v57, v59  }
0x13a: {  	v28 =	vadd.f32 v28, v32;
	v52 =	vsub.f32 v52, v6;
	v62 =	vmin.f32 v60, v49  }
0x13b: {  	v39 =	vmul.f32 v39, v39;
	v49 =	vmul.f32 v20, v20;
	v34 =	vmin.f32 v62, v54  }
0x13c: {  	v0 =	vsub.f32 v29, v6;
	v11 =	vmul.f32 v52, v52;
	v52 =	vmin.f32 v34, v14  }
0x13d: {  	v39 =	vadd.f32 v40, v39;
	v1 =	vsub.f32 v1, v8;
	v55 =	vmin.f32 v52, v22  }
0x13e: {  	v19 =	vadd.f32 v49, v28;
	v28 =	vsub.f32 v58, v8;
	v58 =	vmin.f32 v55, v45  }
0x13f: {  	v63 =	vmul.f32 v63, v63;
	v49 =	vmovc v22;
	v22 =	vadd.f32 v11, v39;
	v11 =	vmin.f32 v58, v51  }
0x140: {  	v47 =	vmovc v46;
	v46 =	vmov v14;
	v1 =	vmul.f32 v1, v1;
	v14 =	vmin.f32 v11, v44  }
0x141: {  	v32 =	vmul.f32 v27, v27;
	v40 =	vmul.f32 v28, v28;
	v27 =	vmin.f32 v14, v50  }
0x142: {  	v0 =	vmul.f32 v0, v0;
	v1 =	vadd.f32 v1, v63;
	v20 =	vmin.f32 v27, v2  }
0x143: {  	v29 =	vmul.f32 v61, v61;
	v32 =	vadd.f32 v40, v32;
	v61 =	vmin.f32 v20, v15  }
0x144: {  	v18 =	vmax.f32 v18, v33;
	[tilespmem:$0x1F7F0] =	vst v2;
	v0 =	vadd.f32 v0, v1;
	v63 =	vmin.f32 v61, v16  }
0x145: {  	[tilespmem:$0x1F810] =	vst v16;
	v39 =	vld [tilespmem:$0x1FFC0];
	v16 =	vadd.f32 v29, v32;
	v32 =	vmin.f32 v13, v24;
	v13 =	vmax.f32 v13, v24  }
0x146: {  	[tilespmem:$0x1F800] =	vst v15;
	v28 =	vmin.f32 v63, v19;
	v24 =	vmin.f32 v3, v13;
	v13 =	vmax.f32 v3, v13  }
0x147: {  	[tilespmem:$0x1F830] =	vst v22;
	v15 =	vld [tilespmem:$0x1F7A0];
	v22 =	vmin.f32 v28, v22;
	v2 =	vmin.f32 v17, v13;
	v33 =	vmax.f32 v17, v13  }
0x148: {  	[tilespmem:$0x1F820] =	vst v19;
	v13 =	vmin.f32 v32, v18;
	v18 =	vmax.f32 v32, v18;
	v32 =	vld [tilespmem:$0x1FFB0];
	v19 =	vmin.f32 v22, v16  }
0x149: {  	v26 =	vmax.f32 v26, v10;
	v29 =	vld [tilespmem:$0x1FFE0];
	v3 =	vmin.f32 v19, v0  }
0x14a: {  	v21 =	vmax.f32 v21, v4;
	v23 =	vmax.f32 v23, v9;
	[tilespmem:$0x1F840] =	vst v16;
	v16 =	vld [tilespmem:$0x1F7B0];
	v1 =	vperm.xlane v3, v39  }
0x14b: {  	v35 =	vmax.f32 v35, v53;
	v38 =	vmax.f32 v38, v43;
	v53 =	vmax.f32 v12, v30;
	v39 =	vld [tilespmem:$0x1F7C0]  }
0x14c: {  	v40 =	vmin.f32 v13, v26;
	v4 =	vmin.f32 v24, v18;
	v17 =	vmin.f32 v3, v1  }
0x14d: {  	v18 =	vmax.f32 v24, v18;
	v10 =	vmin.f32 v40, v21;
	v9 =	vperm.xlane v17, v32  }
0x14e: {  	v30 =	vld [tilespmem:$0x1FFF0];
	[tilespmem:$0x1F850] =	vst v0;
	v24 =	vmax.f32 v25, v5;
	v31 =	vmax.f32 v31, v15;
	v25 =	vmin.f32 v10, v23  }
0x14f: {  	[tilespmem:$0x1FD70] =	vst v33;
	v33 =	vmax.f32 v42, v16;
	v0 =	vmin.f32 v17, v9;
	v17 =	vmin.f32 v25, v24  }
0x150: {  	v43 =	vmax.f32 v41, v39;
	v41 =	vld [tilespmem:$0x1F7D0];
	v9 =	vmin.f32 v17, v31;
	v1 =	vperm.xlane v0, v29  }
0x151: {  	v37 =	vmax.f32 v37, v56;
	v15 =	vmin.f32 v9, v33  }
0x152: {  	v5 =	vmin.f32 v2, v18;
	v0 =	vmin.f32 v0, v1;
	v12 =	vmin.f32 v15, v35  }
0x153: {  	v2 =	vmax.f32 v2, v18;
	v18 =	vld [tilespmem:$0x1FFC0];
	v16 =	vmin.f32 v12, v38;
	v1 =	vperm.xlane v0, v30  }
0x154: {  	v47 =	vmax.f32 v36, v47;
	v57 =	vmax.f32 v57, v59;
	v30 =	vld [tilespmem:$0x1F7E0];
	v29 =	vmin.f32 v16, v53  }
0x155: {  	[tilespmem:$0x1F970] =	vst v2;
	v2 =	vmax.f32 v48, v41;
	v0 =	vmin.f32 v0, v1;
	v39 =	vmin.f32 v29, v43  }
0x156: {  	v42 =	vlaneseq.u32;
	[tilespmem:$0x1F860] =	vst v2;
	vm0 =	veq.f32 v3, v0;
	v2 =	vmin.f32 v39, v2  }
0x157: {  	v54 =	vmax.f32 v62, v54;
	v56 =	vmin.f32 v2, v37;
	v48 =	vnsel vm0, $0x10, v42  }
0x158: {  	v46 =	vmax.f32 v34, v46;
	v59 =	vmin.f32 v56, v47;
	v0 =	vperm.xlane v48, v18  }
0x159: {  	v13 =	vmax.f32 v13, v26;
	v26 =	vmax.f32 v60, v30;
	v60 =	vmin.f32 v59, v57  }
0x15a: {  	v42 =	vmax.f32 v58, v51;
	v58 =	vld [tilespmem:$0x1F810];
	vm0 =	vlt.s32 v48, v0;
	v62 =	vmin.f32 v60, v26  }
0x15b: {  	v11 =	vmax.f32 v11, v44;
	v44 =	vld [tilespmem:$0x1FFE0];
	v0 =	vsel vm0, v48, v0;
	v41 =	vmin.f32 v62, v54  }
0x15c: {  	v49 =	vmax.f32 v52, v49;
	v52 =	vmin.f32 v41, v46;
	v36 =	vperm.xlane v0, v32  }
0x15d: {  	v45 =	vmax.f32 v55, v45;
	v14 =	vmax.f32 v14, v50;
	v50 =	vld [tilespmem:$0x1F800];
	v18 =	vmin.f32 v52, v49  }
0x15e: {  	[tilespmem:$0x1F870] =	vst v42;
	v48 =	vld [tilespmem:$0x1F7F0];
	vm0 =	vlt.s32 v0, v36;
	v30 =	vmin.f32 v18, v45  }
0x15f: {  	v0 =	vsel vm0, v0, v36;
	v1 =	vmin.f32 v30, v42;
	v42 =	vmax.f32 v61, v58;
	v61 =	vmovc v32;
	v32 =	vld [tilespmem:$0x1F820]  }
0x160: {  	v55 =	vperm.xlane v0, v44;
	v44 =	vld [tilespmem:$0x1FFF0];
	_ =	sdelay $0x1  }
0x161: {  	v36 =	vmin.f32 v1, v11  }
0x162: {  	[tilespmem:$0x1F880] =	vst v11;
	v34 =	vmax.f32 v27, v48;
	v11 =	vmax.f32 v20, v50;
	v48 =	vld [tilespmem:$0x1F830];
	vm0 =	vlt.s32 v0, v55  }
0x163: {  	v27 =	vmin.f32 v36, v14;
	v0 =	vsel vm0, v0, v55;
	v50 =	vmax.f32 v63, v32;
	v63 =	vld [tilespmem:$0x1F850]  }
0x164: {  	v21 =	vmax.f32 v40, v21;
	v58 =	vld [tilespmem:$0x1F840];
	v20 =	vmin.f32 v27, v34;
	v55 =	vperm.xlane v0, v44  }
0x165: {  	v51 =	vmin.f32 v4, v13;
	v4 =	vmax.f32 v4, v13;
	[tilespmem:$0x1F890] =	vst v11;
	v11 =	vmin.f32 v20, v11  }
0x166: {  	v13 =	vlaneseq.u32;
	v32 =	vmin.f32 v11, v42;
	vm0 =	vlt.s32 v0, v55  }
0x167: {  	v40 =	vmax.f32 v28, v48;
	v28 =	vmin.f32 v32, v50;
	v0 =	vsel vm0, v0, v55  }
0x168: {  	v55 =	vmin.f32 v51, v21;
	v48 =	vmax.f32 v19, v63;
	v63 =	vmax.f32 v51, v21;
	v51 =	vld [tilespmem:$0x1FFC0]  }
0x169: {  	v58 =	vmax.f32 v22, v58;
	v22 =	vmin.f32 v5, v4;
	v44 =	vmin.f32 v28, v40  }
0x16a: {  	v19 =	vmin.f32 v44, v58;
	vm2 =	veq.s32 v0, v13;
	v13 =	vmax.f32 v10, v23  }
0x16b: {  	v4 =	vmax.f32 v5, v4;
	v0 =	vmin.f32 v19, v48;
	v21 =	vmin.f32 v55, v13  }
0x16c: {  	v5 =	vsel vm2, v0, v3;
	v3 =	vmax.f32 v55, v13;
	v55 =	vmax.f32 v25, v24  }
0x16d: {  	v31 =	vmax.f32 v17, v31;
	v10 =	vperm.xlane v5, v51;
	v51 =	vmin.f32 v21, v55  }
0x16e: {  	[tilespmem:$0x1F8A0] =	vst v22;
	v22 =	vmax.f32 v51, v31  }
0x16f: {  	[tilespmem:$0x1F910] =	vst v22;
	v22 =	vld [tilespmem:$0x1FFE0]  }
0x170: {  	v9 =	vmax.f32 v9, v33;
	[tilespmem:$0x1F8B0] =	vst v63;
	v63 =	vmin.f32 v51, v31;
	v10 =	vmin.f32 v5, v10  }
0x171: {  	v31 =	vmax.f32 v63, v9;
	v13 =	vperm.xlane v10, v61  }
0x172: {  	[tilespmem:$0x1F920] =	vst v31;
	v31 =	vld [tilespmem:$0x1FFF0]  }
0x173: {  	v33 =	vmax.f32 v15, v35;
	v35 =	vmin.f32 v10, v13  }
0x174: {  	v15 =	vperm.xlane v35, v22;
	_ =	sdelay $0x1  }
0x175: {  	v25 =	vmin.f32 v63, v9;
	v9 =	vmin.f32 v35, v15  }
0x176: {  	[tilespmem:$0x1F980] =	vst v4;
	v4 =	vperm.xlane v9, v31  }
0x177: {  	v2 =	vmax.f32 v2, v37;
	v55 =	vmax.f32 v21, v55;
	v63 =	vmax.f32 v12, v38;
	v35 =	vld [tilespmem:$0x1F860]  }
0x178: {  	v21 =	vmin.f32 v25, v33;
	v37 =	vmin.f32 v9, v4;
	v9 =	vmax.f32 v56, v47;
	v47 =	vld [tilespmem:$0x1FFC0]  }
0x179: {  	v29 =	vmax.f32 v29, v43;
	v23 =	vmax.f32 v16, v53;
	v24 =	vmin.f32 v21, v63  }
0x17a: {  	[tilespmem:$0x1F8E0] =	vst v3;
	v38 =	vmax.f32 v25, v33;
	v25 =	vmin.f32 v24, v23;
	v3 =	vmax.f32 v24, v23  }
0x17b: {  	v43 =	vlaneseq.u32;
	[tilespmem:$0x1F930] =	vst v3;
	v3 =	vmax.f32 v25, v29;
	vm12 =	veq.f32 v5, v37  }
0x17c: {  	v33 =	vmin.f32 v25, v29;
	[tilespmem:$0x1F940] =	vst v3;
	v3 =	vmax.f32 v39, v35;
	v17 =	vnsel vm12, $0x10, v43  }
0x17d: {  	v39 =	vmin.f32 v33, v3;
	v24 =	vperm.xlane v17, v47  }
0x17e: {  	v53 =	vmax.f32 v21, v63;
	v21 =	vmax.f32 v60, v26;
	v10 =	vmin.f32 v39, v2  }
0x17f: {  	v15 =	vmax.f32 v59, v57;
	v16 =	vmin.f32 v10, v9;
	vm0 =	vlt.s32 v17, v24  }
0x180: {  	v57 =	vld [tilespmem:$0x1F870];
	v22 =	vmax.f32 v33, v3;
	v23 =	vmin.f32 v16, v15;
	v17 =	vsel vm0, v17, v24  }
0x181: {  	v59 =	vld [tilespmem:$0x1F880];
	v3 =	vmax.f32 v62, v54;
	v51 =	vmin.f32 v23, v21;
	v56 =	vperm.xlane v17, v61  }
0x182: {  	v25 =	vmax.f32 v41, v46;
	v26 =	vmin.f32 v51, v3  }
0x183: {  	v29 =	vmax.f32 v52, v49;
	v54 =	vld [tilespmem:$0x1FFE0];
	v24 =	vmin.f32 v26, v25;
	vm0 =	vlt.s32 v17, v56  }
0x184: {  	v18 =	vmax.f32 v18, v45;
	v31 =	vmin.f32 v24, v29;
	v60 =	vsel vm0, v17, v56;
	v56 =	vld [tilespmem:$0x1F890]  }
0x185: {  	v63 =	vmax.f32 v39, v2;
	v2 =	vmax.f32 v30, v57;
	v30 =	vmin.f32 v31, v18  }
0x186: {  	v1 =	vmax.f32 v1, v59;
	v35 =	vmin.f32 v30, v2  }
0x187: {  	v36 =	vmax.f32 v36, v14;
	v57 =	vld [tilespmem:$0x1FFF0];
	v62 =	vmin.f32 v35, v1  }
0x188: {  	v27 =	vmax.f32 v27, v34;
	v34 =	vperm.xlane v60, v54;
	v33 =	vmin.f32 v62, v36  }
0x189: {  	v32 =	vmax.f32 v32, v50;
	[tilespmem:$0x1FF70] =	vst v37;
	v37 =	vmin.f32 v33, v27;
	v20 =	vmax.f32 v20, v56  }
0x18a: {  	v39 =	vmax.f32 v11, v42;
	vm0 =	vlt.s32 v60, v34;
	v41 =	vmin.f32 v37, v20  }
0x18b: {  	v42 =	vmax.f32 v28, v40;
	v4 =	vsel vm0, v60, v34;
	v34 =	vmin.f32 v41, v39  }
0x18c: {  	v14 =	vmax.f32 v10, v9;
	v9 =	vperm.xlane v4, v57;
	v43 =	vmin.f32 v34, v32  }
0x18d: {  	v40 =	vmax.f32 v44, v58;
	v44 =	vmin.f32 v43, v42  }
0x18e: {  	v47 =	vmax.f32 v19, v48;
	vm0 =	vlt.s32 v4, v9;
	v46 =	vmin.f32 v44, v40  }
0x18f: {  	v58 =	vlaneseq.u32;
	v28 =	vld [tilespmem:$0x1F8D0];
	v9 =	vsel vm0, v4, v9;
	v59 =	vmin.f32 v46, v47  }
0x190: {  	v13 =	vmax.f32 v16, v15;
	v15 =	vld [tilespmem:$0x1F8A0];
	vm3 =	veq.s32 v9, v58;
	v52 =	vsel vm2, v59, v0  }
0x191: {  	v54 =	vsel vm3, v52, v5;
	v5 =	vld [tilespmem:$0x1F8B0]  }
0x192: {  	v16 =	vld [tilespmem:$0x1F8E0]  }
0x193: {  	v2 =	vmax.f32 v30, v2;
	v30 =	vld [tilespmem:$0x1F8C0]  }
0x194: {  	v60 =	vld [tilespmem:$0x1FFC0]  }
0x195: {  	v4 =	vmax.f32 v26, v25;
	v25 =	vmax.f32 v33, v27;
	v27 =	vld [tilespmem:$0x1F910]  }
0x196: {  	v9 =	vld [tilespmem:$0x1F920];
	v56 =	vmin.f32 v15, v5  }
0x197: {  	v48 =	vld [tilespmem:$0x1F8F0];
	v57 =	vmin.f32 v56, v16  }
0x198: {  	[tilespmem:$0x1F990] =	vst v55;
	v26 =	vmax.f32 v31, v18;
	v31 =	vmin.f32 v57, v55;
	v55 =	vld [tilespmem:$0x1F900]  }
0x199: {  	v19 =	vld [tilespmem:$0x1FA90];
	v10 =	vmax.f32 v23, v21  }
0x19a: {  	v12 =	vmax.f32 v24, v29;
	v29 =	vld [tilespmem:$0x1FAB0];
	v23 =	vmax.f32 v62, v36;
	v50 =	vmin.f32 v31, v27  }
0x19b: {  	v49 =	vmin.f32 v30, v28;
	v0 =	vperm.xlane v54, v60;
	v36 =	vmin.f32 v50, v9  }
0x19c: {  	[tilespmem:$0x1F9B0] =	vst v38;
	v58 =	vmin.f32 v49, v48;
	v45 =	vmin.f32 v36, v38;
	v38 =	vld [tilespmem:$0x1FAD0]  }
0x19d: {  	v11 =	vld [tilespmem:$0x1F930];
	v62 =	vmin.f32 v54, v0;
	v18 =	vmin.f32 v58, v55  }
0x19e: {  	v33 =	vld [tilespmem:$0x1FFE0];
	v17 =	vperm.xlane v62, v61;
	v24 =	vmin.f32 v18, v19  }
0x19f: {  	v51 =	vmax.f32 v51, v3;
	[tilespmem:$0x1FAC0] =	vst v24;
	v3 =	vmin.f32 v24, v29;
	v24 =	vld [tilespmem:$0x1FAF0]  }
0x1a0: {  	v21 =	vmax.f32 v35, v1;
	v1 =	vmin.f32 v62, v17;
	v17 =	vld [tilespmem:$0x1F940]  }
0x1a1: {  	v60 =	vmin.f32 v3, v38;
	v38 =	vld [tilespmem:$0x1FFF0];
	_ =	sdelay $0x1  }
0x1a2: {  	[tilespmem:$0x1F9C0] =	vst v53;
	v62 =	vmax.f32 v37, v20;
	v37 =	vld [tilespmem:$0x1FB10];
	v35 =	vperm.xlane v1, v33  }
0x1a3: {  	[tilespmem:$0x1FAA0] =	vst v18;
	v18 =	vmin.f32 v45, v53;
	v29 =	vmin.f32 v60, v24;
	v24 =	vld [tilespmem:$0x1FB30]  }
0x1a4: {  	[tilespmem:$0x1F9D0] =	vst v22;
	v19 =	vmin.f32 v1, v35;
	v35 =	vmin.f32 v18, v11  }
0x1a5: {  	v33 =	vmin.f32 v35, v17;
	[tilespmem:$0x1FB00] =	vst v60;
	v60 =	vmax.f32 v41, v39;
	v41 =	vld [tilespmem:$0x1FB50];
	v53 =	vperm.xlane v19, v38  }
0x1a6: {  	[tilespmem:$0x1F9E0] =	vst v14;
	v38 =	vmin.f32 v33, v22  }
0x1a7: {  	[tilespmem:$0x1FA00] =	vst v10;
	v1 =	vmin.f32 v29, v37;
	v22 =	vmin.f32 v38, v63;
	v39 =	vmin.f32 v19, v53;
	v53 =	vld [tilespmem:$0x1FB70]  }
0x1a8: {  	[tilespmem:$0x1FB20] =	vst v29;
	v29 =	vmin.f32 v1, v24;
	v24 =	vmin.f32 v22, v14  }
0x1a9: {  	v20 =	vld [tilespmem:$0x1FB90];
	[tilespmem:$0x1FF80] =	vst v39;
	vm13 =	veq.f32 v54, v39;
	v39 =	vmin.f32 v24, v13  }
0x1aa: {  	[tilespmem:$0x1FAE0] =	vst v3;
	v3 =	vmin.f32 v29, v41;
	v41 =	vmin.f32 v39, v10;
	v10 =	vld [tilespmem:$0x1FFC0]  }
0x1ab: {  	[tilespmem:$0x1F9F0] =	vst v13  }
0x1ac: {  	[tilespmem:$0x1FB40] =	vst v1;
	v19 =	vmin.f32 v3, v53;
	v53 =	vld [tilespmem:$0x1FBB0]  }
0x1ad: {  	v14 =	vld [tilespmem:$0x1FBD0];
	[tilespmem:$0x1FB60] =	vst v29;
	v29 =	vlaneseq.u32  }
0x1ae: {  	v37 =	vnsel vm13, $0x10, v29;
	[tilespmem:$0x1FBA0] =	vst v19;
	v1 =	vmin.f32 v19, v20;
	v19 =	vld [tilespmem:$0x1FBF0]  }
0x1af: {  	[tilespmem:$0x1FA10] =	vst v51;
	v20 =	vld [tilespmem:$0x1FC10];
	v13 =	vperm.xlane v37, v10  }
0x1b0: {  	[tilespmem:$0x1FA30] =	vst v12;
	v29 =	vld [tilespmem:$0x1FC30]  }
0x1b1: {  	[tilespmem:$0x1FBC0] =	vst v1;
	v10 =	vmin.f32 v41, v51;
	v1 =	vmin.f32 v1, v53;
	vm0 =	vlt.s32 v37, v13  }
0x1b2: {  	v53 =	vmax.f32 v34, v32;
	[tilespmem:$0x1FBE0] =	vst v1;
	v1 =	vmin.f32 v1, v14;
	v34 =	vsel vm0, v37, v13;
	v13 =	vld [tilespmem:$0x1FC50]  }
0x1b3: {  	v51 =	vmin.f32 v10, v4;
	[tilespmem:$0x1FC00] =	vst v1;
	v1 =	vmin.f32 v1, v19;
	v37 =	vperm.xlane v34, v61  }
0x1b4: {  	v19 =	vmin.f32 v51, v12;
	[tilespmem:$0x1FC20] =	vst v1;
	v1 =	vmin.f32 v1, v20  }
0x1b5: {  	[tilespmem:$0x1FA60] =	vst v21;
	v14 =	vld [tilespmem:$0x1FC70];
	v32 =	vmin.f32 v1, v29;
	v29 =	vmin.f32 v19, v26;
	vm0 =	vlt.s32 v34, v37  }
0x1b6: {  	[tilespmem:$0x1FB80] =	vst v3;
	v20 =	vmin.f32 v29, v2;
	v0 =	vsel vm0, v34, v37;
	v37 =	vld [tilespmem:$0x1FFE0]  }
0x1b7: {  	[tilespmem:$0x1FC60] =	vst v32;
	v3 =	vmin.f32 v32, v13;
	v32 =	vmin.f32 v20, v21;
	v21 =	vld [tilespmem:$0x1FC90]  }
0x1b8: {  	[tilespmem:$0x1FA70] =	vst v23;
	v34 =	vld [tilespmem:$0x1FCB0]  }
0x1b9: {  	[tilespmem:$0x1FA40] =	vst v26;
	v12 =	vmax.f32 v43, v42;
	v43 =	vmax.f32 v44, v40;
	v44 =	vld [tilespmem:$0x1F950]  }
0x1ba: {  	v40 =	vld [tilespmem:$0x1FFF0];
	[tilespmem:$0x1FC40] =	vst v1  }
0x1bb: {  	v42 =	vld [tilespmem:$0x1FCE0];
	[tilespmem:$0x1FC80] =	vst v3;
	v3 =	vmin.f32 v3, v14;
	v1 =	vperm.xlane v0, v37  }
0x1bc: {  	[tilespmem:$0x1FA80] =	vst v25;
	v14 =	vld [tilespmem:$0x1FD00];
	v26 =	vmin.f32 v3, v21  }
0x1bd: {  	[tilespmem:$0x1FCA0] =	vst v3;
	v37 =	vld [tilespmem:$0x1FD20];
	v21 =	vmin.f32 v32, v23;
	v3 =	vmin.f32 v26, v34;
	vm0 =	vlt.s32 v0, v1  }
0x1be: {  	[tilespmem:$0x1FCC0] =	vst v26;
	v34 =	vmin.f32 v21, v25;
	v13 =	vmin.f32 v3, v44;
	v0 =	vsel vm0, v0, v1  }
0x1bf: {  	[tilespmem:$0x1FCD0] =	vst v3;
	v23 =	vmin.f32 v34, v62;
	v1 =	vperm.xlane v0, v40;
	v40 =	vmax.f32 v46, v47;
	v46 =	vld [tilespmem:$0x1F960]  }
0x1c0: {  	[tilespmem:$0x1FCF0] =	vst v13;
	v3 =	vmin.f32 v13, v42;
	v25 =	vmin.f32 v23, v60;
	v47 =	vld [tilespmem:$0x1FD50]  }
0x1c1: {  	[tilespmem:$0x1FD10] =	vst v3;
	v26 =	vmin.f32 v3, v14;
	v13 =	vmin.f32 v25, v53  }
0x1c2: {  	[tilespmem:$0x1FD30] =	vst v26;
	v3 =	vmin.f32 v26, v37;
	v26 =	vmin.f32 v13, v12  }
0x1c3: {  	[tilespmem:$0x1FA20] =	vst v4;
	v4 =	vlaneseq.u32;
	v14 =	vmin.f32 v26, v43  }
0x1c4: {  	vm0 =	vlt.s32 v0, v1;
	[tilespmem:$0x1FD40] =	vst v3;
	v37 =	vmin.f32 v14, v40;
	v42 =	vmin.f32 v3, v46  }
0x1c5: {  	v0 =	vsel vm0, v0, v1;
	[tilespmem:$0x1FD60] =	vst v42;
	v3 =	vmin.f32 v42, v47;
	v42 =	vsel vm2, v37, v59;
	v59 =	vld [tilespmem:$0x1FD70]  }
0x1c6: {  	vm0 =	veq.s32 v0, v4;
	v47 =	vsel vm3, v42, v52;
	v52 =	vld [tilespmem:$0x1F970]  }
0x1c7: {  	v15 =	vmax.f32 v15, v5;
	v5 =	vsel vm0, v47, v54;
	v54 =	vld [tilespmem:$0x1F980];
	_ =	sdelay $0x2  }
0x1c8: {  	v59 =	vmin.f32 v3, v59  }
0x1c9: {  	v1 =	vmin.f32 v59, v52  }
0x1ca: {  	[tilespmem:$0x1FDA0] =	vst v15;
	v4 =	vmin.f32 v1, v54  }
0x1cb: {  	[tilespmem:$0x1FD90] =	vst v1;
	v1 =	vmax.f32 v56, v16;
	v56 =	vmin.f32 v4, v15;
	v15 =	vld [tilespmem:$0x1FFC0];
	_ =	sdelay $0x2  }
0x1cc: {  	[tilespmem:$0x1FDB0] =	vst v4;
	v4 =	vmax.f32 v30, v28;
	v28 =	vld [tilespmem:$0x1F990];
	_ =	sdelay $0x1  }
0x1cd: {  	v16 =	vperm.xlane v5, v15;
	v15 =	vld [tilespmem:$0x1F9B0];
	_ =	sdelay $0x2  }
0x1ce: {  	v0 =	vmax.f32 v57, v28;
	v57 =	vmin.f32 v56, v1  }
0x1cf: {  	v30 =	vmax.f32 v31, v27;
	[tilespmem:$0x1FDD0] =	vst v0;
	v31 =	vmin.f32 v57, v0;
	v0 =	vmax.f32 v50, v9;
	v9 =	vld [tilespmem:$0x1F9A0]  }
0x1d0: {  	v27 =	vmax.f32 v36, v15;
	v36 =	vld [tilespmem:$0x1F9C0]  }
0x1d1: {  	[tilespmem:$0x1FD80] =	vst v3;
	v3 =	vmin.f32 v5, v16  }
0x1d2: {  	[tilespmem:$0x1FA50] =	vst v2;
	v50 =	vmin.f32 v31, v30;
	v16 =	vperm.xlane v3, v61  }
0x1d3: {  	[tilespmem:$0x1FDF0] =	vst v30;
	v30 =	vmin.f32 v50, v0  }
0x1d4: {  	[tilespmem:$0x1FE00] =	vst v0;
	v15 =	vmax.f32 v18, v11;
	v18 =	vld [tilespmem:$0x1FFE0];
	v2 =	vmin.f32 v9, v4;
	v9 =	vmin.f32 v3, v16  }
0x1d5: {  	[tilespmem:$0x1FE10] =	vst v27;
	v16 =	vmin.f32 v30, v27;
	v27 =	vmax.f32 v49, v48;
	v48 =	vld [tilespmem:$0x1F9D0];
	v45 =	vmax.f32 v45, v36  }
0x1d6: {  	[tilespmem:$0x1FE30] =	vst v45;
	v28 =	vmin.f32 v16, v45;
	v45 =	vmax.f32 v35, v17;
	v17 =	vld [tilespmem:$0x1F9F0]  }
0x1d7: {  	[tilespmem:$0x1FE40] =	vst v15;
	v35 =	vmin.f32 v28, v15;
	v15 =	vld [tilespmem:$0x1F9E0]  }
0x1d8: {  	[tilespmem:$0x1FE50] =	vst v45;
	v0 =	vmin.f32 v35, v45;
	v45 =	vld [tilespmem:$0x1FA20]  }
0x1d9: {  	v63 =	vmax.f32 v38, v63;
	[tilespmem:$0x1FE20] =	vst v30;
	v30 =	vld [tilespmem:$0x1FA00]  }
0x1da: {  	v38 =	vld [tilespmem:$0x1FA10];
	[tilespmem:$0x1FE70] =	vst v63;
	v53 =	vmax.f32 v25, v53;
	v49 =	vmax.f32 v33, v48  }
0x1db: {  	v25 =	vmax.f32 v14, v40;
	[tilespmem:$0x1FDC0] =	vst v1;
	v4 =	vld [tilespmem:$0x1FFF0];
	v1 =	vperm.xlane v9, v18;
	v18 =	vmin.f32 v0, v49  }
0x1dc: {  	v14 =	vld [tilespmem:$0x1FFC0];
	[tilespmem:$0x1FDE0] =	vst v31;
	v36 =	vmin.f32 v2, v27;
	v2 =	vmin.f32 v18, v63;
	v22 =	vmax.f32 v22, v15  }
0x1dd: {  	[tilespmem:$0x1FE60] =	vst v49;
	v27 =	vmax.f32 v24, v17;
	v33 =	vmin.f32 v2, v22;
	v49 =	vmax.f32 v10, v45;
	v45 =	vld [tilespmem:$0x1FA50]  }
0x1de: {  	v31 =	vmax.f32 v39, v30;
	[tilespmem:$0x1FE90] =	vst v27;
	v48 =	vmin.f32 v33, v27;
	v27 =	vld [tilespmem:$0x1FFC0]  }
0x1df: {  	v39 =	vmax.f32 v41, v38;
	v1 =	vmin.f32 v9, v1;
	[tilespmem:$0x1FEA0] =	vst v31;
	v15 =	vmin.f32 v48, v31;
	v31 =	vld [tilespmem:$0x1FA30]  }
0x1e0: {  	[tilespmem:$0x1FEB0] =	vst v39;
	v11 =	vperm.xlane v1, v4;
	v63 =	vmin.f32 v15, v39;
	v39 =	vld [tilespmem:$0x1FA40]  }
0x1e1: {  	[tilespmem:$0x1FEC0] =	vst v15;
	v15 =	vld [tilespmem:$0x1FB30]  }
0x1e2: {  	v1 =	vmin.f32 v1, v11;
	[tilespmem:$0x1FED0] =	vst v49;
	v24 =	vmin.f32 v63, v49;
	v49 =	vmax.f32 v29, v45;
	v29 =	vld [tilespmem:$0x1FA70]  }
0x1e3: {  	v41 =	vlaneseq.u32;
	vm1 =	veq.f32 v5, v1;
	v45 =	vld [tilespmem:$0x1FAC0]  }
0x1e4: {  	[tilespmem:$0x1FF90] =	vst v1;
	v1 =	vnsel vm1, $0x10, v41;
	v38 =	vmax.f32 v51, v31;
	v51 =	vld [tilespmem:$0x1FA60]  }
0x1e5: {  	v30 =	vmax.f32 v58, v55;
	[tilespmem:$0x1FE80] =	vst v22;
	v11 =	vperm.xlane v1, v27;
	v31 =	vld [tilespmem:$0x1FFE0]  }
0x1e6: {  	[tilespmem:$0x1FEF0] =	vst v24;
	v41 =	vmax.f32 v19, v39;
	v24 =	vmin.f32 v24, v38;
	v19 =	vmin.f32 v36, v30;
	v30 =	vld [tilespmem:$0x1FA80]  }
0x1e7: {  	[tilespmem:$0x1FF20] =	vst v41;
	v22 =	vmin.f32 v24, v41;
	v41 =	vld [tilespmem:$0x1FFF0]  }
0x1e8: {  	vm1 =	vlt.s32 v1, v11;
	[tilespmem:$0x1FF10] =	vst v24;
	v24 =	vmax.f32 v26, v43;
	v43 =	vld [tilespmem:$0x1FAB0]  }
0x1e9: {  	v1 =	vsel vm1, v1, v11;
	v11 =	vld [tilespmem:$0x1FB00]  }
0x1ea: {  	[tilespmem:$0x1FEE0] =	vst v63;
	v63 =	vmax.f32 v32, v29;
	v32 =	vld [tilespmem:$0x1FA90]  }
0x1eb: {  	[tilespmem:$0x1FF30] =	vst v49;
	v17 =	vmin.f32 v22, v49;
	v58 =	vperm.xlane v1, v61;
	v49 =	vmax.f32 v23, v60;
	v60 =	vld [tilespmem:$0x1FAE0]  }
0x1ec: {  	v29 =	vmax.f32 v13, v12;
	v12 =	vld [tilespmem:$0x1FB10]  }
0x1ed: {  	v13 =	vld [tilespmem:$0x1FB20];
	vm1 =	vlt.s32 v1, v58  }
0x1ee: {  	v39 =	vmax.f32 v21, v30;
	v21 =	vmax.f32 v34, v62;
	v1 =	vsel vm1, v1, v58;
	v34 =	vld [tilespmem:$0x1FAA0]  }
0x1ef: {  	[tilespmem:$0x1FF40] =	vst v22;
	v22 =	vld [tilespmem:$0x1FB70];
	v55 =	vmax.f32 v20, v51;
	v4 =	vperm.xlane v1, v31  }
0x1f0: {  	[tilespmem:$0x1FF00] =	vst v38;
	v51 =	vld [tilespmem:$0x1FAD0];
	v38 =	vmin.f32 v17, v55  }
0x1f1: {  	v20 =	vld [tilespmem:$0x1FB60];
	v36 =	vmin.f32 v38, v63;
	vm1 =	vlt.s32 v1, v4  }
0x1f2: {  	[tilespmem:$0x1FF50] =	vst v17;
	v17 =	vld [tilespmem:$0x1FB40];
	v62 =	vmin.f32 v36, v39;
	v1 =	vsel vm1, v1, v4  }
0x1f3: {  	[tilespmem:$0x1FF60] =	vst v55;
	v55 =	vmin.f32 v62, v21;
	v10 =	vmax.f32 v34, v32;
	v4 =	vperm.xlane v1, v41;
	v41 =	vld [tilespmem:$0x1FB90]  }
0x1f4: {  	v23 =	vmin.f32 v55, v49;
	v9 =	vmin.f32 v19, v10;
	v19 =	vld [tilespmem:$0x1FB50]  }
0x1f5: {  	v31 =	vmin.f32 v23, v53;
	v10 =	vmax.f32 v45, v43;
	v43 =	vld [tilespmem:$0x1FBB0]  }
0x1f6: {  	v30 =	vmin.f32 v31, v29;
	v45 =	vld [tilespmem:$0x1FBC0]  }
0x1f7: {  	v27 =	vmin.f32 v30, v24;
	vm1 =	vlt.s32 v1, v4;
	v9 =	vmin.f32 v9, v10;
	v10 =	vld [tilespmem:$0x1FAF0]  }
0x1f8: {  	v26 =	vmin.f32 v27, v25;
	v1 =	vsel vm1, v1, v4;
	v4 =	vmax.f32 v60, v51;
	v60 =	vld [tilespmem:$0x1FBE0]  }
0x1f9: {  	v3 =	vlaneseq.u32;
	v32 =	vsel vm2, v26, v37;
	v37 =	vld [tilespmem:$0x1FB80]  }
0x1fa: {  	vm1 =	veq.s32 v1, v3;
	v3 =	vmax.f32 v13, v12;
	v12 =	vld [tilespmem:$0x1FC10]  }
0x1fb: {  	v13 =	vld [tilespmem:$0x1FC20]  }
0x1fc: {  	v58 =	vsel vm3, v32, v42;
	v42 =	vld [tilespmem:$0x1FBA0]  }
0x1fd: {  	v51 =	vsel vm0, v58, v47;
	v47 =	vld [tilespmem:$0x1FBD0]  }
0x1fe: {  	v34 =	vsel vm1, v51, v5;
	v5 =	vld [tilespmem:$0x1FFE0]  }
0x1ff: {  	v9 =	vmin.f32 v9, v4;
	v4 =	vmax.f32 v11, v10;
	v10 =	vld [tilespmem:$0x1FBF0]  }
0x200: {  	v11 =	vld [tilespmem:$0x1FC00]  }
0x201: {  	v1 =	vmin.f32 v9, v4;
	v4 =	vperm.xlane v34, v14;
	v14 =	vld [tilespmem:$0x1FC30]  }
0x202: {  	v1 =	vmin.f32 v1, v3;
	v3 =	vmax.f32 v17, v15;
	v15 =	vld [tilespmem:$0x1FC40]  }
0x203: {  	v17 =	vld [tilespmem:$0x1180]  }
0x204: {  	v1 =	vmin.f32 v1, v3;
	v3 =	vmax.f32 v20, v19;
	v19 =	vld [tilespmem:$0x1FCB0]  }
0x205: {  	v20 =	vld [tilespmem:$0x1FCC0]  }
0x206: {  	v1 =	vmin.f32 v1, v3;
	v3 =	vmax.f32 v37, v22;
	v37 =	vld [tilespmem:$0x1FFF0]  }
0x207: {  	v4 =	vmin.f32 v34, v4;
	v22 =	vld [tilespmem:$0xD90]  }
0x208: {  	v40 =	vperm.xlane v4, v61;
	v1 =	vmin.f32 v1, v3;
	v3 =	vmax.f32 v42, v41;
	v41 =	vld [tilespmem:$0x1FC60]  }
0x209: {  	v42 =	vld [tilespmem:$0x1FC70]  }
0x20a: {  	v4 =	vmin.f32 v4, v40;
	v40 =	vld [tilespmem:$0x1FC50]  }
0x20b: {  	v1 =	vmin.f32 v1, v3;
	v3 =	vmax.f32 v45, v43;
	v43 =	vld [tilespmem:$0x1FC80]  }
0x20c: {  	v45 =	vld [tilespmem:$0x1FC90]  }
0x20d: {  	v1 =	vmin.f32 v1, v3;
	v3 =	vmax.f32 v60, v47;
	v47 =	vld [tilespmem:$0x1FCA0]  }
0x20e: {  	v9 =	vperm.xlane v4, v5;
	v60 =	vld [tilespmem:$0x1580]  }
0x20f: {  	v1 =	vmin.f32 v1, v3;
	v3 =	vmax.f32 v11, v10;
	v10 =	vsub.f32 v17, v8;
	v17 =	vld [tilespmem:$0x1FD10]  }
0x210: {  	v4 =	vmin.f32 v4, v9;
	v9 =	vld [tilespmem:$0xD80]  }
0x211: {  	v1 =	vmin.f32 v1, v3;
	v3 =	vmax.f32 v13, v12;
	v13 =	vld [tilespmem:$0x11A0]  }
0x212: {  	v1 =	vmin.f32 v1, v3;
	v3 =	vmax.f32 v15, v14;
	v14 =	vld [tilespmem:$0x1FD00]  }
0x213: {  	v15 =	vld [tilespmem:$0xDB0]  }
0x214: {  	v1 =	vmin.f32 v1, v3;
	v3 =	vmax.f32 v41, v40;
	v41 =	vld [tilespmem:$0x1FFC0]  }
0x215: {  	v11 =	vperm.xlane v4, v37;
	v40 =	vld [tilespmem:$0x1190]  }
0x216: {  	v1 =	vmin.f32 v1, v3;
	v3 =	vmax.f32 v43, v42;
	v43 =	vld [tilespmem:$0x1FCD0]  }
0x217: {  	v4 =	vmin.f32 v4, v11;
	v11 =	vsub.f32 v22, v7;
	v22 =	vld [tilespmem:$0x1FD30]  }
0x218: {  	v1 =	vmin.f32 v1, v3;
	v3 =	vmax.f32 v47, v45;
	v45 =	vld [tilespmem:$0x1FCE0]  }
0x219: {  	v47 =	vld [tilespmem:$0x1FCF0]  }
0x21a: {  	v37 =	vlaneseq.u32;
	v10 =	vmul.f32 v10, v10;
	[tilespmem:$0x1FFA0] =	vst v4;
	vm4 =	veq.f32 v34, v4;
	v4 =	vld [tilespmem:$0xDA0]  }
0x21b: {  	v1 =	vmin.f32 v1, v3;
	v3 =	vmax.f32 v20, v19;
	v9 =	vsub.f32 v9, v7;
	v20 =	vld [tilespmem:$0x1FD20]  }
0x21c: {  	v12 =	vnsel vm4, $0x10, v37;
	v1 =	vmin.f32 v1, v3;
	v3 =	vmax.f32 v43, v44;
	v44 =	vld [tilespmem:$0x1590]  }
0x21d: {  	v42 =	vperm.xlane v12, v41;
	v9 =	vmul.f32 v9, v9;
	v43 =	vld [tilespmem:$0x1FD80]  }
0x21e: {  	v19 =	vsub.f32 v40, v8;
	v1 =	vmin.f32 v1, v3;
	v3 =	vmax.f32 v47, v45;
	v47 =	vld [tilespmem:$0x1FD40]  }
0x21f: {  	vm4 =	vlt.s32 v12, v42;
	v9 =	vadd.f32 v10, v9;
	v10 =	vmax.f32 v17, v14;
	v14 =	vld [tilespmem:$0xDC0]  }
0x220: {  	v37 =	vsel vm4, v12, v42;
	v1 =	vmin.f32 v1, v3;
	v12 =	vmul.f32 v19, v19;
	v19 =	vld [tilespmem:$0x1FD50]  }
0x221: {  	v60 =	vsub.f32 v60, v6;
	v1 =	vmin.f32 v1, v10;
	v10 =	vmax.f32 v22, v20;
	v20 =	vld [tilespmem:$0x1FD60]  }
0x222: {  	v11 =	vmul.f32 v11, v11;
	v22 =	vsub.f32 v13, v8;
	v13 =	vld [tilespmem:$0x15A0]  }
0x223: {  	v3 =	vmul.f32 v60, v60;
	v1 =	vmin.f32 v1, v10;
	v10 =	vld [tilespmem:$0x15B0]  }
0x224: {  	v60 =	vadd.f32 v12, v11;
	v12 =	vld [tilespmem:$0x11E0]  }
0x225: {  	v40 =	vsub.f32 v44, v6;
	v44 =	vadd.f32 v3, v9;
	v9 =	vld [tilespmem:$0x11B0]  }
0x226: {  	v3 =	vmax.f32 v47, v46;
	v47 =	vmul.f32 v22, v22;
	v22 =	vld [tilespmem:$0x1FDA0]  }
0x227: {  	v17 =	vmul.f32 v40, v40;
	v40 =	vld [tilespmem:$0x1FD70]  }
0x228: {  	v4 =	vsub.f32 v4, v7;
	v11 =	vmax.f32 v20, v19;
	v19 =	vld [tilespmem:$0x1FD90]  }
0x229: {  	v20 =	vld [tilespmem:$0x11C0];
	v45 =	vadd.f32 v17, v60;
	v17 =	vsub.f32 v15, v7  }
0x22a: {  	v46 =	vmul.f32 v4, v4;
	v60 =	vmax.f32 v59, v52;
	v52 =	vld [tilespmem:$0x11D0]  }
0x22b: {  	v1 =	vmin.f32 v1, v3;
	v9 =	vsub.f32 v9, v8;
	v59 =	vmul.f32 v17, v17;
	v17 =	vld [tilespmem:$0xDD0]  }
0x22c: {  	v1 =	vmin.f32 v1, v11;
	v10 =	vsub.f32 v10, v6;
	v3 =	vmax.f32 v43, v40;
	v40 =	vld [tilespmem:$0x1FDB0]  }
0x22d: {  	v9 =	vmul.f32 v9, v9;
	v1 =	vmin.f32 v1, v3;
	v3 =	vadd.f32 v47, v46;
	v46 =	vld [tilespmem:$0x1FDC0]  }
0x22e: {  	v10 =	vmul.f32 v10, v10;
	v4 =	vmax.f32 v19, v54;
	v19 =	vld [tilespmem:$0x15D0];
	v1 =	vmin.f32 v1, v60  }
0x22f: {  	v11 =	vsub.f32 v20, v8;
	v20 =	vld [tilespmem:$0x1FDE0];
	v1 =	vmin.f32 v1, v4;
	v4 =	vadd.f32 v9, v59  }
0x230: {  	v60 =	vld [tilespmem:$0x15C0]  }
0x231: {  	v10 =	vadd.f32 v10, v4;
	v4 =	vld [tilespmem:$0xDE0]  }
0x232: {  	v14 =	vsub.f32 v14, v7;
	v15 =	vmax.f32 v40, v22;
	v40 =	vld [tilespmem:$0x1FDF0]  }
0x233: {  	v13 =	vsub.f32 v13, v6;
	v11 =	vmul.f32 v11, v11;
	v47 =	vmax.f32 v56, v46;
	v56 =	vld [tilespmem:$0x1FDD0]  }
0x234: {  	v1 =	vmin.f32 v1, v15;
	v46 =	vsub.f32 v17, v7;
	v15 =	vsub.f32 v52, v8;
	v52 =	vld [tilespmem:$0x1FE00]  }
0x235: {  	v1 =	vmin.f32 v1, v47;
	v59 =	vsub.f32 v60, v6;
	v60 =	vmul.f32 v14, v14;
	v47 =	vld [tilespmem:$0xDF0]  }
0x236: {  	v14 =	vmul.f32 v46, v46;
	v46 =	vld [tilespmem:$0xE00]  }
0x237: {  	v54 =	vmul.f32 v13, v13;
	v15 =	vmul.f32 v15, v15;
	v9 =	vadd.f32 v11, v60;
	v11 =	vld [tilespmem:$0x11F0]  }
0x238: {  	v60 =	vsub.f32 v19, v6;
	v19 =	vld [tilespmem:$0x1FE30]  }
0x239: {  	v22 =	vadd.f32 v54, v3;
	v3 =	vmul.f32 v59, v59;
	v59 =	vadd.f32 v15, v14;
	v15 =	vld [tilespmem:$0xE10]  }
0x23a: {  	v57 =	vmax.f32 v57, v56;
	v56 =	vld [tilespmem:$0x1FE10]  }
0x23b: {  	v54 =	vmax.f32 v50, v52;
	v50 =	vld [tilespmem:$0x1200]  }
0x23c: {  	v13 =	vmax.f32 v20, v40;
	v1 =	vmin.f32 v1, v57;
	v57 =	vld [tilespmem:$0x1FE20]  }
0x23d: {  	v52 =	vld [tilespmem:$0x15E0];
	v47 =	vsub.f32 v47, v7;
	v1 =	vmin.f32 v1, v13  }
0x23e: {  	v1 =	vmin.f32 v1, v54;
	v54 =	vld [tilespmem:$0x1FE40]  }
0x23f: {  	v20 =	vmax.f32 v16, v19;
	v16 =	vmul.f32 v47, v47;
	v47 =	vld [tilespmem:$0x1FE80]  }
0x240: {  	v17 =	vsub.f32 v50, v8;
	v50 =	vld [tilespmem:$0x1210]  }
0x241: {  	v3 =	vadd.f32 v3, v9;
	v9 =	vmax.f32 v57, v56;
	v57 =	vld [tilespmem:$0x15F0]  }
0x242: {  	v11 =	vsub.f32 v11, v8;
	v1 =	vmin.f32 v1, v9;
	v9 =	vmul.f32 v60, v60;
	v60 =	vld [tilespmem:$0x1600]  }
0x243: {  	v12 =	vsub.f32 v12, v8;
	v4 =	vsub.f32 v4, v7;
	v56 =	vmax.f32 v28, v54;
	v28 =	vld [tilespmem:$0x1FE70]  }
0x244: {  	v11 =	vmul.f32 v11, v11;
	v14 =	vmin.f32 v1, v20;
	v1 =	vadd.f32 v9, v59;
	v59 =	vld [tilespmem:$0x1FE50]  }
0x245: {  	v5 =	vmin.f32 v14, v56;
	v14 =	vld [tilespmem:$0x1FE60]  }
0x246: {  	v12 =	vmul.f32 v12, v12;
	v4 =	vmul.f32 v4, v4;
	v11 =	vadd.f32 v11, v16;
	v54 =	vld [tilespmem:$0x1610]  }
0x247: {  	v16 =	vsub.f32 v46, v7;
	v2 =	vmax.f32 v2, v47;
	v47 =	vld [tilespmem:$0x1FEC0];
	v46 =	vsub.f32 v57, v6  }
0x248: {  	v4 =	vadd.f32 v12, v4;
	v57 =	vld [tilespmem:$0x1FE90]  }
0x249: {  	v13 =	vsub.f32 v60, v6;
	v60 =	vld [tilespmem:$0xE20];
	v56 =	vmul.f32 v46, v46;
	v9 =	vmax.f32 v35, v59  }
0x24a: {  	v46 =	vld [tilespmem:$0x1FEB0];
	v0 =	vmax.f32 v0, v14;
	v35 =	vsub.f32 v52, v6;
	v5 =	vmin.f32 v5, v9  }
0x24b: {  	v12 =	vmul.f32 v17, v17;
	v0 =	vmin.f32 v5, v0;
	v5 =	vmax.f32 v18, v28;
	v28 =	vld [tilespmem:$0x1FEA0]  }
0x24c: {  	v50 =	vsub.f32 v50, v8;
	v9 =	vmul.f32 v16, v16;
	v52 =	vmul.f32 v35, v35;
	v35 =	vld [tilespmem:$0x1220]  }
0x24d: {  	v59 =	vmax.f32 v33, v57;
	v57 =	vld [tilespmem:$0x1620]  }
0x24e: {  	v9 =	vadd.f32 v12, v9;
	v12 =	vmul.f32 v50, v50;
	v50 =	vld [tilespmem:$0x1FF20]  }
0x24f: {  	v0 =	vmin.f32 v0, v5;
	v5 =	vadd.f32 v52, v4;
	v52 =	vsub.f32 v54, v6;
	v54 =	vld [tilespmem:$0x1FED0]  }
0x250: {  	v13 =	vmul.f32 v13, v13;
	v0 =	vmin.f32 v0, v2;
	v2 =	vadd.f32 v56, v11;
	v56 =	vld [tilespmem:$0x1FEE0]  }
0x251: {  	v20 =	vmin.f32 v0, v59;
	v59 =	vld [tilespmem:$0xE30]  }
0x252: {  	v0 =	vadd.f32 v13, v9;
	v9 =	vmax.f32 v47, v46;
	v46 =	vld [tilespmem:$0x1230]  }
0x253: {  	v60 =	vsub.f32 v60, v7;
	v47 =	vld [tilespmem:$0x1630]  }
0x254: {  	v33 =	vmax.f32 v48, v28;
	v28 =	vsub.f32 v35, v8;
	v35 =	vld [tilespmem:$0x1FF00]  }
0x255: {  	v48 =	vsub.f32 v15, v7;
	v15 =	vmul.f32 v60, v60;
	v60 =	vld [tilespmem:$0x1FF60]  }
0x256: {  	v4 =	vmin.f32 v20, v33;
	v33 =	vld [tilespmem:$0x1FEF0]  }
0x257: {  	v14 =	vsub.f32 v57, v6;
	v11 =	vmul.f32 v48, v48;
	v48 =	vld [tilespmem:$0x1FF10]  }
0x258: {  	v40 =	vlaneseq.u32;
	v4 =	vmin.f32 v4, v9;
	v9 =	vmul.f32 v52, v52;
	v52 =	vld [tilespmem:$0x1FF30]  }
0x259: {  	v13 =	vmax.f32 v56, v54;
	v16 =	vmul.f32 v28, v28;
	v54 =	vld [tilespmem:$0x1FF40];
	v14 =	vmul.f32 v14, v14  }
0x25a: {  	v56 =	vld [tilespmem:$0xE40];
	v4 =	vmin.f32 v4, v13;
	v13 =	vsub.f32 v59, v7;
	v57 =	vsub.f32 v46, v8  }
0x25b: {  	v28 =	vld [tilespmem:$0x1240];
	v46 =	vmax.f32 v36, v39;
	v39 =	vmax.f32 v30, v24;
	v11 =	vadd.f32 v12, v11  }
0x25c: {  	v59 =	vld [tilespmem:$0x1FF50];
	v15 =	vadd.f32 v16, v15;
	v13 =	vmul.f32 v13, v13;
	v16 =	vmul.f32 v57, v57  }
0x25d: {  	v36 =	vld [tilespmem:$0xE70];
	v17 =	vmax.f32 v33, v35;
	v9 =	vadd.f32 v9, v11;
	v33 =	vsub.f32 v47, v6  }
0x25e: {  	v42 =	vld [tilespmem:$0x1FFE0];
	v35 =	vmax.f32 v38, v63;
	v12 =	vadd.f32 v14, v15;
	v63 =	vmax.f32 v23, v53  }
0x25f: {  	v38 =	vld [tilespmem:$0x1640];
	v4 =	vmin.f32 v4, v17;
	v17 =	vmax.f32 v48, v50;
	v11 =	vmax.f32 v54, v52  }
0x260: {  	v47 =	vld [tilespmem:$0xE50];
	v13 =	vadd.f32 v16, v13;
	v52 =	vmax.f32 v62, v21;
	v54 =	vsub.f32 v56, v7  }
0x261: {  	v50 =	vld [tilespmem:$0x1250];
	v18 =	vsub.f32 v28, v8;
	v56 =	vmax.f32 v55, v49;
	v4 =	vmin.f32 v4, v17  }
0x262: {  	v28 =	vld [tilespmem:$0xE60];
	v17 =	vmax.f32 v59, v60;
	v48 =	vmul.f32 v33, v33;
	v21 =	vsub.f32 v36, v7  }
0x263: {  	v55 =	vld [tilespmem:$0x1680];
	v4 =	vmin.f32 v4, v11;
	v57 =	vmul.f32 v54, v54;
	v59 =	vmul.f32 v18, v18  }
0x264: {  	v60 =	vld [tilespmem:$0x1650];
	v4 =	vmin.f32 v4, v17;
	v11 =	vadd.f32 v48, v13;
	v48 =	vperm.xlane v37, v61  }
0x265: {  	v33 =	vld [tilespmem:$0x1260];
	v21 =	vmul.f32 v21, v21;
	v4 =	vmin.f32 v4, v35;
	v62 =	vsub.f32 v38, v6  }
0x266: {  	v36 =	vld [tilespmem:$0x12A0];
	v15 =	vsub.f32 v47, v7;
	v16 =	vadd.f32 v59, v57;
	v35 =	vmax.f32 v31, v29  }
0x267: {  	v54 =	vld [tilespmem:$0x1280];
	v47 =	vmax.f32 v27, v25;
	v4 =	vmin.f32 v4, v46;
	v14 =	vsub.f32 v50, v8  }
0x268: {  	v38 =	vld [tilespmem:$0x1270];
	vm14 =	vlt.s32 v37, v48;
	v20 =	vsub.f32 v28, v7;
	v4 =	vmin.f32 v4, v52  }
0x269: {  	v57 =	vld [tilespmem:$0xE90];
	v13 =	vmul.f32 v62, v62;
	v15 =	vmul.f32 v15, v15;
	v49 =	vsub.f32 v60, v6  }
0x26a: {  	v46 =	vld [tilespmem:$0x1660];
	v53 =	vsel vm14, v37, v48;
	v17 =	vsub.f32 v33, v8;
	v14 =	vmul.f32 v14, v14  }
0x26b: {  	v50 =	vld [tilespmem:$0x1670];
	v4 =	vmin.f32 v4, v56;
	v20 =	vmul.f32 v20, v20;
	v37 =	vperm.xlane v53, v42  }
0x26c: {  	v59 =	vld [tilespmem:$0x1290];
	v4 =	vmin.f32 v4, v63;
	v13 =	vadd.f32 v13, v16;
	v16 =	vmul.f32 v49, v49  }
0x26d: {  	v56 =	vmul.f32 v17, v17;
	v14 =	vadd.f32 v14, v15;
	v19 =	vsub.f32 v38, v8  }
0x26e: {  	v52 =	vld [tilespmem:$0xE80];
	v4 =	vmin.f32 v4, v35;
	v35 =	vsub.f32 v54, v8;
	v38 =	vsub.f32 v55, v6  }
0x26f: {  	v49 =	vsub.f32 v57, v7;
	v55 =	vmin.f32 v44, $3.000000010e+38;
	v24 =	vsub.f32 v46, v6  }
0x270: {  	v33 =	vld [tilespmem:$0xEA0];
	v4 =	vmin.f32 v4, v39;
	v18 =	vsub.f32 v50, v6;
	v60 =	vadd.f32 v56, v20  }
0x271: {  	v50 =	vsub.f32 v59, v8;
	v56 =	vsub.f32 v36, v8;
	v30 =	vmin.f32 v55, v45  }
0x272: {  	v63 =	vld [tilespmem:$0x1690];
	v4 =	vmin.f32 v4, v47;
	v19 =	vmul.f32 v19, v19;
	v17 =	vadd.f32 v16, v14  }
0x273: {  	v54 =	vld [tilespmem:$0xEC0];
	v15 =	vsub.f32 v52, v7;
	v47 =	vmul.f32 v35, v35;
	v22 =	vmin.f32 v30, v22  }
0x274: {  	v57 =	vld [tilespmem:$0x12C0];
	v4 =	vsel vm2, v4, v26;
	v62 =	vmul.f32 v24, v24;
	v31 =	vmul.f32 v18, v18  }
0x275: {  	v44 =	vld [tilespmem:$0x12E0];
	vm2 =	vlt.s32 v53, v37;
	v23 =	vmul.f32 v50, v50;
	v24 =	vsub.f32 v33, v7  }
0x276: {  	v48 =	vld [tilespmem:$0xEB0];
	v10 =	vmin.f32 v22, v10;
	v19 =	vadd.f32 v19, v21;
	v39 =	vmul.f32 v15, v15  }
0x277: {  	v46 =	vld [tilespmem:$0x16A0];
	v16 =	vsel vm3, v4, v32;
	v15 =	vsel vm2, v53, v37;
	v20 =	vsub.f32 v63, v6  }
0x278: {  	v36 =	vld [tilespmem:$0x16D0];
	v4 =	vmul.f32 v49, v49;
	v10 =	vmin.f32 v10, v3;
	v18 =	vadd.f32 v62, v60  }
0x279: {  	v52 =	vld [tilespmem:$0x12B0];
	v59 =	vmul.f32 v24, v24;
	v29 =	vsub.f32 v54, v7;
	v25 =	vsub.f32 v57, v8  }
0x27a: {  	v33 =	vld [tilespmem:$0x12D0];
	v1 =	vmin.f32 v10, v1;
	v55 =	vsub.f32 v44, v8;
	v16 =	vsel vm0, v16, v58  }
0x27b: {  	v53 =	vld [tilespmem:$0x16B0];
	v14 =	vadd.f32 v31, v19;
	v21 =	vadd.f32 v47, v39;
	v19 =	vmul.f32 v38, v38  }
0x27c: {  	v60 =	vld [tilespmem:$0x16C0];
	v4 =	vadd.f32 v23, v4;
	v20 =	vmul.f32 v20, v20;
	v31 =	vsub.f32 v48, v7  }
0x27d: {  	v62 =	vld [tilespmem:$0xED0];
	v63 =	vsub.f32 v46, v6;
	v50 =	vsub.f32 v36, v6;
	v1 =	vmin.f32 v1, v5  }
0x27e: {  	v38 =	vld [tilespmem:$0xEE0];
	v27 =	vsub.f32 v52, v8;
	v39 =	vmul.f32 v29, v29;
	v25 =	vmul.f32 v25, v25  }
0x27f: {  	v46 =	vld [tilespmem:$0xEF0];
	v1 =	vmin.f32 v1, v2;
	v19 =	vadd.f32 v19, v21;
	v21 =	vmul.f32 v56, v56  }
0x280: {  	v47 =	vld [tilespmem:$0x12F0];
	v20 =	vadd.f32 v20, v4;
	v35 =	vmul.f32 v31, v31;
	v4 =	vmul.f32 v63, v63  }
0x281: {  	v48 =	vld [tilespmem:$0x16E0];
	v26 =	vsub.f32 v33, v8;
	v10 =	vmul.f32 v50, v50;
	v0 =	vmin.f32 v1, v0  }
0x282: {  	v49 =	vld [tilespmem:$0x16F0];
	v27 =	vmul.f32 v27, v27;
	v37 =	vsub.f32 v53, v6;
	v25 =	vadd.f32 v25, v39  }
0x283: {  	v44 =	vld [tilespmem:$0x1320];
	v9 =	vmin.f32 v0, v9;
	v21 =	vadd.f32 v21, v59;
	v24 =	vsub.f32 v60, v6  }
0x284: {  	v58 =	vld [tilespmem:$0x1940];
	v45 =	vsub.f32 v62, v7;
	v26 =	vmul.f32 v26, v26;
	v23 =	vadd.f32 v27, v35  }
0x285: {  	v56 =	vld [tilespmem:$0x1300];
	v9 =	vmin.f32 v9, v12;
	v54 =	vsub.f32 v38, v7;
	v57 =	vsub.f32 v46, v7  }
0x286: {  	v63 =	vld [tilespmem:$0x1310];
	v22 =	vmul.f32 v37, v37;
	v28 =	vsub.f32 v47, v8;
	v60 =	vsub.f32 v48, v6  }
0x287: {  	v33 =	vld [tilespmem:$0x1710];
	v9 =	vmin.f32 v9, v11;
	v24 =	vmul.f32 v24, v24;
	v21 =	vadd.f32 v4, v21  }
0x288: {  	v53 =	vld [tilespmem:$0xF00];
	v31 =	vmul.f32 v45, v45;
	v9 =	vmin.f32 v9, v13;
	v4 =	vadd.f32 v22, v23  }
0x289: {  	v59 =	vld [tilespmem:$0x1700];
	v5 =	vmul.f32 v54, v54;
	v22 =	vsub.f32 v49, v6;
	v27 =	vmul.f32 v57, v57  }
0x28a: {  	v62 =	vld [tilespmem:$0xF10];
	v28 =	vmul.f32 v28, v28;
	v35 =	vmul.f32 v60, v60;
	v39 =	vsub.f32 v56, v8  }
0x28b: {  	v50 =	vld [tilespmem:$0x1330];
	v49 =	vsub.f32 v63, v8;
	v54 =	vsub.f32 v44, v8;
	v9 =	vmin.f32 v9, v17  }
0x28c: {  	v37 =	vld [tilespmem:$0xF20];
	v3 =	vadd.f32 v24, v25;
	v52 =	vadd.f32 v26, v31;
	v25 =	vmul.f32 v55, v55  }
0x28d: {  	v47 =	vld [tilespmem:$0xF30];
	v38 =	vsub.f32 v53, v7;
	v9 =	vmin.f32 v9, v18;
	v36 =	vadd.f32 v28, v27  }
0x28e: {  	v45 =	vld [tilespmem:$0x1720];
	v22 =	vmul.f32 v22, v22;
	v46 =	vsub.f32 v59, v6;
	v24 =	vmul.f32 v39, v39  }
0x28f: {  	v57 =	vld [tilespmem:$0x1740];
	v48 =	vsub.f32 v62, v7;
	v28 =	vmul.f32 v49, v49;
	v11 =	vmul.f32 v54, v54  }
0x290: {  	v60 =	vld [tilespmem:$0xF50];
	v59 =	vsub.f32 v50, v8;
	v9 =	vmin.f32 v9, v14;
	v2 =	vadd.f32 v10, v52  }
0x291: {  	v63 =	vld [tilespmem:$0x1350];
	v5 =	vadd.f32 v25, v5;
	v1 =	vmul.f32 v38, v38;
	v10 =	vsub.f32 v33, v6  }
0x292: {  	v53 =	vld [tilespmem:$0xF40];
	v27 =	vsub.f32 v37, v7;
	v25 =	vsub.f32 v47, v7;
	v9 =	vmin.f32 v9, v19  }
0x293: {  	v55 =	vld [tilespmem:$0x1340];
	v0 =	vadd.f32 v22, v36;
	v23 =	vmul.f32 v46, v46;
	v12 =	vmul.f32 v48, v48  }
0x294: {  	v39 =	vld [tilespmem:$0x1360];
	v62 =	vsub.f32 v45, v6;
	v32 =	vmul.f32 v59, v59;
	v9 =	vmin.f32 v9, v20  }
0x295: {  	v49 =	vld [tilespmem:$0x1760];
	v5 =	vadd.f32 v35, v5;
	v1 =	vadd.f32 v24, v1;
	v10 =	vmul.f32 v10, v10  }
0x296: {  	v50 =	vld [tilespmem:$0x1770];
	v56 =	vmul.f32 v27, v27;
	v38 =	vsub.f32 v57, v6;
	v44 =	vsub.f32 v60, v7  }
0x297: {  	v52 =	vld [tilespmem:$0x1730];
	v31 =	vmul.f32 v25, v25;
	v13 =	vsub.f32 v63, v8;
	v12 =	vadd.f32 v28, v12  }
0x298: {  	v37 =	vld [tilespmem:$0xF60];
	v9 =	vmin.f32 v9, v21;
	v33 =	vsub.f32 v53, v7;
	v1 =	vadd.f32 v23, v1  }
0x299: {  	v47 =	vld [tilespmem:$0x1370];
	v4 =	vmin.f32 v9, v4;
	v11 =	vadd.f32 v11, v56;
	v23 =	vsub.f32 v55, v8  }
0x29a: {  	v45 =	vld [tilespmem:$0xF70];
	v22 =	vadd.f32 v32, v31;
	v46 =	vmul.f32 v38, v38;
	v48 =	vmul.f32 v44, v44  }
0x29b: {  	v35 =	vld [tilespmem:$0x1750];
	v13 =	vmul.f32 v13, v13;
	v55 =	vsub.f32 v39, v8;
	v60 =	vsub.f32 v49, v6  }
0x29c: {  	v59 =	vld [tilespmem:$0x1780];
	v3 =	vmin.f32 v4, v3;
	v10 =	vadd.f32 v10, v12;
	v36 =	vsub.f32 v52, v6  }
0x29d: {  	v63 =	vld [tilespmem:$0x1390];
	v17 =	vmul.f32 v33, v33;
	v12 =	vmul.f32 v62, v62;
	v54 =	vsub.f32 v37, v7  }
0x29e: {  	v53 =	vld [tilespmem:$0xF80];
	v25 =	vsub.f32 v47, v8;
	v2 =	vmin.f32 v3, v2;
	v23 =	vmul.f32 v23, v23  }
0x29f: {  	v56 =	vld [tilespmem:$0x1380];
	v57 =	vsub.f32 v45, v7;
	v2 =	vmin.f32 v2, v5;
	v18 =	vmul.f32 v36, v36  }
0x2a0: {  	v44 =	vld [tilespmem:$0x13A0];
	v11 =	vadd.f32 v12, v11;
	v52 =	vsub.f32 v35, v6;
	v20 =	vmul.f32 v54, v54  }
0x2a1: {  	v28 =	vld [tilespmem:$0x13D0];
	v12 =	vadd.f32 v13, v48;
	v25 =	vmul.f32 v25, v25;
	v35 =	vmul.f32 v60, v60  }
0x2a2: {  	v62 =	vld [tilespmem:$0xF90];
	v49 =	vsub.f32 v63, v8;
	v0 =	vmin.f32 v2, v0;
	v17 =	vadd.f32 v23, v17  }
0x2a3: {  	v37 =	vld [tilespmem:$0xFA0];
	v24 =	vmul.f32 v57, v57;
	v38 =	vsub.f32 v53, v7;
	v0 =	vmin.f32 v0, v1  }
0x2a4: {  	v33 =	vld [tilespmem:$0x1790];
	v14 =	vadd.f32 v18, v22;
	v19 =	vmul.f32 v52, v52;
	v18 =	vsub.f32 v50, v6  }
0x2a5: {  	v47 =	vld [tilespmem:$0xFB0];
	v22 =	vmul.f32 v55, v55;
	v39 =	vsub.f32 v56, v8;
	v55 =	vsub.f32 v44, v8  }
0x2a6: {  	v45 =	vld [tilespmem:$0x17A0];
	v0 =	vmin.f32 v0, v10;
	v17 =	vadd.f32 v46, v17;
	v36 =	vadd.f32 v25, v24  }
0x2a7: {  	v26 =	vld [tilespmem:$0x1070];
	v46 =	vsub.f32 v59, v6;
	v9 =	vmul.f32 v38, v38;
	v48 =	vsub.f32 v62, v7  }
0x2a8: {  	v54 =	vld [tilespmem:$0xFC0];
	v25 =	vmul.f32 v49, v49;
	v24 =	vsub.f32 v37, v7;
	v0 =	vmin.f32 v0, v11  }
0x2a9: {  	v53 =	vld [tilespmem:$0x17B0];
	v12 =	vadd.f32 v19, v12;
	v32 =	vadd.f32 v22, v20;
	v18 =	vmul.f32 v18, v18  }
0x2aa: {  	v50 =	vld [tilespmem:$0x13B0];
	v13 =	vmul.f32 v39, v39;
	v20 =	vsub.f32 v33, v6;
	v22 =	vsub.f32 v47, v7  }
0x2ab: {  	v56 =	vld [tilespmem:$0x13C0];
	v63 =	vsub.f32 v45, v6;
	v19 =	vsub.f32 v28, v8;
	v52 =	vmul.f32 v46, v46  }
0x2ac: {  	v59 =	vld [tilespmem:$0x17C0];
	v0 =	vmin.f32 v0, v14;
	v3 =	vmul.f32 v48, v48;
	v57 =	vmul.f32 v24, v24  }
0x2ad: {  	v62 =	vld [tilespmem:$0xFD0];
	v31 =	vsub.f32 v54, v7;
	v0 =	vmin.f32 v0, v17;
	v4 =	vadd.f32 v35, v32  }
0x2ae: {  	v37 =	vld [tilespmem:$0x13E0];
	v18 =	vadd.f32 v18, v36;
	v9 =	vadd.f32 v13, v9;
	v20 =	vmul.f32 v20, v20  }
0x2af: {  	v39 =	vld [tilespmem:$0xFF0];
	v29 =	vmul.f32 v22, v22;
	v33 =	vsub.f32 v53, v6;
	v19 =	vmul.f32 v19, v19  }
0x2b0: {  	v45 =	vld [tilespmem:$0x13F0];
	v0 =	vmin.f32 v0, v12;
	v3 =	vadd.f32 v25, v3;
	v60 =	vsub.f32 v50, v8  }
0x2b1: {  	v47 =	vld [tilespmem:$0x17E0];
	v13 =	vsub.f32 v56, v8;
	v1 =	vmul.f32 v31, v31;
	v5 =	vadd.f32 v52, v9  }
0x2b2: {  	v48 =	vld [tilespmem:$0x17F0];
	v9 =	vmul.f32 v55, v55;
	v36 =	vsub.f32 v59, v6;
	v38 =	vsub.f32 v62, v7  }
0x2b3: {  	v32 =	vld [tilespmem:$0x17D0];
	v10 =	vmul.f32 v33, v33;
	v53 =	vsub.f32 v37, v8;
	v0 =	vmin.f32 v0, v4  }
0x2b4: {  	v35 =	vld [tilespmem:$0xFE0];
	v2 =	vadd.f32 v20, v3;
	v30 =	vmul.f32 v60, v60;
	v13 =	vmul.f32 v13, v13  }
0x2b5: {  	v54 =	vld [tilespmem:$0x1400];
	v3 =	vmul.f32 v63, v63;
	v55 =	vsub.f32 v39, v7;
	v22 =	vsub.f32 v45, v8  }
0x2b6: {  	v50 =	vld [tilespmem:$0x1000];
	v0 =	vmin.f32 v0, v18;
	v9 =	vadd.f32 v9, v57;
	v44 =	vmul.f32 v36, v36  }
0x2b7: {  	v56 =	vld [tilespmem:$0x1800];
	v46 =	vmul.f32 v38, v38;
	v57 =	vsub.f32 v47, v6;
	v11 =	vsub.f32 v48, v6  }
0x2b8: {  	v31 =	vld [tilespmem:$0x1420];
	v0 =	vmin.f32 v0, v5;
	v20 =	vadd.f32 v30, v29;
	v1 =	vadd.f32 v13, v1  }
0x2b9: {  	v28 =	vld [tilespmem:$0x1020];
	v49 =	vsub.f32 v32, v6;
	v52 =	vsub.f32 v35, v7;
	v21 =	vmul.f32 v55, v55  }
0x2ba: {  	v59 =	vld [tilespmem:$0x1010];
	v22 =	vmul.f32 v22, v22;
	v30 =	vsub.f32 v54, v8;
	v0 =	vmin.f32 v0, v2  }
0x2bb: {  	v60 =	vld [tilespmem:$0x1410];
	v3 =	vadd.f32 v3, v9;
	v9 =	vadd.f32 v19, v46;
	v19 =	vmul.f32 v53, v53  }
0x2bc: {  	v45 =	vld [tilespmem:$0x1040];
	v24 =	vmul.f32 v57, v57;
	v29 =	vsub.f32 v50, v7;
	v33 =	vsub.f32 v56, v6  }
0x2bd: {  	v63 =	vld [tilespmem:$0x1810];
	v11 =	vmul.f32 v11, v11;
	v46 =	vsub.f32 v31, v8;
	v10 =	vadd.f32 v10, v20  }
0x2be: {  	v38 =	vld [tilespmem:$0x1430];
	v1 =	vadd.f32 v44, v1;
	v13 =	vmul.f32 v49, v49;
	v17 =	vmul.f32 v52, v52  }
0x2bf: {  	v32 =	vld [tilespmem:$0x1820];
	v27 =	vadd.f32 v22, v21;
	v14 =	vmul.f32 v30, v30;
	v36 =	vsub.f32 v59, v7  }
0x2c0: {  	v35 =	vld [tilespmem:$0x1030];
	v21 =	vsub.f32 v28, v7;
	v4 =	vmul.f32 v29, v29;
	v37 =	vsub.f32 v60, v8  }
0x2c1: {  	v47 =	vld [tilespmem:$0x1440];
	v39 =	vmul.f32 v33, v33;
	v57 =	vsub.f32 v45, v7;
	v9 =	vadd.f32 v13, v9  }
0x2c2: {  	v44 =	vld [tilespmem:$0x1830];
	v0 =	vmin.f32 v0, v3;
	v62 =	vadd.f32 v19, v17;
	v11 =	vadd.f32 v11, v27  }
0x2c3: {  	v49 =	vld [tilespmem:$0x1840];
	v13 =	vsub.f32 v63, v6;
	v5 =	vmul.f32 v36, v36;
	v48 =	vmul.f32 v21, v21  }
0x2c4: {  	v52 =	vld [tilespmem:$0x1050];
	v50 =	vsub.f32 v38, v8;
	v0 =	vmin.f32 v0, v10;
	v4 =	vadd.f32 v14, v4  }
0x2c5: {  	v59 =	vld [tilespmem:$0x1850];
	v22 =	vmul.f32 v37, v37;
	v19 =	vsub.f32 v35, v7;
	v53 =	vsub.f32 v32, v6  }
0x2c6: {  	v28 =	vld [tilespmem:$0x1470];
	v14 =	vsub.f32 v47, v8;
	v0 =	vmin.f32 v0, v1;
	v10 =	vmul.f32 v57, v57  }
0x2c7: {  	v30 =	vld [tilespmem:$0x1860];
	v12 =	vadd.f32 v24, v62;
	v13 =	vmul.f32 v13, v13;
	v56 =	vmul.f32 v50, v50  }
0x2c8: {  	v54 =	vld [tilespmem:$0x1450];
	v0 =	vmin.f32 v0, v9;
	v2 =	vadd.f32 v39, v4;
	v5 =	vadd.f32 v22, v5  }
0x2c9: {  	v38 =	vld [tilespmem:$0x1480];
	v4 =	vmul.f32 v46, v46;
	v60 =	vsub.f32 v44, v6;
	v63 =	vsub.f32 v49, v6  }
0x2ca: {  	v32 =	vld [tilespmem:$0x1870];
	v55 =	vmul.f32 v19, v19;
	v25 =	vsub.f32 v52, v7;
	v33 =	vsub.f32 v59, v6  }
0x2cb: {  	v35 =	vld [tilespmem:$0x1080];
	v14 =	vmul.f32 v14, v14;
	v39 =	vsub.f32 v26, v7;
	v19 =	vsub.f32 v28, v8  }
0x2cc: {  	v47 =	vld [tilespmem:$0x1490];
	v45 =	vsub.f32 v30, v6;
	v0 =	vmin.f32 v0, v12;
	v3 =	vadd.f32 v13, v5  }
0x2cd: {  	v57 =	vld [tilespmem:$0x14A0];
	v4 =	vadd.f32 v4, v48;
	v17 =	vadd.f32 v56, v55;
	v5 =	vmul.f32 v53, v53  }
0x2ce: {  	v62 =	vld [tilespmem:$0x1060];
	v13 =	vsub.f32 v54, v8;
	v1 =	vmul.f32 v60, v60;
	v10 =	vadd.f32 v14, v10  }
0x2cf: {  	v24 =	vld [tilespmem:$0x1460];
	v27 =	vmul.f32 v63, v63;
	v29 =	vmul.f32 v25, v25;
	v0 =	vmin.f32 v0, v11  }
0x2d0: {  	v44 =	vld [tilespmem:$0x1880];
	v12 =	vmul.f32 v33, v33;
	v18 =	vmul.f32 v39, v39;
	v56 =	vsub.f32 v38, v8  }
0x2d1: {  	v46 =	vld [tilespmem:$0x1090];
	v19 =	vmul.f32 v19, v19;
	v55 =	vsub.f32 v35, v7;
	v26 =	vsub.f32 v47, v8  }
0x2d2: {  	v28 =	vld [tilespmem:$0x18B0];
	v52 =	vmul.f32 v45, v45;
	v30 =	vsub.f32 v57, v8;
	v4 =	vadd.f32 v5, v4  }
0x2d3: {  	v50 =	vld [tilespmem:$0x1890];
	v0 =	vmin.f32 v0, v2;
	v1 =	vadd.f32 v1, v17;
	v31 =	vadd.f32 v27, v10  }
0x2d4: {  	v22 =	vld [tilespmem:$0x1100];
	v13 =	vmul.f32 v13, v13;
	v36 =	vsub.f32 v62, v7;
	v37 =	vsub.f32 v24, v8  }
0x2d5: {  	v54 =	vld [tilespmem:$0x10A0];
	v10 =	vsub.f32 v32, v6;
	v53 =	vadd.f32 v19, v18;
	v0 =	vmin.f32 v0, v3  }
0x2d6: {  	v38 =	vld [tilespmem:$0x14D0];
	v63 =	vsub.f32 v44, v6;
	v3 =	vmul.f32 v55, v55;
	v25 =	vsub.f32 v46, v7  }
0x2d7: {  	v57 =	vld [tilespmem:$0x18E0];
	v19 =	vmul.f32 v26, v26;
	v9 =	vmul.f32 v30, v30;
	v47 =	vsub.f32 v28, v6  }
0x2d8: {  	v62 =	vld [tilespmem:$0x18A0];
	v5 =	vadd.f32 v13, v29;
	v11 =	vmul.f32 v36, v36;
	v14 =	vmul.f32 v37, v37  }
0x2d9: {  	v24 =	vld [tilespmem:$0x10B0];
	v10 =	vmul.f32 v10, v10;
	v0 =	vmin.f32 v0, v4;
	v13 =	vmul.f32 v56, v56  }
0x2da: {  	v27 =	vld [tilespmem:$0x14B0];
	v0 =	vmin.f32 v0, v1;
	v18 =	vsub.f32 v54, v7;
	v48 =	vadd.f32 v12, v5  }
0x2db: {  	v33 =	vld [tilespmem:$0x18C0];
	v1 =	vmul.f32 v25, v25;
	v49 =	vadd.f32 v14, v11;
	v60 =	vadd.f32 v10, v53  }
0x2dc: {  	v46 =	vld [tilespmem:$0x18D0];
	v3 =	vadd.f32 v13, v3;
	v12 =	vmul.f32 v63, v63;
	v11 =	vsub.f32 v50, v6  }
0x2dd: {  	v55 =	vld [tilespmem:$0x14F0];
	v0 =	vmin.f32 v0, v31;
	v10 =	vsub.f32 v38, v8;
	v26 =	vsub.f32 v57, v6  }
0x2de: {  	v28 =	vld [tilespmem:$0x1110];
	v5 =	vmul.f32 v47, v47;
	v1 =	vadd.f32 v19, v1;
	v14 =	vsub.f32 v24, v7  }
0x2df: {  	v29 =	vld [tilespmem:$0x10C0];
	v32 =	vmul.f32 v18, v18;
	v35 =	vsub.f32 v27, v8;
	v37 =	vsub.f32 v62, v6  }
0x2e0: {  	v36 =	vld [tilespmem:$0x10D0];
	v59 =	vadd.f32 v52, v49;
	v3 =	vadd.f32 v12, v3;
	v11 =	vmul.f32 v11, v11  }
0x2e1: {  	v25 =	vld [tilespmem:$0x1500];
	v0 =	vmin.f32 v0, v48;
	v49 =	vsub.f32 v33, v6;
	v62 =	vsub.f32 v46, v6  }
0x2e2: {  	v31 =	vld [tilespmem:$0x14C0];
	v10 =	vmul.f32 v10, v10;
	v24 =	vsub.f32 v55, v8;
	v33 =	vsub.f32 v22, v7  }
0x2e3: {  	v50 =	vld [tilespmem:$0x14E0];
	v30 =	vmul.f32 v26, v26;
	v47 =	vsub.f32 v28, v7;
	v28 =	vsub.f32 v58, v6  }
0x2e4: {  	v53 =	vld [tilespmem:$0x10F0];
	v9 =	vadd.f32 v9, v32;
	v39 =	vmul.f32 v14, v14;
	v44 =	vmul.f32 v35, v35  }
0x2e5: {  	v57 =	vld [tilespmem:$0x1540];
	v45 =	vsub.f32 v29, v7;
	v2 =	vmul.f32 v37, v37;
	v52 =	vsub.f32 v36, v7  }
0x2e6: {  	v27 =	vld [tilespmem:$0x1900];
	v1 =	vadd.f32 v11, v1;
	v0 =	vmin.f32 v0, v59;
	v54 =	vmul.f32 v49, v49  }
0x2e7: {  	v48 =	vld [tilespmem:$0x10E0];
	v13 =	vmul.f32 v24, v24;
	v35 =	vsub.f32 v25, v8;
	v12 =	vsub.f32 v31, v8  }
0x2e8: {  	v29 =	vld [tilespmem:$0x1510];
	v0 =	vmin.f32 v0, v60;
	v11 =	vadd.f32 v44, v39;
	v4 =	vmul.f32 v45, v45  }
0x2e9: {  	v32 =	vld [tilespmem:$0x1910];
	v2 =	vadd.f32 v2, v9;
	v56 =	vmul.f32 v52, v52;
	v21 =	vsub.f32 v50, v8  }
0x2ea: {  	v46 =	vld [tilespmem:$0x1920];
	v23 =	vsub.f32 v53, v7;
	v24 =	vsub.f32 v57, v8;
	v0 =	vmin.f32 v0, v3  }
0x2eb: {  	v60 =	vld [tilespmem:$0x18F0];
	v44 =	vsub.f32 v27, v6;
	v45 =	vmul.f32 v35, v35;
	v12 =	vmul.f32 v12, v12  }
0x2ec: {  	v50 =	vld [tilespmem:$0x1530];
	v59 =	vadd.f32 v5, v11;
	v0 =	vmin.f32 v0, v1;
	v9 =	vadd.f32 v10, v56  }
0x2ed: {  	v52 =	vld [tilespmem:$0x1930];
	v63 =	vsub.f32 v48, v7;
	v1 =	vmul.f32 v62, v62;
	v10 =	vmul.f32 v21, v21  }
0x2ee: {  	v43 =	vld [tilespmem:$0x1FFF0];
	v0 =	vmin.f32 v0, v2;
	v3 =	vsub.f32 v29, v8;
	v49 =	vsub.f32 v32, v6  }
0x2ef: {  	v36 =	vld [tilespmem:$0x1120];
	v32 =	vmul.f32 v28, v28;
	v4 =	vadd.f32 v12, v4;
	v2 =	vmul.f32 v63, v63  }
0x2f0: {  	v27 =	vld [tilespmem:$0x1560];
	v12 =	vmul.f32 v23, v23;
	v0 =	vmin.f32 v0, v59;
	v1 =	vadd.f32 v1, v9  }
0x2f1: {  	v48 =	vld [tilespmem:$0x1130];
	v9 =	vmul.f32 v44, v44;
	v5 =	vsub.f32 v60, v6;
	v60 =	vsub.f32 v46, v6  }
0x2f2: {  	v3 =	vmul.f32 v3, v3;
	v22 =	vsub.f32 v50, v8;
	v26 =	vsub.f32 v52, v6  }
0x2f3: {  	v25 =	vld [tilespmem:$0x1160];
	v55 =	vmul.f32 v49, v49;
	v4 =	vadd.f32 v54, v4;
	v2 =	vadd.f32 v10, v2  }
0x2f4: {  	v39 =	vld [tilespmem:$0x1520];
	v50 =	vsel vm1, v16, v51;
	v31 =	vadd.f32 v13, v12;
	v13 =	vsub.f32 v36, v7  }
0x2f5: {  	v59 =	vld [tilespmem:$0x1150];
	v54 =	vperm.xlane v15, v43;
	v12 =	vmul.f32 v24, v24;
	v44 =	vsub.f32 v27, v8  }
0x2f6: {  	v63 =	vld [tilespmem:$0x1550];
	v5 =	vmul.f32 v5, v5;
	v21 =	vsub.f32 v48, v7;
	v10 =	vmul.f32 v22, v22  }
0x2f7: {  	v23 =	vld [tilespmem:$0x1950];
	v0 =	vmin.f32 v0, v4;
	v37 =	vadd.f32 v30, v2;
	v4 =	vmul.f32 v33, v33  }
0x2f8: {  	v56 =	vmul.f32 v13, v13;
	vm15 =	vlt.s32 v15, v54;
	v30 =	vmul.f32 v26, v26  }
0x2f9: {  	v53 =	vld [tilespmem:$0x1140];
	v46 =	vmul.f32 v44, v44;
	v0 =	vmin.f32 v0, v1;
	v38 =	vadd.f32 v5, v31  }
0x2fa: {  	v29 =	vld [tilespmem:$0x1170];
	v1 =	vmul.f32 v47, v47;
	v5 =	vsub.f32 v39, v8;
	v2 =	vsub.f32 v59, v7  }
0x2fb: {  	v15 =	vsel vm15, v15, v54;
	v33 =	vsub.f32 v63, v8;
	v39 =	vsub.f32 v25, v7  }
0x2fc: {  	v31 =	vld [tilespmem:$0x1570];
	v0 =	vmin.f32 v0, v37;
	v4 =	vadd.f32 v45, v4;
	v37 =	vsub.f32 v23, v6  }
0x2fd: {  	vm0 =	veq.s32 v15, v40;
	v1 =	vadd.f32 v3, v1;
	v5 =	vmul.f32 v5, v5  }
0x2fe: {  	v35 =	vld [tilespmem:$0x1960];
	v0 =	vmin.f32 v0, v38;
	v3 =	vmul.f32 v60, v60;
	v4 =	vadd.f32 v9, v4  }
0x2ff: {  	v2 =	vmul.f32 v2, v2;
	v9 =	vsub.f32 v53, v7;
	v7 =	vsub.f32 v29, v7  }
0x300: {  	v38 =	vld [tilespmem:$0x1970];
	v45 =	vmul.f32 v39, v39;
	v1 =	vadd.f32 v55, v1;
	v62 =	vadd.f32 v5, v56  }
0x301: {  	v0 =	vmin.f32 v0, v4;
	v9 =	vmul.f32 v9, v9;
	v8 =	vsub.f32 v31, v8  }
0x302: {  	v0 =	vmin.f32 v0, v1;
	v1 =	vmul.f32 v21, v21;
	v3 =	vadd.f32 v3, v62  }
0x303: {  	v4 =	vsub.f32 v35, v6;
	v7 =	vmul.f32 v7, v7;
	v9 =	vadd.f32 v12, v9  }
0x304: {  	v1 =	vadd.f32 v10, v1;
	v0 =	vmin.f32 v0, v3;
	v3 =	vmul.f32 v33, v33  }
0x305: {  	v8 =	vmul.f32 v8, v8;
	v48 =	vsub.f32 v38, v6;
	v36 =	vadd.f32 v32, v9  }
0x306: {  	v9 =	vmul.f32 v37, v37;
	v1 =	vadd.f32 v30, v1;
	v2 =	vadd.f32 v3, v2  }
0x307: {  	v4 =	vmul.f32 v4, v4;
	v49 =	vadd.f32 v8, v7;
	v3 =	vadd.f32 v46, v45  }
0x308: {  	v0 =	vmin.f32 v0, v1;
	v47 =	vadd.f32 v9, v2;
	v2 =	vmul.f32 v48, v48  }
0x309: {  	v57 =	vld [tilespmem:$0x1FF70];
	v51 =	vsel vm0, v50, v34;
	v3 =	vadd.f32 v4, v3;
	v0 =	vmin.f32 v0, v36  }
0x30a: {  	v53 =	vperm.xlane v51, v41;
	v0 =	vmin.f32 v0, v47;
	v52 =	vadd.f32 v2, v49  }
0x30b: {  	v58 =	vld [tilespmem:$0x1FF80];
	v0 =	vmin.f32 v0, v3  }
0x30c: {  	v54 =	vmin.f32 v51, v53;
	v0 =	vmin.f32 v0, v52  }
0x30d: {  	v60 =	vld [tilespmem:$0x1FF90];
	v56 =	vperm.xlane v54, v61;
	v55 =	vperm.xlane v0, v41  }
0x30e: {  	v4 =	vadd.f32 $0.0e+00, v57  }
0x30f: {  	v62 =	vld [tilespmem:$0x1FFA0];
	v1 =	vmin.f32 v54, v56;
	v0 =	vmin.f32 v0, v55  }
0x310: {  	v59 =	vperm.xlane v1, v42;
	v3 =	vadd.f32 v58, v4;
	v2 =	vperm.xlane v0, v61;
	_ =	sdelay $0x1  }
0x311: {  	v1 =	vmin.f32 v1, v59;
	v0 =	vmin.f32 v0, v2;
	v2 =	vadd.f32 v60, v3  }
0x312: {  	v63 =	vld [tilespmem:$0x1FFD0];
	v4 =	vperm.xlane v1, v43;
	v61 =	vperm.xlane v0, v42  }
0x313: {  	v2 =	vadd.f32 v62, v2  }
0x314: {  	p0 =	sne.s32 s26, $0x1C4;
	v1 =	vmin.f32 v1, v4;
	v0 =	vmin.f32 v0, v61  }
.Ltmp0:
0x315: {  	v3 =	vperm.xlane v0, v43;
	v1 =	vadd.f32 v1, v2;
	(pc) =	sbr.rel @p0 .LBB2_2-.Ltmp0, $4  }
0x316: {  	_ = 	snop  }
0x317: {  	v0 =	vmin.f32 v0, v3;
	v1 =	vmul.f32 v1, v63  }
0x318: {  	[tilespmem:s28+$0x1B00] =	vst v0  }
0x319: {  	s26 =	sadd.s32 $0xFFFFFFFC, s26;
	[tilespmem:s28+$0x1980] =	vst v1  }
0x31a: {  	[hbm4b:s9+s15] =	stream.strided.scatter [tilespmem:s23], [sflag:$0x1], $0x100, s16, s15, $0x38;
	[tilespmem:$0x1C80] =	vst v63  }
0x31b: {  	s25 =	sadd.s32 $0x1, s25;
	_ =	swait.ge [sflag:s17], $0x100  }
0x31c: {  	p0 =	sne.s32 s25, s12;
	[sflag:s17] =	ssyncset.done $0x0  }
.Ltmp1:
0x31d: {  	[sflag:s17] =	ssyncadd.s32 $0xFFFFFF00;
	(pc) =	sbr.rel @p0 .LBB2_1-.Ltmp1, $4  }
0x31e: {  	[hbm4b:s11+s15] =	stream.strided.scatter [tilespmem:s24], [sflag:$0x1], $0x100, s16, s15, $0x38;
	[tilespmem:$0x1C80] =	vst v63  }
0x31f: {  	_ =	swait.ge [sflag:s17], $0x100  }
0x320: {  	[sflag:s17] =	ssyncset.done $0x0  }
0x321: {  	[sflag:s17] =	ssyncadd.s32 $0xFFFFFF00  }
0x322: {  	_ =	sfence.sel $0x180000  }
0x323: {  	[bflag:$0x0] =	sbarrier.arrive $0xFFFF  }
0x324: {  	p0 =	sne.s32 s1, $0x0;
	_ =	strace $0x90000047  }
0x325: {  	s0 =	sadd.s32 @!p0 $0x100000, s0;
	[bflag:$0x2] =	sbarrier.arrive $0xFFFF  }
0x326: {  	[sflag:s0] =	ssyncadd.tile.s32 @!p0 $0x1;
	_ =	shalt  }
.Lfunc_end2:
_tile_overlayer_lowered:
.L_overlay_start_2:
0x327: {  	(tag) =	ssettag $0x2  }
0x328: {  	s0 =	rddreg [dreg:$0x0];
	s2 =	stileid.u32  }
0x329: {  	s1 =	rddreg [dreg:$0x1];
	p0 =	sne.s32 s2, $0x0  }
0x32a: {  	s3 =	rddreg [dreg:$0x2];
	[bflag:$0x3] =	sbarrier.arrive $0xFFFF;
	s2 =	simm.s32 @!p0 $0x1C01  }
0x32b: {  	[timem:s3], [sflag:s2] =	dma.local @!p0 [hbm:s0], s1  }
0x32c: {  	s0 =	simm.s32 @!p0 $0x1  }
0x32d: {  	_ =	swait.ge @!p0 [sflag:s0], s1  }
0x32e: {  	s1 =	ssub.s32 @!p0 $0x0, s1;
	[sflag:s0] =	ssyncset.done @!p0 $0x0  }
0x32f: {  	[sflag:s0] =	ssyncadd.s32 @!p0 s1  }
0x330: {  	[bflag:$0x3] =	sbarrier.arrive $0xFFFF  }
0x331: {  	_ =	shalt  }

</sc_bundles>
